<compile_context>
chip_gen: v7x
topology: tpu7x:2x2x1
jax: 0.10.2.dev20260603
libtpu: 0.0.44.dev20260713+nightly
codegen_flags: <defaults>
</compile_context>

<pallas_src>
import functools

import jax
import jax.numpy as jnp
from jax import lax
from jax.experimental import pallas as pl
from jax.experimental.pallas import tpu as pltpu
from jax.experimental.pallas import tpu_sc as plsc

_NUM_CORES = 2
_NUM_SUBCORES = 16
_NUM_WORKERS = _NUM_CORES * _NUM_SUBCORES
_LANES = 16

_NB = 1
_NBUF = 8
_D = 4

_TC_NBUF = 16
_TC_D = 8


@functools.lru_cache(maxsize=None)
def _build_sc_copy(B, C, H, W):
    ch_per_w = C // _NUM_WORKERS
    n_chunks = B // _NB
    n_steps = n_chunks * ch_per_w
    assert n_steps % _NBUF == 0 and _D < _NBUF
    mesh = plsc.VectorSubcoreMesh(core_axis_name="c", subcore_axis_name="s")
    out_sds = jax.ShapeDtypeStruct((B, C, H, W), jnp.float32)

    @functools.partial(
        pl.kernel,
        mesh=mesh,
        out_type=out_sds,
        scratch_types=[
            pltpu.VMEM((C + _LANES,), jnp.float32),
            pltpu.VMEM((_LANES,), jnp.float32),
            pltpu.VMEM((_NBUF, _NB, 1, H, W), jnp.float32),
        ] + [pltpu.SemaphoreType.DMA] * (2 * _NBUF),
    )
    def sc_copy(keep_hbm, swap_hbm, bn_hbm, thr_hbm, out_hbm,
                wv, thrv, ring, *sems):
        gsems, ssems = sems[:_NBUF], sems[_NBUF:]
        wid = lax.axis_index("s") * _NUM_CORES + lax.axis_index("c")
        base = wid * ch_per_w

        pltpu.sync_copy(bn_hbm, wv.at[pl.ds(0, C)])
        pltpu.sync_copy(thr_hbm, thrv)
        thr0 = thrv[...][0]
        bufs = [ring.at[j] for j in range(_NBUF)]
        dummy_src = keep_hbm.at[pl.ds(0, _NB), pl.ds(0, 1)]
        dummy_dst = out_hbm.at[pl.ds(0, _NB), pl.ds(0, 1)]

        def step_coords(s):
            job = s // n_chunks
            c = base + job
            b0 = (s - job * n_chunks) * _NB
            return c, b0

        def start_scatter(s2, slot2):
            c2, b02 = step_coords(s2)
            pltpu.make_async_copy(dummy_src, bufs[slot2], gsems[slot2]).wait()
            pltpu.async_copy(bufs[slot2],
                             out_hbm.at[pl.ds(b02, _NB), pl.ds(c2, 1)],
                             ssems[slot2])

        def body(i, carry):
            for slot in range(_NBUF):
                s = i * _NBUF + slot
                c, b0 = step_coords(s)

                @pl.when(i >= 1)
                def _(slot=slot):
                    pltpu.make_async_copy(bufs[slot], dummy_dst,
                                          ssems[slot]).wait()

                wvec = wv[pl.ds(c, _LANES)]
                swap = jnp.abs(wvec[0]) < thr0

                @pl.when(swap)
                def _(slot=slot, c=c, b0=b0):
                    pltpu.async_copy(swap_hbm.at[pl.ds(b0, _NB), pl.ds(c, 1)],
                                     bufs[slot], gsems[slot])

                @pl.when(jnp.logical_not(swap))
                def _(slot=slot, c=c, b0=b0):
                    pltpu.async_copy(keep_hbm.at[pl.ds(b0, _NB), pl.ds(c, 1)],
                                     bufs[slot], gsems[slot])

                s2 = s - _D
                slot2 = (slot - _D) % _NBUF

                @pl.when(s2 >= 0)
                def _(s2=s2, slot2=slot2):
                    start_scatter(s2, slot2)
            return carry

        lax.fori_loop(0, n_steps // _NBUF, body, 0)

        for s2 in range(n_steps - _D, n_steps):
            start_scatter(s2, s2 % _NBUF)
        for slot in range(_NBUF):
            pltpu.make_async_copy(bufs[slot], dummy_dst, ssems[slot]).wait()

    return sc_copy


@functools.lru_cache(maxsize=None)
def _build_tc_copy(B, C, H, W):
    n_steps = C
    assert n_steps % _TC_NBUF == 0 and _TC_D < _TC_NBUF
    out_sds = jax.ShapeDtypeStruct((B, C, H, W), jnp.float32)

    def tc_copy(keep_hbm, swap_hbm, bn_s, thr_s, out_hbm, ring, *sems):
        gsems, ssems = sems[:_TC_NBUF], sems[_TC_NBUF:]
        bufs = [ring.at[j] for j in range(_TC_NBUF)]
        dummy_src = keep_hbm.at[pl.ds(0, B), pl.ds(0, 1)]
        dummy_dst = out_hbm.at[pl.ds(0, B), pl.ds(0, 1)]
        thr0 = thr_s[0]

        def start_scatter(c2, slot2):
            pltpu.make_async_copy(dummy_src, bufs[slot2], gsems[slot2]).wait()
            pltpu.async_copy(bufs[slot2],
                             out_hbm.at[pl.ds(0, B), pl.ds(c2, 1)],
                             ssems[slot2])

        def body(i, carry):
            for slot in range(_TC_NBUF):
                c = i * _TC_NBUF + slot

                @pl.when(i >= 1)
                def _(slot=slot):
                    pltpu.make_async_copy(bufs[slot], dummy_dst,
                                          ssems[slot]).wait()

                swap = jnp.abs(bn_s[c]) < thr0

                @pl.when(swap)
                def _(slot=slot, c=c):
                    pltpu.async_copy(swap_hbm.at[pl.ds(0, B), pl.ds(c, 1)],
                                     bufs[slot], gsems[slot])

                @pl.when(jnp.logical_not(swap))
                def _(slot=slot, c=c):
                    pltpu.async_copy(keep_hbm.at[pl.ds(0, B), pl.ds(c, 1)],
                                     bufs[slot], gsems[slot])

                c2 = c - _TC_D
                slot2 = (slot - _TC_D) % _TC_NBUF

                @pl.when(c2 >= 0)
                def _(c2=c2, slot2=slot2):
                    start_scatter(c2, slot2)
            return carry

        lax.fori_loop(0, n_steps // _TC_NBUF, body, 0)

        for c2 in range(n_steps - _TC_D, n_steps):
            start_scatter(c2, c2 % _TC_NBUF)
        for slot in range(_TC_NBUF):
            pltpu.make_async_copy(bufs[slot], dummy_dst, ssems[slot]).wait()

    return pl.pallas_call(
        tc_copy,
        out_shape=out_sds,
        in_specs=[
            pl.BlockSpec(memory_space=pl.ANY),
            pl.BlockSpec(memory_space=pl.ANY),
            pl.BlockSpec(memory_space=pltpu.SMEM),
            pl.BlockSpec(memory_space=pltpu.SMEM),
        ],
        out_specs=pl.BlockSpec(memory_space=pl.ANY),
        scratch_shapes=[pltpu.VMEM((_TC_NBUF, B, 1, H, W), jnp.float32)]
        + [pltpu.SemaphoreType.DMA] * (2 * _TC_NBUF),
    )


def kernel(x0, x1, bn0_weight, bn1_weight, bn_threshold):
    B, C, H, W = x0.shape
    thr_v = jnp.full((_LANES,), bn_threshold, dtype=jnp.float32)
    thr_s = jnp.full((1,), bn_threshold, dtype=jnp.float32)
    sc_fn = _build_sc_copy(B, C, H, W)
    tc_fn = _build_tc_copy(B, C, H, W)
    out0 = sc_fn(x0, x1, bn0_weight, thr_v)
    out1 = tc_fn(x1, x0, bn1_weight, thr_s)
    return (out0, out1)

# --- scband reference (transcript-rebuilt; emitter-appended) ---
"""Pipeline reference for scband-exchange-62577673502975 (READ-ONLY COPY).

The authoritative reference and input builder live on the scoring server;
editing this copy changes nothing except your own understanding.
"""

import jax, jax.numpy as jnp
import numpy as np


def setup_inputs(seed: int = 0) -> dict:
    key = jax.random.key(seed)
    k1, k2, k3, k4 = jax.random.split(key, 4)
    B, C, H, W = 16, 192, 96, 96
    x0 = jax.random.normal(k1, (B, C, H, W), dtype=jnp.float32)
    x1 = jax.random.normal(k2, (B, C, H, W), dtype=jnp.float32)
    bn0_weight = jax.random.normal(k3, (C,), dtype=jnp.float32)
    bn1_weight = jax.random.normal(k4, (C,), dtype=jnp.float32)
    return {"x0": x0, "x1": x1, "bn0_weight": bn0_weight, "bn1_weight": bn1_weight, "bn_threshold": 1}


def reference(x0, x1, bn0_weight, bn1_weight, bn_threshold):
    # Exchange: channels whose |BN scale| is below threshold are swapped
    # between the two modality streams.
    bn0 = jnp.abs(bn0_weight)
    bn1 = jnp.abs(bn1_weight)
    mask0 = (bn0 < bn_threshold)[None, :, None, None]
    mask1 = (bn1 < bn_threshold)[None, :, None, None]
    # x0_out keeps x0 channels except where mask0: take from x1 (scatter-overwrite semantics)
    out0 = jnp.where(mask0, x1, x0)
    # x1_out keeps x1 channels except where mask1: take from x0
    out1 = jnp.where(mask1, x0, x1)
    return (out0, out1)

if __name__ == "__main__":
    import jax
    _d = setup_inputs()
    print(jax.jit(kernel)(*tuple(_d.values())))

</pallas_src>

<mosaic_0001>
#map = affine_map<(d0, d1) -> (0, 0, 0, 0)>
#map1 = affine_map<(d0, d1) -> (0)>
module attributes {stable_mosaic.version = 14 : i64} {
  func.func @sc_copy(%arg0: i32, %arg1: i32, %arg2: memref<16x192x96x96xf32, #tpu.memory_space<hbm>>, %arg3: memref<16x192x96x96xf32, #tpu.memory_space<hbm>>, %arg4: memref<192xf32, #tpu.memory_space<hbm>>, %arg5: memref<16xf32, #tpu.memory_space<hbm>>, %arg6: memref<16x192x96x96xf32, #tpu.memory_space<hbm>>, %arg7: memref<208xf32, #tpu.memory_space<vmem>>, %arg8: memref<16xf32, #tpu.memory_space<vmem>>, %arg9: memref<8x1x1x96x96xf32, #tpu.memory_space<vmem>>, %arg10: memref<!tpu.dma_semaphore, #tpu.memory_space<semaphore_mem>>, %arg11: memref<!tpu.dma_semaphore, #tpu.memory_space<semaphore_mem>>, %arg12: memref<!tpu.dma_semaphore, #tpu.memory_space<semaphore_mem>>, %arg13: memref<!tpu.dma_semaphore, #tpu.memory_space<semaphore_mem>>, %arg14: memref<!tpu.dma_semaphore, #tpu.memory_space<semaphore_mem>>, %arg15: memref<!tpu.dma_semaphore, #tpu.memory_space<semaphore_mem>>, %arg16: memref<!tpu.dma_semaphore, #tpu.memory_space<semaphore_mem>>, %arg17: memref<!tpu.dma_semaphore, #tpu.memory_space<semaphore_mem>>, %arg18: memref<!tpu.dma_semaphore, #tpu.memory_space<semaphore_mem>>, %arg19: memref<!tpu.dma_semaphore, #tpu.memory_space<semaphore_mem>>, %arg20: memref<!tpu.dma_semaphore, #tpu.memory_space<semaphore_mem>>, %arg21: memref<!tpu.dma_semaphore, #tpu.memory_space<semaphore_mem>>, %arg22: memref<!tpu.dma_semaphore, #tpu.memory_space<semaphore_mem>>, %arg23: memref<!tpu.dma_semaphore, #tpu.memory_space<semaphore_mem>>, %arg24: memref<!tpu.dma_semaphore, #tpu.memory_space<semaphore_mem>>, %arg25: memref<!tpu.dma_semaphore, #tpu.memory_space<semaphore_mem>>) attributes {dimension_semantics = [#tpu.dimension_semantics<core_parallel>, #tpu.dimension_semantics<subcore_parallel>], iteration_bounds = array<i64: 2, 16>, scalar_prefetch = 0 : i64, scratch_operands = 19 : i64, tpu.core_type = #tpu.core_type<sc_vector_subcore>, window_params = [{transform_indices = #map}, {transform_indices = #map}, {transform_indices = #map1}, {transform_indices = #map1}, {transform_indices = #map}]} {
    %mul3A = arith.constant 2 : i32
    %mul3A_0 = arith.muli %arg1, %mul3A : i32
    %add3A = arith.addi %mul3A_0, %arg0 : i32
    %mul3A_1 = arith.constant 6 : i32
    %mul3A_2 = arith.muli %add3A, %mul3A_1 : i32
    "tpu.region"() ({
      %run_scoped3A = tpu.sem_alloc : memref<!tpu.dma_semaphore, #tpu.memory_space<semaphore_mem>>
      %dma_start3A_384 = arith.constant 0 : i32
      %dma_start3A_385 = tpu.memref_slice %arg7[%dma_start3A_384] : memref<208xf32, #tpu.memory_space<vmem>> -> memref<192xf32, #tpu.memory_space<vmem>>
      %dma_start3A_386 = arith.constant 0 : i32
      %dma_start3A_387 = tpu.memref_slice %arg7[%dma_start3A_386] : memref<208xf32, #tpu.memory_space<vmem>> -> memref<192xf32, #tpu.memory_space<vmem>>
      tpu.enqueue_dma source(%arg4 : memref<192xf32, #tpu.memory_space<hbm>>) target(%dma_start3A_387 : memref<192xf32, #tpu.memory_space<vmem>>) target_semaphore(%run_scoped3A : memref<!tpu.dma_semaphore, #tpu.memory_space<semaphore_mem>>)
      %dma_wait3A_388 = arith.constant 0 : i32
      %dma_wait3A_389 = tpu.memref_slice %arg7[%dma_wait3A_388] : memref<208xf32, #tpu.memory_space<vmem>> -> memref<192xf32, #tpu.memory_space<vmem>>
      %dma_wait3A_390 = arith.constant 0 : i32
      %dma_wait3A_391 = tpu.memref_slice %arg7[%dma_wait3A_390] : memref<208xf32, #tpu.memory_space<vmem>> -> memref<192xf32, #tpu.memory_space<vmem>>
      tpu.wait_dma2 semaphore(%run_scoped3A : memref<!tpu.dma_semaphore, #tpu.memory_space<semaphore_mem>>) src(%arg4 : memref<192xf32, #tpu.memory_space<hbm>>) dst(%dma_wait3A_391 : memref<192xf32, #tpu.memory_space<vmem>>)
      tpu.yield
    }) : () -> ()
    "tpu.region"() ({
      %run_scoped3A = tpu.sem_alloc : memref<!tpu.dma_semaphore, #tpu.memory_space<semaphore_mem>>
      tpu.enqueue_dma source(%arg5 : memref<16xf32, #tpu.memory_space<hbm>>) target(%arg8 : memref<16xf32, #tpu.memory_space<vmem>>) target_semaphore(%run_scoped3A : memref<!tpu.dma_semaphore, #tpu.memory_space<semaphore_mem>>)
      tpu.wait_dma2 semaphore(%run_scoped3A : memref<!tpu.dma_semaphore, #tpu.memory_space<semaphore_mem>>) src(%arg5 : memref<16xf32, #tpu.memory_space<hbm>>) dst(%arg8 : memref<16xf32, #tpu.memory_space<vmem>>)
      tpu.yield
    }) : () -> ()
    %get3A = arith.constant 0 : index
    %get3A_3 = tpu.vector_load %arg8[%get3A] {strides = array<i32>} : memref<16xf32, #tpu.memory_space<vmem>>, vector<16xf32>,
    %get3A_4 = vector.shape_cast %get3A_3 : vector<16xf32> to vector<16xf32>
    %slice3A = vector.extract_strided_slice %get3A_4 {offsets = [0], sizes = [1], strides = [1]} : vector<16xf32> to vector<1xf32>
    %squeeze3A = vector.extract %slice3A[0] : f32 from vector<1xf32>
    %scan3A = arith.constant 0 : i32
    %scan3A_5 = arith.constant 0 : i32
    %scan3A_6 = arith.constant 4 : i32
    %scan3A_7 = arith.constant 1 : i32
    %scan3A_8 = arith.constant 5 : i32
    %scan3A_9 = arith.constant 2 : i32
    %scan3A_10 = arith.constant 6 : i32
    %scan3A_11 = arith.constant 3 : i32
    %scan3A_12 = arith.constant 7 : i32
    %scan3A_13 = arith.constant 0 : i32
    %scan3A_14 = arith.constant 12 : i32
    %scan3A_15 = arith.addi %scan3A_13, %scan3A_14 : i32
    %scan3A_16 = arith.constant 1 : i32
    scf.for %scan3A_384 = %scan3A_13 to %scan3A_15 step %scan3A_16  : i32 {
      %mul3A_385 = arith.constant 8 : i32
      %mul3A_386 = arith.muli %scan3A_384, %mul3A_385 : i32
      %add3A_387 = arith.constant 0 : i32
      %add3A_388 = arith.addi %mul3A_386, %add3A_387 : i32
      %jit3A = arith.constant 16 : i32
      %div3A = arith.divsi %add3A_388, %jit3A : i32
      %sign3A = arith.constant 0 : i32
      %sign3A_389 = arith.cmpi sgt, %add3A_388, %sign3A : i32
      %sign3A_390 = arith.extui %sign3A_389 : i1 to i32
      %sign3A_391 = arith.constant 0 : i32
      %sign3A_392 = arith.cmpi slt, %add3A_388, %sign3A_391 : i32
      %sign3A_393 = arith.extui %sign3A_392 : i1 to i32
      %sign3A_394 = arith.subi %sign3A_390, %sign3A_393 : i32
      %sign3A_395 = arith.constant 0 : i32
      %sign3A_396 = arith.cmpi sgt, %jit3A, %sign3A_395 : i32
      %sign3A_397 = arith.extui %sign3A_396 : i1 to i32
      %sign3A_398 = arith.constant 0 : i32
      %sign3A_399 = arith.cmpi slt, %jit3A, %sign3A_398 : i32
      %sign3A_400 = arith.extui %sign3A_399 : i1 to i32
      %sign3A_401 = arith.subi %sign3A_397, %sign3A_400 : i32
      %ne3A = arith.cmpi ne, %sign3A_394, %sign3A_401 : i32
      %rem3A = arith.remsi %add3A_388, %jit3A : i32
      %ne3A_402 = arith.constant 0 : i32
      %ne3A_403 = arith.cmpi ne, %rem3A, %ne3A_402 : i32
      %and3A = arith.andi %ne3A, %ne3A_403 : i1
      %sub3A = arith.constant 1 : i32
      %sub3A_404 = arith.subi %div3A, %sub3A : i32
      %select_n3A = arith.select %and3A, %sub3A_404, %div3A : i32
      %add3A_405 = arith.addi %mul3A_2, %select_n3A : i32
      %mul3A_406 = arith.constant 16 : i32
      %mul3A_407 = arith.muli %select_n3A, %mul3A_406 : i32
      %sub3A_408 = arith.subi %add3A_388, %mul3A_407 : i32
      %mul3A_409 = arith.constant 1 : i32
      %mul3A_410 = arith.muli %sub3A_408, %mul3A_409 : i32
      %ge3A = arith.constant 1 : i32
      %ge3A_411 = arith.cmpi sge, %scan3A_384, %ge3A : i32
      %convert_element_type3A = arith.extui %ge3A_411 : i1 to i32
      %cond3A = arith.constant 0 : i32
      %cond3A_412 = arith.cmpi ne, %convert_element_type3A, %cond3A : i32
      scf.if %cond3A_412 {
        %dma_wait3A_859 = arith.constant 0 : i32
        %dma_wait3A_860 = arith.constant 0 : i32
        %dma_wait3A_861 = arith.constant 0 : i32
        %dma_wait3A_862 = arith.constant 0 : i32
        %dma_wait3A_863 = tpu.memref_slice %arg9[%scan3A_5, %dma_wait3A_859, %dma_wait3A_860, %dma_wait3A_861, %dma_wait3A_862] : memref<8x1x1x96x96xf32, #tpu.memory_space<vmem>> -> memref<1x1x1x96x96xf32, #tpu.memory_space<vmem>>
        %dma_wait3A_864 = tpu.memref_squeeze %dma_wait3A_863 : memref<1x1x1x96x96xf32, #tpu.memory_space<vmem>> -> memref<1x1x96x96xf32, #tpu.memory_space<vmem>>
        %dma_wait3A_865 = arith.constant 0 : i32
        %dma_wait3A_866 = arith.constant 0 : i32
        %dma_wait3A_867 = arith.constant 0 : i32
        %dma_wait3A_868 = arith.constant 0 : i32
        %dma_wait3A_869 = tpu.memref_slice %arg6[%dma_wait3A_865, %dma_wait3A_866, %dma_wait3A_867, %dma_wait3A_868] : memref<16x192x96x96xf32, #tpu.memory_space<hbm>> -> memref<1x1x96x96xf32, #tpu.memory_space<hbm>>
        %dma_wait3A_870 = arith.constant 0 : i32
        %dma_wait3A_871 = arith.constant 0 : i32
        %dma_wait3A_872 = arith.constant 0 : i32
        %dma_wait3A_873 = arith.constant 0 : i32
        %dma_wait3A_874 = tpu.memref_slice %arg6[%dma_wait3A_870, %dma_wait3A_871, %dma_wait3A_872, %dma_wait3A_873] : memref<16x192x96x96xf32, #tpu.memory_space<hbm>> -> memref<1x1x96x96xf32, #tpu.memory_space<hbm>>
        %dma_wait3A_875 = arith.constant 0 : i32
        %dma_wait3A_876 = arith.constant 0 : i32
        %dma_wait3A_877 = arith.constant 0 : i32
        %dma_wait3A_878 = arith.constant 0 : i32
        %dma_wait3A_879 = tpu.memref_slice %arg9[%scan3A_5, %dma_wait3A_875, %dma_wait3A_876, %dma_wait3A_877, %dma_wait3A_878] : memref<8x1x1x96x96xf32, #tpu.memory_space<vmem>> -> memref<1x1x1x96x96xf32, #tpu.memory_space<vmem>>
        %dma_wait3A_880 = tpu.memref_squeeze %dma_wait3A_879 : memref<1x1x1x96x96xf32, #tpu.memory_space<vmem>> -> memref<1x1x96x96xf32, #tpu.memory_space<vmem>>
        tpu.wait_dma2 semaphore(%arg18 : memref<!tpu.dma_semaphore, #tpu.memory_space<semaphore_mem>>) src(%dma_wait3A_880 : memref<1x1x96x96xf32, #tpu.memory_space<vmem>>) dst(%dma_wait3A_874 : memref<1x1x96x96xf32, #tpu.memory_space<hbm>>)
      } else {
      }
      %get3A_413 = arith.index_cast %add3A_405 : i32 to index
      %get3A_414 = tpu.vector_load %arg7[%get3A_413] {strides = array<i32>} : memref<208xf32, #tpu.memory_space<vmem>>, vector<16xf32>,
      %get3A_415 = vector.shape_cast %get3A_414 : vector<16xf32> to vector<16xf32>
      %slice3A_416 = vector.extract_strided_slice %get3A_415 {offsets = [0], sizes = [1], strides = [1]} : vector<16xf32> to vector<1xf32>
      %squeeze3A_417 = vector.extract %slice3A_416[0] : f32 from vector<1xf32>
      %abs3A = math.absf %squeeze3A_417 : f32
      %lt3A = arith.cmpf olt, %abs3A, %squeeze3A : f32
      %convert_element_type3A_418 = arith.extui %lt3A : i1 to i32
      %cond3A_419 = arith.constant 0 : i32
      %cond3A_420 = arith.cmpi ne, %convert_element_type3A_418, %cond3A_419 : i32
      scf.if %cond3A_420 {
        %dma_start3A_859 = arith.constant 0 : i32
        %dma_start3A_860 = arith.constant 0 : i32
        %dma_start3A_861 = arith.constant 0 : i32
        %dma_start3A_862 = arith.constant 0 : i32
        %dma_start3A_863 = tpu.memref_slice %arg9[%scan3A_5, %dma_start3A_859, %dma_start3A_860, %dma_start3A_861, %dma_start3A_862] : memref<8x1x1x96x96xf32, #tpu.memory_space<vmem>> -> memref<1x1x1x96x96xf32, #tpu.memory_space<vmem>>
        %dma_start3A_864 = tpu.memref_squeeze %dma_start3A_863 : memref<1x1x1x96x96xf32, #tpu.memory_space<vmem>> -> memref<1x1x96x96xf32, #tpu.memory_space<vmem>>
        %dma_start3A_865 = arith.constant 0 : i32
        %dma_start3A_866 = arith.constant 0 : i32
        %dma_start3A_867 = tpu.memref_slice %arg3[%mul3A_410, %add3A_405, %dma_start3A_865, %dma_start3A_866] : memref<16x192x96x96xf32, #tpu.memory_space<hbm>> -> memref<1x1x96x96xf32, #tpu.memory_space<hbm>>
        %dma_start3A_868 = arith.constant 0 : i32
        %dma_start3A_869 = arith.constant 0 : i32
        %dma_start3A_870 = arith.constant 0 : i32
        %dma_start3A_871 = arith.constant 0 : i32
        %dma_start3A_872 = tpu.memref_slice %arg9[%scan3A_5, %dma_start3A_868, %dma_start3A_869, %dma_start3A_870, %dma_start3A_871] : memref<8x1x1x96x96xf32, #tpu.memory_space<vmem>> -> memref<1x1x1x96x96xf32, #tpu.memory_space<vmem>>
        %dma_start3A_873 = tpu.memref_squeeze %dma_start3A_872 : memref<1x1x1x96x96xf32, #tpu.memory_space<vmem>> -> memref<1x1x96x96xf32, #tpu.memory_space<vmem>>
        %dma_start3A_874 = arith.constant 0 : i32
        %dma_start3A_875 = arith.constant 0 : i32
        %dma_start3A_876 = tpu.memref_slice %arg3[%mul3A_410, %add3A_405, %dma_start3A_874, %dma_start3A_875] : memref<16x192x96x96xf32, #tpu.memory_space<hbm>> -> memref<1x1x96x96xf32, #tpu.memory_space<hbm>>
        tpu.enqueue_dma source(%dma_start3A_876 : memref<1x1x96x96xf32, #tpu.memory_space<hbm>>) target(%dma_start3A_873 : memref<1x1x96x96xf32, #tpu.memory_space<vmem>>) target_semaphore(%arg10 : memref<!tpu.dma_semaphore, #tpu.memory_space<semaphore_mem>>)
      } else {
      }
      %not3A = arith.constant true
      %not3A_421 = arith.xori %lt3A, %not3A : i1
      %convert_element_type3A_422 = arith.extui %not3A_421 : i1 to i32
      %cond3A_423 = arith.constant 0 : i32
      %cond3A_424 = arith.cmpi ne, %convert_element_type3A_422, %cond3A_423 : i32
      scf.if %cond3A_424 {
        %dma_start3A_859 = arith.constant 0 : i32
        %dma_start3A_860 = arith.constant 0 : i32
        %dma_start3A_861 = arith.constant 0 : i32
        %dma_start3A_862 = arith.constant 0 : i32
        %dma_start3A_863 = tpu.memref_slice %arg9[%scan3A_5, %dma_start3A_859, %dma_start3A_860, %dma_start3A_861, %dma_start3A_862] : memref<8x1x1x96x96xf32, #tpu.memory_space<vmem>> -> memref<1x1x1x96x96xf32, #tpu.memory_space<vmem>>
        %dma_start3A_864 = tpu.memref_squeeze %dma_start3A_863 : memref<1x1x1x96x96xf32, #tpu.memory_space<vmem>> -> memref<1x1x96x96xf32, #tpu.memory_space<vmem>>
        %dma_start3A_865 = arith.constant 0 : i32
        %dma_start3A_866 = arith.constant 0 : i32
        %dma_start3A_867 = tpu.memref_slice %arg2[%mul3A_410, %add3A_405, %dma_start3A_865, %dma_start3A_866] : memref<16x192x96x96xf32, #tpu.memory_space<hbm>> -> memref<1x1x96x96xf32, #tpu.memory_space<hbm>>
        %dma_start3A_868 = arith.constant 0 : i32
        %dma_start3A_869 = arith.constant 0 : i32
        %dma_start3A_870 = arith.constant 0 : i32
        %dma_start3A_871 = arith.constant 0 : i32
        %dma_start3A_872 = tpu.memref_slice %arg9[%scan3A_5, %dma_start3A_868, %dma_start3A_869, %dma_start3A_870, %dma_start3A_871] : memref<8x1x1x96x96xf32, #tpu.memory_space<vmem>> -> memref<1x1x1x96x96xf32, #tpu.memory_space<vmem>>
        %dma_start3A_873 = tpu.memref_squeeze %dma_start3A_872 : memref<1x1x1x96x96xf32, #tpu.memory_space<vmem>> -> memref<1x1x96x96xf32, #tpu.memory_space<vmem>>
        %dma_start3A_874 = arith.constant 0 : i32
        %dma_start3A_875 = arith.constant 0 : i32
        %dma_start3A_876 = tpu.memref_slice %arg2[%mul3A_410, %add3A_405, %dma_start3A_874, %dma_start3A_875] : memref<16x192x96x96xf32, #tpu.memory_space<hbm>> -> memref<1x1x96x96xf32, #tpu.memory_space<hbm>>
        tpu.enqueue_dma source(%dma_start3A_876 : memref<1x1x96x96xf32, #tpu.memory_space<hbm>>) target(%dma_start3A_873 : memref<1x1x96x96xf32, #tpu.memory_space<vmem>>) target_semaphore(%arg10 : memref<!tpu.dma_semaphore, #tpu.memory_space<semaphore_mem>>)
      } else {
      }
      %sub3A_425 = arith.constant 4 : i32
      %sub3A_426 = arith.subi %add3A_388, %sub3A_425 : i32
      %ge3A_427 = arith.constant 0 : i32
      %ge3A_428 = arith.cmpi sge, %sub3A_426, %ge3A_427 : i32
      %convert_element_type3A_429 = arith.extui %ge3A_428 : i1 to i32
      %cond3A_430 = arith.constant 0 : i32
      %cond3A_431 = arith.cmpi ne, %convert_element_type3A_429, %cond3A_430 : i32
      scf.if %cond3A_431 {
        %jit3A_859 = arith.constant 16 : i32
        %div3A_860 = arith.divsi %sub3A_426, %jit3A_859 : i32
        %sign3A_861 = arith.constant 0 : i32
        %sign3A_862 = arith.cmpi sgt, %sub3A_426, %sign3A_861 : i32
        %sign3A_863 = arith.extui %sign3A_862 : i1 to i32
        %sign3A_864 = arith.constant 0 : i32
        %sign3A_865 = arith.cmpi slt, %sub3A_426, %sign3A_864 : i32
        %sign3A_866 = arith.extui %sign3A_865 : i1 to i32
        %sign3A_867 = arith.subi %sign3A_863, %sign3A_866 : i32
        %sign3A_868 = arith.constant 0 : i32
        %sign3A_869 = arith.cmpi sgt, %jit3A_859, %sign3A_868 : i32
        %sign3A_870 = arith.extui %sign3A_869 : i1 to i32
        %sign3A_871 = arith.constant 0 : i32
        %sign3A_872 = arith.cmpi slt, %jit3A_859, %sign3A_871 : i32
        %sign3A_873 = arith.extui %sign3A_872 : i1 to i32
        %sign3A_874 = arith.subi %sign3A_870, %sign3A_873 : i32
        %ne3A_875 = arith.cmpi ne, %sign3A_867, %sign3A_874 : i32
        %rem3A_876 = arith.remsi %sub3A_426, %jit3A_859 : i32
        %ne3A_877 = arith.constant 0 : i32
        %ne3A_878 = arith.cmpi ne, %rem3A_876, %ne3A_877 : i32
        %and3A_879 = arith.andi %ne3A_875, %ne3A_878 : i1
        %sub3A_880 = arith.constant 1 : i32
        %sub3A_881 = arith.subi %div3A_860, %sub3A_880 : i32
        %select_n3A_882 = arith.select %and3A_879, %sub3A_881, %div3A_860 : i32
        %add3A_883 = arith.addi %mul3A_2, %select_n3A_882 : i32
        %mul3A_884 = arith.constant 16 : i32
        %mul3A_885 = arith.muli %select_n3A_882, %mul3A_884 : i32
        %sub3A_886 = arith.subi %sub3A_426, %mul3A_885 : i32
        %mul3A_887 = arith.constant 1 : i32
        %mul3A_888 = arith.muli %sub3A_886, %mul3A_887 : i32
        %dma_wait3A_889 = arith.constant 0 : i32
        %dma_wait3A_890 = arith.constant 0 : i32
        %dma_wait3A_891 = arith.constant 0 : i32
        %dma_wait3A_892 = arith.constant 0 : i32
        %dma_wait3A_893 = tpu.memref_slice %arg9[%scan3A_6, %dma_wait3A_889, %dma_wait3A_890, %dma_wait3A_891, %dma_wait3A_892] : memref<8x1x1x96x96xf32, #tpu.memory_space<vmem>> -> memref<1x1x1x96x96xf32, #tpu.memory_space<vmem>>
        %dma_wait3A_894 = tpu.memref_squeeze %dma_wait3A_893 : memref<1x1x1x96x96xf32, #tpu.memory_space<vmem>> -> memref<1x1x96x96xf32, #tpu.memory_space<vmem>>
        %dma_wait3A_895 = arith.constant 0 : i32
        %dma_wait3A_896 = arith.constant 0 : i32
        %dma_wait3A_897 = arith.constant 0 : i32
        %dma_wait3A_898 = arith.constant 0 : i32
        %dma_wait3A_899 = tpu.memref_slice %arg2[%dma_wait3A_895, %dma_wait3A_896, %dma_wait3A_897, %dma_wait3A_898] : memref<16x192x96x96xf32, #tpu.memory_space<hbm>> -> memref<1x1x96x96xf32, #tpu.memory_space<hbm>>
        %dma_wait3A_900 = arith.constant 0 : i32
        %dma_wait3A_901 = arith.constant 0 : i32
        %dma_wait3A_902 = arith.constant 0 : i32
        %dma_wait3A_903 = arith.constant 0 : i32
        %dma_wait3A_904 = tpu.memref_slice %arg9[%scan3A_6, %dma_wait3A_900, %dma_wait3A_901, %dma_wait3A_902, %dma_wait3A_903] : memref<8x1x1x96x96xf32, #tpu.memory_space<vmem>> -> memref<1x1x1x96x96xf32, #tpu.memory_space<vmem>>
        %dma_wait3A_905 = tpu.memref_squeeze %dma_wait3A_904 : memref<1x1x1x96x96xf32, #tpu.memory_space<vmem>> -> memref<1x1x96x96xf32, #tpu.memory_space<vmem>>
        %dma_wait3A_906 = arith.constant 0 : i32
        %dma_wait3A_907 = arith.constant 0 : i32
        %dma_wait3A_908 = arith.constant 0 : i32
        %dma_wait3A_909 = arith.constant 0 : i32
        %dma_wait3A_910 = tpu.memref_slice %arg2[%dma_wait3A_906, %dma_wait3A_907, %dma_wait3A_908, %dma_wait3A_909] : memref<16x192x96x96xf32, #tpu.memory_space<hbm>> -> memref<1x1x96x96xf32, #tpu.memory_space<hbm>>
        tpu.wait_dma2 semaphore(%arg14 : memref<!tpu.dma_semaphore, #tpu.memory_space<semaphore_mem>>) src(%dma_wait3A_910 : memref<1x1x96x96xf32, #tpu.memory_space<hbm>>) dst(%dma_wait3A_905 : memref<1x1x96x96xf32, #tpu.memory_space<vmem>>)
        %dma_start3A_911 = arith.constant 0 : i32
        %dma_start3A_912 = arith.constant 0 : i32
        %dma_start3A_913 = arith.constant 0 : i32
        %dma_start3A_914 = arith.constant 0 : i32
        %dma_start3A_915 = tpu.memref_slice %arg9[%scan3A_6, %dma_start3A_911, %dma_start3A_912, %dma_start3A_913, %dma_start3A_914] : memref<8x1x1x96x96xf32, #tpu.memory_space<vmem>> -> memref<1x1x1x96x96xf32, #tpu.memory_space<vmem>>
        %dma_start3A_916 = tpu.memref_squeeze %dma_start3A_915 : memref<1x1x1x96x96xf32, #tpu.memory_space<vmem>> -> memref<1x1x96x96xf32, #tpu.memory_space<vmem>>
        %dma_start3A_917 = arith.constant 0 : i32
        %dma_start3A_918 = arith.constant 0 : i32
        %dma_start3A_919 = tpu.memref_slice %arg6[%mul3A_888, %add3A_883, %dma_start3A_917, %dma_start3A_918] : memref<16x192x96x96xf32, #tpu.memory_space<hbm>> -> memref<1x1x96x96xf32, #tpu.memory_space<hbm>>
        %dma_start3A_920 = arith.constant 0 : i32
        %dma_start3A_921 = arith.constant 0 : i32
        %dma_start3A_922 = tpu.memref_slice %arg6[%mul3A_888, %add3A_883, %dma_start3A_920, %dma_start3A_921] : memref<16x192x96x96xf32, #tpu.memory_space<hbm>> -> memref<1x1x96x96xf32, #tpu.memory_space<hbm>>
        %dma_start3A_923 = arith.constant 0 : i32
        %dma_start3A_924 = arith.constant 0 : i32
        %dma_start3A_925 = arith.constant 0 : i32
        %dma_start3A_926 = arith.constant 0 : i32
        %dma_start3A_927 = tpu.memref_slice %arg9[%scan3A_6, %dma_start3A_923, %dma_start3A_924, %dma_start3A_925, %dma_start3A_926] : memref<8x1x1x96x96xf32, #tpu.memory_space<vmem>> -> memref<1x1x1x96x96xf32, #tpu.memory_space<vmem>>
        %dma_start3A_928 = tpu.memref_squeeze %dma_start3A_927 : memref<1x1x1x96x96xf32, #tpu.memory_space<vmem>> -> memref<1x1x96x96xf32, #tpu.memory_space<vmem>>
        tpu.enqueue_dma source(%dma_start3A_928 : memref<1x1x96x96xf32, #tpu.memory_space<vmem>>) target(%dma_start3A_922 : memref<1x1x96x96xf32, #tpu.memory_space<hbm>>) target_semaphore(%arg22 : memref<!tpu.dma_semaphore, #tpu.memory_space<semaphore_mem>>)
      } else {
      }
      %mul3A_432 = arith.constant 8 : i32
      %mul3A_433 = arith.muli %scan3A_384, %mul3A_432 : i32
      %add3A_434 = arith.constant 1 : i32
      %add3A_435 = arith.addi %mul3A_433, %add3A_434 : i32
      %jit3A_436 = arith.constant 16 : i32
      %div3A_437 = arith.divsi %add3A_435, %jit3A_436 : i32
      %sign3A_438 = arith.constant 0 : i32
      %sign3A_439 = arith.cmpi sgt, %add3A_435, %sign3A_438 : i32
      %sign3A_440 = arith.extui %sign3A_439 : i1 to i32
      %sign3A_441 = arith.constant 0 : i32
      %sign3A_442 = arith.cmpi slt, %add3A_435, %sign3A_441 : i32
      %sign3A_443 = arith.extui %sign3A_442 : i1 to i32
      %sign3A_444 = arith.subi %sign3A_440, %sign3A_443 : i32
      %sign3A_445 = arith.constant 0 : i32
      %sign3A_446 = arith.cmpi sgt, %jit3A_436, %sign3A_445 : i32
      %sign3A_447 = arith.extui %sign3A_446 : i1 to i32
      %sign3A_448 = arith.constant 0 : i32
      %sign3A_449 = arith.cmpi slt, %jit3A_436, %sign3A_448 : i32
      %sign3A_450 = arith.extui %sign3A_449 : i1 to i32
      %sign3A_451 = arith.subi %sign3A_447, %sign3A_450 : i32
      %ne3A_452 = arith.cmpi ne, %sign3A_444, %sign3A_451 : i32
      %rem3A_453 = arith.remsi %add3A_435, %jit3A_436 : i32
      %ne3A_454 = arith.constant 0 : i32
      %ne3A_455 = arith.cmpi ne, %rem3A_453, %ne3A_454 : i32
      %and3A_456 = arith.andi %ne3A_452, %ne3A_455 : i1
      %sub3A_457 = arith.constant 1 : i32
      %sub3A_458 = arith.subi %div3A_437, %sub3A_457 : i32
      %select_n3A_459 = arith.select %and3A_456, %sub3A_458, %div3A_437 : i32
      %add3A_460 = arith.addi %mul3A_2, %select_n3A_459 : i32
      %mul3A_461 = arith.constant 16 : i32
      %mul3A_462 = arith.muli %select_n3A_459, %mul3A_461 : i32
      %sub3A_463 = arith.subi %add3A_435, %mul3A_462 : i32
      %mul3A_464 = arith.constant 1 : i32
      %mul3A_465 = arith.muli %sub3A_463, %mul3A_464 : i32
      %ge3A_466 = arith.constant 1 : i32
      %ge3A_467 = arith.cmpi sge, %scan3A_384, %ge3A_466 : i32
      %convert_element_type3A_468 = arith.extui %ge3A_467 : i1 to i32
      %cond3A_469 = arith.constant 0 : i32
      %cond3A_470 = arith.cmpi ne, %convert_element_type3A_468, %cond3A_469 : i32
      scf.if %cond3A_470 {
        %dma_wait3A_859 = arith.constant 0 : i32
        %dma_wait3A_860 = arith.constant 0 : i32
        %dma_wait3A_861 = arith.constant 0 : i32
        %dma_wait3A_862 = arith.constant 0 : i32
        %dma_wait3A_863 = tpu.memref_slice %arg9[%scan3A_7, %dma_wait3A_859, %dma_wait3A_860, %dma_wait3A_861, %dma_wait3A_862] : memref<8x1x1x96x96xf32, #tpu.memory_space<vmem>> -> memref<1x1x1x96x96xf32, #tpu.memory_space<vmem>>
        %dma_wait3A_864 = tpu.memref_squeeze %dma_wait3A_863 : memref<1x1x1x96x96xf32, #tpu.memory_space<vmem>> -> memref<1x1x96x96xf32, #tpu.memory_space<vmem>>
        %dma_wait3A_865 = arith.constant 0 : i32
        %dma_wait3A_866 = arith.constant 0 : i32
        %dma_wait3A_867 = arith.constant 0 : i32
        %dma_wait3A_868 = arith.constant 0 : i32
        %dma_wait3A_869 = tpu.memref_slice %arg6[%dma_wait3A_865, %dma_wait3A_866, %dma_wait3A_867, %dma_wait3A_868] : memref<16x192x96x96xf32, #tpu.memory_space<hbm>> -> memref<1x1x96x96xf32, #tpu.memory_space<hbm>>
        %dma_wait3A_870 = arith.constant 0 : i32
        %dma_wait3A_871 = arith.constant 0 : i32
        %dma_wait3A_872 = arith.constant 0 : i32
        %dma_wait3A_873 = arith.constant 0 : i32
        %dma_wait3A_874 = tpu.memref_slice %arg6[%dma_wait3A_870, %dma_wait3A_871, %dma_wait3A_872, %dma_wait3A_873] : memref<16x192x96x96xf32, #tpu.memory_space<hbm>> -> memref<1x1x96x96xf32, #tpu.memory_space<hbm>>
        %dma_wait3A_875 = arith.constant 0 : i32
        %dma_wait3A_876 = arith.constant 0 : i32
        %dma_wait3A_877 = arith.constant 0 : i32
        %dma_wait3A_878 = arith.constant 0 : i32
        %dma_wait3A_879 = tpu.memref_slice %arg9[%scan3A_7, %dma_wait3A_875, %dma_wait3A_876, %dma_wait3A_877, %dma_wait3A_878] : memref<8x1x1x96x96xf32, #tpu.memory_space<vmem>> -> memref<1x1x1x96x96xf32, #tpu.memory_space<vmem>>
        %dma_wait3A_880 = tpu.memref_squeeze %dma_wait3A_879 : memref<1x1x1x96x96xf32, #tpu.memory_space<vmem>> -> memref<1x1x96x96xf32, #tpu.memory_space<vmem>>
        tpu.wait_dma2 semaphore(%arg19 : memref<!tpu.dma_semaphore, #tpu.memory_space<semaphore_mem>>) src(%dma_wait3A_880 : memref<1x1x96x96xf32, #tpu.memory_space<vmem>>) dst(%dma_wait3A_874 : memref<1x1x96x96xf32, #tpu.memory_space<hbm>>)
      } else {
      }
      %get3A_471 = arith.index_cast %add3A_460 : i32 to index
      %get3A_472 = tpu.vector_load %arg7[%get3A_471] {strides = array<i32>} : memref<208xf32, #tpu.memory_space<vmem>>, vector<16xf32>,
      %get3A_473 = vector.shape_cast %get3A_472 : vector<16xf32> to vector<16xf32>
      %slice3A_474 = vector.extract_strided_slice %get3A_473 {offsets = [0], sizes = [1], strides = [1]} : vector<16xf32> to vector<1xf32>
      %squeeze3A_475 = vector.extract %slice3A_474[0] : f32 from vector<1xf32>
      %abs3A_476 = math.absf %squeeze3A_475 : f32
      %lt3A_477 = arith.cmpf olt, %abs3A_476, %squeeze3A : f32
      %convert_element_type3A_478 = arith.extui %lt3A_477 : i1 to i32
      %cond3A_479 = arith.constant 0 : i32
      %cond3A_480 = arith.cmpi ne, %convert_element_type3A_478, %cond3A_479 : i32
      scf.if %cond3A_480 {
        %dma_start3A_859 = arith.constant 0 : i32
        %dma_start3A_860 = arith.constant 0 : i32
        %dma_start3A_861 = arith.constant 0 : i32
        %dma_start3A_862 = arith.constant 0 : i32
        %dma_start3A_863 = tpu.memref_slice %arg9[%scan3A_7, %dma_start3A_859, %dma_start3A_860, %dma_start3A_861, %dma_start3A_862] : memref<8x1x1x96x96xf32, #tpu.memory_space<vmem>> -> memref<1x1x1x96x96xf32, #tpu.memory_space<vmem>>
        %dma_start3A_864 = tpu.memref_squeeze %dma_start3A_863 : memref<1x1x1x96x96xf32, #tpu.memory_space<vmem>> -> memref<1x1x96x96xf32, #tpu.memory_space<vmem>>
        %dma_start3A_865 = arith.constant 0 : i32
        %dma_start3A_866 = arith.constant 0 : i32
        %dma_start3A_867 = tpu.memref_slice %arg3[%mul3A_465, %add3A_460, %dma_start3A_865, %dma_start3A_866] : memref<16x192x96x96xf32, #tpu.memory_space<hbm>> -> memref<1x1x96x96xf32, #tpu.memory_space<hbm>>
        %dma_start3A_868 = arith.constant 0 : i32
        %dma_start3A_869 = arith.constant 0 : i32
        %dma_start3A_870 = arith.constant 0 : i32
        %dma_start3A_871 = arith.constant 0 : i32
        %dma_start3A_872 = tpu.memref_slice %arg9[%scan3A_7, %dma_start3A_868, %dma_start3A_869, %dma_start3A_870, %dma_start3A_871] : memref<8x1x1x96x96xf32, #tpu.memory_space<vmem>> -> memref<1x1x1x96x96xf32, #tpu.memory_space<vmem>>
        %dma_start3A_873 = tpu.memref_squeeze %dma_start3A_872 : memref<1x1x1x96x96xf32, #tpu.memory_space<vmem>> -> memref<1x1x96x96xf32, #tpu.memory_space<vmem>>
        %dma_start3A_874 = arith.constant 0 : i32
        %dma_start3A_875 = arith.constant 0 : i32
        %dma_start3A_876 = tpu.memref_slice %arg3[%mul3A_465, %add3A_460, %dma_start3A_874, %dma_start3A_875] : memref<16x192x96x96xf32, #tpu.memory_space<hbm>> -> memref<1x1x96x96xf32, #tpu.memory_space<hbm>>
        tpu.enqueue_dma source(%dma_start3A_876 : memref<1x1x96x96xf32, #tpu.memory_space<hbm>>) target(%dma_start3A_873 : memref<1x1x96x96xf32, #tpu.memory_space<vmem>>) target_semaphore(%arg11 : memref<!tpu.dma_semaphore, #tpu.memory_space<semaphore_mem>>)
      } else {
      }
      %not3A_481 = arith.constant true
      %not3A_482 = arith.xori %lt3A_477, %not3A_481 : i1
      %convert_element_type3A_483 = arith.extui %not3A_482 : i1 to i32
      %cond3A_484 = arith.constant 0 : i32
      %cond3A_485 = arith.cmpi ne, %convert_element_type3A_483, %cond3A_484 : i32
      scf.if %cond3A_485 {
        %dma_start3A_859 = arith.constant 0 : i32
        %dma_start3A_860 = arith.constant 0 : i32
        %dma_start3A_861 = arith.constant 0 : i32
        %dma_start3A_862 = arith.constant 0 : i32
        %dma_start3A_863 = tpu.memref_slice %arg9[%scan3A_7, %dma_start3A_859, %dma_start3A_860, %dma_start3A_861, %dma_start3A_862] : memref<8x1x1x96x96xf32, #tpu.memory_space<vmem>> -> memref<1x1x1x96x96xf32, #tpu.memory_space<vmem>>
        %dma_start3A_864 = tpu.memref_squeeze %dma_start3A_863 : memref<1x1x1x96x96xf32, #tpu.memory_space<vmem>> -> memref<1x1x96x96xf32, #tpu.memory_space<vmem>>
        %dma_start3A_865 = arith.constant 0 : i32
        %dma_start3A_866 = arith.constant 0 : i32
        %dma_start3A_867 = tpu.memref_slice %arg2[%mul3A_465, %add3A_460, %dma_start3A_865, %dma_start3A_866] : memref<16x192x96x96xf32, #tpu.memory_space<hbm>> -> memref<1x1x96x96xf32, #tpu.memory_space<hbm>>
        %dma_start3A_868 = arith.constant 0 : i32
        %dma_start3A_869 = arith.constant 0 : i32
        %dma_start3A_870 = arith.constant 0 : i32
        %dma_start3A_871 = arith.constant 0 : i32
        %dma_start3A_872 = tpu.memref_slice %arg9[%scan3A_7, %dma_start3A_868, %dma_start3A_869, %dma_start3A_870, %dma_start3A_871] : memref<8x1x1x96x96xf32, #tpu.memory_space<vmem>> -> memref<1x1x1x96x96xf32, #tpu.memory_space<vmem>>
        %dma_start3A_873 = tpu.memref_squeeze %dma_start3A_872 : memref<1x1x1x96x96xf32, #tpu.memory_space<vmem>> -> memref<1x1x96x96xf32, #tpu.memory_space<vmem>>
        %dma_start3A_874 = arith.constant 0 : i32
        %dma_start3A_875 = arith.constant 0 : i32
        %dma_start3A_876 = tpu.memref_slice %arg2[%mul3A_465, %add3A_460, %dma_start3A_874, %dma_start3A_875] : memref<16x192x96x96xf32, #tpu.memory_space<hbm>> -> memref<1x1x96x96xf32, #tpu.memory_space<hbm>>
        tpu.enqueue_dma source(%dma_start3A_876 : memref<1x1x96x96xf32, #tpu.memory_space<hbm>>) target(%dma_start3A_873 : memref<1x1x96x96xf32, #tpu.memory_space<vmem>>) target_semaphore(%arg11 : memref<!tpu.dma_semaphore, #tpu.memory_space<semaphore_mem>>)
      } else {
      }
      %sub3A_486 = arith.constant 4 : i32
      %sub3A_487 = arith.subi %add3A_435, %sub3A_486 : i32
      %ge3A_488 = arith.constant 0 : i32
      %ge3A_489 = arith.cmpi sge, %sub3A_487, %ge3A_488 : i32
      %convert_element_type3A_490 = arith.extui %ge3A_489 : i1 to i32
      %cond3A_491 = arith.constant 0 : i32
      %cond3A_492 = arith.cmpi ne, %convert_element_type3A_490, %cond3A_491 : i32
      scf.if %cond3A_492 {
        %jit3A_859 = arith.constant 16 : i32
        %div3A_860 = arith.divsi %sub3A_487, %jit3A_859 : i32
        %sign3A_861 = arith.constant 0 : i32
        %sign3A_862 = arith.cmpi sgt, %sub3A_487, %sign3A_861 : i32
        %sign3A_863 = arith.extui %sign3A_862 : i1 to i32
        %sign3A_864 = arith.constant 0 : i32
        %sign3A_865 = arith.cmpi slt, %sub3A_487, %sign3A_864 : i32
        %sign3A_866 = arith.extui %sign3A_865 : i1 to i32
        %sign3A_867 = arith.subi %sign3A_863, %sign3A_866 : i32
        %sign3A_868 = arith.constant 0 : i32
        %sign3A_869 = arith.cmpi sgt, %jit3A_859, %sign3A_868 : i32
        %sign3A_870 = arith.extui %sign3A_869 : i1 to i32
        %sign3A_871 = arith.constant 0 : i32
        %sign3A_872 = arith.cmpi slt, %jit3A_859, %sign3A_871 : i32
        %sign3A_873 = arith.extui %sign3A_872 : i1 to i32
        %sign3A_874 = arith.subi %sign3A_870, %sign3A_873 : i32
        %ne3A_875 = arith.cmpi ne, %sign3A_867, %sign3A_874 : i32
        %rem3A_876 = arith.remsi %sub3A_487, %jit3A_859 : i32
        %ne3A_877 = arith.constant 0 : i32
        %ne3A_878 = arith.cmpi ne, %rem3A_876, %ne3A_877 : i32
        %and3A_879 = arith.andi %ne3A_875, %ne3A_878 : i1
        %sub3A_880 = arith.constant 1 : i32
        %sub3A_881 = arith.subi %div3A_860, %sub3A_880 : i32
        %select_n3A_882 = arith.select %and3A_879, %sub3A_881, %div3A_860 : i32
        %add3A_883 = arith.addi %mul3A_2, %select_n3A_882 : i32
        %mul3A_884 = arith.constant 16 : i32
        %mul3A_885 = arith.muli %select_n3A_882, %mul3A_884 : i32
        %sub3A_886 = arith.subi %sub3A_487, %mul3A_885 : i32
        %mul3A_887 = arith.constant 1 : i32
        %mul3A_888 = arith.muli %sub3A_886, %mul3A_887 : i32
        %dma_wait3A_889 = arith.constant 0 : i32
        %dma_wait3A_890 = arith.constant 0 : i32
        %dma_wait3A_891 = arith.constant 0 : i32
        %dma_wait3A_892 = arith.constant 0 : i32
        %dma_wait3A_893 = tpu.memref_slice %arg9[%scan3A_8, %dma_wait3A_889, %dma_wait3A_890, %dma_wait3A_891, %dma_wait3A_892] : memref<8x1x1x96x96xf32, #tpu.memory_space<vmem>> -> memref<1x1x1x96x96xf32, #tpu.memory_space<vmem>>
        %dma_wait3A_894 = tpu.memref_squeeze %dma_wait3A_893 : memref<1x1x1x96x96xf32, #tpu.memory_space<vmem>> -> memref<1x1x96x96xf32, #tpu.memory_space<vmem>>
        %dma_wait3A_895 = arith.constant 0 : i32
        %dma_wait3A_896 = arith.constant 0 : i32
        %dma_wait3A_897 = arith.constant 0 : i32
        %dma_wait3A_898 = arith.constant 0 : i32
        %dma_wait3A_899 = tpu.memref_slice %arg2[%dma_wait3A_895, %dma_wait3A_896, %dma_wait3A_897, %dma_wait3A_898] : memref<16x192x96x96xf32, #tpu.memory_space<hbm>> -> memref<1x1x96x96xf32, #tpu.memory_space<hbm>>
        %dma_wait3A_900 = arith.constant 0 : i32
        %dma_wait3A_901 = arith.constant 0 : i32
        %dma_wait3A_902 = arith.constant 0 : i32
        %dma_wait3A_903 = arith.constant 0 : i32
        %dma_wait3A_904 = tpu.memref_slice %arg9[%scan3A_8, %dma_wait3A_900, %dma_wait3A_901, %dma_wait3A_902, %dma_wait3A_903] : memref<8x1x1x96x96xf32, #tpu.memory_space<vmem>> -> memref<1x1x1x96x96xf32, #tpu.memory_space<vmem>>
        %dma_wait3A_905 = tpu.memref_squeeze %dma_wait3A_904 : memref<1x1x1x96x96xf32, #tpu.memory_space<vmem>> -> memref<1x1x96x96xf32, #tpu.memory_space<vmem>>
        %dma_wait3A_906 = arith.constant 0 : i32
        %dma_wait3A_907 = arith.constant 0 : i32
        %dma_wait3A_908 = arith.constant 0 : i32
        %dma_wait3A_909 = arith.constant 0 : i32
        %dma_wait3A_910 = tpu.memref_slice %arg2[%dma_wait3A_906, %dma_wait3A_907, %dma_wait3A_908, %dma_wait3A_909] : memref<16x192x96x96xf32, #tpu.memory_space<hbm>> -> memref<1x1x96x96xf32, #tpu.memory_space<hbm>>
        tpu.wait_dma2 semaphore(%arg15 : memref<!tpu.dma_semaphore, #tpu.memory_space<semaphore_mem>>) src(%dma_wait3A_910 : memref<1x1x96x96xf32, #tpu.memory_space<hbm>>) dst(%dma_wait3A_905 : memref<1x1x96x96xf32, #tpu.memory_space<vmem>>)
        %dma_start3A_911 = arith.constant 0 : i32
        %dma_start3A_912 = arith.constant 0 : i32
        %dma_start3A_913 = arith.constant 0 : i32
        %dma_start3A_914 = arith.constant 0 : i32
        %dma_start3A_915 = tpu.memref_slice %arg9[%scan3A_8, %dma_start3A_911, %dma_start3A_912, %dma_start3A_913, %dma_start3A_914] : memref<8x1x1x96x96xf32, #tpu.memory_space<vmem>> -> memref<1x1x1x96x96xf32, #tpu.memory_space<vmem>>
        %dma_start3A_916 = tpu.memref_squeeze %dma_start3A_915 : memref<1x1x1x96x96xf32, #tpu.memory_space<vmem>> -> memref<1x1x96x96xf32, #tpu.memory_space<vmem>>
        %dma_start3A_917 = arith.constant 0 : i32
        %dma_start3A_918 = arith.constant 0 : i32
        %dma_start3A_919 = tpu.memref_slice %arg6[%mul3A_888, %add3A_883, %dma_start3A_917, %dma_start3A_918] : memref<16x192x96x96xf32, #tpu.memory_space<hbm>> -> memref<1x1x96x96xf32, #tpu.memory_space<hbm>>
        %dma_start3A_920 = arith.constant 0 : i32
        %dma_start3A_921 = arith.constant 0 : i32
        %dma_start3A_922 = tpu.memref_slice %arg6[%mul3A_888, %add3A_883, %dma_start3A_920, %dma_start3A_921] : memref<16x192x96x96xf32, #tpu.memory_space<hbm>> -> memref<1x1x96x96xf32, #tpu.memory_space<hbm>>
        %dma_start3A_923 = arith.constant 0 : i32
        %dma_start3A_924 = arith.constant 0 : i32
        %dma_start3A_925 = arith.constant 0 : i32
        %dma_start3A_926 = arith.constant 0 : i32
        %dma_start3A_927 = tpu.memref_slice %arg9[%scan3A_8, %dma_start3A_923, %dma_start3A_924, %dma_start3A_925, %dma_start3A_926] : memref<8x1x1x96x96xf32, #tpu.memory_space<vmem>> -> memref<1x1x1x96x96xf32, #tpu.memory_space<vmem>>
        %dma_start3A_928 = tpu.memref_squeeze %dma_start3A_927 : memref<1x1x1x96x96xf32, #tpu.memory_space<vmem>> -> memref<1x1x96x96xf32, #tpu.memory_space<vmem>>
        tpu.enqueue_dma source(%dma_start3A_928 : memref<1x1x96x96xf32, #tpu.memory_space<vmem>>) target(%dma_start3A_922 : memref<1x1x96x96xf32, #tpu.memory_space<hbm>>) target_semaphore(%arg23 : memref<!tpu.dma_semaphore, #tpu.memory_space<semaphore_mem>>)
      } else {
      }
      %mul3A_493 = arith.constant 8 : i32
      %mul3A_494 = arith.muli %scan3A_384, %mul3A_493 : i32
      %add3A_495 = arith.constant 2 : i32
      %add3A_496 = arith.addi %mul3A_494, %add3A_495 : i32
      %jit3A_497 = arith.constant 16 : i32
      %div3A_498 = arith.divsi %add3A_496, %jit3A_497 : i32
      %sign3A_499 = arith.constant 0 : i32
      %sign3A_500 = arith.cmpi sgt, %add3A_496, %sign3A_499 : i32
      %sign3A_501 = arith.extui %sign3A_500 : i1 to i32
      %sign3A_502 = arith.constant 0 : i32
      %sign3A_503 = arith.cmpi slt, %add3A_496, %sign3A_502 : i32
      %sign3A_504 = arith.extui %sign3A_503 : i1 to i32
      %sign3A_505 = arith.subi %sign3A_501, %sign3A_504 : i32
      %sign3A_506 = arith.constant 0 : i32
      %sign3A_507 = arith.cmpi sgt, %jit3A_497, %sign3A_506 : i32
      %sign3A_508 = arith.extui %sign3A_507 : i1 to i32
      %sign3A_509 = arith.constant 0 : i32
      %sign3A_510 = arith.cmpi slt, %jit3A_497, %sign3A_509 : i32
      %sign3A_511 = arith.extui %sign3A_510 : i1 to i32
      %sign3A_512 = arith.subi %sign3A_508, %sign3A_511 : i32
      %ne3A_513 = arith.cmpi ne, %sign3A_505, %sign3A_512 : i32
      %rem3A_514 = arith.remsi %add3A_496, %jit3A_497 : i32
      %ne3A_515 = arith.constant 0 : i32
      %ne3A_516 = arith.cmpi ne, %rem3A_514, %ne3A_515 : i32
      %and3A_517 = arith.andi %ne3A_513, %ne3A_516 : i1
      %sub3A_518 = arith.constant 1 : i32
      %sub3A_519 = arith.subi %div3A_498, %sub3A_518 : i32
      %select_n3A_520 = arith.select %and3A_517, %sub3A_519, %div3A_498 : i32
      %add3A_521 = arith.addi %mul3A_2, %select_n3A_520 : i32
      %mul3A_522 = arith.constant 16 : i32
      %mul3A_523 = arith.muli %select_n3A_520, %mul3A_522 : i32
      %sub3A_524 = arith.subi %add3A_496, %mul3A_523 : i32
      %mul3A_525 = arith.constant 1 : i32
      %mul3A_526 = arith.muli %sub3A_524, %mul3A_525 : i32
      %ge3A_527 = arith.constant 1 : i32
      %ge3A_528 = arith.cmpi sge, %scan3A_384, %ge3A_527 : i32
      %convert_element_type3A_529 = arith.extui %ge3A_528 : i1 to i32
      %cond3A_530 = arith.constant 0 : i32
      %cond3A_531 = arith.cmpi ne, %convert_element_type3A_529, %cond3A_530 : i32
      scf.if %cond3A_531 {
        %dma_wait3A_859 = arith.constant 0 : i32
        %dma_wait3A_860 = arith.constant 0 : i32
        %dma_wait3A_861 = arith.constant 0 : i32
        %dma_wait3A_862 = arith.constant 0 : i32
        %dma_wait3A_863 = tpu.memref_slice %arg9[%scan3A_9, %dma_wait3A_859, %dma_wait3A_860, %dma_wait3A_861, %dma_wait3A_862] : memref<8x1x1x96x96xf32, #tpu.memory_space<vmem>> -> memref<1x1x1x96x96xf32, #tpu.memory_space<vmem>>
        %dma_wait3A_864 = tpu.memref_squeeze %dma_wait3A_863 : memref<1x1x1x96x96xf32, #tpu.memory_space<vmem>> -> memref<1x1x96x96xf32, #tpu.memory_space<vmem>>
        %dma_wait3A_865 = arith.constant 0 : i32
        %dma_wait3A_866 = arith.constant 0 : i32
        %dma_wait3A_867 = arith.constant 0 : i32
        %dma_wait3A_868 = arith.constant 0 : i32
        %dma_wait3A_869 = tpu.memref_slice %arg6[%dma_wait3A_865, %dma_wait3A_866, %dma_wait3A_867, %dma_wait3A_868] : memref<16x192x96x96xf32, #tpu.memory_space<hbm>> -> memref<1x1x96x96xf32, #tpu.memory_space<hbm>>
        %dma_wait3A_870 = arith.constant 0 : i32
        %dma_wait3A_871 = arith.constant 0 : i32
        %dma_wait3A_872 = arith.constant 0 : i32
        %dma_wait3A_873 = arith.constant 0 : i32
        %dma_wait3A_874 = tpu.memref_slice %arg6[%dma_wait3A_870, %dma_wait3A_871, %dma_wait3A_872, %dma_wait3A_873] : memref<16x192x96x96xf32, #tpu.memory_space<hbm>> -> memref<1x1x96x96xf32, #tpu.memory_space<hbm>>
        %dma_wait3A_875 = arith.constant 0 : i32
        %dma_wait3A_876 = arith.constant 0 : i32
        %dma_wait3A_877 = arith.constant 0 : i32
        %dma_wait3A_878 = arith.constant 0 : i32
        %dma_wait3A_879 = tpu.memref_slice %arg9[%scan3A_9, %dma_wait3A_875, %dma_wait3A_876, %dma_wait3A_877, %dma_wait3A_878] : memref<8x1x1x96x96xf32, #tpu.memory_space<vmem>> -> memref<1x1x1x96x96xf32, #tpu.memory_space<vmem>>
        %dma_wait3A_880 = tpu.memref_squeeze %dma_wait3A_879 : memref<1x1x1x96x96xf32, #tpu.memory_space<vmem>> -> memref<1x1x96x96xf32, #tpu.memory_space<vmem>>
        tpu.wait_dma2 semaphore(%arg20 : memref<!tpu.dma_semaphore, #tpu.memory_space<semaphore_mem>>) src(%dma_wait3A_880 : memref<1x1x96x96xf32, #tpu.memory_space<vmem>>) dst(%dma_wait3A_874 : memref<1x1x96x96xf32, #tpu.memory_space<hbm>>)
      } else {
      }
      %get3A_532 = arith.index_cast %add3A_521 : i32 to index
      %get3A_533 = tpu.vector_load %arg7[%get3A_532] {strides = array<i32>} : memref<208xf32, #tpu.memory_space<vmem>>, vector<16xf32>,
      %get3A_534 = vector.shape_cast %get3A_533 : vector<16xf32> to vector<16xf32>
      %slice3A_535 = vector.extract_strided_slice %get3A_534 {offsets = [0], sizes = [1], strides = [1]} : vector<16xf32> to vector<1xf32>
      %squeeze3A_536 = vector.extract %slice3A_535[0] : f32 from vector<1xf32>
      %abs3A_537 = math.absf %squeeze3A_536 : f32
      %lt3A_538 = arith.cmpf olt, %abs3A_537, %squeeze3A : f32
      %convert_element_type3A_539 = arith.extui %lt3A_538 : i1 to i32
      %cond3A_540 = arith.constant 0 : i32
      %cond3A_541 = arith.cmpi ne, %convert_element_type3A_539, %cond3A_540 : i32
      scf.if %cond3A_541 {
        %dma_start3A_859 = arith.constant 0 : i32
        %dma_start3A_860 = arith.constant 0 : i32
        %dma_start3A_861 = arith.constant 0 : i32
        %dma_start3A_862 = arith.constant 0 : i32
        %dma_start3A_863 = tpu.memref_slice %arg9[%scan3A_9, %dma_start3A_859, %dma_start3A_860, %dma_start3A_861, %dma_start3A_862] : memref<8x1x1x96x96xf32, #tpu.memory_space<vmem>> -> memref<1x1x1x96x96xf32, #tpu.memory_space<vmem>>
        %dma_start3A_864 = tpu.memref_squeeze %dma_start3A_863 : memref<1x1x1x96x96xf32, #tpu.memory_space<vmem>> -> memref<1x1x96x96xf32, #tpu.memory_space<vmem>>
        %dma_start3A_865 = arith.constant 0 : i32
        %dma_start3A_866 = arith.constant 0 : i32
        %dma_start3A_867 = tpu.memref_slice %arg3[%mul3A_526, %add3A_521, %dma_start3A_865, %dma_start3A_866] : memref<16x192x96x96xf32, #tpu.memory_space<hbm>> -> memref<1x1x96x96xf32, #tpu.memory_space<hbm>>
        %dma_start3A_868 = arith.constant 0 : i32
        %dma_start3A_869 = arith.constant 0 : i32
        %dma_start3A_870 = arith.constant 0 : i32
        %dma_start3A_871 = arith.constant 0 : i32
        %dma_start3A_872 = tpu.memref_slice %arg9[%scan3A_9, %dma_start3A_868, %dma_start3A_869, %dma_start3A_870, %dma_start3A_871] : memref<8x1x1x96x96xf32, #tpu.memory_space<vmem>> -> memref<1x1x1x96x96xf32, #tpu.memory_space<vmem>>
        %dma_start3A_873 = tpu.memref_squeeze %dma_start3A_872 : memref<1x1x1x96x96xf32, #tpu.memory_space<vmem>> -> memref<1x1x96x96xf32, #tpu.memory_space<vmem>>
        %dma_start3A_874 = arith.constant 0 : i32
        %dma_start3A_875 = arith.constant 0 : i32
        %dma_start3A_876 = tpu.memref_slice %arg3[%mul3A_526, %add3A_521, %dma_start3A_874, %dma_start3A_875] : memref<16x192x96x96xf32, #tpu.memory_space<hbm>> -> memref<1x1x96x96xf32, #tpu.memory_space<hbm>>
        tpu.enqueue_dma source(%dma_start3A_876 : memref<1x1x96x96xf32, #tpu.memory_space<hbm>>) target(%dma_start3A_873 : memref<1x1x96x96xf32, #tpu.memory_space<vmem>>) target_semaphore(%arg12 : memref<!tpu.dma_semaphore, #tpu.memory_space<semaphore_mem>>)
      } else {
      }
      %not3A_542 = arith.constant true
      %not3A_543 = arith.xori %lt3A_538, %not3A_542 : i1
      %convert_element_type3A_544 = arith.extui %not3A_543 : i1 to i32
      %cond3A_545 = arith.constant 0 : i32
      %cond3A_546 = arith.cmpi ne, %convert_element_type3A_544, %cond3A_545 : i32
      scf.if %cond3A_546 {
        %dma_start3A_859 = arith.constant 0 : i32
        %dma_start3A_860 = arith.constant 0 : i32
        %dma_start3A_861 = arith.constant 0 : i32
        %dma_start3A_862 = arith.constant 0 : i32
        %dma_start3A_863 = tpu.memref_slice %arg9[%scan3A_9, %dma_start3A_859, %dma_start3A_860, %dma_start3A_861, %dma_start3A_862] : memref<8x1x1x96x96xf32, #tpu.memory_space<vmem>> -> memref<1x1x1x96x96xf32, #tpu.memory_space<vmem>>
        %dma_start3A_864 = tpu.memref_squeeze %dma_start3A_863 : memref<1x1x1x96x96xf32, #tpu.memory_space<vmem>> -> memref<1x1x96x96xf32, #tpu.memory_space<vmem>>
        %dma_start3A_865 = arith.constant 0 : i32
        %dma_start3A_866 = arith.constant 0 : i32
        %dma_start3A_867 = tpu.memref_slice %arg2[%mul3A_526, %add3A_521, %dma_start3A_865, %dma_start3A_866] : memref<16x192x96x96xf32, #tpu.memory_space<hbm>> -> memref<1x1x96x96xf32, #tpu.memory_space<hbm>>
        %dma_start3A_868 = arith.constant 0 : i32
        %dma_start3A_869 = arith.constant 0 : i32
        %dma_start3A_870 = arith.constant 0 : i32
        %dma_start3A_871 = arith.constant 0 : i32
        %dma_start3A_872 = tpu.memref_slice %arg9[%scan3A_9, %dma_start3A_868, %dma_start3A_869, %dma_start3A_870, %dma_start3A_871] : memref<8x1x1x96x96xf32, #tpu.memory_space<vmem>> -> memref<1x1x1x96x96xf32, #tpu.memory_space<vmem>>
        %dma_start3A_873 = tpu.memref_squeeze %dma_start3A_872 : memref<1x1x1x96x96xf32, #tpu.memory_space<vmem>> -> memref<1x1x96x96xf32, #tpu.memory_space<vmem>>
        %dma_start3A_874 = arith.constant 0 : i32
        %dma_start3A_875 = arith.constant 0 : i32
        %dma_start3A_876 = tpu.memref_slice %arg2[%mul3A_526, %add3A_521, %dma_start3A_874, %dma_start3A_875] : memref<16x192x96x96xf32, #tpu.memory_space<hbm>> -> memref<1x1x96x96xf32, #tpu.memory_space<hbm>>
        tpu.enqueue_dma source(%dma_start3A_876 : memref<1x1x96x96xf32, #tpu.memory_space<hbm>>) target(%dma_start3A_873 : memref<1x1x96x96xf32, #tpu.memory_space<vmem>>) target_semaphore(%arg12 : memref<!tpu.dma_semaphore, #tpu.memory_space<semaphore_mem>>)
      } else {
      }
      %sub3A_547 = arith.constant 4 : i32
      %sub3A_548 = arith.subi %add3A_496, %sub3A_547 : i32
      %ge3A_549 = arith.constant 0 : i32
      %ge3A_550 = arith.cmpi sge, %sub3A_548, %ge3A_549 : i32
      %convert_element_type3A_551 = arith.extui %ge3A_550 : i1 to i32
      %cond3A_552 = arith.constant 0 : i32
      %cond3A_553 = arith.cmpi ne, %convert_element_type3A_551, %cond3A_552 : i32
      scf.if %cond3A_553 {
        %jit3A_859 = arith.constant 16 : i32
        %div3A_860 = arith.divsi %sub3A_548, %jit3A_859 : i32
        %sign3A_861 = arith.constant 0 : i32
        %sign3A_862 = arith.cmpi sgt, %sub3A_548, %sign3A_861 : i32
        %sign3A_863 = arith.extui %sign3A_862 : i1 to i32
        %sign3A_864 = arith.constant 0 : i32
        %sign3A_865 = arith.cmpi slt, %sub3A_548, %sign3A_864 : i32
        %sign3A_866 = arith.extui %sign3A_865 : i1 to i32
        %sign3A_867 = arith.subi %sign3A_863, %sign3A_866 : i32
        %sign3A_868 = arith.constant 0 : i32
        %sign3A_869 = arith.cmpi sgt, %jit3A_859, %sign3A_868 : i32
        %sign3A_870 = arith.extui %sign3A_869 : i1 to i32
        %sign3A_871 = arith.constant 0 : i32
        %sign3A_872 = arith.cmpi slt, %jit3A_859, %sign3A_871 : i32
        %sign3A_873 = arith.extui %sign3A_872 : i1 to i32
        %sign3A_874 = arith.subi %sign3A_870, %sign3A_873 : i32
        %ne3A_875 = arith.cmpi ne, %sign3A_867, %sign3A_874 : i32
        %rem3A_876 = arith.remsi %sub3A_548, %jit3A_859 : i32
        %ne3A_877 = arith.constant 0 : i32
        %ne3A_878 = arith.cmpi ne, %rem3A_876, %ne3A_877 : i32
        %and3A_879 = arith.andi %ne3A_875, %ne3A_878 : i1
        %sub3A_880 = arith.constant 1 : i32
        %sub3A_881 = arith.subi %div3A_860, %sub3A_880 : i32
        %select_n3A_882 = arith.select %and3A_879, %sub3A_881, %div3A_860 : i32
        %add3A_883 = arith.addi %mul3A_2, %select_n3A_882 : i32
        %mul3A_884 = arith.constant 16 : i32
        %mul3A_885 = arith.muli %select_n3A_882, %mul3A_884 : i32
        %sub3A_886 = arith.subi %sub3A_548, %mul3A_885 : i32
        %mul3A_887 = arith.constant 1 : i32
        %mul3A_888 = arith.muli %sub3A_886, %mul3A_887 : i32
        %dma_wait3A_889 = arith.constant 0 : i32
        %dma_wait3A_890 = arith.constant 0 : i32
        %dma_wait3A_891 = arith.constant 0 : i32
        %dma_wait3A_892 = arith.constant 0 : i32
        %dma_wait3A_893 = tpu.memref_slice %arg9[%scan3A_10, %dma_wait3A_889, %dma_wait3A_890, %dma_wait3A_891, %dma_wait3A_892] : memref<8x1x1x96x96xf32, #tpu.memory_space<vmem>> -> memref<1x1x1x96x96xf32, #tpu.memory_space<vmem>>
        %dma_wait3A_894 = tpu.memref_squeeze %dma_wait3A_893 : memref<1x1x1x96x96xf32, #tpu.memory_space<vmem>> -> memref<1x1x96x96xf32, #tpu.memory_space<vmem>>
        %dma_wait3A_895 = arith.constant 0 : i32
        %dma_wait3A_896 = arith.constant 0 : i32
        %dma_wait3A_897 = arith.constant 0 : i32
        %dma_wait3A_898 = arith.constant 0 : i32
        %dma_wait3A_899 = tpu.memref_slice %arg2[%dma_wait3A_895, %dma_wait3A_896, %dma_wait3A_897, %dma_wait3A_898] : memref<16x192x96x96xf32, #tpu.memory_space<hbm>> -> memref<1x1x96x96xf32, #tpu.memory_space<hbm>>
        %dma_wait3A_900 = arith.constant 0 : i32
        %dma_wait3A_901 = arith.constant 0 : i32
        %dma_wait3A_902 = arith.constant 0 : i32
        %dma_wait3A_903 = arith.constant 0 : i32
        %dma_wait3A_904 = tpu.memref_slice %arg9[%scan3A_10, %dma_wait3A_900, %dma_wait3A_901, %dma_wait3A_902, %dma_wait3A_903] : memref<8x1x1x96x96xf32, #tpu.memory_space<vmem>> -> memref<1x1x1x96x96xf32, #tpu.memory_space<vmem>>
        %dma_wait3A_905 = tpu.memref_squeeze %dma_wait3A_904 : memref<1x1x1x96x96xf32, #tpu.memory_space<vmem>> -> memref<1x1x96x96xf32, #tpu.memory_space<vmem>>
        %dma_wait3A_906 = arith.constant 0 : i32
        %dma_wait3A_907 = arith.constant 0 : i32
        %dma_wait3A_908 = arith.constant 0 : i32
        %dma_wait3A_909 = arith.constant 0 : i32
        %dma_wait3A_910 = tpu.memref_slice %arg2[%dma_wait3A_906, %dma_wait3A_907, %dma_wait3A_908, %dma_wait3A_909] : memref<16x192x96x96xf32, #tpu.memory_space<hbm>> -> memref<1x1x96x96xf32, #tpu.memory_space<hbm>>
        tpu.wait_dma2 semaphore(%arg16 : memref<!tpu.dma_semaphore, #tpu.memory_space<semaphore_mem>>) src(%dma_wait3A_910 : memref<1x1x96x96xf32, #tpu.memory_space<hbm>>) dst(%dma_wait3A_905 : memref<1x1x96x96xf32, #tpu.memory_space<vmem>>)
        %dma_start3A_911 = arith.constant 0 : i32
        %dma_start3A_912 = arith.constant 0 : i32
        %dma_start3A_913 = arith.constant 0 : i32
        %dma_start3A_914 = arith.constant 0 : i32
        %dma_start3A_915 = tpu.memref_slice %arg9[%scan3A_10, %dma_start3A_911, %dma_start3A_912, %dma_start3A_913, %dma_start3A_914] : memref<8x1x1x96x96xf32, #tpu.memory_space<vmem>> -> memref<1x1x1x96x96xf32, #tpu.memory_space<vmem>>
        %dma_start3A_916 = tpu.memref_squeeze %dma_start3A_915 : memref<1x1x1x96x96xf32, #tpu.memory_space<vmem>> -> memref<1x1x96x96xf32, #tpu.memory_space<vmem>>
        %dma_start3A_917 = arith.constant 0 : i32
        %dma_start3A_918 = arith.constant 0 : i32
        %dma_start3A_919 = tpu.memref_slice %arg6[%mul3A_888, %add3A_883, %dma_start3A_917, %dma_start3A_918] : memref<16x192x96x96xf32, #tpu.memory_space<hbm>> -> memref<1x1x96x96xf32, #tpu.memory_space<hbm>>
        %dma_start3A_920 = arith.constant 0 : i32
        %dma_start3A_921 = arith.constant 0 : i32
        %dma_start3A_922 = tpu.memref_slice %arg6[%mul3A_888, %add3A_883, %dma_start3A_920, %dma_start3A_921] : memref<16x192x96x96xf32, #tpu.memory_space<hbm>> -> memref<1x1x96x96xf32, #tpu.memory_space<hbm>>
        %dma_start3A_923 = arith.constant 0 : i32
        %dma_start3A_924 = arith.constant 0 : i32
        %dma_start3A_925 = arith.constant 0 : i32
        %dma_start3A_926 = arith.constant 0 : i32
        %dma_start3A_927 = tpu.memref_slice %arg9[%scan3A_10, %dma_start3A_923, %dma_start3A_924, %dma_start3A_925, %dma_start3A_926] : memref<8x1x1x96x96xf32, #tpu.memory_space<vmem>> -> memref<1x1x1x96x96xf32, #tpu.memory_space<vmem>>
        %dma_start3A_928 = tpu.memref_squeeze %dma_start3A_927 : memref<1x1x1x96x96xf32, #tpu.memory_space<vmem>> -> memref<1x1x96x96xf32, #tpu.memory_space<vmem>>
        tpu.enqueue_dma source(%dma_start3A_928 : memref<1x1x96x96xf32, #tpu.memory_space<vmem>>) target(%dma_start3A_922 : memref<1x1x96x96xf32, #tpu.memory_space<hbm>>) target_semaphore(%arg24 : memref<!tpu.dma_semaphore, #tpu.memory_space<semaphore_mem>>)
      } else {
      }
      %mul3A_554 = arith.constant 8 : i32
      %mul3A_555 = arith.muli %scan3A_384, %mul3A_554 : i32
      %add3A_556 = arith.constant 3 : i32
      %add3A_557 = arith.addi %mul3A_555, %add3A_556 : i32
      %jit3A_558 = arith.constant 16 : i32
      %div3A_559 = arith.divsi %add3A_557, %jit3A_558 : i32
      %sign3A_560 = arith.constant 0 : i32
      %sign3A_561 = arith.cmpi sgt, %add3A_557, %sign3A_560 : i32
      %sign3A_562 = arith.extui %sign3A_561 : i1 to i32
      %sign3A_563 = arith.constant 0 : i32
      %sign3A_564 = arith.cmpi slt, %add3A_557, %sign3A_563 : i32
      %sign3A_565 = arith.extui %sign3A_564 : i1 to i32
      %sign3A_566 = arith.subi %sign3A_562, %sign3A_565 : i32
      %sign3A_567 = arith.constant 0 : i32
      %sign3A_568 = arith.cmpi sgt, %jit3A_558, %sign3A_567 : i32
      %sign3A_569 = arith.extui %sign3A_568 : i1 to i32
      %sign3A_570 = arith.constant 0 : i32
      %sign3A_571 = arith.cmpi slt, %jit3A_558, %sign3A_570 : i32
      %sign3A_572 = arith.extui %sign3A_571 : i1 to i32
      %sign3A_573 = arith.subi %sign3A_569, %sign3A_572 : i32
      %ne3A_574 = arith.cmpi ne, %sign3A_566, %sign3A_573 : i32
      %rem3A_575 = arith.remsi %add3A_557, %jit3A_558 : i32
      %ne3A_576 = arith.constant 0 : i32
      %ne3A_577 = arith.cmpi ne, %rem3A_575, %ne3A_576 : i32
      %and3A_578 = arith.andi %ne3A_574, %ne3A_577 : i1
      %sub3A_579 = arith.constant 1 : i32
      %sub3A_580 = arith.subi %div3A_559, %sub3A_579 : i32
      %select_n3A_581 = arith.select %and3A_578, %sub3A_580, %div3A_559 : i32
      %add3A_582 = arith.addi %mul3A_2, %select_n3A_581 : i32
      %mul3A_583 = arith.constant 16 : i32
      %mul3A_584 = arith.muli %select_n3A_581, %mul3A_583 : i32
      %sub3A_585 = arith.subi %add3A_557, %mul3A_584 : i32
      %mul3A_586 = arith.constant 1 : i32
      %mul3A_587 = arith.muli %sub3A_585, %mul3A_586 : i32
      %ge3A_588 = arith.constant 1 : i32
      %ge3A_589 = arith.cmpi sge, %scan3A_384, %ge3A_588 : i32
      %convert_element_type3A_590 = arith.extui %ge3A_589 : i1 to i32
      %cond3A_591 = arith.constant 0 : i32
      %cond3A_592 = arith.cmpi ne, %convert_element_type3A_590, %cond3A_591 : i32
      scf.if %cond3A_592 {
        %dma_wait3A_859 = arith.constant 0 : i32
        %dma_wait3A_860 = arith.constant 0 : i32
        %dma_wait3A_861 = arith.constant 0 : i32
        %dma_wait3A_862 = arith.constant 0 : i32
        %dma_wait3A_863 = tpu.memref_slice %arg9[%scan3A_11, %dma_wait3A_859, %dma_wait3A_860, %dma_wait3A_861, %dma_wait3A_862] : memref<8x1x1x96x96xf32, #tpu.memory_space<vmem>> -> memref<1x1x1x96x96xf32, #tpu.memory_space<vmem>>
        %dma_wait3A_864 = tpu.memref_squeeze %dma_wait3A_863 : memref<1x1x1x96x96xf32, #tpu.memory_space<vmem>> -> memref<1x1x96x96xf32, #tpu.memory_space<vmem>>
        %dma_wait3A_865 = arith.constant 0 : i32
        %dma_wait3A_866 = arith.constant 0 : i32
        %dma_wait3A_867 = arith.constant 0 : i32
        %dma_wait3A_868 = arith.constant 0 : i32
        %dma_wait3A_869 = tpu.memref_slice %arg6[%dma_wait3A_865, %dma_wait3A_866, %dma_wait3A_867, %dma_wait3A_868] : memref<16x192x96x96xf32, #tpu.memory_space<hbm>> -> memref<1x1x96x96xf32, #tpu.memory_space<hbm>>
        %dma_wait3A_870 = arith.constant 0 : i32
        %dma_wait3A_871 = arith.constant 0 : i32
        %dma_wait3A_872 = arith.constant 0 : i32
        %dma_wait3A_873 = arith.constant 0 : i32
        %dma_wait3A_874 = tpu.memref_slice %arg6[%dma_wait3A_870, %dma_wait3A_871, %dma_wait3A_872, %dma_wait3A_873] : memref<16x192x96x96xf32, #tpu.memory_space<hbm>> -> memref<1x1x96x96xf32, #tpu.memory_space<hbm>>
        %dma_wait3A_875 = arith.constant 0 : i32
        %dma_wait3A_876 = arith.constant 0 : i32
        %dma_wait3A_877 = arith.constant 0 : i32
        %dma_wait3A_878 = arith.constant 0 : i32
        %dma_wait3A_879 = tpu.memref_slice %arg9[%scan3A_11, %dma_wait3A_875, %dma_wait3A_876, %dma_wait3A_877, %dma_wait3A_878] : memref<8x1x1x96x96xf32, #tpu.memory_space<vmem>> -> memref<1x1x1x96x96xf32, #tpu.memory_space<vmem>>
        %dma_wait3A_880 = tpu.memref_squeeze %dma_wait3A_879 : memref<1x1x1x96x96xf32, #tpu.memory_space<vmem>> -> memref<1x1x96x96xf32, #tpu.memory_space<vmem>>
        tpu.wait_dma2 semaphore(%arg21 : memref<!tpu.dma_semaphore, #tpu.memory_space<semaphore_mem>>) src(%dma_wait3A_880 : memref<1x1x96x96xf32, #tpu.memory_space<vmem>>) dst(%dma_wait3A_874 : memref<1x1x96x96xf32, #tpu.memory_space<hbm>>)
      } else {
      }
      %get3A_593 = arith.index_cast %add3A_582 : i32 to index
      %get3A_594 = tpu.vector_load %arg7[%get3A_593] {strides = array<i32>} : memref<208xf32, #tpu.memory_space<vmem>>, vector<16xf32>,
      %get3A_595 = vector.shape_cast %get3A_594 : vector<16xf32> to vector<16xf32>
      %slice3A_596 = vector.extract_strided_slice %get3A_595 {offsets = [0], sizes = [1], strides = [1]} : vector<16xf32> to vector<1xf32>
      %squeeze3A_597 = vector.extract %slice3A_596[0] : f32 from vector<1xf32>
      %abs3A_598 = math.absf %squeeze3A_597 : f32
      %lt3A_599 = arith.cmpf olt, %abs3A_598, %squeeze3A : f32
      %convert_element_type3A_600 = arith.extui %lt3A_599 : i1 to i32
      %cond3A_601 = arith.constant 0 : i32
      %cond3A_602 = arith.cmpi ne, %convert_element_type3A_600, %cond3A_601 : i32
      scf.if %cond3A_602 {
        %dma_start3A_859 = arith.constant 0 : i32
        %dma_start3A_860 = arith.constant 0 : i32
        %dma_start3A_861 = arith.constant 0 : i32
        %dma_start3A_862 = arith.constant 0 : i32
        %dma_start3A_863 = tpu.memref_slice %arg9[%scan3A_11, %dma_start3A_859, %dma_start3A_860, %dma_start3A_861, %dma_start3A_862] : memref<8x1x1x96x96xf32, #tpu.memory_space<vmem>> -> memref<1x1x1x96x96xf32, #tpu.memory_space<vmem>>
        %dma_start3A_864 = tpu.memref_squeeze %dma_start3A_863 : memref<1x1x1x96x96xf32, #tpu.memory_space<vmem>> -> memref<1x1x96x96xf32, #tpu.memory_space<vmem>>
        %dma_start3A_865 = arith.constant 0 : i32
        %dma_start3A_866 = arith.constant 0 : i32
        %dma_start3A_867 = tpu.memref_slice %arg3[%mul3A_587, %add3A_582, %dma_start3A_865, %dma_start3A_866] : memref<16x192x96x96xf32, #tpu.memory_space<hbm>> -> memref<1x1x96x96xf32, #tpu.memory_space<hbm>>
        %dma_start3A_868 = arith.constant 0 : i32
        %dma_start3A_869 = arith.constant 0 : i32
        %dma_start3A_870 = arith.constant 0 : i32
        %dma_start3A_871 = arith.constant 0 : i32
        %dma_start3A_872 = tpu.memref_slice %arg9[%scan3A_11, %dma_start3A_868, %dma_start3A_869, %dma_start3A_870, %dma_start3A_871] : memref<8x1x1x96x96xf32, #tpu.memory_space<vmem>> -> memref<1x1x1x96x96xf32, #tpu.memory_space<vmem>>
        %dma_start3A_873 = tpu.memref_squeeze %dma_start3A_872 : memref<1x1x1x96x96xf32, #tpu.memory_space<vmem>> -> memref<1x1x96x96xf32, #tpu.memory_space<vmem>>
        %dma_start3A_874 = arith.constant 0 : i32
        %dma_start3A_875 = arith.constant 0 : i32
        %dma_start3A_876 = tpu.memref_slice %arg3[%mul3A_587, %add3A_582, %dma_start3A_874, %dma_start3A_875] : memref<16x192x96x96xf32, #tpu.memory_space<hbm>> -> memref<1x1x96x96xf32, #tpu.memory_space<hbm>>
        tpu.enqueue_dma source(%dma_start3A_876 : memref<1x1x96x96xf32, #tpu.memory_space<hbm>>) target(%dma_start3A_873 : memref<1x1x96x96xf32, #tpu.memory_space<vmem>>) target_semaphore(%arg13 : memref<!tpu.dma_semaphore, #tpu.memory_space<semaphore_mem>>)
      } else {
      }
      %not3A_603 = arith.constant true
      %not3A_604 = arith.xori %lt3A_599, %not3A_603 : i1
      %convert_element_type3A_605 = arith.extui %not3A_604 : i1 to i32
      %cond3A_606 = arith.constant 0 : i32
      %cond3A_607 = arith.cmpi ne, %convert_element_type3A_605, %cond3A_606 : i32
      scf.if %cond3A_607 {
        %dma_start3A_859 = arith.constant 0 : i32
        %dma_start3A_860 = arith.constant 0 : i32
        %dma_start3A_861 = arith.constant 0 : i32
        %dma_start3A_862 = arith.constant 0 : i32
        %dma_start3A_863 = tpu.memref_slice %arg9[%scan3A_11, %dma_start3A_859, %dma_start3A_860, %dma_start3A_861, %dma_start3A_862] : memref<8x1x1x96x96xf32, #tpu.memory_space<vmem>> -> memref<1x1x1x96x96xf32, #tpu.memory_space<vmem>>
        %dma_start3A_864 = tpu.memref_squeeze %dma_start3A_863 : memref<1x1x1x96x96xf32, #tpu.memory_space<vmem>> -> memref<1x1x96x96xf32, #tpu.memory_space<vmem>>
        %dma_start3A_865 = arith.constant 0 : i32
        %dma_start3A_866 = arith.constant 0 : i32
        %dma_start3A_867 = tpu.memref_slice %arg2[%mul3A_587, %add3A_582, %dma_start3A_865, %dma_start3A_866] : memref<16x192x96x96xf32, #tpu.memory_space<hbm>> -> memref<1x1x96x96xf32, #tpu.memory_space<hbm>>
        %dma_start3A_868 = arith.constant 0 : i32
        %dma_start3A_869 = arith.constant 0 : i32
        %dma_start3A_870 = arith.constant 0 : i32
        %dma_start3A_871 = arith.constant 0 : i32
        %dma_start3A_872 = tpu.memref_slice %arg9[%scan3A_11, %dma_start3A_868, %dma_start3A_869, %dma_start3A_870, %dma_start3A_871] : memref<8x1x1x96x96xf32, #tpu.memory_space<vmem>> -> memref<1x1x1x96x96xf32, #tpu.memory_space<vmem>>
        %dma_start3A_873 = tpu.memref_squeeze %dma_start3A_872 : memref<1x1x1x96x96xf32, #tpu.memory_space<vmem>> -> memref<1x1x96x96xf32, #tpu.memory_space<vmem>>
        %dma_start3A_874 = arith.constant 0 : i32
        %dma_start3A_875 = arith.constant 0 : i32
        %dma_start3A_876 = tpu.memref_slice %arg2[%mul3A_587, %add3A_582, %dma_start3A_874, %dma_start3A_875] : memref<16x192x96x96xf32, #tpu.memory_space<hbm>> -> memref<1x1x96x96xf32, #tpu.memory_space<hbm>>
        tpu.enqueue_dma source(%dma_start3A_876 : memref<1x1x96x96xf32, #tpu.memory_space<hbm>>) target(%dma_start3A_873 : memref<1x1x96x96xf32, #tpu.memory_space<vmem>>) target_semaphore(%arg13 : memref<!tpu.dma_semaphore, #tpu.memory_space<semaphore_mem>>)
      } else {
      }
      %sub3A_608 = arith.constant 4 : i32
      %sub3A_609 = arith.subi %add3A_557, %sub3A_608 : i32
      %ge3A_610 = arith.constant 0 : i32
      %ge3A_611 = arith.cmpi sge, %sub3A_609, %ge3A_610 : i32
      %convert_element_type3A_612 = arith.extui %ge3A_611 : i1 to i32
      %cond3A_613 = arith.constant 0 : i32
      %cond3A_614 = arith.cmpi ne, %convert_element_type3A_612, %cond3A_613 : i32
      scf.if %cond3A_614 {
        %jit3A_859 = arith.constant 16 : i32
        %div3A_860 = arith.divsi %sub3A_609, %jit3A_859 : i32
        %sign3A_861 = arith.constant 0 : i32
        %sign3A_862 = arith.cmpi sgt, %sub3A_609, %sign3A_861 : i32
        %sign3A_863 = arith.extui %sign3A_862 : i1 to i32
        %sign3A_864 = arith.constant 0 : i32
        %sign3A_865 = arith.cmpi slt, %sub3A_609, %sign3A_864 : i32
        %sign3A_866 = arith.extui %sign3A_865 : i1 to i32
        %sign3A_867 = arith.subi %sign3A_863, %sign3A_866 : i32
        %sign3A_868 = arith.constant 0 : i32
        %sign3A_869 = arith.cmpi sgt, %jit3A_859, %sign3A_868 : i32
        %sign3A_870 = arith.extui %sign3A_869 : i1 to i32
        %sign3A_871 = arith.constant 0 : i32
        %sign3A_872 = arith.cmpi slt, %jit3A_859, %sign3A_871 : i32
        %sign3A_873 = arith.extui %sign3A_872 : i1 to i32
        %sign3A_874 = arith.subi %sign3A_870, %sign3A_873 : i32
        %ne3A_875 = arith.cmpi ne, %sign3A_867, %sign3A_874 : i32
        %rem3A_876 = arith.remsi %sub3A_609, %jit3A_859 : i32
        %ne3A_877 = arith.constant 0 : i32
        %ne3A_878 = arith.cmpi ne, %rem3A_876, %ne3A_877 : i32
        %and3A_879 = arith.andi %ne3A_875, %ne3A_878 : i1
        %sub3A_880 = arith.constant 1 : i32
        %sub3A_881 = arith.subi %div3A_860, %sub3A_880 : i32
        %select_n3A_882 = arith.select %and3A_879, %sub3A_881, %div3A_860 : i32
        %add3A_883 = arith.addi %mul3A_2, %select_n3A_882 : i32
        %mul3A_884 = arith.constant 16 : i32
        %mul3A_885 = arith.muli %select_n3A_882, %mul3A_884 : i32
        %sub3A_886 = arith.subi %sub3A_609, %mul3A_885 : i32
        %mul3A_887 = arith.constant 1 : i32
        %mul3A_888 = arith.muli %sub3A_886, %mul3A_887 : i32
        %dma_wait3A_889 = arith.constant 0 : i32
        %dma_wait3A_890 = arith.constant 0 : i32
        %dma_wait3A_891 = arith.constant 0 : i32
        %dma_wait3A_892 = arith.constant 0 : i32
        %dma_wait3A_893 = tpu.memref_slice %arg9[%scan3A_12, %dma_wait3A_889, %dma_wait3A_890, %dma_wait3A_891, %dma_wait3A_892] : memref<8x1x1x96x96xf32, #tpu.memory_space<vmem>> -> memref<1x1x1x96x96xf32, #tpu.memory_space<vmem>>
        %dma_wait3A_894 = tpu.memref_squeeze %dma_wait3A_893 : memref<1x1x1x96x96xf32, #tpu.memory_space<vmem>> -> memref<1x1x96x96xf32, #tpu.memory_space<vmem>>
        %dma_wait3A_895 = arith.constant 0 : i32
        %dma_wait3A_896 = arith.constant 0 : i32
        %dma_wait3A_897 = arith.constant 0 : i32
        %dma_wait3A_898 = arith.constant 0 : i32
        %dma_wait3A_899 = tpu.memref_slice %arg2[%dma_wait3A_895, %dma_wait3A_896, %dma_wait3A_897, %dma_wait3A_898] : memref<16x192x96x96xf32, #tpu.memory_space<hbm>> -> memref<1x1x96x96xf32, #tpu.memory_space<hbm>>
        %dma_wait3A_900 = arith.constant 0 : i32
        %dma_wait3A_901 = arith.constant 0 : i32
        %dma_wait3A_902 = arith.constant 0 : i32
        %dma_wait3A_903 = arith.constant 0 : i32
        %dma_wait3A_904 = tpu.memref_slice %arg9[%scan3A_12, %dma_wait3A_900, %dma_wait3A_901, %dma_wait3A_902, %dma_wait3A_903] : memref<8x1x1x96x96xf32, #tpu.memory_space<vmem>> -> memref<1x1x1x96x96xf32, #tpu.memory_space<vmem>>
        %dma_wait3A_905 = tpu.memref_squeeze %dma_wait3A_904 : memref<1x1x1x96x96xf32, #tpu.memory_space<vmem>> -> memref<1x1x96x96xf32, #tpu.memory_space<vmem>>
        %dma_wait3A_906 = arith.constant 0 : i32
        %dma_wait3A_907 = arith.constant 0 : i32
        %dma_wait3A_908 = arith.constant 0 : i32
        %dma_wait3A_909 = arith.constant 0 : i32
        %dma_wait3A_910 = tpu.memref_slice %arg2[%dma_wait3A_906, %dma_wait3A_907, %dma_wait3A_908, %dma_wait3A_909] : memref<16x192x96x96xf32, #tpu.memory_space<hbm>> -> memref<1x1x96x96xf32, #tpu.memory_space<hbm>>
        tpu.wait_dma2 semaphore(%arg17 : memref<!tpu.dma_semaphore, #tpu.memory_space<semaphore_mem>>) src(%dma_wait3A_910 : memref<1x1x96x96xf32, #tpu.memory_space<hbm>>) dst(%dma_wait3A_905 : memref<1x1x96x96xf32, #tpu.memory_space<vmem>>)
        %dma_start3A_911 = arith.constant 0 : i32
        %dma_start3A_912 = arith.constant 0 : i32
        %dma_start3A_913 = arith.constant 0 : i32
        %dma_start3A_914 = arith.constant 0 : i32
        %dma_start3A_915 = tpu.memref_slice %arg9[%scan3A_12, %dma_start3A_911, %dma_start3A_912, %dma_start3A_913, %dma_start3A_914] : memref<8x1x1x96x96xf32, #tpu.memory_space<vmem>> -> memref<1x1x1x96x96xf32, #tpu.memory_space<vmem>>
        %dma_start3A_916 = tpu.memref_squeeze %dma_start3A_915 : memref<1x1x1x96x96xf32, #tpu.memory_space<vmem>> -> memref<1x1x96x96xf32, #tpu.memory_space<vmem>>
        %dma_start3A_917 = arith.constant 0 : i32
        %dma_start3A_918 = arith.constant 0 : i32
        %dma_start3A_919 = tpu.memref_slice %arg6[%mul3A_888, %add3A_883, %dma_start3A_917, %dma_start3A_918] : memref<16x192x96x96xf32, #tpu.memory_space<hbm>> -> memref<1x1x96x96xf32, #tpu.memory_space<hbm>>
        %dma_start3A_920 = arith.constant 0 : i32
        %dma_start3A_921 = arith.constant 0 : i32
        %dma_start3A_922 = tpu.memref_slice %arg6[%mul3A_888, %add3A_883, %dma_start3A_920, %dma_start3A_921] : memref<16x192x96x96xf32, #tpu.memory_space<hbm>> -> memref<1x1x96x96xf32, #tpu.memory_space<hbm>>
        %dma_start3A_923 = arith.constant 0 : i32
        %dma_start3A_924 = arith.constant 0 : i32
        %dma_start3A_925 = arith.constant 0 : i32
        %dma_start3A_926 = arith.constant 0 : i32
        %dma_start3A_927 = tpu.memref_slice %arg9[%scan3A_12, %dma_start3A_923, %dma_start3A_924, %dma_start3A_925, %dma_start3A_926] : memref<8x1x1x96x96xf32, #tpu.memory_space<vmem>> -> memref<1x1x1x96x96xf32, #tpu.memory_space<vmem>>
        %dma_start3A_928 = tpu.memref_squeeze %dma_start3A_927 : memref<1x1x1x96x96xf32, #tpu.memory_space<vmem>> -> memref<1x1x96x96xf32, #tpu.memory_space<vmem>>
        tpu.enqueue_dma source(%dma_start3A_928 : memref<1x1x96x96xf32, #tpu.memory_space<vmem>>) target(%dma_start3A_922 : memref<1x1x96x96xf32, #tpu.memory_space<hbm>>) target_semaphore(%arg25 : memref<!tpu.dma_semaphore, #tpu.memory_space<semaphore_mem>>)
      } else {
      }
      %mul3A_615 = arith.constant 8 : i32
      %mul3A_616 = arith.muli %scan3A_384, %mul3A_615 : i32
      %add3A_617 = arith.constant 4 : i32
      %add3A_618 = arith.addi %mul3A_616, %add3A_617 : i32
      %jit3A_619 = arith.constant 16 : i32
      %div3A_620 = arith.divsi %add3A_618, %jit3A_619 : i32
      %sign3A_621 = arith.constant 0 : i32
      %sign3A_622 = arith.cmpi sgt, %add3A_618, %sign3A_621 : i32
      %sign3A_623 = arith.extui %sign3A_622 : i1 to i32
      %sign3A_624 = arith.constant 0 : i32
      %sign3A_625 = arith.cmpi slt, %add3A_618, %sign3A_624 : i32
      %sign3A_626 = arith.extui %sign3A_625 : i1 to i32
      %sign3A_627 = arith.subi %sign3A_623, %sign3A_626 : i32
      %sign3A_628 = arith.constant 0 : i32
      %sign3A_629 = arith.cmpi sgt, %jit3A_619, %sign3A_628 : i32
      %sign3A_630 = arith.extui %sign3A_629 : i1 to i32
      %sign3A_631 = arith.constant 0 : i32
      %sign3A_632 = arith.cmpi slt, %jit3A_619, %sign3A_631 : i32
      %sign3A_633 = arith.extui %sign3A_632 : i1 to i32
      %sign3A_634 = arith.subi %sign3A_630, %sign3A_633 : i32
      %ne3A_635 = arith.cmpi ne, %sign3A_627, %sign3A_634 : i32
      %rem3A_636 = arith.remsi %add3A_618, %jit3A_619 : i32
      %ne3A_637 = arith.constant 0 : i32
      %ne3A_638 = arith.cmpi ne, %rem3A_636, %ne3A_637 : i32
      %and3A_639 = arith.andi %ne3A_635, %ne3A_638 : i1
      %sub3A_640 = arith.constant 1 : i32
      %sub3A_641 = arith.subi %div3A_620, %sub3A_640 : i32
      %select_n3A_642 = arith.select %and3A_639, %sub3A_641, %div3A_620 : i32
      %add3A_643 = arith.addi %mul3A_2, %select_n3A_642 : i32
      %mul3A_644 = arith.constant 16 : i32
      %mul3A_645 = arith.muli %select_n3A_642, %mul3A_644 : i32
      %sub3A_646 = arith.subi %add3A_618, %mul3A_645 : i32
      %mul3A_647 = arith.constant 1 : i32
      %mul3A_648 = arith.muli %sub3A_646, %mul3A_647 : i32
      %ge3A_649 = arith.constant 1 : i32
      %ge3A_650 = arith.cmpi sge, %scan3A_384, %ge3A_649 : i32
      %convert_element_type3A_651 = arith.extui %ge3A_650 : i1 to i32
      %cond3A_652 = arith.constant 0 : i32
      %cond3A_653 = arith.cmpi ne, %convert_element_type3A_651, %cond3A_652 : i32
      scf.if %cond3A_653 {
        %dma_wait3A_859 = arith.constant 0 : i32
        %dma_wait3A_860 = arith.constant 0 : i32
        %dma_wait3A_861 = arith.constant 0 : i32
        %dma_wait3A_862 = arith.constant 0 : i32
        %dma_wait3A_863 = tpu.memref_slice %arg9[%scan3A_6, %dma_wait3A_859, %dma_wait3A_860, %dma_wait3A_861, %dma_wait3A_862] : memref<8x1x1x96x96xf32, #tpu.memory_space<vmem>> -> memref<1x1x1x96x96xf32, #tpu.memory_space<vmem>>
        %dma_wait3A_864 = tpu.memref_squeeze %dma_wait3A_863 : memref<1x1x1x96x96xf32, #tpu.memory_space<vmem>> -> memref<1x1x96x96xf32, #tpu.memory_space<vmem>>
        %dma_wait3A_865 = arith.constant 0 : i32
        %dma_wait3A_866 = arith.constant 0 : i32
        %dma_wait3A_867 = arith.constant 0 : i32
        %dma_wait3A_868 = arith.constant 0 : i32
        %dma_wait3A_869 = tpu.memref_slice %arg6[%dma_wait3A_865, %dma_wait3A_866, %dma_wait3A_867, %dma_wait3A_868] : memref<16x192x96x96xf32, #tpu.memory_space<hbm>> -> memref<1x1x96x96xf32, #tpu.memory_space<hbm>>
        %dma_wait3A_870 = arith.constant 0 : i32
        %dma_wait3A_871 = arith.constant 0 : i32
        %dma_wait3A_872 = arith.constant 0 : i32
        %dma_wait3A_873 = arith.constant 0 : i32
        %dma_wait3A_874 = tpu.memref_slice %arg6[%dma_wait3A_870, %dma_wait3A_871, %dma_wait3A_872, %dma_wait3A_873] : memref<16x192x96x96xf32, #tpu.memory_space<hbm>> -> memref<1x1x96x96xf32, #tpu.memory_space<hbm>>
        %dma_wait3A_875 = arith.constant 0 : i32
        %dma_wait3A_876 = arith.constant 0 : i32
        %dma_wait3A_877 = arith.constant 0 : i32
        %dma_wait3A_878 = arith.constant 0 : i32
        %dma_wait3A_879 = tpu.memref_slice %arg9[%scan3A_6, %dma_wait3A_875, %dma_wait3A_876, %dma_wait3A_877, %dma_wait3A_878] : memref<8x1x1x96x96xf32, #tpu.memory_space<vmem>> -> memref<1x1x1x96x96xf32, #tpu.memory_space<vmem>>
        %dma_wait3A_880 = tpu.memref_squeeze %dma_wait3A_879 : memref<1x1x1x96x96xf32, #tpu.memory_space<vmem>> -> memref<1x1x96x96xf32, #tpu.memory_space<vmem>>
        tpu.wait_dma2 semaphore(%arg22 : memref<!tpu.dma_semaphore, #tpu.memory_space<semaphore_mem>>) src(%dma_wait3A_880 : memref<1x1x96x96xf32, #tpu.memory_space<vmem>>) dst(%dma_wait3A_874 : memref<1x1x96x96xf32, #tpu.memory_space<hbm>>)
      } else {
      }
      %get3A_654 = arith.index_cast %add3A_643 : i32 to index
      %get3A_655 = tpu.vector_load %arg7[%get3A_654] {strides = array<i32>} : memref<208xf32, #tpu.memory_space<vmem>>, vector<16xf32>,
      %get3A_656 = vector.shape_cast %get3A_655 : vector<16xf32> to vector<16xf32>
      %slice3A_657 = vector.extract_strided_slice %get3A_656 {offsets = [0], sizes = [1], strides = [1]} : vector<16xf32> to vector<1xf32>
      %squeeze3A_658 = vector.extract %slice3A_657[0] : f32 from vector<1xf32>
      %abs3A_659 = math.absf %squeeze3A_658 : f32
      %lt3A_660 = arith.cmpf olt, %abs3A_659, %squeeze3A : f32
      %convert_element_type3A_661 = arith.extui %lt3A_660 : i1 to i32
      %cond3A_662 = arith.constant 0 : i32
      %cond3A_663 = arith.cmpi ne, %convert_element_type3A_661, %cond3A_662 : i32
      scf.if %cond3A_663 {
        %dma_start3A_859 = arith.constant 0 : i32
        %dma_start3A_860 = arith.constant 0 : i32
        %dma_start3A_861 = arith.constant 0 : i32
        %dma_start3A_862 = arith.constant 0 : i32
        %dma_start3A_863 = tpu.memref_slice %arg9[%scan3A_6, %dma_start3A_859, %dma_start3A_860, %dma_start3A_861, %dma_start3A_862] : memref<8x1x1x96x96xf32, #tpu.memory_space<vmem>> -> memref<1x1x1x96x96xf32, #tpu.memory_space<vmem>>
        %dma_start3A_864 = tpu.memref_squeeze %dma_start3A_863 : memref<1x1x1x96x96xf32, #tpu.memory_space<vmem>> -> memref<1x1x96x96xf32, #tpu.memory_space<vmem>>
        %dma_start3A_865 = arith.constant 0 : i32
        %dma_start3A_866 = arith.constant 0 : i32
        %dma_start3A_867 = tpu.memref_slice %arg3[%mul3A_648, %add3A_643, %dma_start3A_865, %dma_start3A_866] : memref<16x192x96x96xf32, #tpu.memory_space<hbm>> -> memref<1x1x96x96xf32, #tpu.memory_space<hbm>>
        %dma_start3A_868 = arith.constant 0 : i32
        %dma_start3A_869 = arith.constant 0 : i32
        %dma_start3A_870 = arith.constant 0 : i32
        %dma_start3A_871 = arith.constant 0 : i32
        %dma_start3A_872 = tpu.memref_slice %arg9[%scan3A_6, %dma_start3A_868, %dma_start3A_869, %dma_start3A_870, %dma_start3A_871] : memref<8x1x1x96x96xf32, #tpu.memory_space<vmem>> -> memref<1x1x1x96x96xf32, #tpu.memory_space<vmem>>
        %dma_start3A_873 = tpu.memref_squeeze %dma_start3A_872 : memref<1x1x1x96x96xf32, #tpu.memory_space<vmem>> -> memref<1x1x96x96xf32, #tpu.memory_space<vmem>>
        %dma_start3A_874 = arith.constant 0 : i32
        %dma_start3A_875 = arith.constant 0 : i32
        %dma_start3A_876 = tpu.memref_slice %arg3[%mul3A_648, %add3A_643, %dma_start3A_874, %dma_start3A_875] : memref<16x192x96x96xf32, #tpu.memory_space<hbm>> -> memref<1x1x96x96xf32, #tpu.memory_space<hbm>>
        tpu.enqueue_dma source(%dma_start3A_876 : memref<1x1x96x96xf32, #tpu.memory_space<hbm>>) target(%dma_start3A_873 : memref<1x1x96x96xf32, #tpu.memory_space<vmem>>) target_semaphore(%arg14 : memref<!tpu.dma_semaphore, #tpu.memory_space<semaphore_mem>>)
      } else {
      }
      %not3A_664 = arith.constant true
      %not3A_665 = arith.xori %lt3A_660, %not3A_664 : i1
      %convert_element_type3A_666 = arith.extui %not3A_665 : i1 to i32
      %cond3A_667 = arith.constant 0 : i32
      %cond3A_668 = arith.cmpi ne, %convert_element_type3A_666, %cond3A_667 : i32
      scf.if %cond3A_668 {
        %dma_start3A_859 = arith.constant 0 : i32
        %dma_start3A_860 = arith.constant 0 : i32
        %dma_start3A_861 = arith.constant 0 : i32
        %dma_start3A_862 = arith.constant 0 : i32
        %dma_start3A_863 = tpu.memref_slice %arg9[%scan3A_6, %dma_start3A_859, %dma_start3A_860, %dma_start3A_861, %dma_start3A_862] : memref<8x1x1x96x96xf32, #tpu.memory_space<vmem>> -> memref<1x1x1x96x96xf32, #tpu.memory_space<vmem>>
        %dma_start3A_864 = tpu.memref_squeeze %dma_start3A_863 : memref<1x1x1x96x96xf32, #tpu.memory_space<vmem>> -> memref<1x1x96x96xf32, #tpu.memory_space<vmem>>
        %dma_start3A_865 = arith.constant 0 : i32
        %dma_start3A_866 = arith.constant 0 : i32
        %dma_start3A_867 = tpu.memref_slice %arg2[%mul3A_648, %add3A_643, %dma_start3A_865, %dma_start3A_866] : memref<16x192x96x96xf32, #tpu.memory_space<hbm>> -> memref<1x1x96x96xf32, #tpu.memory_space<hbm>>
        %dma_start3A_868 = arith.constant 0 : i32
        %dma_start3A_869 = arith.constant 0 : i32
        %dma_start3A_870 = arith.constant 0 : i32
        %dma_start3A_871 = arith.constant 0 : i32
        %dma_start3A_872 = tpu.memref_slice %arg9[%scan3A_6, %dma_start3A_868, %dma_start3A_869, %dma_start3A_870, %dma_start3A_871] : memref<8x1x1x96x96xf32, #tpu.memory_space<vmem>> -> memref<1x1x1x96x96xf32, #tpu.memory_space<vmem>>
        %dma_start3A_873 = tpu.memref_squeeze %dma_start3A_872 : memref<1x1x1x96x96xf32, #tpu.memory_space<vmem>> -> memref<1x1x96x96xf32, #tpu.memory_space<vmem>>
        %dma_start3A_874 = arith.constant 0 : i32
        %dma_start3A_875 = arith.constant 0 : i32
        %dma_start3A_876 = tpu.memref_slice %arg2[%mul3A_648, %add3A_643, %dma_start3A_874, %dma_start3A_875] : memref<16x192x96x96xf32, #tpu.memory_space<hbm>> -> memref<1x1x96x96xf32, #tpu.memory_space<hbm>>
        tpu.enqueue_dma source(%dma_start3A_876 : memref<1x1x96x96xf32, #tpu.memory_space<hbm>>) target(%dma_start3A_873 : memref<1x1x96x96xf32, #tpu.memory_space<vmem>>) target_semaphore(%arg14 : memref<!tpu.dma_semaphore, #tpu.memory_space<semaphore_mem>>)
      } else {
      }
      %sub3A_669 = arith.constant 4 : i32
      %sub3A_670 = arith.subi %add3A_618, %sub3A_669 : i32
      %ge3A_671 = arith.constant 0 : i32
      %ge3A_672 = arith.cmpi sge, %sub3A_670, %ge3A_671 : i32
      %convert_element_type3A_673 = arith.extui %ge3A_672 : i1 to i32
      %cond3A_674 = arith.constant 0 : i32
      %cond3A_675 = arith.cmpi ne, %convert_element_type3A_673, %cond3A_674 : i32
      scf.if %cond3A_675 {
        %jit3A_859 = arith.constant 16 : i32
        %div3A_860 = arith.divsi %sub3A_670, %jit3A_859 : i32
        %sign3A_861 = arith.constant 0 : i32
        %sign3A_862 = arith.cmpi sgt, %sub3A_670, %sign3A_861 : i32
        %sign3A_863 = arith.extui %sign3A_862 : i1 to i32
        %sign3A_864 = arith.constant 0 : i32
        %sign3A_865 = arith.cmpi slt, %sub3A_670, %sign3A_864 : i32
        %sign3A_866 = arith.extui %sign3A_865 : i1 to i32
        %sign3A_867 = arith.subi %sign3A_863, %sign3A_866 : i32
        %sign3A_868 = arith.constant 0 : i32
        %sign3A_869 = arith.cmpi sgt, %jit3A_859, %sign3A_868 : i32
        %sign3A_870 = arith.extui %sign3A_869 : i1 to i32
        %sign3A_871 = arith.constant 0 : i32
        %sign3A_872 = arith.cmpi slt, %jit3A_859, %sign3A_871 : i32
        %sign3A_873 = arith.extui %sign3A_872 : i1 to i32
        %sign3A_874 = arith.subi %sign3A_870, %sign3A_873 : i32
        %ne3A_875 = arith.cmpi ne, %sign3A_867, %sign3A_874 : i32
        %rem3A_876 = arith.remsi %sub3A_670, %jit3A_859 : i32
        %ne3A_877 = arith.constant 0 : i32
        %ne3A_878 = arith.cmpi ne, %rem3A_876, %ne3A_877 : i32
        %and3A_879 = arith.andi %ne3A_875, %ne3A_878 : i1
        %sub3A_880 = arith.constant 1 : i32
        %sub3A_881 = arith.subi %div3A_860, %sub3A_880 : i32
        %select_n3A_882 = arith.select %and3A_879, %sub3A_881, %div3A_860 : i32
        %add3A_883 = arith.addi %mul3A_2, %select_n3A_882 : i32
        %mul3A_884 = arith.constant 16 : i32
        %mul3A_885 = arith.muli %select_n3A_882, %mul3A_884 : i32
        %sub3A_886 = arith.subi %sub3A_670, %mul3A_885 : i32
        %mul3A_887 = arith.constant 1 : i32
        %mul3A_888 = arith.muli %sub3A_886, %mul3A_887 : i32
        %dma_wait3A_889 = arith.constant 0 : i32
        %dma_wait3A_890 = arith.constant 0 : i32
        %dma_wait3A_891 = arith.constant 0 : i32
        %dma_wait3A_892 = arith.constant 0 : i32
        %dma_wait3A_893 = tpu.memref_slice %arg9[%scan3A_5, %dma_wait3A_889, %dma_wait3A_890, %dma_wait3A_891, %dma_wait3A_892] : memref<8x1x1x96x96xf32, #tpu.memory_space<vmem>> -> memref<1x1x1x96x96xf32, #tpu.memory_space<vmem>>
        %dma_wait3A_894 = tpu.memref_squeeze %dma_wait3A_893 : memref<1x1x1x96x96xf32, #tpu.memory_space<vmem>> -> memref<1x1x96x96xf32, #tpu.memory_space<vmem>>
        %dma_wait3A_895 = arith.constant 0 : i32
        %dma_wait3A_896 = arith.constant 0 : i32
        %dma_wait3A_897 = arith.constant 0 : i32
        %dma_wait3A_898 = arith.constant 0 : i32
        %dma_wait3A_899 = tpu.memref_slice %arg2[%dma_wait3A_895, %dma_wait3A_896, %dma_wait3A_897, %dma_wait3A_898] : memref<16x192x96x96xf32, #tpu.memory_space<hbm>> -> memref<1x1x96x96xf32, #tpu.memory_space<hbm>>
        %dma_wait3A_900 = arith.constant 0 : i32
        %dma_wait3A_901 = arith.constant 0 : i32
        %dma_wait3A_902 = arith.constant 0 : i32
        %dma_wait3A_903 = arith.constant 0 : i32
        %dma_wait3A_904 = tpu.memref_slice %arg9[%scan3A_5, %dma_wait3A_900, %dma_wait3A_901, %dma_wait3A_902, %dma_wait3A_903] : memref<8x1x1x96x96xf32, #tpu.memory_space<vmem>> -> memref<1x1x1x96x96xf32, #tpu.memory_space<vmem>>
        %dma_wait3A_905 = tpu.memref_squeeze %dma_wait3A_904 : memref<1x1x1x96x96xf32, #tpu.memory_space<vmem>> -> memref<1x1x96x96xf32, #tpu.memory_space<vmem>>
        %dma_wait3A_906 = arith.constant 0 : i32
        %dma_wait3A_907 = arith.constant 0 : i32
        %dma_wait3A_908 = arith.constant 0 : i32
        %dma_wait3A_909 = arith.constant 0 : i32
        %dma_wait3A_910 = tpu.memref_slice %arg2[%dma_wait3A_906, %dma_wait3A_907, %dma_wait3A_908, %dma_wait3A_909] : memref<16x192x96x96xf32, #tpu.memory_space<hbm>> -> memref<1x1x96x96xf32, #tpu.memory_space<hbm>>
        tpu.wait_dma2 semaphore(%arg10 : memref<!tpu.dma_semaphore, #tpu.memory_space<semaphore_mem>>) src(%dma_wait3A_910 : memref<1x1x96x96xf32, #tpu.memory_space<hbm>>) dst(%dma_wait3A_905 : memref<1x1x96x96xf32, #tpu.memory_space<vmem>>)
        %dma_start3A_911 = arith.constant 0 : i32
        %dma_start3A_912 = arith.constant 0 : i32
        %dma_start3A_913 = arith.constant 0 : i32
        %dma_start3A_914 = arith.constant 0 : i32
        %dma_start3A_915 = tpu.memref_slice %arg9[%scan3A_5, %dma_start3A_911, %dma_start3A_912, %dma_start3A_913, %dma_start3A_914] : memref<8x1x1x96x96xf32, #tpu.memory_space<vmem>> -> memref<1x1x1x96x96xf32, #tpu.memory_space<vmem>>
        %dma_start3A_916 = tpu.memref_squeeze %dma_start3A_915 : memref<1x1x1x96x96xf32, #tpu.memory_space<vmem>> -> memref<1x1x96x96xf32, #tpu.memory_space<vmem>>
        %dma_start3A_917 = arith.constant 0 : i32
        %dma_start3A_918 = arith.constant 0 : i32
        %dma_start3A_919 = tpu.memref_slice %arg6[%mul3A_888, %add3A_883, %dma_start3A_917, %dma_start3A_918] : memref<16x192x96x96xf32, #tpu.memory_space<hbm>> -> memref<1x1x96x96xf32, #tpu.memory_space<hbm>>
        %dma_start3A_920 = arith.constant 0 : i32
        %dma_start3A_921 = arith.constant 0 : i32
        %dma_start3A_922 = tpu.memref_slice %arg6[%mul3A_888, %add3A_883, %dma_start3A_920, %dma_start3A_921] : memref<16x192x96x96xf32, #tpu.memory_space<hbm>> -> memref<1x1x96x96xf32, #tpu.memory_space<hbm>>
        %dma_start3A_923 = arith.constant 0 : i32
        %dma_start3A_924 = arith.constant 0 : i32
        %dma_start3A_925 = arith.constant 0 : i32
        %dma_start3A_926 = arith.constant 0 : i32
        %dma_start3A_927 = tpu.memref_slice %arg9[%scan3A_5, %dma_start3A_923, %dma_start3A_924, %dma_start3A_925, %dma_start3A_926] : memref<8x1x1x96x96xf32, #tpu.memory_space<vmem>> -> memref<1x1x1x96x96xf32, #tpu.memory_space<vmem>>
        %dma_start3A_928 = tpu.memref_squeeze %dma_start3A_927 : memref<1x1x1x96x96xf32, #tpu.memory_space<vmem>> -> memref<1x1x96x96xf32, #tpu.memory_space<vmem>>
        tpu.enqueue_dma source(%dma_start3A_928 : memref<1x1x96x96xf32, #tpu.memory_space<vmem>>) target(%dma_start3A_922 : memref<1x1x96x96xf32, #tpu.memory_space<hbm>>) target_semaphore(%arg18 : memref<!tpu.dma_semaphore, #tpu.memory_space<semaphore_mem>>)
      } else {
      }
      %mul3A_676 = arith.constant 8 : i32
      %mul3A_677 = arith.muli %scan3A_384, %mul3A_676 : i32
      %add3A_678 = arith.constant 5 : i32
      %add3A_679 = arith.addi %mul3A_677, %add3A_678 : i32
      %jit3A_680 = arith.constant 16 : i32
      %div3A_681 = arith.divsi %add3A_679, %jit3A_680 : i32
      %sign3A_682 = arith.constant 0 : i32
      %sign3A_683 = arith.cmpi sgt, %add3A_679, %sign3A_682 : i32
      %sign3A_684 = arith.extui %sign3A_683 : i1 to i32
      %sign3A_685 = arith.constant 0 : i32
      %sign3A_686 = arith.cmpi slt, %add3A_679, %sign3A_685 : i32
      %sign3A_687 = arith.extui %sign3A_686 : i1 to i32
      %sign3A_688 = arith.subi %sign3A_684, %sign3A_687 : i32
      %sign3A_689 = arith.constant 0 : i32
      %sign3A_690 = arith.cmpi sgt, %jit3A_680, %sign3A_689 : i32
      %sign3A_691 = arith.extui %sign3A_690 : i1 to i32
      %sign3A_692 = arith.constant 0 : i32
      %sign3A_693 = arith.cmpi slt, %jit3A_680, %sign3A_692 : i32
      %sign3A_694 = arith.extui %sign3A_693 : i1 to i32
      %sign3A_695 = arith.subi %sign3A_691, %sign3A_694 : i32
      %ne3A_696 = arith.cmpi ne, %sign3A_688, %sign3A_695 : i32
      %rem3A_697 = arith.remsi %add3A_679, %jit3A_680 : i32
      %ne3A_698 = arith.constant 0 : i32
      %ne3A_699 = arith.cmpi ne, %rem3A_697, %ne3A_698 : i32
      %and3A_700 = arith.andi %ne3A_696, %ne3A_699 : i1
      %sub3A_701 = arith.constant 1 : i32
      %sub3A_702 = arith.subi %div3A_681, %sub3A_701 : i32
      %select_n3A_703 = arith.select %and3A_700, %sub3A_702, %div3A_681 : i32
      %add3A_704 = arith.addi %mul3A_2, %select_n3A_703 : i32
      %mul3A_705 = arith.constant 16 : i32
      %mul3A_706 = arith.muli %select_n3A_703, %mul3A_705 : i32
      %sub3A_707 = arith.subi %add3A_679, %mul3A_706 : i32
      %mul3A_708 = arith.constant 1 : i32
      %mul3A_709 = arith.muli %sub3A_707, %mul3A_708 : i32
      %ge3A_710 = arith.constant 1 : i32
      %ge3A_711 = arith.cmpi sge, %scan3A_384, %ge3A_710 : i32
      %convert_element_type3A_712 = arith.extui %ge3A_711 : i1 to i32
      %cond3A_713 = arith.constant 0 : i32
      %cond3A_714 = arith.cmpi ne, %convert_element_type3A_712, %cond3A_713 : i32
      scf.if %cond3A_714 {
        %dma_wait3A_859 = arith.constant 0 : i32
        %dma_wait3A_860 = arith.constant 0 : i32
        %dma_wait3A_861 = arith.constant 0 : i32
        %dma_wait3A_862 = arith.constant 0 : i32
        %dma_wait3A_863 = tpu.memref_slice %arg9[%scan3A_8, %dma_wait3A_859, %dma_wait3A_860, %dma_wait3A_861, %dma_wait3A_862] : memref<8x1x1x96x96xf32, #tpu.memory_space<vmem>> -> memref<1x1x1x96x96xf32, #tpu.memory_space<vmem>>
        %dma_wait3A_864 = tpu.memref_squeeze %dma_wait3A_863 : memref<1x1x1x96x96xf32, #tpu.memory_space<vmem>> -> memref<1x1x96x96xf32, #tpu.memory_space<vmem>>
        %dma_wait3A_865 = arith.constant 0 : i32
        %dma_wait3A_866 = arith.constant 0 : i32
        %dma_wait3A_867 = arith.constant 0 : i32
        %dma_wait3A_868 = arith.constant 0 : i32
        %dma_wait3A_869 = tpu.memref_slice %arg6[%dma_wait3A_865, %dma_wait3A_866, %dma_wait3A_867, %dma_wait3A_868] : memref<16x192x96x96xf32, #tpu.memory_space<hbm>> -> memref<1x1x96x96xf32, #tpu.memory_space<hbm>>
        %dma_wait3A_870 = arith.constant 0 : i32
        %dma_wait3A_871 = arith.constant 0 : i32
        %dma_wait3A_872 = arith.constant 0 : i32
        %dma_wait3A_873 = arith.constant 0 : i32
        %dma_wait3A_874 = tpu.memref_slice %arg6[%dma_wait3A_870, %dma_wait3A_871, %dma_wait3A_872, %dma_wait3A_873] : memref<16x192x96x96xf32, #tpu.memory_space<hbm>> -> memref<1x1x96x96xf32, #tpu.memory_space<hbm>>
        %dma_wait3A_875 = arith.constant 0 : i32
        %dma_wait3A_876 = arith.constant 0 : i32
        %dma_wait3A_877 = arith.constant 0 : i32
        %dma_wait3A_878 = arith.constant 0 : i32
        %dma_wait3A_879 = tpu.memref_slice %arg9[%scan3A_8, %dma_wait3A_875, %dma_wait3A_876, %dma_wait3A_877, %dma_wait3A_878] : memref<8x1x1x96x96xf32, #tpu.memory_space<vmem>> -> memref<1x1x1x96x96xf32, #tpu.memory_space<vmem>>
        %dma_wait3A_880 = tpu.memref_squeeze %dma_wait3A_879 : memref<1x1x1x96x96xf32, #tpu.memory_space<vmem>> -> memref<1x1x96x96xf32, #tpu.memory_space<vmem>>
        tpu.wait_dma2 semaphore(%arg23 : memref<!tpu.dma_semaphore, #tpu.memory_space<semaphore_mem>>) src(%dma_wait3A_880 : memref<1x1x96x96xf32, #tpu.memory_space<vmem>>) dst(%dma_wait3A_874 : memref<1x1x96x96xf32, #tpu.memory_space<hbm>>)
      } else {
      }
      %get3A_715 = arith.index_cast %add3A_704 : i32 to index
      %get3A_716 = tpu.vector_load %arg7[%get3A_715] {strides = array<i32>} : memref<208xf32, #tpu.memory_space<vmem>>, vector<16xf32>,
      %get3A_717 = vector.shape_cast %get3A_716 : vector<16xf32> to vector<16xf32>
      %slice3A_718 = vector.extract_strided_slice %get3A_717 {offsets = [0], sizes = [1], strides = [1]} : vector<16xf32> to vector<1xf32>
      %squeeze3A_719 = vector.extract %slice3A_718[0] : f32 from vector<1xf32>
      %abs3A_720 = math.absf %squeeze3A_719 : f32
      %lt3A_721 = arith.cmpf olt, %abs3A_720, %squeeze3A : f32
      %convert_element_type3A_722 = arith.extui %lt3A_721 : i1 to i32
      %cond3A_723 = arith.constant 0 : i32
      %cond3A_724 = arith.cmpi ne, %convert_element_type3A_722, %cond3A_723 : i32
      scf.if %cond3A_724 {
        %dma_start3A_859 = arith.constant 0 : i32
        %dma_start3A_860 = arith.constant 0 : i32
        %dma_start3A_861 = arith.constant 0 : i32
        %dma_start3A_862 = arith.constant 0 : i32
        %dma_start3A_863 = tpu.memref_slice %arg9[%scan3A_8, %dma_start3A_859, %dma_start3A_860, %dma_start3A_861, %dma_start3A_862] : memref<8x1x1x96x96xf32, #tpu.memory_space<vmem>> -> memref<1x1x1x96x96xf32, #tpu.memory_space<vmem>>
        %dma_start3A_864 = tpu.memref_squeeze %dma_start3A_863 : memref<1x1x1x96x96xf32, #tpu.memory_space<vmem>> -> memref<1x1x96x96xf32, #tpu.memory_space<vmem>>
        %dma_start3A_865 = arith.constant 0 : i32
        %dma_start3A_866 = arith.constant 0 : i32
        %dma_start3A_867 = tpu.memref_slice %arg3[%mul3A_709, %add3A_704, %dma_start3A_865, %dma_start3A_866] : memref<16x192x96x96xf32, #tpu.memory_space<hbm>> -> memref<1x1x96x96xf32, #tpu.memory_space<hbm>>
        %dma_start3A_868 = arith.constant 0 : i32
        %dma_start3A_869 = arith.constant 0 : i32
        %dma_start3A_870 = arith.constant 0 : i32
        %dma_start3A_871 = arith.constant 0 : i32
        %dma_start3A_872 = tpu.memref_slice %arg9[%scan3A_8, %dma_start3A_868, %dma_start3A_869, %dma_start3A_870, %dma_start3A_871] : memref<8x1x1x96x96xf32, #tpu.memory_space<vmem>> -> memref<1x1x1x96x96xf32, #tpu.memory_space<vmem>>
        %dma_start3A_873 = tpu.memref_squeeze %dma_start3A_872 : memref<1x1x1x96x96xf32, #tpu.memory_space<vmem>> -> memref<1x1x96x96xf32, #tpu.memory_space<vmem>>
        %dma_start3A_874 = arith.constant 0 : i32
        %dma_start3A_875 = arith.constant 0 : i32
        %dma_start3A_876 = tpu.memref_slice %arg3[%mul3A_709, %add3A_704, %dma_start3A_874, %dma_start3A_875] : memref<16x192x96x96xf32, #tpu.memory_space<hbm>> -> memref<1x1x96x96xf32, #tpu.memory_space<hbm>>
        tpu.enqueue_dma source(%dma_start3A_876 : memref<1x1x96x96xf32, #tpu.memory_space<hbm>>) target(%dma_start3A_873 : memref<1x1x96x96xf32, #tpu.memory_space<vmem>>) target_semaphore(%arg15 : memref<!tpu.dma_semaphore, #tpu.memory_space<semaphore_mem>>)
      } else {
      }
      %not3A_725 = arith.constant true
      %not3A_726 = arith.xori %lt3A_721, %not3A_725 : i1
      %convert_element_type3A_727 = arith.extui %not3A_726 : i1 to i32
      %cond3A_728 = arith.constant 0 : i32
      %cond3A_729 = arith.cmpi ne, %convert_element_type3A_727, %cond3A_728 : i32
      scf.if %cond3A_729 {
        %dma_start3A_859 = arith.constant 0 : i32
        %dma_start3A_860 = arith.constant 0 : i32
        %dma_start3A_861 = arith.constant 0 : i32
        %dma_start3A_862 = arith.constant 0 : i32
        %dma_start3A_863 = tpu.memref_slice %arg9[%scan3A_8, %dma_start3A_859, %dma_start3A_860, %dma_start3A_861, %dma_start3A_862] : memref<8x1x1x96x96xf32, #tpu.memory_space<vmem>> -> memref<1x1x1x96x96xf32, #tpu.memory_space<vmem>>
        %dma_start3A_864 = tpu.memref_squeeze %dma_start3A_863 : memref<1x1x1x96x96xf32, #tpu.memory_space<vmem>> -> memref<1x1x96x96xf32, #tpu.memory_space<vmem>>
        %dma_start3A_865 = arith.constant 0 : i32
        %dma_start3A_866 = arith.constant 0 : i32
        %dma_start3A_867 = tpu.memref_slice %arg2[%mul3A_709, %add3A_704, %dma_start3A_865, %dma_start3A_866] : memref<16x192x96x96xf32, #tpu.memory_space<hbm>> -> memref<1x1x96x96xf32, #tpu.memory_space<hbm>>
        %dma_start3A_868 = arith.constant 0 : i32
        %dma_start3A_869 = arith.constant 0 : i32
        %dma_start3A_870 = arith.constant 0 : i32
        %dma_start3A_871 = arith.constant 0 : i32
        %dma_start3A_872 = tpu.memref_slice %arg9[%scan3A_8, %dma_start3A_868, %dma_start3A_869, %dma_start3A_870, %dma_start3A_871] : memref<8x1x1x96x96xf32, #tpu.memory_space<vmem>> -> memref<1x1x1x96x96xf32, #tpu.memory_space<vmem>>
        %dma_start3A_873 = tpu.memref_squeeze %dma_start3A_872 : memref<1x1x1x96x96xf32, #tpu.memory_space<vmem>> -> memref<1x1x96x96xf32, #tpu.memory_space<vmem>>
        %dma_start3A_874 = arith.constant 0 : i32
        %dma_start3A_875 = arith.constant 0 : i32
        %dma_start3A_876 = tpu.memref_slice %arg2[%mul3A_709, %add3A_704, %dma_start3A_874, %dma_start3A_875] : memref<16x192x96x96xf32, #tpu.memory_space<hbm>> -> memref<1x1x96x96xf32, #tpu.memory_space<hbm>>
        tpu.enqueue_dma source(%dma_start3A_876 : memref<1x1x96x96xf32, #tpu.memory_space<hbm>>) target(%dma_start3A_873 : memref<1x1x96x96xf32, #tpu.memory_space<vmem>>) target_semaphore(%arg15 : memref<!tpu.dma_semaphore, #tpu.memory_space<semaphore_mem>>)
      } else {
      }
      %sub3A_730 = arith.constant 4 : i32
      %sub3A_731 = arith.subi %add3A_679, %sub3A_730 : i32
      %ge3A_732 = arith.constant 0 : i32
      %ge3A_733 = arith.cmpi sge, %sub3A_731, %ge3A_732 : i32
      %convert_element_type3A_734 = arith.extui %ge3A_733 : i1 to i32
      %cond3A_735 = arith.constant 0 : i32
      %cond3A_736 = arith.cmpi ne, %convert_element_type3A_734, %cond3A_735 : i32
      scf.if %cond3A_736 {
        %jit3A_859 = arith.constant 16 : i32
        %div3A_860 = arith.divsi %sub3A_731, %jit3A_859 : i32
        %sign3A_861 = arith.constant 0 : i32
        %sign3A_862 = arith.cmpi sgt, %sub3A_731, %sign3A_861 : i32
        %sign3A_863 = arith.extui %sign3A_862 : i1 to i32
        %sign3A_864 = arith.constant 0 : i32
        %sign3A_865 = arith.cmpi slt, %sub3A_731, %sign3A_864 : i32
        %sign3A_866 = arith.extui %sign3A_865 : i1 to i32
        %sign3A_867 = arith.subi %sign3A_863, %sign3A_866 : i32
        %sign3A_868 = arith.constant 0 : i32
        %sign3A_869 = arith.cmpi sgt, %jit3A_859, %sign3A_868 : i32
        %sign3A_870 = arith.extui %sign3A_869 : i1 to i32
        %sign3A_871 = arith.constant 0 : i32
        %sign3A_872 = arith.cmpi slt, %jit3A_859, %sign3A_871 : i32
        %sign3A_873 = arith.extui %sign3A_872 : i1 to i32
        %sign3A_874 = arith.subi %sign3A_870, %sign3A_873 : i32
        %ne3A_875 = arith.cmpi ne, %sign3A_867, %sign3A_874 : i32
        %rem3A_876 = arith.remsi %sub3A_731, %jit3A_859 : i32
        %ne3A_877 = arith.constant 0 : i32
        %ne3A_878 = arith.cmpi ne, %rem3A_876, %ne3A_877 : i32
        %and3A_879 = arith.andi %ne3A_875, %ne3A_878 : i1
        %sub3A_880 = arith.constant 1 : i32
        %sub3A_881 = arith.subi %div3A_860, %sub3A_880 : i32
        %select_n3A_882 = arith.select %and3A_879, %sub3A_881, %div3A_860 : i32
        %add3A_883 = arith.addi %mul3A_2, %select_n3A_882 : i32
        %mul3A_884 = arith.constant 16 : i32
        %mul3A_885 = arith.muli %select_n3A_882, %mul3A_884 : i32
        %sub3A_886 = arith.subi %sub3A_731, %mul3A_885 : i32
        %mul3A_887 = arith.constant 1 : i32
        %mul3A_888 = arith.muli %sub3A_886, %mul3A_887 : i32
        %dma_wait3A_889 = arith.constant 0 : i32
        %dma_wait3A_890 = arith.constant 0 : i32
        %dma_wait3A_891 = arith.constant 0 : i32
        %dma_wait3A_892 = arith.constant 0 : i32
        %dma_wait3A_893 = tpu.memref_slice %arg9[%scan3A_7, %dma_wait3A_889, %dma_wait3A_890, %dma_wait3A_891, %dma_wait3A_892] : memref<8x1x1x96x96xf32, #tpu.memory_space<vmem>> -> memref<1x1x1x96x96xf32, #tpu.memory_space<vmem>>
        %dma_wait3A_894 = tpu.memref_squeeze %dma_wait3A_893 : memref<1x1x1x96x96xf32, #tpu.memory_space<vmem>> -> memref<1x1x96x96xf32, #tpu.memory_space<vmem>>
        %dma_wait3A_895 = arith.constant 0 : i32
        %dma_wait3A_896 = arith.constant 0 : i32
        %dma_wait3A_897 = arith.constant 0 : i32
        %dma_wait3A_898 = arith.constant 0 : i32
        %dma_wait3A_899 = tpu.memref_slice %arg2[%dma_wait3A_895, %dma_wait3A_896, %dma_wait3A_897, %dma_wait3A_898] : memref<16x192x96x96xf32, #tpu.memory_space<hbm>> -> memref<1x1x96x96xf32, #tpu.memory_space<hbm>>
        %dma_wait3A_900 = arith.constant 0 : i32
        %dma_wait3A_901 = arith.constant 0 : i32
        %dma_wait3A_902 = arith.constant 0 : i32
        %dma_wait3A_903 = arith.constant 0 : i32
        %dma_wait3A_904 = tpu.memref_slice %arg9[%scan3A_7, %dma_wait3A_900, %dma_wait3A_901, %dma_wait3A_902, %dma_wait3A_903] : memref<8x1x1x96x96xf32, #tpu.memory_space<vmem>> -> memref<1x1x1x96x96xf32, #tpu.memory_space<vmem>>
        %dma_wait3A_905 = tpu.memref_squeeze %dma_wait3A_904 : memref<1x1x1x96x96xf32, #tpu.memory_space<vmem>> -> memref<1x1x96x96xf32, #tpu.memory_space<vmem>>
        %dma_wait3A_906 = arith.constant 0 : i32
        %dma_wait3A_907 = arith.constant 0 : i32
        %dma_wait3A_908 = arith.constant 0 : i32
        %dma_wait3A_909 = arith.constant 0 : i32
        %dma_wait3A_910 = tpu.memref_slice %arg2[%dma_wait3A_906, %dma_wait3A_907, %dma_wait3A_908, %dma_wait3A_909] : memref<16x192x96x96xf32, #tpu.memory_space<hbm>> -> memref<1x1x96x96xf32, #tpu.memory_space<hbm>>
        tpu.wait_dma2 semaphore(%arg11 : memref<!tpu.dma_semaphore, #tpu.memory_space<semaphore_mem>>) src(%dma_wait3A_910 : memref<1x1x96x96xf32, #tpu.memory_space<hbm>>) dst(%dma_wait3A_905 : memref<1x1x96x96xf32, #tpu.memory_space<vmem>>)
        %dma_start3A_911 = arith.constant 0 : i32
        %dma_start3A_912 = arith.constant 0 : i32
        %dma_start3A_913 = arith.constant 0 : i32
        %dma_start3A_914 = arith.constant 0 : i32
        %dma_start3A_915 = tpu.memref_slice %arg9[%scan3A_7, %dma_start3A_911, %dma_start3A_912, %dma_start3A_913, %dma_start3A_914] : memref<8x1x1x96x96xf32, #tpu.memory_space<vmem>> -> memref<1x1x1x96x96xf32, #tpu.memory_space<vmem>>
        %dma_start3A_916 = tpu.memref_squeeze %dma_start3A_915 : memref<1x1x1x96x96xf32, #tpu.memory_space<vmem>> -> memref<1x1x96x96xf32, #tpu.memory_space<vmem>>
        %dma_start3A_917 = arith.constant 0 : i32
        %dma_start3A_918 = arith.constant 0 : i32
        %dma_start3A_919 = tpu.memref_slice %arg6[%mul3A_888, %add3A_883, %dma_start3A_917, %dma_start3A_918] : memref<16x192x96x96xf32, #tpu.memory_space<hbm>> -> memref<1x1x96x96xf32, #tpu.memory_space<hbm>>
        %dma_start3A_920 = arith.constant 0 : i32
        %dma_start3A_921 = arith.constant 0 : i32
        %dma_start3A_922 = tpu.memref_slice %arg6[%mul3A_888, %add3A_883, %dma_start3A_920, %dma_start3A_921] : memref<16x192x96x96xf32, #tpu.memory_space<hbm>> -> memref<1x1x96x96xf32, #tpu.memory_space<hbm>>
        %dma_start3A_923 = arith.constant 0 : i32
        %dma_start3A_924 = arith.constant 0 : i32
        %dma_start3A_925 = arith.constant 0 : i32
        %dma_start3A_926 = arith.constant 0 : i32
        %dma_start3A_927 = tpu.memref_slice %arg9[%scan3A_7, %dma_start3A_923, %dma_start3A_924, %dma_start3A_925, %dma_start3A_926] : memref<8x1x1x96x96xf32, #tpu.memory_space<vmem>> -> memref<1x1x1x96x96xf32, #tpu.memory_space<vmem>>
        %dma_start3A_928 = tpu.memref_squeeze %dma_start3A_927 : memref<1x1x1x96x96xf32, #tpu.memory_space<vmem>> -> memref<1x1x96x96xf32, #tpu.memory_space<vmem>>
        tpu.enqueue_dma source(%dma_start3A_928 : memref<1x1x96x96xf32, #tpu.memory_space<vmem>>) target(%dma_start3A_922 : memref<1x1x96x96xf32, #tpu.memory_space<hbm>>) target_semaphore(%arg19 : memref<!tpu.dma_semaphore, #tpu.memory_space<semaphore_mem>>)
      } else {
      }
      %mul3A_737 = arith.constant 8 : i32
      %mul3A_738 = arith.muli %scan3A_384, %mul3A_737 : i32
      %add3A_739 = arith.constant 6 : i32
      %add3A_740 = arith.addi %mul3A_738, %add3A_739 : i32
      %jit3A_741 = arith.constant 16 : i32
      %div3A_742 = arith.divsi %add3A_740, %jit3A_741 : i32
      %sign3A_743 = arith.constant 0 : i32
      %sign3A_744 = arith.cmpi sgt, %add3A_740, %sign3A_743 : i32
      %sign3A_745 = arith.extui %sign3A_744 : i1 to i32
      %sign3A_746 = arith.constant 0 : i32
      %sign3A_747 = arith.cmpi slt, %add3A_740, %sign3A_746 : i32
      %sign3A_748 = arith.extui %sign3A_747 : i1 to i32
      %sign3A_749 = arith.subi %sign3A_745, %sign3A_748 : i32
      %sign3A_750 = arith.constant 0 : i32
      %sign3A_751 = arith.cmpi sgt, %jit3A_741, %sign3A_750 : i32
      %sign3A_752 = arith.extui %sign3A_751 : i1 to i32
      %sign3A_753 = arith.constant 0 : i32
      %sign3A_754 = arith.cmpi slt, %jit3A_741, %sign3A_753 : i32
      %sign3A_755 = arith.extui %sign3A_754 : i1 to i32
      %sign3A_756 = arith.subi %sign3A_752, %sign3A_755 : i32
      %ne3A_757 = arith.cmpi ne, %sign3A_749, %sign3A_756 : i32
      %rem3A_758 = arith.remsi %add3A_740, %jit3A_741 : i32
      %ne3A_759 = arith.constant 0 : i32
      %ne3A_760 = arith.cmpi ne, %rem3A_758, %ne3A_759 : i32
      %and3A_761 = arith.andi %ne3A_757, %ne3A_760 : i1
      %sub3A_762 = arith.constant 1 : i32
      %sub3A_763 = arith.subi %div3A_742, %sub3A_762 : i32
      %select_n3A_764 = arith.select %and3A_761, %sub3A_763, %div3A_742 : i32
      %add3A_765 = arith.addi %mul3A_2, %select_n3A_764 : i32
      %mul3A_766 = arith.constant 16 : i32
      %mul3A_767 = arith.muli %select_n3A_764, %mul3A_766 : i32
      %sub3A_768 = arith.subi %add3A_740, %mul3A_767 : i32
      %mul3A_769 = arith.constant 1 : i32
      %mul3A_770 = arith.muli %sub3A_768, %mul3A_769 : i32
      %ge3A_771 = arith.constant 1 : i32
      %ge3A_772 = arith.cmpi sge, %scan3A_384, %ge3A_771 : i32
      %convert_element_type3A_773 = arith.extui %ge3A_772 : i1 to i32
      %cond3A_774 = arith.constant 0 : i32
      %cond3A_775 = arith.cmpi ne, %convert_element_type3A_773, %cond3A_774 : i32
      scf.if %cond3A_775 {
        %dma_wait3A_859 = arith.constant 0 : i32
        %dma_wait3A_860 = arith.constant 0 : i32
        %dma_wait3A_861 = arith.constant 0 : i32
        %dma_wait3A_862 = arith.constant 0 : i32
        %dma_wait3A_863 = tpu.memref_slice %arg9[%scan3A_10, %dma_wait3A_859, %dma_wait3A_860, %dma_wait3A_861, %dma_wait3A_862] : memref<8x1x1x96x96xf32, #tpu.memory_space<vmem>> -> memref<1x1x1x96x96xf32, #tpu.memory_space<vmem>>
        %dma_wait3A_864 = tpu.memref_squeeze %dma_wait3A_863 : memref<1x1x1x96x96xf32, #tpu.memory_space<vmem>> -> memref<1x1x96x96xf32, #tpu.memory_space<vmem>>
        %dma_wait3A_865 = arith.constant 0 : i32
        %dma_wait3A_866 = arith.constant 0 : i32
        %dma_wait3A_867 = arith.constant 0 : i32
        %dma_wait3A_868 = arith.constant 0 : i32
        %dma_wait3A_869 = tpu.memref_slice %arg6[%dma_wait3A_865, %dma_wait3A_866, %dma_wait3A_867, %dma_wait3A_868] : memref<16x192x96x96xf32, #tpu.memory_space<hbm>> -> memref<1x1x96x96xf32, #tpu.memory_space<hbm>>
        %dma_wait3A_870 = arith.constant 0 : i32
        %dma_wait3A_871 = arith.constant 0 : i32
        %dma_wait3A_872 = arith.constant 0 : i32
        %dma_wait3A_873 = arith.constant 0 : i32
        %dma_wait3A_874 = tpu.memref_slice %arg6[%dma_wait3A_870, %dma_wait3A_871, %dma_wait3A_872, %dma_wait3A_873] : memref<16x192x96x96xf32, #tpu.memory_space<hbm>> -> memref<1x1x96x96xf32, #tpu.memory_space<hbm>>
        %dma_wait3A_875 = arith.constant 0 : i32
        %dma_wait3A_876 = arith.constant 0 : i32
        %dma_wait3A_877 = arith.constant 0 : i32
        %dma_wait3A_878 = arith.constant 0 : i32
        %dma_wait3A_879 = tpu.memref_slice %arg9[%scan3A_10, %dma_wait3A_875, %dma_wait3A_876, %dma_wait3A_877, %dma_wait3A_878] : memref<8x1x1x96x96xf32, #tpu.memory_space<vmem>> -> memref<1x1x1x96x96xf32, #tpu.memory_space<vmem>>
        %dma_wait3A_880 = tpu.memref_squeeze %dma_wait3A_879 : memref<1x1x1x96x96xf32, #tpu.memory_space<vmem>> -> memref<1x1x96x96xf32, #tpu.memory_space<vmem>>
        tpu.wait_dma2 semaphore(%arg24 : memref<!tpu.dma_semaphore, #tpu.memory_space<semaphore_mem>>) src(%dma_wait3A_880 : memref<1x1x96x96xf32, #tpu.memory_space<vmem>>) dst(%dma_wait3A_874 : memref<1x1x96x96xf32, #tpu.memory_space<hbm>>)
      } else {
      }
      %get3A_776 = arith.index_cast %add3A_765 : i32 to index
      %get3A_777 = tpu.vector_load %arg7[%get3A_776] {strides = array<i32>} : memref<208xf32, #tpu.memory_space<vmem>>, vector<16xf32>,
      %get3A_778 = vector.shape_cast %get3A_777 : vector<16xf32> to vector<16xf32>
      %slice3A_779 = vector.extract_strided_slice %get3A_778 {offsets = [0], sizes = [1], strides = [1]} : vector<16xf32> to vector<1xf32>
      %squeeze3A_780 = vector.extract %slice3A_779[0] : f32 from vector<1xf32>
      %abs3A_781 = math.absf %squeeze3A_780 : f32
      %lt3A_782 = arith.cmpf olt, %abs3A_781, %squeeze3A : f32
      %convert_element_type3A_783 = arith.extui %lt3A_782 : i1 to i32
      %cond3A_784 = arith.constant 0 : i32
      %cond3A_785 = arith.cmpi ne, %convert_element_type3A_783, %cond3A_784 : i32
      scf.if %cond3A_785 {
        %dma_start3A_859 = arith.constant 0 : i32
        %dma_start3A_860 = arith.constant 0 : i32
        %dma_start3A_861 = arith.constant 0 : i32
        %dma_start3A_862 = arith.constant 0 : i32
        %dma_start3A_863 = tpu.memref_slice %arg9[%scan3A_10, %dma_start3A_859, %dma_start3A_860, %dma_start3A_861, %dma_start3A_862] : memref<8x1x1x96x96xf32, #tpu.memory_space<vmem>> -> memref<1x1x1x96x96xf32, #tpu.memory_space<vmem>>
        %dma_start3A_864 = tpu.memref_squeeze %dma_start3A_863 : memref<1x1x1x96x96xf32, #tpu.memory_space<vmem>> -> memref<1x1x96x96xf32, #tpu.memory_space<vmem>>
        %dma_start3A_865 = arith.constant 0 : i32
        %dma_start3A_866 = arith.constant 0 : i32
        %dma_start3A_867 = tpu.memref_slice %arg3[%mul3A_770, %add3A_765, %dma_start3A_865, %dma_start3A_866] : memref<16x192x96x96xf32, #tpu.memory_space<hbm>> -> memref<1x1x96x96xf32, #tpu.memory_space<hbm>>
        %dma_start3A_868 = arith.constant 0 : i32
        %dma_start3A_869 = arith.constant 0 : i32
        %dma_start3A_870 = arith.constant 0 : i32
        %dma_start3A_871 = arith.constant 0 : i32
        %dma_start3A_872 = tpu.memref_slice %arg9[%scan3A_10, %dma_start3A_868, %dma_start3A_869, %dma_start3A_870, %dma_start3A_871] : memref<8x1x1x96x96xf32, #tpu.memory_space<vmem>> -> memref<1x1x1x96x96xf32, #tpu.memory_space<vmem>>
        %dma_start3A_873 = tpu.memref_squeeze %dma_start3A_872 : memref<1x1x1x96x96xf32, #tpu.memory_space<vmem>> -> memref<1x1x96x96xf32, #tpu.memory_space<vmem>>
        %dma_start3A_874 = arith.constant 0 : i32
        %dma_start3A_875 = arith.constant 0 : i32
        %dma_start3A_876 = tpu.memref_slice %arg3[%mul3A_770, %add3A_765, %dma_start3A_874, %dma_start3A_875] : memref<16x192x96x96xf32, #tpu.memory_space<hbm>> -> memref<1x1x96x96xf32, #tpu.memory_space<hbm>>
        tpu.enqueue_dma source(%dma_start3A_876 : memref<1x1x96x96xf32, #tpu.memory_space<hbm>>) target(%dma_start3A_873 : memref<1x1x96x96xf32, #tpu.memory_space<vmem>>) target_semaphore(%arg16 : memref<!tpu.dma_semaphore, #tpu.memory_space<semaphore_mem>>)
      } else {
      }
      %not3A_786 = arith.constant true
      %not3A_787 = arith.xori %lt3A_782, %not3A_786 : i1
      %convert_element_type3A_788 = arith.extui %not3A_787 : i1 to i32
      %cond3A_789 = arith.constant 0 : i32
      %cond3A_790 = arith.cmpi ne, %convert_element_type3A_788, %cond3A_789 : i32
      scf.if %cond3A_790 {
        %dma_start3A_859 = arith.constant 0 : i32
        %dma_start3A_860 = arith.constant 0 : i32
        %dma_start3A_861 = arith.constant 0 : i32
        %dma_start3A_862 = arith.constant 0 : i32
        %dma_start3A_863 = tpu.memref_slice %arg9[%scan3A_10, %dma_start3A_859, %dma_start3A_860, %dma_start3A_861, %dma_start3A_862] : memref<8x1x1x96x96xf32, #tpu.memory_space<vmem>> -> memref<1x1x1x96x96xf32, #tpu.memory_space<vmem>>
        %dma_start3A_864 = tpu.memref_squeeze %dma_start3A_863 : memref<1x1x1x96x96xf32, #tpu.memory_space<vmem>> -> memref<1x1x96x96xf32, #tpu.memory_space<vmem>>
        %dma_start3A_865 = arith.constant 0 : i32
        %dma_start3A_866 = arith.constant 0 : i32
        %dma_start3A_867 = tpu.memref_slice %arg2[%mul3A_770, %add3A_765, %dma_start3A_865, %dma_start3A_866] : memref<16x192x96x96xf32, #tpu.memory_space<hbm>> -> memref<1x1x96x96xf32, #tpu.memory_space<hbm>>
        %dma_start3A_868 = arith.constant 0 : i32
        %dma_start3A_869 = arith.constant 0 : i32
        %dma_start3A_870 = arith.constant 0 : i32
        %dma_start3A_871 = arith.constant 0 : i32
        %dma_start3A_872 = tpu.memref_slice %arg9[%scan3A_10, %dma_start3A_868, %dma_start3A_869, %dma_start3A_870, %dma_start3A_871] : memref<8x1x1x96x96xf32, #tpu.memory_space<vmem>> -> memref<1x1x1x96x96xf32, #tpu.memory_space<vmem>>
        %dma_start3A_873 = tpu.memref_squeeze %dma_start3A_872 : memref<1x1x1x96x96xf32, #tpu.memory_space<vmem>> -> memref<1x1x96x96xf32, #tpu.memory_space<vmem>>
        %dma_start3A_874 = arith.constant 0 : i32
        %dma_start3A_875 = arith.constant 0 : i32
        %dma_start3A_876 = tpu.memref_slice %arg2[%mul3A_770, %add3A_765, %dma_start3A_874, %dma_start3A_875] : memref<16x192x96x96xf32, #tpu.memory_space<hbm>> -> memref<1x1x96x96xf32, #tpu.memory_space<hbm>>
        tpu.enqueue_dma source(%dma_start3A_876 : memref<1x1x96x96xf32, #tpu.memory_space<hbm>>) target(%dma_start3A_873 : memref<1x1x96x96xf32, #tpu.memory_space<vmem>>) target_semaphore(%arg16 : memref<!tpu.dma_semaphore, #tpu.memory_space<semaphore_mem>>)
      } else {
      }
      %sub3A_791 = arith.constant 4 : i32
      %sub3A_792 = arith.subi %add3A_740, %sub3A_791 : i32
      %ge3A_793 = arith.constant 0 : i32
      %ge3A_794 = arith.cmpi sge, %sub3A_792, %ge3A_793 : i32
      %convert_element_type3A_795 = arith.extui %ge3A_794 : i1 to i32
      %cond3A_796 = arith.constant 0 : i32
      %cond3A_797 = arith.cmpi ne, %convert_element_type3A_795, %cond3A_796 : i32
      scf.if %cond3A_797 {
        %jit3A_859 = arith.constant 16 : i32
        %div3A_860 = arith.divsi %sub3A_792, %jit3A_859 : i32
        %sign3A_861 = arith.constant 0 : i32
        %sign3A_862 = arith.cmpi sgt, %sub3A_792, %sign3A_861 : i32
        %sign3A_863 = arith.extui %sign3A_862 : i1 to i32
        %sign3A_864 = arith.constant 0 : i32
        %sign3A_865 = arith.cmpi slt, %sub3A_792, %sign3A_864 : i32
        %sign3A_866 = arith.extui %sign3A_865 : i1 to i32
        %sign3A_867 = arith.subi %sign3A_863, %sign3A_866 : i32
        %sign3A_868 = arith.constant 0 : i32
        %sign3A_869 = arith.cmpi sgt, %jit3A_859, %sign3A_868 : i32
        %sign3A_870 = arith.extui %sign3A_869 : i1 to i32
        %sign3A_871 = arith.constant 0 : i32
        %sign3A_872 = arith.cmpi slt, %jit3A_859, %sign3A_871 : i32
        %sign3A_873 = arith.extui %sign3A_872 : i1 to i32
        %sign3A_874 = arith.subi %sign3A_870, %sign3A_873 : i32
        %ne3A_875 = arith.cmpi ne, %sign3A_867, %sign3A_874 : i32
        %rem3A_876 = arith.remsi %sub3A_792, %jit3A_859 : i32
        %ne3A_877 = arith.constant 0 : i32
        %ne3A_878 = arith.cmpi ne, %rem3A_876, %ne3A_877 : i32
        %and3A_879 = arith.andi %ne3A_875, %ne3A_878 : i1
        %sub3A_880 = arith.constant 1 : i32
        %sub3A_881 = arith.subi %div3A_860, %sub3A_880 : i32
        %select_n3A_882 = arith.select %and3A_879, %sub3A_881, %div3A_860 : i32
        %add3A_883 = arith.addi %mul3A_2, %select_n3A_882 : i32
        %mul3A_884 = arith.constant 16 : i32
        %mul3A_885 = arith.muli %select_n3A_882, %mul3A_884 : i32
        %sub3A_886 = arith.subi %sub3A_792, %mul3A_885 : i32
        %mul3A_887 = arith.constant 1 : i32
        %mul3A_888 = arith.muli %sub3A_886, %mul3A_887 : i32
        %dma_wait3A_889 = arith.constant 0 : i32
        %dma_wait3A_890 = arith.constant 0 : i32
        %dma_wait3A_891 = arith.constant 0 : i32
        %dma_wait3A_892 = arith.constant 0 : i32
        %dma_wait3A_893 = tpu.memref_slice %arg9[%scan3A_9, %dma_wait3A_889, %dma_wait3A_890, %dma_wait3A_891, %dma_wait3A_892] : memref<8x1x1x96x96xf32, #tpu.memory_space<vmem>> -> memref<1x1x1x96x96xf32, #tpu.memory_space<vmem>>
        %dma_wait3A_894 = tpu.memref_squeeze %dma_wait3A_893 : memref<1x1x1x96x96xf32, #tpu.memory_space<vmem>> -> memref<1x1x96x96xf32, #tpu.memory_space<vmem>>
        %dma_wait3A_895 = arith.constant 0 : i32
        %dma_wait3A_896 = arith.constant 0 : i32
        %dma_wait3A_897 = arith.constant 0 : i32
        %dma_wait3A_898 = arith.constant 0 : i32
        %dma_wait3A_899 = tpu.memref_slice %arg2[%dma_wait3A_895, %dma_wait3A_896, %dma_wait3A_897, %dma_wait3A_898] : memref<16x192x96x96xf32, #tpu.memory_space<hbm>> -> memref<1x1x96x96xf32, #tpu.memory_space<hbm>>
        %dma_wait3A_900 = arith.constant 0 : i32
        %dma_wait3A_901 = arith.constant 0 : i32
        %dma_wait3A_902 = arith.constant 0 : i32
        %dma_wait3A_903 = arith.constant 0 : i32
        %dma_wait3A_904 = tpu.memref_slice %arg9[%scan3A_9, %dma_wait3A_900, %dma_wait3A_901, %dma_wait3A_902, %dma_wait3A_903] : memref<8x1x1x96x96xf32, #tpu.memory_space<vmem>> -> memref<1x1x1x96x96xf32, #tpu.memory_space<vmem>>
        %dma_wait3A_905 = tpu.memref_squeeze %dma_wait3A_904 : memref<1x1x1x96x96xf32, #tpu.memory_space<vmem>> -> memref<1x1x96x96xf32, #tpu.memory_space<vmem>>
        %dma_wait3A_906 = arith.constant 0 : i32
        %dma_wait3A_907 = arith.constant 0 : i32
        %dma_wait3A_908 = arith.constant 0 : i32
        %dma_wait3A_909 = arith.constant 0 : i32
        %dma_wait3A_910 = tpu.memref_slice %arg2[%dma_wait3A_906, %dma_wait3A_907, %dma_wait3A_908, %dma_wait3A_909] : memref<16x192x96x96xf32, #tpu.memory_space<hbm>> -> memref<1x1x96x96xf32, #tpu.memory_space<hbm>>
        tpu.wait_dma2 semaphore(%arg12 : memref<!tpu.dma_semaphore, #tpu.memory_space<semaphore_mem>>) src(%dma_wait3A_910 : memref<1x1x96x96xf32, #tpu.memory_space<hbm>>) dst(%dma_wait3A_905 : memref<1x1x96x96xf32, #tpu.memory_space<vmem>>)
        %dma_start3A_911 = arith.constant 0 : i32
        %dma_start3A_912 = arith.constant 0 : i32
        %dma_start3A_913 = arith.constant 0 : i32
        %dma_start3A_914 = arith.constant 0 : i32
        %dma_start3A_915 = tpu.memref_slice %arg9[%scan3A_9, %dma_start3A_911, %dma_start3A_912, %dma_start3A_913, %dma_start3A_914] : memref<8x1x1x96x96xf32, #tpu.memory_space<vmem>> -> memref<1x1x1x96x96xf32, #tpu.memory_space<vmem>>
        %dma_start3A_916 = tpu.memref_squeeze %dma_start3A_915 : memref<1x1x1x96x96xf32, #tpu.memory_space<vmem>> -> memref<1x1x96x96xf32, #tpu.memory_space<vmem>>
        %dma_start3A_917 = arith.constant 0 : i32
        %dma_start3A_918 = arith.constant 0 : i32
        %dma_start3A_919 = tpu.memref_slice %arg6[%mul3A_888, %add3A_883, %dma_start3A_917, %dma_start3A_918] : memref<16x192x96x96xf32, #tpu.memory_space<hbm>> -> memref<1x1x96x96xf32, #tpu.memory_space<hbm>>
        %dma_start3A_920 = arith.constant 0 : i32
        %dma_start3A_921 = arith.constant 0 : i32
        %dma_start3A_922 = tpu.memref_slice %arg6[%mul3A_888, %add3A_883, %dma_start3A_920, %dma_start3A_921] : memref<16x192x96x96xf32, #tpu.memory_space<hbm>> -> memref<1x1x96x96xf32, #tpu.memory_space<hbm>>
        %dma_start3A_923 = arith.constant 0 : i32
        %dma_start3A_924 = arith.constant 0 : i32
        %dma_start3A_925 = arith.constant 0 : i32
        %dma_start3A_926 = arith.constant 0 : i32
        %dma_start3A_927 = tpu.memref_slice %arg9[%scan3A_9, %dma_start3A_923, %dma_start3A_924, %dma_start3A_925, %dma_start3A_926] : memref<8x1x1x96x96xf32, #tpu.memory_space<vmem>> -> memref<1x1x1x96x96xf32, #tpu.memory_space<vmem>>
        %dma_start3A_928 = tpu.memref_squeeze %dma_start3A_927 : memref<1x1x1x96x96xf32, #tpu.memory_space<vmem>> -> memref<1x1x96x96xf32, #tpu.memory_space<vmem>>
        tpu.enqueue_dma source(%dma_start3A_928 : memref<1x1x96x96xf32, #tpu.memory_space<vmem>>) target(%dma_start3A_922 : memref<1x1x96x96xf32, #tpu.memory_space<hbm>>) target_semaphore(%arg20 : memref<!tpu.dma_semaphore, #tpu.memory_space<semaphore_mem>>)
      } else {
      }
      %mul3A_798 = arith.constant 8 : i32
      %mul3A_799 = arith.muli %scan3A_384, %mul3A_798 : i32
      %add3A_800 = arith.constant 7 : i32
      %add3A_801 = arith.addi %mul3A_799, %add3A_800 : i32
      %jit3A_802 = arith.constant 16 : i32
      %div3A_803 = arith.divsi %add3A_801, %jit3A_802 : i32
      %sign3A_804 = arith.constant 0 : i32
      %sign3A_805 = arith.cmpi sgt, %add3A_801, %sign3A_804 : i32
      %sign3A_806 = arith.extui %sign3A_805 : i1 to i32
      %sign3A_807 = arith.constant 0 : i32
      %sign3A_808 = arith.cmpi slt, %add3A_801, %sign3A_807 : i32
      %sign3A_809 = arith.extui %sign3A_808 : i1 to i32
      %sign3A_810 = arith.subi %sign3A_806, %sign3A_809 : i32
      %sign3A_811 = arith.constant 0 : i32
      %sign3A_812 = arith.cmpi sgt, %jit3A_802, %sign3A_811 : i32
      %sign3A_813 = arith.extui %sign3A_812 : i1 to i32
      %sign3A_814 = arith.constant 0 : i32
      %sign3A_815 = arith.cmpi slt, %jit3A_802, %sign3A_814 : i32
      %sign3A_816 = arith.extui %sign3A_815 : i1 to i32
      %sign3A_817 = arith.subi %sign3A_813, %sign3A_816 : i32
      %ne3A_818 = arith.cmpi ne, %sign3A_810, %sign3A_817 : i32
      %rem3A_819 = arith.remsi %add3A_801, %jit3A_802 : i32
      %ne3A_820 = arith.constant 0 : i32
      %ne3A_821 = arith.cmpi ne, %rem3A_819, %ne3A_820 : i32
      %and3A_822 = arith.andi %ne3A_818, %ne3A_821 : i1
      %sub3A_823 = arith.constant 1 : i32
      %sub3A_824 = arith.subi %div3A_803, %sub3A_823 : i32
      %select_n3A_825 = arith.select %and3A_822, %sub3A_824, %div3A_803 : i32
      %add3A_826 = arith.addi %mul3A_2, %select_n3A_825 : i32
      %mul3A_827 = arith.constant 16 : i32
      %mul3A_828 = arith.muli %select_n3A_825, %mul3A_827 : i32
      %sub3A_829 = arith.subi %add3A_801, %mul3A_828 : i32
      %mul3A_830 = arith.constant 1 : i32
      %mul3A_831 = arith.muli %sub3A_829, %mul3A_830 : i32
      %ge3A_832 = arith.constant 1 : i32
      %ge3A_833 = arith.cmpi sge, %scan3A_384, %ge3A_832 : i32
      %convert_element_type3A_834 = arith.extui %ge3A_833 : i1 to i32
      %cond3A_835 = arith.constant 0 : i32
      %cond3A_836 = arith.cmpi ne, %convert_element_type3A_834, %cond3A_835 : i32
      scf.if %cond3A_836 {
        %dma_wait3A_859 = arith.constant 0 : i32
        %dma_wait3A_860 = arith.constant 0 : i32
        %dma_wait3A_861 = arith.constant 0 : i32
        %dma_wait3A_862 = arith.constant 0 : i32
        %dma_wait3A_863 = tpu.memref_slice %arg9[%scan3A_12, %dma_wait3A_859, %dma_wait3A_860, %dma_wait3A_861, %dma_wait3A_862] : memref<8x1x1x96x96xf32, #tpu.memory_space<vmem>> -> memref<1x1x1x96x96xf32, #tpu.memory_space<vmem>>
        %dma_wait3A_864 = tpu.memref_squeeze %dma_wait3A_863 : memref<1x1x1x96x96xf32, #tpu.memory_space<vmem>> -> memref<1x1x96x96xf32, #tpu.memory_space<vmem>>
        %dma_wait3A_865 = arith.constant 0 : i32
        %dma_wait3A_866 = arith.constant 0 : i32
        %dma_wait3A_867 = arith.constant 0 : i32
        %dma_wait3A_868 = arith.constant 0 : i32
        %dma_wait3A_869 = tpu.memref_slice %arg6[%dma_wait3A_865, %dma_wait3A_866, %dma_wait3A_867, %dma_wait3A_868] : memref<16x192x96x96xf32, #tpu.memory_space<hbm>> -> memref<1x1x96x96xf32, #tpu.memory_space<hbm>>
        %dma_wait3A_870 = arith.constant 0 : i32
        %dma_wait3A_871 = arith.constant 0 : i32
        %dma_wait3A_872 = arith.constant 0 : i32
        %dma_wait3A_873 = arith.constant 0 : i32
        %dma_wait3A_874 = tpu.memref_slice %arg6[%dma_wait3A_870, %dma_wait3A_871, %dma_wait3A_872, %dma_wait3A_873] : memref<16x192x96x96xf32, #tpu.memory_space<hbm>> -> memref<1x1x96x96xf32, #tpu.memory_space<hbm>>
        %dma_wait3A_875 = arith.constant 0 : i32
        %dma_wait3A_876 = arith.constant 0 : i32
        %dma_wait3A_877 = arith.constant 0 : i32
        %dma_wait3A_878 = arith.constant 0 : i32
        %dma_wait3A_879 = tpu.memref_slice %arg9[%scan3A_12, %dma_wait3A_875, %dma_wait3A_876, %dma_wait3A_877, %dma_wait3A_878] : memref<8x1x1x96x96xf32, #tpu.memory_space<vmem>> -> memref<1x1x1x96x96xf32, #tpu.memory_space<vmem>>
        %dma_wait3A_880 = tpu.memref_squeeze %dma_wait3A_879 : memref<1x1x1x96x96xf32, #tpu.memory_space<vmem>> -> memref<1x1x96x96xf32, #tpu.memory_space<vmem>>
        tpu.wait_dma2 semaphore(%arg25 : memref<!tpu.dma_semaphore, #tpu.memory_space<semaphore_mem>>) src(%dma_wait3A_880 : memref<1x1x96x96xf32, #tpu.memory_space<vmem>>) dst(%dma_wait3A_874 : memref<1x1x96x96xf32, #tpu.memory_space<hbm>>)
      } else {
      }
      %get3A_837 = arith.index_cast %add3A_826 : i32 to index
      %get3A_838 = tpu.vector_load %arg7[%get3A_837] {strides = array<i32>} : memref<208xf32, #tpu.memory_space<vmem>>, vector<16xf32>,
      %get3A_839 = vector.shape_cast %get3A_838 : vector<16xf32> to vector<16xf32>
      %slice3A_840 = vector.extract_strided_slice %get3A_839 {offsets = [0], sizes = [1], strides = [1]} : vector<16xf32> to vector<1xf32>
      %squeeze3A_841 = vector.extract %slice3A_840[0] : f32 from vector<1xf32>
      %abs3A_842 = math.absf %squeeze3A_841 : f32
      %lt3A_843 = arith.cmpf olt, %abs3A_842, %squeeze3A : f32
      %convert_element_type3A_844 = arith.extui %lt3A_843 : i1 to i32
      %cond3A_845 = arith.constant 0 : i32
      %cond3A_846 = arith.cmpi ne, %convert_element_type3A_844, %cond3A_845 : i32
      scf.if %cond3A_846 {
        %dma_start3A_859 = arith.constant 0 : i32
        %dma_start3A_860 = arith.constant 0 : i32
        %dma_start3A_861 = arith.constant 0 : i32
        %dma_start3A_862 = arith.constant 0 : i32
        %dma_start3A_863 = tpu.memref_slice %arg9[%scan3A_12, %dma_start3A_859, %dma_start3A_860, %dma_start3A_861, %dma_start3A_862] : memref<8x1x1x96x96xf32, #tpu.memory_space<vmem>> -> memref<1x1x1x96x96xf32, #tpu.memory_space<vmem>>
        %dma_start3A_864 = tpu.memref_squeeze %dma_start3A_863 : memref<1x1x1x96x96xf32, #tpu.memory_space<vmem>> -> memref<1x1x96x96xf32, #tpu.memory_space<vmem>>
        %dma_start3A_865 = arith.constant 0 : i32
        %dma_start3A_866 = arith.constant 0 : i32
        %dma_start3A_867 = tpu.memref_slice %arg3[%mul3A_831, %add3A_826, %dma_start3A_865, %dma_start3A_866] : memref<16x192x96x96xf32, #tpu.memory_space<hbm>> -> memref<1x1x96x96xf32, #tpu.memory_space<hbm>>
        %dma_start3A_868 = arith.constant 0 : i32
        %dma_start3A_869 = arith.constant 0 : i32
        %dma_start3A_870 = arith.constant 0 : i32
        %dma_start3A_871 = arith.constant 0 : i32
        %dma_start3A_872 = tpu.memref_slice %arg9[%scan3A_12, %dma_start3A_868, %dma_start3A_869, %dma_start3A_870, %dma_start3A_871] : memref<8x1x1x96x96xf32, #tpu.memory_space<vmem>> -> memref<1x1x1x96x96xf32, #tpu.memory_space<vmem>>
        %dma_start3A_873 = tpu.memref_squeeze %dma_start3A_872 : memref<1x1x1x96x96xf32, #tpu.memory_space<vmem>> -> memref<1x1x96x96xf32, #tpu.memory_space<vmem>>
        %dma_start3A_874 = arith.constant 0 : i32
        %dma_start3A_875 = arith.constant 0 : i32
        %dma_start3A_876 = tpu.memref_slice %arg3[%mul3A_831, %add3A_826, %dma_start3A_874, %dma_start3A_875] : memref<16x192x96x96xf32, #tpu.memory_space<hbm>> -> memref<1x1x96x96xf32, #tpu.memory_space<hbm>>
        tpu.enqueue_dma source(%dma_start3A_876 : memref<1x1x96x96xf32, #tpu.memory_space<hbm>>) target(%dma_start3A_873 : memref<1x1x96x96xf32, #tpu.memory_space<vmem>>) target_semaphore(%arg17 : memref<!tpu.dma_semaphore, #tpu.memory_space<semaphore_mem>>)
      } else {
      }
      %not3A_847 = arith.constant true
      %not3A_848 = arith.xori %lt3A_843, %not3A_847 : i1
      %convert_element_type3A_849 = arith.extui %not3A_848 : i1 to i32
      %cond3A_850 = arith.constant 0 : i32
      %cond3A_851 = arith.cmpi ne, %convert_element_type3A_849, %cond3A_850 : i32
      scf.if %cond3A_851 {
        %dma_start3A_859 = arith.constant 0 : i32
        %dma_start3A_860 = arith.constant 0 : i32
        %dma_start3A_861 = arith.constant 0 : i32
        %dma_start3A_862 = arith.constant 0 : i32
        %dma_start3A_863 = tpu.memref_slice %arg9[%scan3A_12, %dma_start3A_859, %dma_start3A_860, %dma_start3A_861, %dma_start3A_862] : memref<8x1x1x96x96xf32, #tpu.memory_space<vmem>> -> memref<1x1x1x96x96xf32, #tpu.memory_space<vmem>>
        %dma_start3A_864 = tpu.memref_squeeze %dma_start3A_863 : memref<1x1x1x96x96xf32, #tpu.memory_space<vmem>> -> memref<1x1x96x96xf32, #tpu.memory_space<vmem>>
        %dma_start3A_865 = arith.constant 0 : i32
        %dma_start3A_866 = arith.constant 0 : i32
        %dma_start3A_867 = tpu.memref_slice %arg2[%mul3A_831, %add3A_826, %dma_start3A_865, %dma_start3A_866] : memref<16x192x96x96xf32, #tpu.memory_space<hbm>> -> memref<1x1x96x96xf32, #tpu.memory_space<hbm>>
        %dma_start3A_868 = arith.constant 0 : i32
        %dma_start3A_869 = arith.constant 0 : i32
        %dma_start3A_870 = arith.constant 0 : i32
        %dma_start3A_871 = arith.constant 0 : i32
        %dma_start3A_872 = tpu.memref_slice %arg9[%scan3A_12, %dma_start3A_868, %dma_start3A_869, %dma_start3A_870, %dma_start3A_871] : memref<8x1x1x96x96xf32, #tpu.memory_space<vmem>> -> memref<1x1x1x96x96xf32, #tpu.memory_space<vmem>>
        %dma_start3A_873 = tpu.memref_squeeze %dma_start3A_872 : memref<1x1x1x96x96xf32, #tpu.memory_space<vmem>> -> memref<1x1x96x96xf32, #tpu.memory_space<vmem>>
        %dma_start3A_874 = arith.constant 0 : i32
        %dma_start3A_875 = arith.constant 0 : i32
        %dma_start3A_876 = tpu.memref_slice %arg2[%mul3A_831, %add3A_826, %dma_start3A_874, %dma_start3A_875] : memref<16x192x96x96xf32, #tpu.memory_space<hbm>> -> memref<1x1x96x96xf32, #tpu.memory_space<hbm>>
        tpu.enqueue_dma source(%dma_start3A_876 : memref<1x1x96x96xf32, #tpu.memory_space<hbm>>) target(%dma_start3A_873 : memref<1x1x96x96xf32, #tpu.memory_space<vmem>>) target_semaphore(%arg17 : memref<!tpu.dma_semaphore, #tpu.memory_space<semaphore_mem>>)
      } else {
      }
      %sub3A_852 = arith.constant 4 : i32
      %sub3A_853 = arith.subi %add3A_801, %sub3A_852 : i32
      %ge3A_854 = arith.constant 0 : i32
      %ge3A_855 = arith.cmpi sge, %sub3A_853, %ge3A_854 : i32
      %convert_element_type3A_856 = arith.extui %ge3A_855 : i1 to i32
      %cond3A_857 = arith.constant 0 : i32
      %cond3A_858 = arith.cmpi ne, %convert_element_type3A_856, %cond3A_857 : i32
      scf.if %cond3A_858 {
        %jit3A_859 = arith.constant 16 : i32
        %div3A_860 = arith.divsi %sub3A_853, %jit3A_859 : i32
        %sign3A_861 = arith.constant 0 : i32
        %sign3A_862 = arith.cmpi sgt, %sub3A_853, %sign3A_861 : i32
        %sign3A_863 = arith.extui %sign3A_862 : i1 to i32
        %sign3A_864 = arith.constant 0 : i32
        %sign3A_865 = arith.cmpi slt, %sub3A_853, %sign3A_864 : i32
        %sign3A_866 = arith.extui %sign3A_865 : i1 to i32
        %sign3A_867 = arith.subi %sign3A_863, %sign3A_866 : i32
        %sign3A_868 = arith.constant 0 : i32
        %sign3A_869 = arith.cmpi sgt, %jit3A_859, %sign3A_868 : i32
        %sign3A_870 = arith.extui %sign3A_869 : i1 to i32
        %sign3A_871 = arith.constant 0 : i32
        %sign3A_872 = arith.cmpi slt, %jit3A_859, %sign3A_871 : i32
        %sign3A_873 = arith.extui %sign3A_872 : i1 to i32
        %sign3A_874 = arith.subi %sign3A_870, %sign3A_873 : i32
        %ne3A_875 = arith.cmpi ne, %sign3A_867, %sign3A_874 : i32
        %rem3A_876 = arith.remsi %sub3A_853, %jit3A_859 : i32
        %ne3A_877 = arith.constant 0 : i32
        %ne3A_878 = arith.cmpi ne, %rem3A_876, %ne3A_877 : i32
        %and3A_879 = arith.andi %ne3A_875, %ne3A_878 : i1
        %sub3A_880 = arith.constant 1 : i32
        %sub3A_881 = arith.subi %div3A_860, %sub3A_880 : i32
        %select_n3A_882 = arith.select %and3A_879, %sub3A_881, %div3A_860 : i32
        %add3A_883 = arith.addi %mul3A_2, %select_n3A_882 : i32
        %mul3A_884 = arith.constant 16 : i32
        %mul3A_885 = arith.muli %select_n3A_882, %mul3A_884 : i32
        %sub3A_886 = arith.subi %sub3A_853, %mul3A_885 : i32
        %mul3A_887 = arith.constant 1 : i32
        %mul3A_888 = arith.muli %sub3A_886, %mul3A_887 : i32
        %dma_wait3A_889 = arith.constant 0 : i32
        %dma_wait3A_890 = arith.constant 0 : i32
        %dma_wait3A_891 = arith.constant 0 : i32
        %dma_wait3A_892 = arith.constant 0 : i32
        %dma_wait3A_893 = tpu.memref_slice %arg9[%scan3A_11, %dma_wait3A_889, %dma_wait3A_890, %dma_wait3A_891, %dma_wait3A_892] : memref<8x1x1x96x96xf32, #tpu.memory_space<vmem>> -> memref<1x1x1x96x96xf32, #tpu.memory_space<vmem>>
        %dma_wait3A_894 = tpu.memref_squeeze %dma_wait3A_893 : memref<1x1x1x96x96xf32, #tpu.memory_space<vmem>> -> memref<1x1x96x96xf32, #tpu.memory_space<vmem>>
        %dma_wait3A_895 = arith.constant 0 : i32
        %dma_wait3A_896 = arith.constant 0 : i32
        %dma_wait3A_897 = arith.constant 0 : i32
        %dma_wait3A_898 = arith.constant 0 : i32
        %dma_wait3A_899 = tpu.memref_slice %arg2[%dma_wait3A_895, %dma_wait3A_896, %dma_wait3A_897, %dma_wait3A_898] : memref<16x192x96x96xf32, #tpu.memory_space<hbm>> -> memref<1x1x96x96xf32, #tpu.memory_space<hbm>>
        %dma_wait3A_900 = arith.constant 0 : i32
        %dma_wait3A_901 = arith.constant 0 : i32
        %dma_wait3A_902 = arith.constant 0 : i32
        %dma_wait3A_903 = arith.constant 0 : i32
        %dma_wait3A_904 = tpu.memref_slice %arg9[%scan3A_11, %dma_wait3A_900, %dma_wait3A_901, %dma_wait3A_902, %dma_wait3A_903] : memref<8x1x1x96x96xf32, #tpu.memory_space<vmem>> -> memref<1x1x1x96x96xf32, #tpu.memory_space<vmem>>
        %dma_wait3A_905 = tpu.memref_squeeze %dma_wait3A_904 : memref<1x1x1x96x96xf32, #tpu.memory_space<vmem>> -> memref<1x1x96x96xf32, #tpu.memory_space<vmem>>
        %dma_wait3A_906 = arith.constant 0 : i32
        %dma_wait3A_907 = arith.constant 0 : i32
        %dma_wait3A_908 = arith.constant 0 : i32
        %dma_wait3A_909 = arith.constant 0 : i32
        %dma_wait3A_910 = tpu.memref_slice %arg2[%dma_wait3A_906, %dma_wait3A_907, %dma_wait3A_908, %dma_wait3A_909] : memref<16x192x96x96xf32, #tpu.memory_space<hbm>> -> memref<1x1x96x96xf32, #tpu.memory_space<hbm>>
        tpu.wait_dma2 semaphore(%arg13 : memref<!tpu.dma_semaphore, #tpu.memory_space<semaphore_mem>>) src(%dma_wait3A_910 : memref<1x1x96x96xf32, #tpu.memory_space<hbm>>) dst(%dma_wait3A_905 : memref<1x1x96x96xf32, #tpu.memory_space<vmem>>)
        %dma_start3A_911 = arith.constant 0 : i32
        %dma_start3A_912 = arith.constant 0 : i32
        %dma_start3A_913 = arith.constant 0 : i32
        %dma_start3A_914 = arith.constant 0 : i32
        %dma_start3A_915 = tpu.memref_slice %arg9[%scan3A_11, %dma_start3A_911, %dma_start3A_912, %dma_start3A_913, %dma_start3A_914] : memref<8x1x1x96x96xf32, #tpu.memory_space<vmem>> -> memref<1x1x1x96x96xf32, #tpu.memory_space<vmem>>
        %dma_start3A_916 = tpu.memref_squeeze %dma_start3A_915 : memref<1x1x1x96x96xf32, #tpu.memory_space<vmem>> -> memref<1x1x96x96xf32, #tpu.memory_space<vmem>>
        %dma_start3A_917 = arith.constant 0 : i32
        %dma_start3A_918 = arith.constant 0 : i32
        %dma_start3A_919 = tpu.memref_slice %arg6[%mul3A_888, %add3A_883, %dma_start3A_917, %dma_start3A_918] : memref<16x192x96x96xf32, #tpu.memory_space<hbm>> -> memref<1x1x96x96xf32, #tpu.memory_space<hbm>>
        %dma_start3A_920 = arith.constant 0 : i32
        %dma_start3A_921 = arith.constant 0 : i32
        %dma_start3A_922 = tpu.memref_slice %arg6[%mul3A_888, %add3A_883, %dma_start3A_920, %dma_start3A_921] : memref<16x192x96x96xf32, #tpu.memory_space<hbm>> -> memref<1x1x96x96xf32, #tpu.memory_space<hbm>>
        %dma_start3A_923 = arith.constant 0 : i32
        %dma_start3A_924 = arith.constant 0 : i32
        %dma_start3A_925 = arith.constant 0 : i32
        %dma_start3A_926 = arith.constant 0 : i32
        %dma_start3A_927 = tpu.memref_slice %arg9[%scan3A_11, %dma_start3A_923, %dma_start3A_924, %dma_start3A_925, %dma_start3A_926] : memref<8x1x1x96x96xf32, #tpu.memory_space<vmem>> -> memref<1x1x1x96x96xf32, #tpu.memory_space<vmem>>
        %dma_start3A_928 = tpu.memref_squeeze %dma_start3A_927 : memref<1x1x1x96x96xf32, #tpu.memory_space<vmem>> -> memref<1x1x96x96xf32, #tpu.memory_space<vmem>>
        tpu.enqueue_dma source(%dma_start3A_928 : memref<1x1x96x96xf32, #tpu.memory_space<vmem>>) target(%dma_start3A_922 : memref<1x1x96x96xf32, #tpu.memory_space<hbm>>) target_semaphore(%arg21 : memref<!tpu.dma_semaphore, #tpu.memory_space<semaphore_mem>>)
      } else {
      }
    }
    %scan3A_17 = arith.constant 12 : i32
    %add3A_18 = arith.constant 5 : i32
    %add3A_19 = arith.addi %mul3A_2, %add3A_18 : i32
    %dma_wait3A = arith.constant 4 : i32
    %dma_wait3A_20 = arith.constant 0 : i32
    %dma_wait3A_21 = arith.constant 0 : i32
    %dma_wait3A_22 = arith.constant 0 : i32
    %dma_wait3A_23 = arith.constant 0 : i32
    %dma_wait3A_24 = tpu.memref_slice %arg9[%dma_wait3A, %dma_wait3A_20, %dma_wait3A_21, %dma_wait3A_22, %dma_wait3A_23] : memref<8x1x1x96x96xf32, #tpu.memory_space<vmem>> -> memref<1x1x1x96x96xf32, #tpu.memory_space<vmem>>
    %dma_wait3A_25 = tpu.memref_squeeze %dma_wait3A_24 : memref<1x1x1x96x96xf32, #tpu.memory_space<vmem>> -> memref<1x1x96x96xf32, #tpu.memory_space<vmem>>
    %dma_wait3A_26 = arith.constant 0 : i32
    %dma_wait3A_27 = arith.constant 0 : i32
    %dma_wait3A_28 = arith.constant 0 : i32
    %dma_wait3A_29 = arith.constant 0 : i32
    %dma_wait3A_30 = tpu.memref_slice %arg2[%dma_wait3A_26, %dma_wait3A_27, %dma_wait3A_28, %dma_wait3A_29] : memref<16x192x96x96xf32, #tpu.memory_space<hbm>> -> memref<1x1x96x96xf32, #tpu.memory_space<hbm>>
    %dma_wait3A_31 = arith.constant 0 : i32
    %dma_wait3A_32 = arith.constant 0 : i32
    %dma_wait3A_33 = arith.constant 0 : i32
    %dma_wait3A_34 = arith.constant 0 : i32
    %dma_wait3A_35 = tpu.memref_slice %arg9[%dma_wait3A, %dma_wait3A_31, %dma_wait3A_32, %dma_wait3A_33, %dma_wait3A_34] : memref<8x1x1x96x96xf32, #tpu.memory_space<vmem>> -> memref<1x1x1x96x96xf32, #tpu.memory_space<vmem>>
    %dma_wait3A_36 = tpu.memref_squeeze %dma_wait3A_35 : memref<1x1x1x96x96xf32, #tpu.memory_space<vmem>> -> memref<1x1x96x96xf32, #tpu.memory_space<vmem>>
    %dma_wait3A_37 = arith.constant 0 : i32
    %dma_wait3A_38 = arith.constant 0 : i32
    %dma_wait3A_39 = arith.constant 0 : i32
    %dma_wait3A_40 = arith.constant 0 : i32
    %dma_wait3A_41 = tpu.memref_slice %arg2[%dma_wait3A_37, %dma_wait3A_38, %dma_wait3A_39, %dma_wait3A_40] : memref<16x192x96x96xf32, #tpu.memory_space<hbm>> -> memref<1x1x96x96xf32, #tpu.memory_space<hbm>>
    tpu.wait_dma2 semaphore(%arg14 : memref<!tpu.dma_semaphore, #tpu.memory_space<semaphore_mem>>) src(%dma_wait3A_41 : memref<1x1x96x96xf32, #tpu.memory_space<hbm>>) dst(%dma_wait3A_36 : memref<1x1x96x96xf32, #tpu.memory_space<vmem>>)
    %dma_start3A = arith.constant 4 : i32
    %dma_start3A_42 = arith.constant 0 : i32
    %dma_start3A_43 = arith.constant 0 : i32
    %dma_start3A_44 = arith.constant 0 : i32
    %dma_start3A_45 = arith.constant 0 : i32
    %dma_start3A_46 = tpu.memref_slice %arg9[%dma_start3A, %dma_start3A_42, %dma_start3A_43, %dma_start3A_44, %dma_start3A_45] : memref<8x1x1x96x96xf32, #tpu.memory_space<vmem>> -> memref<1x1x1x96x96xf32, #tpu.memory_space<vmem>>
    %dma_start3A_47 = tpu.memref_squeeze %dma_start3A_46 : memref<1x1x1x96x96xf32, #tpu.memory_space<vmem>> -> memref<1x1x96x96xf32, #tpu.memory_space<vmem>>
    %dma_start3A_48 = arith.constant 12 : i32
    %dma_start3A_49 = arith.constant 0 : i32
    %dma_start3A_50 = arith.constant 0 : i32
    %dma_start3A_51 = tpu.memref_slice %arg6[%dma_start3A_48, %add3A_19, %dma_start3A_49, %dma_start3A_50] : memref<16x192x96x96xf32, #tpu.memory_space<hbm>> -> memref<1x1x96x96xf32, #tpu.memory_space<hbm>>
    %dma_start3A_52 = arith.constant 12 : i32
    %dma_start3A_53 = arith.constant 0 : i32
    %dma_start3A_54 = arith.constant 0 : i32
    %dma_start3A_55 = tpu.memref_slice %arg6[%dma_start3A_52, %add3A_19, %dma_start3A_53, %dma_start3A_54] : memref<16x192x96x96xf32, #tpu.memory_space<hbm>> -> memref<1x1x96x96xf32, #tpu.memory_space<hbm>>
    %dma_start3A_56 = arith.constant 0 : i32
    %dma_start3A_57 = arith.constant 0 : i32
    %dma_start3A_58 = arith.constant 0 : i32
    %dma_start3A_59 = arith.constant 0 : i32
    %dma_start3A_60 = tpu.memref_slice %arg9[%dma_start3A, %dma_start3A_56, %dma_start3A_57, %dma_start3A_58, %dma_start3A_59] : memref<8x1x1x96x96xf32, #tpu.memory_space<vmem>> -> memref<1x1x1x96x96xf32, #tpu.memory_space<vmem>>
    %dma_start3A_61 = tpu.memref_squeeze %dma_start3A_60 : memref<1x1x1x96x96xf32, #tpu.memory_space<vmem>> -> memref<1x1x96x96xf32, #tpu.memory_space<vmem>>
    tpu.enqueue_dma source(%dma_start3A_61 : memref<1x1x96x96xf32, #tpu.memory_space<vmem>>) target(%dma_start3A_55 : memref<1x1x96x96xf32, #tpu.memory_space<hbm>>) target_semaphore(%arg22 : memref<!tpu.dma_semaphore, #tpu.memory_space<semaphore_mem>>)
    %add3A_62 = arith.constant 5 : i32
    %add3A_63 = arith.addi %mul3A_2, %add3A_62 : i32
    %dma_wait3A_64 = arith.constant 5 : i32
    %dma_wait3A_65 = arith.constant 0 : i32
    %dma_wait3A_66 = arith.constant 0 : i32
    %dma_wait3A_67 = arith.constant 0 : i32
    %dma_wait3A_68 = arith.constant 0 : i32
    %dma_wait3A_69 = tpu.memref_slice %arg9[%dma_wait3A_64, %dma_wait3A_65, %dma_wait3A_66, %dma_wait3A_67, %dma_wait3A_68] : memref<8x1x1x96x96xf32, #tpu.memory_space<vmem>> -> memref<1x1x1x96x96xf32, #tpu.memory_space<vmem>>
    %dma_wait3A_70 = tpu.memref_squeeze %dma_wait3A_69 : memref<1x1x1x96x96xf32, #tpu.memory_space<vmem>> -> memref<1x1x96x96xf32, #tpu.memory_space<vmem>>
    %dma_wait3A_71 = arith.constant 0 : i32
    %dma_wait3A_72 = arith.constant 0 : i32
    %dma_wait3A_73 = arith.constant 0 : i32
    %dma_wait3A_74 = arith.constant 0 : i32
    %dma_wait3A_75 = tpu.memref_slice %arg2[%dma_wait3A_71, %dma_wait3A_72, %dma_wait3A_73, %dma_wait3A_74] : memref<16x192x96x96xf32, #tpu.memory_space<hbm>> -> memref<1x1x96x96xf32, #tpu.memory_space<hbm>>
    %dma_wait3A_76 = arith.constant 0 : i32
    %dma_wait3A_77 = arith.constant 0 : i32
    %dma_wait3A_78 = arith.constant 0 : i32
    %dma_wait3A_79 = arith.constant 0 : i32
    %dma_wait3A_80 = tpu.memref_slice %arg9[%dma_wait3A_64, %dma_wait3A_76, %dma_wait3A_77, %dma_wait3A_78, %dma_wait3A_79] : memref<8x1x1x96x96xf32, #tpu.memory_space<vmem>> -> memref<1x1x1x96x96xf32, #tpu.memory_space<vmem>>
    %dma_wait3A_81 = tpu.memref_squeeze %dma_wait3A_80 : memref<1x1x1x96x96xf32, #tpu.memory_space<vmem>> -> memref<1x1x96x96xf32, #tpu.memory_space<vmem>>
    %dma_wait3A_82 = arith.constant 0 : i32
    %dma_wait3A_83 = arith.constant 0 : i32
    %dma_wait3A_84 = arith.constant 0 : i32
    %dma_wait3A_85 = arith.constant 0 : i32
    %dma_wait3A_86 = tpu.memref_slice %arg2[%dma_wait3A_82, %dma_wait3A_83, %dma_wait3A_84, %dma_wait3A_85] : memref<16x192x96x96xf32, #tpu.memory_space<hbm>> -> memref<1x1x96x96xf32, #tpu.memory_space<hbm>>
    tpu.wait_dma2 semaphore(%arg15 : memref<!tpu.dma_semaphore, #tpu.memory_space<semaphore_mem>>) src(%dma_wait3A_86 : memref<1x1x96x96xf32, #tpu.memory_space<hbm>>) dst(%dma_wait3A_81 : memref<1x1x96x96xf32, #tpu.memory_space<vmem>>)
    %dma_start3A_87 = arith.constant 5 : i32
    %dma_start3A_88 = arith.constant 0 : i32
    %dma_start3A_89 = arith.constant 0 : i32
    %dma_start3A_90 = arith.constant 0 : i32
    %dma_start3A_91 = arith.constant 0 : i32
    %dma_start3A_92 = tpu.memref_slice %arg9[%dma_start3A_87, %dma_start3A_88, %dma_start3A_89, %dma_start3A_90, %dma_start3A_91] : memref<8x1x1x96x96xf32, #tpu.memory_space<vmem>> -> memref<1x1x1x96x96xf32, #tpu.memory_space<vmem>>
    %dma_start3A_93 = tpu.memref_squeeze %dma_start3A_92 : memref<1x1x1x96x96xf32, #tpu.memory_space<vmem>> -> memref<1x1x96x96xf32, #tpu.memory_space<vmem>>
    %dma_start3A_94 = arith.constant 13 : i32
    %dma_start3A_95 = arith.constant 0 : i32
    %dma_start3A_96 = arith.constant 0 : i32
    %dma_start3A_97 = tpu.memref_slice %arg6[%dma_start3A_94, %add3A_63, %dma_start3A_95, %dma_start3A_96] : memref<16x192x96x96xf32, #tpu.memory_space<hbm>> -> memref<1x1x96x96xf32, #tpu.memory_space<hbm>>
    %dma_start3A_98 = arith.constant 13 : i32
    %dma_start3A_99 = arith.constant 0 : i32
    %dma_start3A_100 = arith.constant 0 : i32
    %dma_start3A_101 = tpu.memref_slice %arg6[%dma_start3A_98, %add3A_63, %dma_start3A_99, %dma_start3A_100] : memref<16x192x96x96xf32, #tpu.memory_space<hbm>> -> memref<1x1x96x96xf32, #tpu.memory_space<hbm>>
    %dma_start3A_102 = arith.constant 0 : i32
    %dma_start3A_103 = arith.constant 0 : i32
    %dma_start3A_104 = arith.constant 0 : i32
    %dma_start3A_105 = arith.constant 0 : i32
    %dma_start3A_106 = tpu.memref_slice %arg9[%dma_start3A_87, %dma_start3A_102, %dma_start3A_103, %dma_start3A_104, %dma_start3A_105] : memref<8x1x1x96x96xf32, #tpu.memory_space<vmem>> -> memref<1x1x1x96x96xf32, #tpu.memory_space<vmem>>
    %dma_start3A_107 = tpu.memref_squeeze %dma_start3A_106 : memref<1x1x1x96x96xf32, #tpu.memory_space<vmem>> -> memref<1x1x96x96xf32, #tpu.memory_space<vmem>>
    tpu.enqueue_dma source(%dma_start3A_107 : memref<1x1x96x96xf32, #tpu.memory_space<vmem>>) target(%dma_start3A_101 : memref<1x1x96x96xf32, #tpu.memory_space<hbm>>) target_semaphore(%arg23 : memref<!tpu.dma_semaphore, #tpu.memory_space<semaphore_mem>>)
    %add3A_108 = arith.constant 5 : i32
    %add3A_109 = arith.addi %mul3A_2, %add3A_108 : i32
    %dma_wait3A_110 = arith.constant 6 : i32
    %dma_wait3A_111 = arith.constant 0 : i32
    %dma_wait3A_112 = arith.constant 0 : i32
    %dma_wait3A_113 = arith.constant 0 : i32
    %dma_wait3A_114 = arith.constant 0 : i32
    %dma_wait3A_115 = tpu.memref_slice %arg9[%dma_wait3A_110, %dma_wait3A_111, %dma_wait3A_112, %dma_wait3A_113, %dma_wait3A_114] : memref<8x1x1x96x96xf32, #tpu.memory_space<vmem>> -> memref<1x1x1x96x96xf32, #tpu.memory_space<vmem>>
    %dma_wait3A_116 = tpu.memref_squeeze %dma_wait3A_115 : memref<1x1x1x96x96xf32, #tpu.memory_space<vmem>> -> memref<1x1x96x96xf32, #tpu.memory_space<vmem>>
    %dma_wait3A_117 = arith.constant 0 : i32
    %dma_wait3A_118 = arith.constant 0 : i32
    %dma_wait3A_119 = arith.constant 0 : i32
    %dma_wait3A_120 = arith.constant 0 : i32
    %dma_wait3A_121 = tpu.memref_slice %arg2[%dma_wait3A_117, %dma_wait3A_118, %dma_wait3A_119, %dma_wait3A_120] : memref<16x192x96x96xf32, #tpu.memory_space<hbm>> -> memref<1x1x96x96xf32, #tpu.memory_space<hbm>>
    %dma_wait3A_122 = arith.constant 0 : i32
    %dma_wait3A_123 = arith.constant 0 : i32
    %dma_wait3A_124 = arith.constant 0 : i32
    %dma_wait3A_125 = arith.constant 0 : i32
    %dma_wait3A_126 = tpu.memref_slice %arg9[%dma_wait3A_110, %dma_wait3A_122, %dma_wait3A_123, %dma_wait3A_124, %dma_wait3A_125] : memref<8x1x1x96x96xf32, #tpu.memory_space<vmem>> -> memref<1x1x1x96x96xf32, #tpu.memory_space<vmem>>
    %dma_wait3A_127 = tpu.memref_squeeze %dma_wait3A_126 : memref<1x1x1x96x96xf32, #tpu.memory_space<vmem>> -> memref<1x1x96x96xf32, #tpu.memory_space<vmem>>
    %dma_wait3A_128 = arith.constant 0 : i32
    %dma_wait3A_129 = arith.constant 0 : i32
    %dma_wait3A_130 = arith.constant 0 : i32
    %dma_wait3A_131 = arith.constant 0 : i32
    %dma_wait3A_132 = tpu.memref_slice %arg2[%dma_wait3A_128, %dma_wait3A_129, %dma_wait3A_130, %dma_wait3A_131] : memref<16x192x96x96xf32, #tpu.memory_space<hbm>> -> memref<1x1x96x96xf32, #tpu.memory_space<hbm>>
    tpu.wait_dma2 semaphore(%arg16 : memref<!tpu.dma_semaphore, #tpu.memory_space<semaphore_mem>>) src(%dma_wait3A_132 : memref<1x1x96x96xf32, #tpu.memory_space<hbm>>) dst(%dma_wait3A_127 : memref<1x1x96x96xf32, #tpu.memory_space<vmem>>)
    %dma_start3A_133 = arith.constant 6 : i32
    %dma_start3A_134 = arith.constant 0 : i32
    %dma_start3A_135 = arith.constant 0 : i32
    %dma_start3A_136 = arith.constant 0 : i32
    %dma_start3A_137 = arith.constant 0 : i32
    %dma_start3A_138 = tpu.memref_slice %arg9[%dma_start3A_133, %dma_start3A_134, %dma_start3A_135, %dma_start3A_136, %dma_start3A_137] : memref<8x1x1x96x96xf32, #tpu.memory_space<vmem>> -> memref<1x1x1x96x96xf32, #tpu.memory_space<vmem>>
    %dma_start3A_139 = tpu.memref_squeeze %dma_start3A_138 : memref<1x1x1x96x96xf32, #tpu.memory_space<vmem>> -> memref<1x1x96x96xf32, #tpu.memory_space<vmem>>
    %dma_start3A_140 = arith.constant 14 : i32
    %dma_start3A_141 = arith.constant 0 : i32
    %dma_start3A_142 = arith.constant 0 : i32
    %dma_start3A_143 = tpu.memref_slice %arg6[%dma_start3A_140, %add3A_109, %dma_start3A_141, %dma_start3A_142] : memref<16x192x96x96xf32, #tpu.memory_space<hbm>> -> memref<1x1x96x96xf32, #tpu.memory_space<hbm>>
    %dma_start3A_144 = arith.constant 14 : i32
    %dma_start3A_145 = arith.constant 0 : i32
    %dma_start3A_146 = arith.constant 0 : i32
    %dma_start3A_147 = tpu.memref_slice %arg6[%dma_start3A_144, %add3A_109, %dma_start3A_145, %dma_start3A_146] : memref<16x192x96x96xf32, #tpu.memory_space<hbm>> -> memref<1x1x96x96xf32, #tpu.memory_space<hbm>>
    %dma_start3A_148 = arith.constant 0 : i32
    %dma_start3A_149 = arith.constant 0 : i32
    %dma_start3A_150 = arith.constant 0 : i32
    %dma_start3A_151 = arith.constant 0 : i32
    %dma_start3A_152 = tpu.memref_slice %arg9[%dma_start3A_133, %dma_start3A_148, %dma_start3A_149, %dma_start3A_150, %dma_start3A_151] : memref<8x1x1x96x96xf32, #tpu.memory_space<vmem>> -> memref<1x1x1x96x96xf32, #tpu.memory_space<vmem>>
    %dma_start3A_153 = tpu.memref_squeeze %dma_start3A_152 : memref<1x1x1x96x96xf32, #tpu.memory_space<vmem>> -> memref<1x1x96x96xf32, #tpu.memory_space<vmem>>
    tpu.enqueue_dma source(%dma_start3A_153 : memref<1x1x96x96xf32, #tpu.memory_space<vmem>>) target(%dma_start3A_147 : memref<1x1x96x96xf32, #tpu.memory_space<hbm>>) target_semaphore(%arg24 : memref<!tpu.dma_semaphore, #tpu.memory_space<semaphore_mem>>)
    %add3A_154 = arith.constant 5 : i32
    %add3A_155 = arith.addi %mul3A_2, %add3A_154 : i32
    %dma_wait3A_156 = arith.constant 7 : i32
    %dma_wait3A_157 = arith.constant 0 : i32
    %dma_wait3A_158 = arith.constant 0 : i32
    %dma_wait3A_159 = arith.constant 0 : i32
    %dma_wait3A_160 = arith.constant 0 : i32
    %dma_wait3A_161 = tpu.memref_slice %arg9[%dma_wait3A_156, %dma_wait3A_157, %dma_wait3A_158, %dma_wait3A_159, %dma_wait3A_160] : memref<8x1x1x96x96xf32, #tpu.memory_space<vmem>> -> memref<1x1x1x96x96xf32, #tpu.memory_space<vmem>>
    %dma_wait3A_162 = tpu.memref_squeeze %dma_wait3A_161 : memref<1x1x1x96x96xf32, #tpu.memory_space<vmem>> -> memref<1x1x96x96xf32, #tpu.memory_space<vmem>>
    %dma_wait3A_163 = arith.constant 0 : i32
    %dma_wait3A_164 = arith.constant 0 : i32
    %dma_wait3A_165 = arith.constant 0 : i32
    %dma_wait3A_166 = arith.constant 0 : i32
    %dma_wait3A_167 = tpu.memref_slice %arg2[%dma_wait3A_163, %dma_wait3A_164, %dma_wait3A_165, %dma_wait3A_166] : memref<16x192x96x96xf32, #tpu.memory_space<hbm>> -> memref<1x1x96x96xf32, #tpu.memory_space<hbm>>
    %dma_wait3A_168 = arith.constant 0 : i32
    %dma_wait3A_169 = arith.constant 0 : i32
    %dma_wait3A_170 = arith.constant 0 : i32
    %dma_wait3A_171 = arith.constant 0 : i32
    %dma_wait3A_172 = tpu.memref_slice %arg9[%dma_wait3A_156, %dma_wait3A_168, %dma_wait3A_169, %dma_wait3A_170, %dma_wait3A_171] : memref<8x1x1x96x96xf32, #tpu.memory_space<vmem>> -> memref<1x1x1x96x96xf32, #tpu.memory_space<vmem>>
    %dma_wait3A_173 = tpu.memref_squeeze %dma_wait3A_172 : memref<1x1x1x96x96xf32, #tpu.memory_space<vmem>> -> memref<1x1x96x96xf32, #tpu.memory_space<vmem>>
    %dma_wait3A_174 = arith.constant 0 : i32
    %dma_wait3A_175 = arith.constant 0 : i32
    %dma_wait3A_176 = arith.constant 0 : i32
    %dma_wait3A_177 = arith.constant 0 : i32
    %dma_wait3A_178 = tpu.memref_slice %arg2[%dma_wait3A_174, %dma_wait3A_175, %dma_wait3A_176, %dma_wait3A_177] : memref<16x192x96x96xf32, #tpu.memory_space<hbm>> -> memref<1x1x96x96xf32, #tpu.memory_space<hbm>>
    tpu.wait_dma2 semaphore(%arg17 : memref<!tpu.dma_semaphore, #tpu.memory_space<semaphore_mem>>) src(%dma_wait3A_178 : memref<1x1x96x96xf32, #tpu.memory_space<hbm>>) dst(%dma_wait3A_173 : memref<1x1x96x96xf32, #tpu.memory_space<vmem>>)
    %dma_start3A_179 = arith.constant 7 : i32
    %dma_start3A_180 = arith.constant 0 : i32
    %dma_start3A_181 = arith.constant 0 : i32
    %dma_start3A_182 = arith.constant 0 : i32
    %dma_start3A_183 = arith.constant 0 : i32
    %dma_start3A_184 = tpu.memref_slice %arg9[%dma_start3A_179, %dma_start3A_180, %dma_start3A_181, %dma_start3A_182, %dma_start3A_183] : memref<8x1x1x96x96xf32, #tpu.memory_space<vmem>> -> memref<1x1x1x96x96xf32, #tpu.memory_space<vmem>>
    %dma_start3A_185 = tpu.memref_squeeze %dma_start3A_184 : memref<1x1x1x96x96xf32, #tpu.memory_space<vmem>> -> memref<1x1x96x96xf32, #tpu.memory_space<vmem>>
    %dma_start3A_186 = arith.constant 15 : i32
    %dma_start3A_187 = arith.constant 0 : i32
    %dma_start3A_188 = arith.constant 0 : i32
    %dma_start3A_189 = tpu.memref_slice %arg6[%dma_start3A_186, %add3A_155, %dma_start3A_187, %dma_start3A_188] : memref<16x192x96x96xf32, #tpu.memory_space<hbm>> -> memref<1x1x96x96xf32, #tpu.memory_space<hbm>>
    %dma_start3A_190 = arith.constant 15 : i32
    %dma_start3A_191 = arith.constant 0 : i32
    %dma_start3A_192 = arith.constant 0 : i32
    %dma_start3A_193 = tpu.memref_slice %arg6[%dma_start3A_190, %add3A_155, %dma_start3A_191, %dma_start3A_192] : memref<16x192x96x96xf32, #tpu.memory_space<hbm>> -> memref<1x1x96x96xf32, #tpu.memory_space<hbm>>
    %dma_start3A_194 = arith.constant 0 : i32
    %dma_start3A_195 = arith.constant 0 : i32
    %dma_start3A_196 = arith.constant 0 : i32
    %dma_start3A_197 = arith.constant 0 : i32
    %dma_start3A_198 = tpu.memref_slice %arg9[%dma_start3A_179, %dma_start3A_194, %dma_start3A_195, %dma_start3A_196, %dma_start3A_197] : memref<8x1x1x96x96xf32, #tpu.memory_space<vmem>> -> memref<1x1x1x96x96xf32, #tpu.memory_space<vmem>>
    %dma_start3A_199 = tpu.memref_squeeze %dma_start3A_198 : memref<1x1x1x96x96xf32, #tpu.memory_space<vmem>> -> memref<1x1x96x96xf32, #tpu.memory_space<vmem>>
    tpu.enqueue_dma source(%dma_start3A_199 : memref<1x1x96x96xf32, #tpu.memory_space<vmem>>) target(%dma_start3A_193 : memref<1x1x96x96xf32, #tpu.memory_space<hbm>>) target_semaphore(%arg25 : memref<!tpu.dma_semaphore, #tpu.memory_space<semaphore_mem>>)
    %dma_wait3A_200 = arith.constant 0 : i32
    %dma_wait3A_201 = arith.constant 0 : i32
    %dma_wait3A_202 = arith.constant 0 : i32
    %dma_wait3A_203 = arith.constant 0 : i32
    %dma_wait3A_204 = arith.constant 0 : i32
    %dma_wait3A_205 = tpu.memref_slice %arg9[%dma_wait3A_200, %dma_wait3A_201, %dma_wait3A_202, %dma_wait3A_203, %dma_wait3A_204] : memref<8x1x1x96x96xf32, #tpu.memory_space<vmem>> -> memref<1x1x1x96x96xf32, #tpu.memory_space<vmem>>
    %dma_wait3A_206 = tpu.memref_squeeze %dma_wait3A_205 : memref<1x1x1x96x96xf32, #tpu.memory_space<vmem>> -> memref<1x1x96x96xf32, #tpu.memory_space<vmem>>
    %dma_wait3A_207 = arith.constant 0 : i32
    %dma_wait3A_208 = arith.constant 0 : i32
    %dma_wait3A_209 = arith.constant 0 : i32
    %dma_wait3A_210 = arith.constant 0 : i32
    %dma_wait3A_211 = tpu.memref_slice %arg6[%dma_wait3A_207, %dma_wait3A_208, %dma_wait3A_209, %dma_wait3A_210] : memref<16x192x96x96xf32, #tpu.memory_space<hbm>> -> memref<1x1x96x96xf32, #tpu.memory_space<hbm>>
    %dma_wait3A_212 = arith.constant 0 : i32
    %dma_wait3A_213 = arith.constant 0 : i32
    %dma_wait3A_214 = arith.constant 0 : i32
    %dma_wait3A_215 = arith.constant 0 : i32
    %dma_wait3A_216 = tpu.memref_slice %arg6[%dma_wait3A_212, %dma_wait3A_213, %dma_wait3A_214, %dma_wait3A_215] : memref<16x192x96x96xf32, #tpu.memory_space<hbm>> -> memref<1x1x96x96xf32, #tpu.memory_space<hbm>>
    %dma_wait3A_217 = arith.constant 0 : i32
    %dma_wait3A_218 = arith.constant 0 : i32
    %dma_wait3A_219 = arith.constant 0 : i32
    %dma_wait3A_220 = arith.constant 0 : i32
    %dma_wait3A_221 = tpu.memref_slice %arg9[%dma_wait3A_200, %dma_wait3A_217, %dma_wait3A_218, %dma_wait3A_219, %dma_wait3A_220] : memref<8x1x1x96x96xf32, #tpu.memory_space<vmem>> -> memref<1x1x1x96x96xf32, #tpu.memory_space<vmem>>
    %dma_wait3A_222 = tpu.memref_squeeze %dma_wait3A_221 : memref<1x1x1x96x96xf32, #tpu.memory_space<vmem>> -> memref<1x1x96x96xf32, #tpu.memory_space<vmem>>
    tpu.wait_dma2 semaphore(%arg18 : memref<!tpu.dma_semaphore, #tpu.memory_space<semaphore_mem>>) src(%dma_wait3A_222 : memref<1x1x96x96xf32, #tpu.memory_space<vmem>>) dst(%dma_wait3A_216 : memref<1x1x96x96xf32, #tpu.memory_space<hbm>>)
    %dma_wait3A_223 = arith.constant 1 : i32
    %dma_wait3A_224 = arith.constant 0 : i32
    %dma_wait3A_225 = arith.constant 0 : i32
    %dma_wait3A_226 = arith.constant 0 : i32
    %dma_wait3A_227 = arith.constant 0 : i32
    %dma_wait3A_228 = tpu.memref_slice %arg9[%dma_wait3A_223, %dma_wait3A_224, %dma_wait3A_225, %dma_wait3A_226, %dma_wait3A_227] : memref<8x1x1x96x96xf32, #tpu.memory_space<vmem>> -> memref<1x1x1x96x96xf32, #tpu.memory_space<vmem>>
    %dma_wait3A_229 = tpu.memref_squeeze %dma_wait3A_228 : memref<1x1x1x96x96xf32, #tpu.memory_space<vmem>> -> memref<1x1x96x96xf32, #tpu.memory_space<vmem>>
    %dma_wait3A_230 = arith.constant 0 : i32
    %dma_wait3A_231 = arith.constant 0 : i32
    %dma_wait3A_232 = arith.constant 0 : i32
    %dma_wait3A_233 = arith.constant 0 : i32
    %dma_wait3A_234 = tpu.memref_slice %arg6[%dma_wait3A_230, %dma_wait3A_231, %dma_wait3A_232, %dma_wait3A_233] : memref<16x192x96x96xf32, #tpu.memory_space<hbm>> -> memref<1x1x96x96xf32, #tpu.memory_space<hbm>>
    %dma_wait3A_235 = arith.constant 0 : i32
    %dma_wait3A_236 = arith.constant 0 : i32
    %dma_wait3A_237 = arith.constant 0 : i32
    %dma_wait3A_238 = arith.constant 0 : i32
    %dma_wait3A_239 = tpu.memref_slice %arg6[%dma_wait3A_235, %dma_wait3A_236, %dma_wait3A_237, %dma_wait3A_238] : memref<16x192x96x96xf32, #tpu.memory_space<hbm>> -> memref<1x1x96x96xf32, #tpu.memory_space<hbm>>
    %dma_wait3A_240 = arith.constant 0 : i32
    %dma_wait3A_241 = arith.constant 0 : i32
    %dma_wait3A_242 = arith.constant 0 : i32
    %dma_wait3A_243 = arith.constant 0 : i32
    %dma_wait3A_244 = tpu.memref_slice %arg9[%dma_wait3A_223, %dma_wait3A_240, %dma_wait3A_241, %dma_wait3A_242, %dma_wait3A_243] : memref<8x1x1x96x96xf32, #tpu.memory_space<vmem>> -> memref<1x1x1x96x96xf32, #tpu.memory_space<vmem>>
    %dma_wait3A_245 = tpu.memref_squeeze %dma_wait3A_244 : memref<1x1x1x96x96xf32, #tpu.memory_space<vmem>> -> memref<1x1x96x96xf32, #tpu.memory_space<vmem>>
    tpu.wait_dma2 semaphore(%arg19 : memref<!tpu.dma_semaphore, #tpu.memory_space<semaphore_mem>>) src(%dma_wait3A_245 : memref<1x1x96x96xf32, #tpu.memory_space<vmem>>) dst(%dma_wait3A_239 : memref<1x1x96x96xf32, #tpu.memory_space<hbm>>)
    %dma_wait3A_246 = arith.constant 2 : i32
    %dma_wait3A_247 = arith.constant 0 : i32
    %dma_wait3A_248 = arith.constant 0 : i32
    %dma_wait3A_249 = arith.constant 0 : i32
    %dma_wait3A_250 = arith.constant 0 : i32
    %dma_wait3A_251 = tpu.memref_slice %arg9[%dma_wait3A_246, %dma_wait3A_247, %dma_wait3A_248, %dma_wait3A_249, %dma_wait3A_250] : memref<8x1x1x96x96xf32, #tpu.memory_space<vmem>> -> memref<1x1x1x96x96xf32, #tpu.memory_space<vmem>>
    %dma_wait3A_252 = tpu.memref_squeeze %dma_wait3A_251 : memref<1x1x1x96x96xf32, #tpu.memory_space<vmem>> -> memref<1x1x96x96xf32, #tpu.memory_space<vmem>>
    %dma_wait3A_253 = arith.constant 0 : i32
    %dma_wait3A_254 = arith.constant 0 : i32
    %dma_wait3A_255 = arith.constant 0 : i32
    %dma_wait3A_256 = arith.constant 0 : i32
    %dma_wait3A_257 = tpu.memref_slice %arg6[%dma_wait3A_253, %dma_wait3A_254, %dma_wait3A_255, %dma_wait3A_256] : memref<16x192x96x96xf32, #tpu.memory_space<hbm>> -> memref<1x1x96x96xf32, #tpu.memory_space<hbm>>
    %dma_wait3A_258 = arith.constant 0 : i32
    %dma_wait3A_259 = arith.constant 0 : i32
    %dma_wait3A_260 = arith.constant 0 : i32
    %dma_wait3A_261 = arith.constant 0 : i32
    %dma_wait3A_262 = tpu.memref_slice %arg6[%dma_wait3A_258, %dma_wait3A_259, %dma_wait3A_260, %dma_wait3A_261] : memref<16x192x96x96xf32, #tpu.memory_space<hbm>> -> memref<1x1x96x96xf32, #tpu.memory_space<hbm>>
    %dma_wait3A_263 = arith.constant 0 : i32
    %dma_wait3A_264 = arith.constant 0 : i32
    %dma_wait3A_265 = arith.constant 0 : i32
    %dma_wait3A_266 = arith.constant 0 : i32
    %dma_wait3A_267 = tpu.memref_slice %arg9[%dma_wait3A_246, %dma_wait3A_263, %dma_wait3A_264, %dma_wait3A_265, %dma_wait3A_266] : memref<8x1x1x96x96xf32, #tpu.memory_space<vmem>> -> memref<1x1x1x96x96xf32, #tpu.memory_space<vmem>>
    %dma_wait3A_268 = tpu.memref_squeeze %dma_wait3A_267 : memref<1x1x1x96x96xf32, #tpu.memory_space<vmem>> -> memref<1x1x96x96xf32, #tpu.memory_space<vmem>>
    tpu.wait_dma2 semaphore(%arg20 : memref<!tpu.dma_semaphore, #tpu.memory_space<semaphore_mem>>) src(%dma_wait3A_268 : memref<1x1x96x96xf32, #tpu.memory_space<vmem>>) dst(%dma_wait3A_262 : memref<1x1x96x96xf32, #tpu.memory_space<hbm>>)
    %dma_wait3A_269 = arith.constant 3 : i32
    %dma_wait3A_270 = arith.constant 0 : i32
    %dma_wait3A_271 = arith.constant 0 : i32
    %dma_wait3A_272 = arith.constant 0 : i32
    %dma_wait3A_273 = arith.constant 0 : i32
    %dma_wait3A_274 = tpu.memref_slice %arg9[%dma_wait3A_269, %dma_wait3A_270, %dma_wait3A_271, %dma_wait3A_272, %dma_wait3A_273] : memref<8x1x1x96x96xf32, #tpu.memory_space<vmem>> -> memref<1x1x1x96x96xf32, #tpu.memory_space<vmem>>
    %dma_wait3A_275 = tpu.memref_squeeze %dma_wait3A_274 : memref<1x1x1x96x96xf32, #tpu.memory_space<vmem>> -> memref<1x1x96x96xf32, #tpu.memory_space<vmem>>
    %dma_wait3A_276 = arith.constant 0 : i32
    %dma_wait3A_277 = arith.constant 0 : i32
    %dma_wait3A_278 = arith.constant 0 : i32
    %dma_wait3A_279 = arith.constant 0 : i32
    %dma_wait3A_280 = tpu.memref_slice %arg6[%dma_wait3A_276, %dma_wait3A_277, %dma_wait3A_278, %dma_wait3A_279] : memref<16x192x96x96xf32, #tpu.memory_space<hbm>> -> memref<1x1x96x96xf32, #tpu.memory_space<hbm>>
    %dma_wait3A_281 = arith.constant 0 : i32
    %dma_wait3A_282 = arith.constant 0 : i32
    %dma_wait3A_283 = arith.constant 0 : i32
    %dma_wait3A_284 = arith.constant 0 : i32
    %dma_wait3A_285 = tpu.memref_slice %arg6[%dma_wait3A_281, %dma_wait3A_282, %dma_wait3A_283, %dma_wait3A_284] : memref<16x192x96x96xf32, #tpu.memory_space<hbm>> -> memref<1x1x96x96xf32, #tpu.memory_space<hbm>>
    %dma_wait3A_286 = arith.constant 0 : i32
    %dma_wait3A_287 = arith.constant 0 : i32
    %dma_wait3A_288 = arith.constant 0 : i32
    %dma_wait3A_289 = arith.constant 0 : i32
    %dma_wait3A_290 = tpu.memref_slice %arg9[%dma_wait3A_269, %dma_wait3A_286, %dma_wait3A_287, %dma_wait3A_288, %dma_wait3A_289] : memref<8x1x1x96x96xf32, #tpu.memory_space<vmem>> -> memref<1x1x1x96x96xf32, #tpu.memory_space<vmem>>
    %dma_wait3A_291 = tpu.memref_squeeze %dma_wait3A_290 : memref<1x1x1x96x96xf32, #tpu.memory_space<vmem>> -> memref<1x1x96x96xf32, #tpu.memory_space<vmem>>
    tpu.wait_dma2 semaphore(%arg21 : memref<!tpu.dma_semaphore, #tpu.memory_space<semaphore_mem>>) src(%dma_wait3A_291 : memref<1x1x96x96xf32, #tpu.memory_space<vmem>>) dst(%dma_wait3A_285 : memref<1x1x96x96xf32, #tpu.memory_space<hbm>>)
    %dma_wait3A_292 = arith.constant 4 : i32
    %dma_wait3A_293 = arith.constant 0 : i32
    %dma_wait3A_294 = arith.constant 0 : i32
    %dma_wait3A_295 = arith.constant 0 : i32
    %dma_wait3A_296 = arith.constant 0 : i32
    %dma_wait3A_297 = tpu.memref_slice %arg9[%dma_wait3A_292, %dma_wait3A_293, %dma_wait3A_294, %dma_wait3A_295, %dma_wait3A_296] : memref<8x1x1x96x96xf32, #tpu.memory_space<vmem>> -> memref<1x1x1x96x96xf32, #tpu.memory_space<vmem>>
    %dma_wait3A_298 = tpu.memref_squeeze %dma_wait3A_297 : memref<1x1x1x96x96xf32, #tpu.memory_space<vmem>> -> memref<1x1x96x96xf32, #tpu.memory_space<vmem>>
    %dma_wait3A_299 = arith.constant 0 : i32
    %dma_wait3A_300 = arith.constant 0 : i32
    %dma_wait3A_301 = arith.constant 0 : i32
    %dma_wait3A_302 = arith.constant 0 : i32
    %dma_wait3A_303 = tpu.memref_slice %arg6[%dma_wait3A_299, %dma_wait3A_300, %dma_wait3A_301, %dma_wait3A_302] : memref<16x192x96x96xf32, #tpu.memory_space<hbm>> -> memref<1x1x96x96xf32, #tpu.memory_space<hbm>>
    %dma_wait3A_304 = arith.constant 0 : i32
    %dma_wait3A_305 = arith.constant 0 : i32
    %dma_wait3A_306 = arith.constant 0 : i32
    %dma_wait3A_307 = arith.constant 0 : i32
    %dma_wait3A_308 = tpu.memref_slice %arg6[%dma_wait3A_304, %dma_wait3A_305, %dma_wait3A_306, %dma_wait3A_307] : memref<16x192x96x96xf32, #tpu.memory_space<hbm>> -> memref<1x1x96x96xf32, #tpu.memory_space<hbm>>
    %dma_wait3A_309 = arith.constant 0 : i32
    %dma_wait3A_310 = arith.constant 0 : i32
    %dma_wait3A_311 = arith.constant 0 : i32
    %dma_wait3A_312 = arith.constant 0 : i32
    %dma_wait3A_313 = tpu.memref_slice %arg9[%dma_wait3A_292, %dma_wait3A_309, %dma_wait3A_310, %dma_wait3A_311, %dma_wait3A_312] : memref<8x1x1x96x96xf32, #tpu.memory_space<vmem>> -> memref<1x1x1x96x96xf32, #tpu.memory_space<vmem>>
    %dma_wait3A_314 = tpu.memref_squeeze %dma_wait3A_313 : memref<1x1x1x96x96xf32, #tpu.memory_space<vmem>> -> memref<1x1x96x96xf32, #tpu.memory_space<vmem>>
    tpu.wait_dma2 semaphore(%arg22 : memref<!tpu.dma_semaphore, #tpu.memory_space<semaphore_mem>>) src(%dma_wait3A_314 : memref<1x1x96x96xf32, #tpu.memory_space<vmem>>) dst(%dma_wait3A_308 : memref<1x1x96x96xf32, #tpu.memory_space<hbm>>)
    %dma_wait3A_315 = arith.constant 5 : i32
    %dma_wait3A_316 = arith.constant 0 : i32
    %dma_wait3A_317 = arith.constant 0 : i32
    %dma_wait3A_318 = arith.constant 0 : i32
    %dma_wait3A_319 = arith.constant 0 : i32
    %dma_wait3A_320 = tpu.memref_slice %arg9[%dma_wait3A_315, %dma_wait3A_316, %dma_wait3A_317, %dma_wait3A_318, %dma_wait3A_319] : memref<8x1x1x96x96xf32, #tpu.memory_space<vmem>> -> memref<1x1x1x96x96xf32, #tpu.memory_space<vmem>>
    %dma_wait3A_321 = tpu.memref_squeeze %dma_wait3A_320 : memref<1x1x1x96x96xf32, #tpu.memory_space<vmem>> -> memref<1x1x96x96xf32, #tpu.memory_space<vmem>>
    %dma_wait3A_322 = arith.constant 0 : i32
    %dma_wait3A_323 = arith.constant 0 : i32
    %dma_wait3A_324 = arith.constant 0 : i32
    %dma_wait3A_325 = arith.constant 0 : i32
    %dma_wait3A_326 = tpu.memref_slice %arg6[%dma_wait3A_322, %dma_wait3A_323, %dma_wait3A_324, %dma_wait3A_325] : memref<16x192x96x96xf32, #tpu.memory_space<hbm>> -> memref<1x1x96x96xf32, #tpu.memory_space<hbm>>
    %dma_wait3A_327 = arith.constant 0 : i32
    %dma_wait3A_328 = arith.constant 0 : i32
    %dma_wait3A_329 = arith.constant 0 : i32
    %dma_wait3A_330 = arith.constant 0 : i32
    %dma_wait3A_331 = tpu.memref_slice %arg6[%dma_wait3A_327, %dma_wait3A_328, %dma_wait3A_329, %dma_wait3A_330] : memref<16x192x96x96xf32, #tpu.memory_space<hbm>> -> memref<1x1x96x96xf32, #tpu.memory_space<hbm>>
    %dma_wait3A_332 = arith.constant 0 : i32
    %dma_wait3A_333 = arith.constant 0 : i32
    %dma_wait3A_334 = arith.constant 0 : i32
    %dma_wait3A_335 = arith.constant 0 : i32
    %dma_wait3A_336 = tpu.memref_slice %arg9[%dma_wait3A_315, %dma_wait3A_332, %dma_wait3A_333, %dma_wait3A_334, %dma_wait3A_335] : memref<8x1x1x96x96xf32, #tpu.memory_space<vmem>> -> memref<1x1x1x96x96xf32, #tpu.memory_space<vmem>>
    %dma_wait3A_337 = tpu.memref_squeeze %dma_wait3A_336 : memref<1x1x1x96x96xf32, #tpu.memory_space<vmem>> -> memref<1x1x96x96xf32, #tpu.memory_space<vmem>>
    tpu.wait_dma2 semaphore(%arg23 : memref<!tpu.dma_semaphore, #tpu.memory_space<semaphore_mem>>) src(%dma_wait3A_337 : memref<1x1x96x96xf32, #tpu.memory_space<vmem>>) dst(%dma_wait3A_331 : memref<1x1x96x96xf32, #tpu.memory_space<hbm>>)
    %dma_wait3A_338 = arith.constant 6 : i32
    %dma_wait3A_339 = arith.constant 0 : i32
    %dma_wait3A_340 = arith.constant 0 : i32
    %dma_wait3A_341 = arith.constant 0 : i32
    %dma_wait3A_342 = arith.constant 0 : i32
    %dma_wait3A_343 = tpu.memref_slice %arg9[%dma_wait3A_338, %dma_wait3A_339, %dma_wait3A_340, %dma_wait3A_341, %dma_wait3A_342] : memref<8x1x1x96x96xf32, #tpu.memory_space<vmem>> -> memref<1x1x1x96x96xf32, #tpu.memory_space<vmem>>
    %dma_wait3A_344 = tpu.memref_squeeze %dma_wait3A_343 : memref<1x1x1x96x96xf32, #tpu.memory_space<vmem>> -> memref<1x1x96x96xf32, #tpu.memory_space<vmem>>
    %dma_wait3A_345 = arith.constant 0 : i32
    %dma_wait3A_346 = arith.constant 0 : i32
    %dma_wait3A_347 = arith.constant 0 : i32
    %dma_wait3A_348 = arith.constant 0 : i32
    %dma_wait3A_349 = tpu.memref_slice %arg6[%dma_wait3A_345, %dma_wait3A_346, %dma_wait3A_347, %dma_wait3A_348] : memref<16x192x96x96xf32, #tpu.memory_space<hbm>> -> memref<1x1x96x96xf32, #tpu.memory_space<hbm>>
    %dma_wait3A_350 = arith.constant 0 : i32
    %dma_wait3A_351 = arith.constant 0 : i32
    %dma_wait3A_352 = arith.constant 0 : i32
    %dma_wait3A_353 = arith.constant 0 : i32
    %dma_wait3A_354 = tpu.memref_slice %arg6[%dma_wait3A_350, %dma_wait3A_351, %dma_wait3A_352, %dma_wait3A_353] : memref<16x192x96x96xf32, #tpu.memory_space<hbm>> -> memref<1x1x96x96xf32, #tpu.memory_space<hbm>>
    %dma_wait3A_355 = arith.constant 0 : i32
    %dma_wait3A_356 = arith.constant 0 : i32
    %dma_wait3A_357 = arith.constant 0 : i32
    %dma_wait3A_358 = arith.constant 0 : i32
    %dma_wait3A_359 = tpu.memref_slice %arg9[%dma_wait3A_338, %dma_wait3A_355, %dma_wait3A_356, %dma_wait3A_357, %dma_wait3A_358] : memref<8x1x1x96x96xf32, #tpu.memory_space<vmem>> -> memref<1x1x1x96x96xf32, #tpu.memory_space<vmem>>
    %dma_wait3A_360 = tpu.memref_squeeze %dma_wait3A_359 : memref<1x1x1x96x96xf32, #tpu.memory_space<vmem>> -> memref<1x1x96x96xf32, #tpu.memory_space<vmem>>
    tpu.wait_dma2 semaphore(%arg24 : memref<!tpu.dma_semaphore, #tpu.memory_space<semaphore_mem>>) src(%dma_wait3A_360 : memref<1x1x96x96xf32, #tpu.memory_space<vmem>>) dst(%dma_wait3A_354 : memref<1x1x96x96xf32, #tpu.memory_space<hbm>>)
    %dma_wait3A_361 = arith.constant 7 : i32
    %dma_wait3A_362 = arith.constant 0 : i32
    %dma_wait3A_363 = arith.constant 0 : i32
    %dma_wait3A_364 = arith.constant 0 : i32
    %dma_wait3A_365 = arith.constant 0 : i32
    %dma_wait3A_366 = tpu.memref_slice %arg9[%dma_wait3A_361, %dma_wait3A_362, %dma_wait3A_363, %dma_wait3A_364, %dma_wait3A_365] : memref<8x1x1x96x96xf32, #tpu.memory_space<vmem>> -> memref<1x1x1x96x96xf32, #tpu.memory_space<vmem>>
    %dma_wait3A_367 = tpu.memref_squeeze %dma_wait3A_366 : memref<1x1x1x96x96xf32, #tpu.memory_space<vmem>> -> memref<1x1x96x96xf32, #tpu.memory_space<vmem>>
    %dma_wait3A_368 = arith.constant 0 : i32
    %dma_wait3A_369 = arith.constant 0 : i32
    %dma_wait3A_370 = arith.constant 0 : i32
    %dma_wait3A_371 = arith.constant 0 : i32
    %dma_wait3A_372 = tpu.memref_slice %arg6[%dma_wait3A_368, %dma_wait3A_369, %dma_wait3A_370, %dma_wait3A_371] : memref<16x192x96x96xf32, #tpu.memory_space<hbm>> -> memref<1x1x96x96xf32, #tpu.memory_space<hbm>>
    %dma_wait3A_373 = arith.constant 0 : i32
    %dma_wait3A_374 = arith.constant 0 : i32
    %dma_wait3A_375 = arith.constant 0 : i32
    %dma_wait3A_376 = arith.constant 0 : i32
    %dma_wait3A_377 = tpu.memref_slice %arg6[%dma_wait3A_373, %dma_wait3A_374, %dma_wait3A_375, %dma_wait3A_376] : memref<16x192x96x96xf32, #tpu.memory_space<hbm>> -> memref<1x1x96x96xf32, #tpu.memory_space<hbm>>
    %dma_wait3A_378 = arith.constant 0 : i32
    %dma_wait3A_379 = arith.constant 0 : i32
    %dma_wait3A_380 = arith.constant 0 : i32
    %dma_wait3A_381 = arith.constant 0 : i32
    %dma_wait3A_382 = tpu.memref_slice %arg9[%dma_wait3A_361, %dma_wait3A_378, %dma_wait3A_379, %dma_wait3A_380, %dma_wait3A_381] : memref<8x1x1x96x96xf32, #tpu.memory_space<vmem>> -> memref<1x1x1x96x96xf32, #tpu.memory_space<vmem>>
    %dma_wait3A_383 = tpu.memref_squeeze %dma_wait3A_382 : memref<1x1x1x96x96xf32, #tpu.memory_space<vmem>> -> memref<1x1x96x96xf32, #tpu.memory_space<vmem>>
    tpu.wait_dma2 semaphore(%arg25 : memref<!tpu.dma_semaphore, #tpu.memory_space<semaphore_mem>>) src(%dma_wait3A_383 : memref<1x1x96x96xf32, #tpu.memory_space<vmem>>) dst(%dma_wait3A_377 : memref<1x1x96x96xf32, #tpu.memory_space<hbm>>)
    return
  }
}

module attributes {stable_mosaic.version = 14 : i64} {
  func.func @tc_copy(%arg0: memref<16x192x96x96xf32, #tpu.memory_space<any>>, %arg1: memref<16x192x96x96xf32, #tpu.memory_space<any>>, %arg2: memref<192xf32, #tpu.memory_space<smem>>, %arg3: memref<1xf32, #tpu.memory_space<smem>>, %arg4: memref<16x192x96x96xf32, #tpu.memory_space<any>>, %arg5: memref<16x16x1x96x96xf32, #tpu.memory_space<vmem>>, %arg6: memref<!tpu.dma_semaphore, #tpu.memory_space<semaphore_mem>>, %arg7: memref<!tpu.dma_semaphore, #tpu.memory_space<semaphore_mem>>, %arg8: memref<!tpu.dma_semaphore, #tpu.memory_space<semaphore_mem>>, %arg9: memref<!tpu.dma_semaphore, #tpu.memory_space<semaphore_mem>>, %arg10: memref<!tpu.dma_semaphore, #tpu.memory_space<semaphore_mem>>, %arg11: memref<!tpu.dma_semaphore, #tpu.memory_space<semaphore_mem>>, %arg12: memref<!tpu.dma_semaphore, #tpu.memory_space<semaphore_mem>>, %arg13: memref<!tpu.dma_semaphore, #tpu.memory_space<semaphore_mem>>, %arg14: memref<!tpu.dma_semaphore, #tpu.memory_space<semaphore_mem>>, %arg15: memref<!tpu.dma_semaphore, #tpu.memory_space<semaphore_mem>>, %arg16: memref<!tpu.dma_semaphore, #tpu.memory_space<semaphore_mem>>, %arg17: memref<!tpu.dma_semaphore, #tpu.memory_space<semaphore_mem>>, %arg18: memref<!tpu.dma_semaphore, #tpu.memory_space<semaphore_mem>>, %arg19: memref<!tpu.dma_semaphore, #tpu.memory_space<semaphore_mem>>, %arg20: memref<!tpu.dma_semaphore, #tpu.memory_space<semaphore_mem>>, %arg21: memref<!tpu.dma_semaphore, #tpu.memory_space<semaphore_mem>>, %arg22: memref<!tpu.dma_semaphore, #tpu.memory_space<semaphore_mem>>, %arg23: memref<!tpu.dma_semaphore, #tpu.memory_space<semaphore_mem>>, %arg24: memref<!tpu.dma_semaphore, #tpu.memory_space<semaphore_mem>>, %arg25: memref<!tpu.dma_semaphore, #tpu.memory_space<semaphore_mem>>, %arg26: memref<!tpu.dma_semaphore, #tpu.memory_space<semaphore_mem>>, %arg27: memref<!tpu.dma_semaphore, #tpu.memory_space<semaphore_mem>>, %arg28: memref<!tpu.dma_semaphore, #tpu.memory_space<semaphore_mem>>, %arg29: memref<!tpu.dma_semaphore, #tpu.memory_space<semaphore_mem>>, %arg30: memref<!tpu.dma_semaphore, #tpu.memory_space<semaphore_mem>>, %arg31: memref<!tpu.dma_semaphore, #tpu.memory_space<semaphore_mem>>, %arg32: memref<!tpu.dma_semaphore, #tpu.memory_space<semaphore_mem>>, %arg33: memref<!tpu.dma_semaphore, #tpu.memory_space<semaphore_mem>>, %arg34: memref<!tpu.dma_semaphore, #tpu.memory_space<semaphore_mem>>, %arg35: memref<!tpu.dma_semaphore, #tpu.memory_space<semaphore_mem>>, %arg36: memref<!tpu.dma_semaphore, #tpu.memory_space<semaphore_mem>>, %arg37: memref<!tpu.dma_semaphore, #tpu.memory_space<semaphore_mem>>) attributes {dimension_semantics = [], scalar_prefetch = 0 : i64, scratch_operands = 33 : i64, tpu.core_type = #tpu.core_type<tc>} {
    %get3A = arith.constant 0 : index
    %get3A_0 = memref.load %arg3[%get3A] : memref<1xf32, #tpu.memory_space<smem>>
    %scan3A = arith.constant 0 : i32
    %scan3A_1 = arith.constant 8 : i32
    %scan3A_2 = arith.constant 1 : i32
    %scan3A_3 = arith.constant 9 : i32
    %scan3A_4 = arith.constant 2 : i32
    %scan3A_5 = arith.constant 10 : i32
    %scan3A_6 = arith.constant 3 : i32
    %scan3A_7 = arith.constant 11 : i32
    %scan3A_8 = arith.constant 4 : i32
    %scan3A_9 = arith.constant 12 : i32
    %scan3A_10 = arith.constant 5 : i32
    %scan3A_11 = arith.constant 13 : i32
    %scan3A_12 = arith.constant 6 : i32
    %scan3A_13 = arith.constant 14 : i32
    %scan3A_14 = arith.constant 7 : i32
    %scan3A_15 = arith.constant 15 : i32
    %scan3A_16 = arith.constant 0 : i32
    %scan3A_17 = arith.constant 12 : i32
    %scan3A_18 = arith.addi %scan3A_16, %scan3A_17 : i32
    %scan3A_19 = arith.constant 1 : i32
    scf.for %scan3A_403 = %scan3A_16 to %scan3A_18 step %scan3A_19  : i32 {
      %mul3A = arith.constant 16 : i32
      %mul3A_404 = arith.muli %scan3A_403, %mul3A : i32
      %add3A = arith.constant 0 : i32
      %add3A_405 = arith.addi %mul3A_404, %add3A : i32
      %ge3A = arith.constant 1 : i32
      %ge3A_406 = arith.cmpi sge, %scan3A_403, %ge3A : i32
      %convert_element_type3A = arith.extui %ge3A_406 : i1 to i32
      %cond3A = arith.constant 0 : i32
      %cond3A_407 = arith.cmpi ne, %convert_element_type3A, %cond3A : i32
      scf.if %cond3A_407 {
        %dma_wait3A_843 = arith.constant 0 : i32
        %dma_wait3A_844 = arith.constant 0 : i32
        %dma_wait3A_845 = arith.constant 0 : i32
        %dma_wait3A_846 = arith.constant 0 : i32
        %dma_wait3A_847 = tpu.memref_slice %arg4[%dma_wait3A_843, %dma_wait3A_844, %dma_wait3A_845, %dma_wait3A_846] : memref<16x192x96x96xf32, #tpu.memory_space<any>> -> memref<16x1x96x96xf32, #tpu.memory_space<any>>
        %dma_wait3A_848 = arith.constant 0 : i32
        %dma_wait3A_849 = arith.constant 0 : i32
        %dma_wait3A_850 = arith.constant 0 : i32
        %dma_wait3A_851 = arith.constant 0 : i32
        %dma_wait3A_852 = tpu.memref_slice %arg5[%scan3A, %dma_wait3A_848, %dma_wait3A_849, %dma_wait3A_850, %dma_wait3A_851] : memref<16x16x1x96x96xf32, #tpu.memory_space<vmem>> -> memref<1x16x1x96x96xf32, #tpu.memory_space<vmem>>
        %dma_wait3A_853 = tpu.memref_squeeze %dma_wait3A_852 : memref<1x16x1x96x96xf32, #tpu.memory_space<vmem>> -> memref<16x1x96x96xf32, #tpu.memory_space<vmem>>
        tpu.wait_dma2 semaphore(%arg22 : memref<!tpu.dma_semaphore, #tpu.memory_space<semaphore_mem>>) src(%dma_wait3A_853 : memref<16x1x96x96xf32, #tpu.memory_space<vmem>>) dst(%dma_wait3A_847 : memref<16x1x96x96xf32, #tpu.memory_space<any>>)
      } else {
      }
      %get3A_408 = arith.index_cast %add3A_405 : i32 to index
      %get3A_409 = memref.load %arg2[%get3A_408] : memref<192xf32, #tpu.memory_space<smem>>
      %abs3A = math.absf %get3A_409 : f32
      %lt3A = arith.cmpf olt, %abs3A, %get3A_0 : f32
      %convert_element_type3A_410 = arith.extui %lt3A : i1 to i32
      %cond3A_411 = arith.constant 0 : i32
      %cond3A_412 = arith.cmpi ne, %convert_element_type3A_410, %cond3A_411 : i32
      scf.if %cond3A_412 {
        %dma_start3A_843 = arith.constant 0 : i32
        %dma_start3A_844 = arith.constant 0 : i32
        %dma_start3A_845 = arith.constant 0 : i32
        %dma_start3A_846 = arith.constant 0 : i32
        %dma_start3A_847 = tpu.memref_slice %arg5[%scan3A, %dma_start3A_843, %dma_start3A_844, %dma_start3A_845, %dma_start3A_846] : memref<16x16x1x96x96xf32, #tpu.memory_space<vmem>> -> memref<1x16x1x96x96xf32, #tpu.memory_space<vmem>>
        %dma_start3A_848 = tpu.memref_squeeze %dma_start3A_847 : memref<1x16x1x96x96xf32, #tpu.memory_space<vmem>> -> memref<16x1x96x96xf32, #tpu.memory_space<vmem>>
        %dma_start3A_849 = arith.constant 0 : i32
        %dma_start3A_850 = arith.constant 0 : i32
        %dma_start3A_851 = arith.constant 0 : i32
        %dma_start3A_852 = tpu.memref_slice %arg1[%dma_start3A_849, %add3A_405, %dma_start3A_850, %dma_start3A_851] : memref<16x192x96x96xf32, #tpu.memory_space<any>> -> memref<16x1x96x96xf32, #tpu.memory_space<any>>
        tpu.enqueue_dma source(%dma_start3A_852 : memref<16x1x96x96xf32, #tpu.memory_space<any>>) target(%dma_start3A_848 : memref<16x1x96x96xf32, #tpu.memory_space<vmem>>) target_semaphore(%arg6 : memref<!tpu.dma_semaphore, #tpu.memory_space<semaphore_mem>>)
      } else {
      }
      %not3A = arith.constant true
      %not3A_413 = arith.xori %lt3A, %not3A : i1
      %convert_element_type3A_414 = arith.extui %not3A_413 : i1 to i32
      %cond3A_415 = arith.constant 0 : i32
      %cond3A_416 = arith.cmpi ne, %convert_element_type3A_414, %cond3A_415 : i32
      scf.if %cond3A_416 {
        %dma_start3A_843 = arith.constant 0 : i32
        %dma_start3A_844 = arith.constant 0 : i32
        %dma_start3A_845 = arith.constant 0 : i32
        %dma_start3A_846 = arith.constant 0 : i32
        %dma_start3A_847 = tpu.memref_slice %arg5[%scan3A, %dma_start3A_843, %dma_start3A_844, %dma_start3A_845, %dma_start3A_846] : memref<16x16x1x96x96xf32, #tpu.memory_space<vmem>> -> memref<1x16x1x96x96xf32, #tpu.memory_space<vmem>>
        %dma_start3A_848 = tpu.memref_squeeze %dma_start3A_847 : memref<1x16x1x96x96xf32, #tpu.memory_space<vmem>> -> memref<16x1x96x96xf32, #tpu.memory_space<vmem>>
        %dma_start3A_849 = arith.constant 0 : i32
        %dma_start3A_850 = arith.constant 0 : i32
        %dma_start3A_851 = arith.constant 0 : i32
        %dma_start3A_852 = tpu.memref_slice %arg0[%dma_start3A_849, %add3A_405, %dma_start3A_850, %dma_start3A_851] : memref<16x192x96x96xf32, #tpu.memory_space<any>> -> memref<16x1x96x96xf32, #tpu.memory_space<any>>
        tpu.enqueue_dma source(%dma_start3A_852 : memref<16x1x96x96xf32, #tpu.memory_space<any>>) target(%dma_start3A_848 : memref<16x1x96x96xf32, #tpu.memory_space<vmem>>) target_semaphore(%arg6 : memref<!tpu.dma_semaphore, #tpu.memory_space<semaphore_mem>>)
      } else {
      }
      %sub3A = arith.constant 8 : i32
      %sub3A_417 = arith.subi %add3A_405, %sub3A : i32
      %ge3A_418 = arith.constant 0 : i32
      %ge3A_419 = arith.cmpi sge, %sub3A_417, %ge3A_418 : i32
      %convert_element_type3A_420 = arith.extui %ge3A_419 : i1 to i32
      %cond3A_421 = arith.constant 0 : i32
      %cond3A_422 = arith.cmpi ne, %convert_element_type3A_420, %cond3A_421 : i32
      scf.if %cond3A_422 {
        %dma_wait3A_843 = arith.constant 0 : i32
        %dma_wait3A_844 = arith.constant 0 : i32
        %dma_wait3A_845 = arith.constant 0 : i32
        %dma_wait3A_846 = arith.constant 0 : i32
        %dma_wait3A_847 = tpu.memref_slice %arg5[%scan3A_1, %dma_wait3A_843, %dma_wait3A_844, %dma_wait3A_845, %dma_wait3A_846] : memref<16x16x1x96x96xf32, #tpu.memory_space<vmem>> -> memref<1x16x1x96x96xf32, #tpu.memory_space<vmem>>
        %dma_wait3A_848 = tpu.memref_squeeze %dma_wait3A_847 : memref<1x16x1x96x96xf32, #tpu.memory_space<vmem>> -> memref<16x1x96x96xf32, #tpu.memory_space<vmem>>
        %dma_wait3A_849 = arith.constant 0 : i32
        %dma_wait3A_850 = arith.constant 0 : i32
        %dma_wait3A_851 = arith.constant 0 : i32
        %dma_wait3A_852 = arith.constant 0 : i32
        %dma_wait3A_853 = tpu.memref_slice %arg0[%dma_wait3A_849, %dma_wait3A_850, %dma_wait3A_851, %dma_wait3A_852] : memref<16x192x96x96xf32, #tpu.memory_space<any>> -> memref<16x1x96x96xf32, #tpu.memory_space<any>>
        tpu.wait_dma2 semaphore(%arg14 : memref<!tpu.dma_semaphore, #tpu.memory_space<semaphore_mem>>) src(%dma_wait3A_853 : memref<16x1x96x96xf32, #tpu.memory_space<any>>) dst(%dma_wait3A_848 : memref<16x1x96x96xf32, #tpu.memory_space<vmem>>)
        %dma_start3A_854 = arith.constant 0 : i32
        %dma_start3A_855 = arith.constant 0 : i32
        %dma_start3A_856 = arith.constant 0 : i32
        %dma_start3A_857 = tpu.memref_slice %arg4[%dma_start3A_854, %sub3A_417, %dma_start3A_855, %dma_start3A_856] : memref<16x192x96x96xf32, #tpu.memory_space<any>> -> memref<16x1x96x96xf32, #tpu.memory_space<any>>
        %dma_start3A_858 = arith.constant 0 : i32
        %dma_start3A_859 = arith.constant 0 : i32
        %dma_start3A_860 = arith.constant 0 : i32
        %dma_start3A_861 = arith.constant 0 : i32
        %dma_start3A_862 = tpu.memref_slice %arg5[%scan3A_1, %dma_start3A_858, %dma_start3A_859, %dma_start3A_860, %dma_start3A_861] : memref<16x16x1x96x96xf32, #tpu.memory_space<vmem>> -> memref<1x16x1x96x96xf32, #tpu.memory_space<vmem>>
        %dma_start3A_863 = tpu.memref_squeeze %dma_start3A_862 : memref<1x16x1x96x96xf32, #tpu.memory_space<vmem>> -> memref<16x1x96x96xf32, #tpu.memory_space<vmem>>
        tpu.enqueue_dma source(%dma_start3A_863 : memref<16x1x96x96xf32, #tpu.memory_space<vmem>>) target(%dma_start3A_857 : memref<16x1x96x96xf32, #tpu.memory_space<any>>) target_semaphore(%arg30 : memref<!tpu.dma_semaphore, #tpu.memory_space<semaphore_mem>>)
      } else {
      }
      %mul3A_423 = arith.constant 16 : i32
      %mul3A_424 = arith.muli %scan3A_403, %mul3A_423 : i32
      %add3A_425 = arith.constant 1 : i32
      %add3A_426 = arith.addi %mul3A_424, %add3A_425 : i32
      %ge3A_427 = arith.constant 1 : i32
      %ge3A_428 = arith.cmpi sge, %scan3A_403, %ge3A_427 : i32
      %convert_element_type3A_429 = arith.extui %ge3A_428 : i1 to i32
      %cond3A_430 = arith.constant 0 : i32
      %cond3A_431 = arith.cmpi ne, %convert_element_type3A_429, %cond3A_430 : i32
      scf.if %cond3A_431 {
        %dma_wait3A_843 = arith.constant 0 : i32
        %dma_wait3A_844 = arith.constant 0 : i32
        %dma_wait3A_845 = arith.constant 0 : i32
        %dma_wait3A_846 = arith.constant 0 : i32
        %dma_wait3A_847 = tpu.memref_slice %arg4[%dma_wait3A_843, %dma_wait3A_844, %dma_wait3A_845, %dma_wait3A_846] : memref<16x192x96x96xf32, #tpu.memory_space<any>> -> memref<16x1x96x96xf32, #tpu.memory_space<any>>
        %dma_wait3A_848 = arith.constant 0 : i32
        %dma_wait3A_849 = arith.constant 0 : i32
        %dma_wait3A_850 = arith.constant 0 : i32
        %dma_wait3A_851 = arith.constant 0 : i32
        %dma_wait3A_852 = tpu.memref_slice %arg5[%scan3A_2, %dma_wait3A_848, %dma_wait3A_849, %dma_wait3A_850, %dma_wait3A_851] : memref<16x16x1x96x96xf32, #tpu.memory_space<vmem>> -> memref<1x16x1x96x96xf32, #tpu.memory_space<vmem>>
        %dma_wait3A_853 = tpu.memref_squeeze %dma_wait3A_852 : memref<1x16x1x96x96xf32, #tpu.memory_space<vmem>> -> memref<16x1x96x96xf32, #tpu.memory_space<vmem>>
        tpu.wait_dma2 semaphore(%arg23 : memref<!tpu.dma_semaphore, #tpu.memory_space<semaphore_mem>>) src(%dma_wait3A_853 : memref<16x1x96x96xf32, #tpu.memory_space<vmem>>) dst(%dma_wait3A_847 : memref<16x1x96x96xf32, #tpu.memory_space<any>>)
      } else {
      }
      %get3A_432 = arith.index_cast %add3A_426 : i32 to index
      %get3A_433 = memref.load %arg2[%get3A_432] : memref<192xf32, #tpu.memory_space<smem>>
      %abs3A_434 = math.absf %get3A_433 : f32
      %lt3A_435 = arith.cmpf olt, %abs3A_434, %get3A_0 : f32
      %convert_element_type3A_436 = arith.extui %lt3A_435 : i1 to i32
      %cond3A_437 = arith.constant 0 : i32
      %cond3A_438 = arith.cmpi ne, %convert_element_type3A_436, %cond3A_437 : i32
      scf.if %cond3A_438 {
        %dma_start3A_843 = arith.constant 0 : i32
        %dma_start3A_844 = arith.constant 0 : i32
        %dma_start3A_845 = arith.constant 0 : i32
        %dma_start3A_846 = arith.constant 0 : i32
        %dma_start3A_847 = tpu.memref_slice %arg5[%scan3A_2, %dma_start3A_843, %dma_start3A_844, %dma_start3A_845, %dma_start3A_846] : memref<16x16x1x96x96xf32, #tpu.memory_space<vmem>> -> memref<1x16x1x96x96xf32, #tpu.memory_space<vmem>>
        %dma_start3A_848 = tpu.memref_squeeze %dma_start3A_847 : memref<1x16x1x96x96xf32, #tpu.memory_space<vmem>> -> memref<16x1x96x96xf32, #tpu.memory_space<vmem>>
        %dma_start3A_849 = arith.constant 0 : i32
        %dma_start3A_850 = arith.constant 0 : i32
        %dma_start3A_851 = arith.constant 0 : i32
        %dma_start3A_852 = tpu.memref_slice %arg1[%dma_start3A_849, %add3A_426, %dma_start3A_850, %dma_start3A_851] : memref<16x192x96x96xf32, #tpu.memory_space<any>> -> memref<16x1x96x96xf32, #tpu.memory_space<any>>
        tpu.enqueue_dma source(%dma_start3A_852 : memref<16x1x96x96xf32, #tpu.memory_space<any>>) target(%dma_start3A_848 : memref<16x1x96x96xf32, #tpu.memory_space<vmem>>) target_semaphore(%arg7 : memref<!tpu.dma_semaphore, #tpu.memory_space<semaphore_mem>>)
      } else {
      }
      %not3A_439 = arith.constant true
      %not3A_440 = arith.xori %lt3A_435, %not3A_439 : i1
      %convert_element_type3A_441 = arith.extui %not3A_440 : i1 to i32
      %cond3A_442 = arith.constant 0 : i32
      %cond3A_443 = arith.cmpi ne, %convert_element_type3A_441, %cond3A_442 : i32
      scf.if %cond3A_443 {
        %dma_start3A_843 = arith.constant 0 : i32
        %dma_start3A_844 = arith.constant 0 : i32
        %dma_start3A_845 = arith.constant 0 : i32
        %dma_start3A_846 = arith.constant 0 : i32
        %dma_start3A_847 = tpu.memref_slice %arg5[%scan3A_2, %dma_start3A_843, %dma_start3A_844, %dma_start3A_845, %dma_start3A_846] : memref<16x16x1x96x96xf32, #tpu.memory_space<vmem>> -> memref<1x16x1x96x96xf32, #tpu.memory_space<vmem>>
        %dma_start3A_848 = tpu.memref_squeeze %dma_start3A_847 : memref<1x16x1x96x96xf32, #tpu.memory_space<vmem>> -> memref<16x1x96x96xf32, #tpu.memory_space<vmem>>
        %dma_start3A_849 = arith.constant 0 : i32
        %dma_start3A_850 = arith.constant 0 : i32
        %dma_start3A_851 = arith.constant 0 : i32
        %dma_start3A_852 = tpu.memref_slice %arg0[%dma_start3A_849, %add3A_426, %dma_start3A_850, %dma_start3A_851] : memref<16x192x96x96xf32, #tpu.memory_space<any>> -> memref<16x1x96x96xf32, #tpu.memory_space<any>>
        tpu.enqueue_dma source(%dma_start3A_852 : memref<16x1x96x96xf32, #tpu.memory_space<any>>) target(%dma_start3A_848 : memref<16x1x96x96xf32, #tpu.memory_space<vmem>>) target_semaphore(%arg7 : memref<!tpu.dma_semaphore, #tpu.memory_space<semaphore_mem>>)
      } else {
      }
      %sub3A_444 = arith.constant 8 : i32
      %sub3A_445 = arith.subi %add3A_426, %sub3A_444 : i32
      %ge3A_446 = arith.constant 0 : i32
      %ge3A_447 = arith.cmpi sge, %sub3A_445, %ge3A_446 : i32
      %convert_element_type3A_448 = arith.extui %ge3A_447 : i1 to i32
      %cond3A_449 = arith.constant 0 : i32
      %cond3A_450 = arith.cmpi ne, %convert_element_type3A_448, %cond3A_449 : i32
      scf.if %cond3A_450 {
        %dma_wait3A_843 = arith.constant 0 : i32
        %dma_wait3A_844 = arith.constant 0 : i32
        %dma_wait3A_845 = arith.constant 0 : i32
        %dma_wait3A_846 = arith.constant 0 : i32
        %dma_wait3A_847 = tpu.memref_slice %arg5[%scan3A_3, %dma_wait3A_843, %dma_wait3A_844, %dma_wait3A_845, %dma_wait3A_846] : memref<16x16x1x96x96xf32, #tpu.memory_space<vmem>> -> memref<1x16x1x96x96xf32, #tpu.memory_space<vmem>>
        %dma_wait3A_848 = tpu.memref_squeeze %dma_wait3A_847 : memref<1x16x1x96x96xf32, #tpu.memory_space<vmem>> -> memref<16x1x96x96xf32, #tpu.memory_space<vmem>>
        %dma_wait3A_849 = arith.constant 0 : i32
        %dma_wait3A_850 = arith.constant 0 : i32
        %dma_wait3A_851 = arith.constant 0 : i32
        %dma_wait3A_852 = arith.constant 0 : i32
        %dma_wait3A_853 = tpu.memref_slice %arg0[%dma_wait3A_849, %dma_wait3A_850, %dma_wait3A_851, %dma_wait3A_852] : memref<16x192x96x96xf32, #tpu.memory_space<any>> -> memref<16x1x96x96xf32, #tpu.memory_space<any>>
        tpu.wait_dma2 semaphore(%arg15 : memref<!tpu.dma_semaphore, #tpu.memory_space<semaphore_mem>>) src(%dma_wait3A_853 : memref<16x1x96x96xf32, #tpu.memory_space<any>>) dst(%dma_wait3A_848 : memref<16x1x96x96xf32, #tpu.memory_space<vmem>>)
        %dma_start3A_854 = arith.constant 0 : i32
        %dma_start3A_855 = arith.constant 0 : i32
        %dma_start3A_856 = arith.constant 0 : i32
        %dma_start3A_857 = tpu.memref_slice %arg4[%dma_start3A_854, %sub3A_445, %dma_start3A_855, %dma_start3A_856] : memref<16x192x96x96xf32, #tpu.memory_space<any>> -> memref<16x1x96x96xf32, #tpu.memory_space<any>>
        %dma_start3A_858 = arith.constant 0 : i32
        %dma_start3A_859 = arith.constant 0 : i32
        %dma_start3A_860 = arith.constant 0 : i32
        %dma_start3A_861 = arith.constant 0 : i32
        %dma_start3A_862 = tpu.memref_slice %arg5[%scan3A_3, %dma_start3A_858, %dma_start3A_859, %dma_start3A_860, %dma_start3A_861] : memref<16x16x1x96x96xf32, #tpu.memory_space<vmem>> -> memref<1x16x1x96x96xf32, #tpu.memory_space<vmem>>
        %dma_start3A_863 = tpu.memref_squeeze %dma_start3A_862 : memref<1x16x1x96x96xf32, #tpu.memory_space<vmem>> -> memref<16x1x96x96xf32, #tpu.memory_space<vmem>>
        tpu.enqueue_dma source(%dma_start3A_863 : memref<16x1x96x96xf32, #tpu.memory_space<vmem>>) target(%dma_start3A_857 : memref<16x1x96x96xf32, #tpu.memory_space<any>>) target_semaphore(%arg31 : memref<!tpu.dma_semaphore, #tpu.memory_space<semaphore_mem>>)
      } else {
      }
      %mul3A_451 = arith.constant 16 : i32
      %mul3A_452 = arith.muli %scan3A_403, %mul3A_451 : i32
      %add3A_453 = arith.constant 2 : i32
      %add3A_454 = arith.addi %mul3A_452, %add3A_453 : i32
      %ge3A_455 = arith.constant 1 : i32
      %ge3A_456 = arith.cmpi sge, %scan3A_403, %ge3A_455 : i32
      %convert_element_type3A_457 = arith.extui %ge3A_456 : i1 to i32
      %cond3A_458 = arith.constant 0 : i32
      %cond3A_459 = arith.cmpi ne, %convert_element_type3A_457, %cond3A_458 : i32
      scf.if %cond3A_459 {
        %dma_wait3A_843 = arith.constant 0 : i32
        %dma_wait3A_844 = arith.constant 0 : i32
        %dma_wait3A_845 = arith.constant 0 : i32
        %dma_wait3A_846 = arith.constant 0 : i32
        %dma_wait3A_847 = tpu.memref_slice %arg4[%dma_wait3A_843, %dma_wait3A_844, %dma_wait3A_845, %dma_wait3A_846] : memref<16x192x96x96xf32, #tpu.memory_space<any>> -> memref<16x1x96x96xf32, #tpu.memory_space<any>>
        %dma_wait3A_848 = arith.constant 0 : i32
        %dma_wait3A_849 = arith.constant 0 : i32
        %dma_wait3A_850 = arith.constant 0 : i32
        %dma_wait3A_851 = arith.constant 0 : i32
        %dma_wait3A_852 = tpu.memref_slice %arg5[%scan3A_4, %dma_wait3A_848, %dma_wait3A_849, %dma_wait3A_850, %dma_wait3A_851] : memref<16x16x1x96x96xf32, #tpu.memory_space<vmem>> -> memref<1x16x1x96x96xf32, #tpu.memory_space<vmem>>
        %dma_wait3A_853 = tpu.memref_squeeze %dma_wait3A_852 : memref<1x16x1x96x96xf32, #tpu.memory_space<vmem>> -> memref<16x1x96x96xf32, #tpu.memory_space<vmem>>
        tpu.wait_dma2 semaphore(%arg24 : memref<!tpu.dma_semaphore, #tpu.memory_space<semaphore_mem>>) src(%dma_wait3A_853 : memref<16x1x96x96xf32, #tpu.memory_space<vmem>>) dst(%dma_wait3A_847 : memref<16x1x96x96xf32, #tpu.memory_space<any>>)
      } else {
      }
      %get3A_460 = arith.index_cast %add3A_454 : i32 to index
      %get3A_461 = memref.load %arg2[%get3A_460] : memref<192xf32, #tpu.memory_space<smem>>
      %abs3A_462 = math.absf %get3A_461 : f32
      %lt3A_463 = arith.cmpf olt, %abs3A_462, %get3A_0 : f32
      %convert_element_type3A_464 = arith.extui %lt3A_463 : i1 to i32
      %cond3A_465 = arith.constant 0 : i32
      %cond3A_466 = arith.cmpi ne, %convert_element_type3A_464, %cond3A_465 : i32
      scf.if %cond3A_466 {
        %dma_start3A_843 = arith.constant 0 : i32
        %dma_start3A_844 = arith.constant 0 : i32
        %dma_start3A_845 = arith.constant 0 : i32
        %dma_start3A_846 = arith.constant 0 : i32
        %dma_start3A_847 = tpu.memref_slice %arg5[%scan3A_4, %dma_start3A_843, %dma_start3A_844, %dma_start3A_845, %dma_start3A_846] : memref<16x16x1x96x96xf32, #tpu.memory_space<vmem>> -> memref<1x16x1x96x96xf32, #tpu.memory_space<vmem>>
        %dma_start3A_848 = tpu.memref_squeeze %dma_start3A_847 : memref<1x16x1x96x96xf32, #tpu.memory_space<vmem>> -> memref<16x1x96x96xf32, #tpu.memory_space<vmem>>
        %dma_start3A_849 = arith.constant 0 : i32
        %dma_start3A_850 = arith.constant 0 : i32
        %dma_start3A_851 = arith.constant 0 : i32
        %dma_start3A_852 = tpu.memref_slice %arg1[%dma_start3A_849, %add3A_454, %dma_start3A_850, %dma_start3A_851] : memref<16x192x96x96xf32, #tpu.memory_space<any>> -> memref<16x1x96x96xf32, #tpu.memory_space<any>>
        tpu.enqueue_dma source(%dma_start3A_852 : memref<16x1x96x96xf32, #tpu.memory_space<any>>) target(%dma_start3A_848 : memref<16x1x96x96xf32, #tpu.memory_space<vmem>>) target_semaphore(%arg8 : memref<!tpu.dma_semaphore, #tpu.memory_space<semaphore_mem>>)
      } else {
      }
      %not3A_467 = arith.constant true
      %not3A_468 = arith.xori %lt3A_463, %not3A_467 : i1
      %convert_element_type3A_469 = arith.extui %not3A_468 : i1 to i32
      %cond3A_470 = arith.constant 0 : i32
      %cond3A_471 = arith.cmpi ne, %convert_element_type3A_469, %cond3A_470 : i32
      scf.if %cond3A_471 {
        %dma_start3A_843 = arith.constant 0 : i32
        %dma_start3A_844 = arith.constant 0 : i32
        %dma_start3A_845 = arith.constant 0 : i32
        %dma_start3A_846 = arith.constant 0 : i32
        %dma_start3A_847 = tpu.memref_slice %arg5[%scan3A_4, %dma_start3A_843, %dma_start3A_844, %dma_start3A_845, %dma_start3A_846] : memref<16x16x1x96x96xf32, #tpu.memory_space<vmem>> -> memref<1x16x1x96x96xf32, #tpu.memory_space<vmem>>
        %dma_start3A_848 = tpu.memref_squeeze %dma_start3A_847 : memref<1x16x1x96x96xf32, #tpu.memory_space<vmem>> -> memref<16x1x96x96xf32, #tpu.memory_space<vmem>>
        %dma_start3A_849 = arith.constant 0 : i32
        %dma_start3A_850 = arith.constant 0 : i32
        %dma_start3A_851 = arith.constant 0 : i32
        %dma_start3A_852 = tpu.memref_slice %arg0[%dma_start3A_849, %add3A_454, %dma_start3A_850, %dma_start3A_851] : memref<16x192x96x96xf32, #tpu.memory_space<any>> -> memref<16x1x96x96xf32, #tpu.memory_space<any>>
        tpu.enqueue_dma source(%dma_start3A_852 : memref<16x1x96x96xf32, #tpu.memory_space<any>>) target(%dma_start3A_848 : memref<16x1x96x96xf32, #tpu.memory_space<vmem>>) target_semaphore(%arg8 : memref<!tpu.dma_semaphore, #tpu.memory_space<semaphore_mem>>)
      } else {
      }
      %sub3A_472 = arith.constant 8 : i32
      %sub3A_473 = arith.subi %add3A_454, %sub3A_472 : i32
      %ge3A_474 = arith.constant 0 : i32
      %ge3A_475 = arith.cmpi sge, %sub3A_473, %ge3A_474 : i32
      %convert_element_type3A_476 = arith.extui %ge3A_475 : i1 to i32
      %cond3A_477 = arith.constant 0 : i32
      %cond3A_478 = arith.cmpi ne, %convert_element_type3A_476, %cond3A_477 : i32
      scf.if %cond3A_478 {
        %dma_wait3A_843 = arith.constant 0 : i32
        %dma_wait3A_844 = arith.constant 0 : i32
        %dma_wait3A_845 = arith.constant 0 : i32
        %dma_wait3A_846 = arith.constant 0 : i32
        %dma_wait3A_847 = tpu.memref_slice %arg5[%scan3A_5, %dma_wait3A_843, %dma_wait3A_844, %dma_wait3A_845, %dma_wait3A_846] : memref<16x16x1x96x96xf32, #tpu.memory_space<vmem>> -> memref<1x16x1x96x96xf32, #tpu.memory_space<vmem>>
        %dma_wait3A_848 = tpu.memref_squeeze %dma_wait3A_847 : memref<1x16x1x96x96xf32, #tpu.memory_space<vmem>> -> memref<16x1x96x96xf32, #tpu.memory_space<vmem>>
        %dma_wait3A_849 = arith.constant 0 : i32
        %dma_wait3A_850 = arith.constant 0 : i32
        %dma_wait3A_851 = arith.constant 0 : i32
        %dma_wait3A_852 = arith.constant 0 : i32
        %dma_wait3A_853 = tpu.memref_slice %arg0[%dma_wait3A_849, %dma_wait3A_850, %dma_wait3A_851, %dma_wait3A_852] : memref<16x192x96x96xf32, #tpu.memory_space<any>> -> memref<16x1x96x96xf32, #tpu.memory_space<any>>
        tpu.wait_dma2 semaphore(%arg16 : memref<!tpu.dma_semaphore, #tpu.memory_space<semaphore_mem>>) src(%dma_wait3A_853 : memref<16x1x96x96xf32, #tpu.memory_space<any>>) dst(%dma_wait3A_848 : memref<16x1x96x96xf32, #tpu.memory_space<vmem>>)
        %dma_start3A_854 = arith.constant 0 : i32
        %dma_start3A_855 = arith.constant 0 : i32
        %dma_start3A_856 = arith.constant 0 : i32
        %dma_start3A_857 = tpu.memref_slice %arg4[%dma_start3A_854, %sub3A_473, %dma_start3A_855, %dma_start3A_856] : memref<16x192x96x96xf32, #tpu.memory_space<any>> -> memref<16x1x96x96xf32, #tpu.memory_space<any>>
        %dma_start3A_858 = arith.constant 0 : i32
        %dma_start3A_859 = arith.constant 0 : i32
        %dma_start3A_860 = arith.constant 0 : i32
        %dma_start3A_861 = arith.constant 0 : i32
        %dma_start3A_862 = tpu.memref_slice %arg5[%scan3A_5, %dma_start3A_858, %dma_start3A_859, %dma_start3A_860, %dma_start3A_861] : memref<16x16x1x96x96xf32, #tpu.memory_space<vmem>> -> memref<1x16x1x96x96xf32, #tpu.memory_space<vmem>>
        %dma_start3A_863 = tpu.memref_squeeze %dma_start3A_862 : memref<1x16x1x96x96xf32, #tpu.memory_space<vmem>> -> memref<16x1x96x96xf32, #tpu.memory_space<vmem>>
        tpu.enqueue_dma source(%dma_start3A_863 : memref<16x1x96x96xf32, #tpu.memory_space<vmem>>) target(%dma_start3A_857 : memref<16x1x96x96xf32, #tpu.memory_space<any>>) target_semaphore(%arg32 : memref<!tpu.dma_semaphore, #tpu.memory_space<semaphore_mem>>)
      } else {
      }
      %mul3A_479 = arith.constant 16 : i32
      %mul3A_480 = arith.muli %scan3A_403, %mul3A_479 : i32
      %add3A_481 = arith.constant 3 : i32
      %add3A_482 = arith.addi %mul3A_480, %add3A_481 : i32
      %ge3A_483 = arith.constant 1 : i32
      %ge3A_484 = arith.cmpi sge, %scan3A_403, %ge3A_483 : i32
      %convert_element_type3A_485 = arith.extui %ge3A_484 : i1 to i32
      %cond3A_486 = arith.constant 0 : i32
      %cond3A_487 = arith.cmpi ne, %convert_element_type3A_485, %cond3A_486 : i32
      scf.if %cond3A_487 {
        %dma_wait3A_843 = arith.constant 0 : i32
        %dma_wait3A_844 = arith.constant 0 : i32
        %dma_wait3A_845 = arith.constant 0 : i32
        %dma_wait3A_846 = arith.constant 0 : i32
        %dma_wait3A_847 = tpu.memref_slice %arg4[%dma_wait3A_843, %dma_wait3A_844, %dma_wait3A_845, %dma_wait3A_846] : memref<16x192x96x96xf32, #tpu.memory_space<any>> -> memref<16x1x96x96xf32, #tpu.memory_space<any>>
        %dma_wait3A_848 = arith.constant 0 : i32
        %dma_wait3A_849 = arith.constant 0 : i32
        %dma_wait3A_850 = arith.constant 0 : i32
        %dma_wait3A_851 = arith.constant 0 : i32
        %dma_wait3A_852 = tpu.memref_slice %arg5[%scan3A_6, %dma_wait3A_848, %dma_wait3A_849, %dma_wait3A_850, %dma_wait3A_851] : memref<16x16x1x96x96xf32, #tpu.memory_space<vmem>> -> memref<1x16x1x96x96xf32, #tpu.memory_space<vmem>>
        %dma_wait3A_853 = tpu.memref_squeeze %dma_wait3A_852 : memref<1x16x1x96x96xf32, #tpu.memory_space<vmem>> -> memref<16x1x96x96xf32, #tpu.memory_space<vmem>>
        tpu.wait_dma2 semaphore(%arg25 : memref<!tpu.dma_semaphore, #tpu.memory_space<semaphore_mem>>) src(%dma_wait3A_853 : memref<16x1x96x96xf32, #tpu.memory_space<vmem>>) dst(%dma_wait3A_847 : memref<16x1x96x96xf32, #tpu.memory_space<any>>)
      } else {
      }
      %get3A_488 = arith.index_cast %add3A_482 : i32 to index
      %get3A_489 = memref.load %arg2[%get3A_488] : memref<192xf32, #tpu.memory_space<smem>>
      %abs3A_490 = math.absf %get3A_489 : f32
      %lt3A_491 = arith.cmpf olt, %abs3A_490, %get3A_0 : f32
      %convert_element_type3A_492 = arith.extui %lt3A_491 : i1 to i32
      %cond3A_493 = arith.constant 0 : i32
      %cond3A_494 = arith.cmpi ne, %convert_element_type3A_492, %cond3A_493 : i32
      scf.if %cond3A_494 {
        %dma_start3A_843 = arith.constant 0 : i32
        %dma_start3A_844 = arith.constant 0 : i32
        %dma_start3A_845 = arith.constant 0 : i32
        %dma_start3A_846 = arith.constant 0 : i32
        %dma_start3A_847 = tpu.memref_slice %arg5[%scan3A_6, %dma_start3A_843, %dma_start3A_844, %dma_start3A_845, %dma_start3A_846] : memref<16x16x1x96x96xf32, #tpu.memory_space<vmem>> -> memref<1x16x1x96x96xf32, #tpu.memory_space<vmem>>
        %dma_start3A_848 = tpu.memref_squeeze %dma_start3A_847 : memref<1x16x1x96x96xf32, #tpu.memory_space<vmem>> -> memref<16x1x96x96xf32, #tpu.memory_space<vmem>>
        %dma_start3A_849 = arith.constant 0 : i32
        %dma_start3A_850 = arith.constant 0 : i32
        %dma_start3A_851 = arith.constant 0 : i32
        %dma_start3A_852 = tpu.memref_slice %arg1[%dma_start3A_849, %add3A_482, %dma_start3A_850, %dma_start3A_851] : memref<16x192x96x96xf32, #tpu.memory_space<any>> -> memref<16x1x96x96xf32, #tpu.memory_space<any>>
        tpu.enqueue_dma source(%dma_start3A_852 : memref<16x1x96x96xf32, #tpu.memory_space<any>>) target(%dma_start3A_848 : memref<16x1x96x96xf32, #tpu.memory_space<vmem>>) target_semaphore(%arg9 : memref<!tpu.dma_semaphore, #tpu.memory_space<semaphore_mem>>)
      } else {
      }
      %not3A_495 = arith.constant true
      %not3A_496 = arith.xori %lt3A_491, %not3A_495 : i1
      %convert_element_type3A_497 = arith.extui %not3A_496 : i1 to i32
      %cond3A_498 = arith.constant 0 : i32
      %cond3A_499 = arith.cmpi ne, %convert_element_type3A_497, %cond3A_498 : i32
      scf.if %cond3A_499 {
        %dma_start3A_843 = arith.constant 0 : i32
        %dma_start3A_844 = arith.constant 0 : i32
        %dma_start3A_845 = arith.constant 0 : i32
        %dma_start3A_846 = arith.constant 0 : i32
        %dma_start3A_847 = tpu.memref_slice %arg5[%scan3A_6, %dma_start3A_843, %dma_start3A_844, %dma_start3A_845, %dma_start3A_846] : memref<16x16x1x96x96xf32, #tpu.memory_space<vmem>> -> memref<1x16x1x96x96xf32, #tpu.memory_space<vmem>>
        %dma_start3A_848 = tpu.memref_squeeze %dma_start3A_847 : memref<1x16x1x96x96xf32, #tpu.memory_space<vmem>> -> memref<16x1x96x96xf32, #tpu.memory_space<vmem>>
        %dma_start3A_849 = arith.constant 0 : i32
        %dma_start3A_850 = arith.constant 0 : i32
        %dma_start3A_851 = arith.constant 0 : i32
        %dma_start3A_852 = tpu.memref_slice %arg0[%dma_start3A_849, %add3A_482, %dma_start3A_850, %dma_start3A_851] : memref<16x192x96x96xf32, #tpu.memory_space<any>> -> memref<16x1x96x96xf32, #tpu.memory_space<any>>
        tpu.enqueue_dma source(%dma_start3A_852 : memref<16x1x96x96xf32, #tpu.memory_space<any>>) target(%dma_start3A_848 : memref<16x1x96x96xf32, #tpu.memory_space<vmem>>) target_semaphore(%arg9 : memref<!tpu.dma_semaphore, #tpu.memory_space<semaphore_mem>>)
      } else {
      }
      %sub3A_500 = arith.constant 8 : i32
      %sub3A_501 = arith.subi %add3A_482, %sub3A_500 : i32
      %ge3A_502 = arith.constant 0 : i32
      %ge3A_503 = arith.cmpi sge, %sub3A_501, %ge3A_502 : i32
      %convert_element_type3A_504 = arith.extui %ge3A_503 : i1 to i32
      %cond3A_505 = arith.constant 0 : i32
      %cond3A_506 = arith.cmpi ne, %convert_element_type3A_504, %cond3A_505 : i32
      scf.if %cond3A_506 {
        %dma_wait3A_843 = arith.constant 0 : i32
        %dma_wait3A_844 = arith.constant 0 : i32
        %dma_wait3A_845 = arith.constant 0 : i32
        %dma_wait3A_846 = arith.constant 0 : i32
        %dma_wait3A_847 = tpu.memref_slice %arg5[%scan3A_7, %dma_wait3A_843, %dma_wait3A_844, %dma_wait3A_845, %dma_wait3A_846] : memref<16x16x1x96x96xf32, #tpu.memory_space<vmem>> -> memref<1x16x1x96x96xf32, #tpu.memory_space<vmem>>
        %dma_wait3A_848 = tpu.memref_squeeze %dma_wait3A_847 : memref<1x16x1x96x96xf32, #tpu.memory_space<vmem>> -> memref<16x1x96x96xf32, #tpu.memory_space<vmem>>
        %dma_wait3A_849 = arith.constant 0 : i32
        %dma_wait3A_850 = arith.constant 0 : i32
        %dma_wait3A_851 = arith.constant 0 : i32
        %dma_wait3A_852 = arith.constant 0 : i32
        %dma_wait3A_853 = tpu.memref_slice %arg0[%dma_wait3A_849, %dma_wait3A_850, %dma_wait3A_851, %dma_wait3A_852] : memref<16x192x96x96xf32, #tpu.memory_space<any>> -> memref<16x1x96x96xf32, #tpu.memory_space<any>>
        tpu.wait_dma2 semaphore(%arg17 : memref<!tpu.dma_semaphore, #tpu.memory_space<semaphore_mem>>) src(%dma_wait3A_853 : memref<16x1x96x96xf32, #tpu.memory_space<any>>) dst(%dma_wait3A_848 : memref<16x1x96x96xf32, #tpu.memory_space<vmem>>)
        %dma_start3A_854 = arith.constant 0 : i32
        %dma_start3A_855 = arith.constant 0 : i32
        %dma_start3A_856 = arith.constant 0 : i32
        %dma_start3A_857 = tpu.memref_slice %arg4[%dma_start3A_854, %sub3A_501, %dma_start3A_855, %dma_start3A_856] : memref<16x192x96x96xf32, #tpu.memory_space<any>> -> memref<16x1x96x96xf32, #tpu.memory_space<any>>
        %dma_start3A_858 = arith.constant 0 : i32
        %dma_start3A_859 = arith.constant 0 : i32
        %dma_start3A_860 = arith.constant 0 : i32
        %dma_start3A_861 = arith.constant 0 : i32
        %dma_start3A_862 = tpu.memref_slice %arg5[%scan3A_7, %dma_start3A_858, %dma_start3A_859, %dma_start3A_860, %dma_start3A_861] : memref<16x16x1x96x96xf32, #tpu.memory_space<vmem>> -> memref<1x16x1x96x96xf32, #tpu.memory_space<vmem>>
        %dma_start3A_863 = tpu.memref_squeeze %dma_start3A_862 : memref<1x16x1x96x96xf32, #tpu.memory_space<vmem>> -> memref<16x1x96x96xf32, #tpu.memory_space<vmem>>
        tpu.enqueue_dma source(%dma_start3A_863 : memref<16x1x96x96xf32, #tpu.memory_space<vmem>>) target(%dma_start3A_857 : memref<16x1x96x96xf32, #tpu.memory_space<any>>) target_semaphore(%arg33 : memref<!tpu.dma_semaphore, #tpu.memory_space<semaphore_mem>>)
      } else {
      }
      %mul3A_507 = arith.constant 16 : i32
      %mul3A_508 = arith.muli %scan3A_403, %mul3A_507 : i32
      %add3A_509 = arith.constant 4 : i32
      %add3A_510 = arith.addi %mul3A_508, %add3A_509 : i32
      %ge3A_511 = arith.constant 1 : i32
      %ge3A_512 = arith.cmpi sge, %scan3A_403, %ge3A_511 : i32
      %convert_element_type3A_513 = arith.extui %ge3A_512 : i1 to i32
      %cond3A_514 = arith.constant 0 : i32
      %cond3A_515 = arith.cmpi ne, %convert_element_type3A_513, %cond3A_514 : i32
      scf.if %cond3A_515 {
        %dma_wait3A_843 = arith.constant 0 : i32
        %dma_wait3A_844 = arith.constant 0 : i32
        %dma_wait3A_845 = arith.constant 0 : i32
        %dma_wait3A_846 = arith.constant 0 : i32
        %dma_wait3A_847 = tpu.memref_slice %arg4[%dma_wait3A_843, %dma_wait3A_844, %dma_wait3A_845, %dma_wait3A_846] : memref<16x192x96x96xf32, #tpu.memory_space<any>> -> memref<16x1x96x96xf32, #tpu.memory_space<any>>
        %dma_wait3A_848 = arith.constant 0 : i32
        %dma_wait3A_849 = arith.constant 0 : i32
        %dma_wait3A_850 = arith.constant 0 : i32
        %dma_wait3A_851 = arith.constant 0 : i32
        %dma_wait3A_852 = tpu.memref_slice %arg5[%scan3A_8, %dma_wait3A_848, %dma_wait3A_849, %dma_wait3A_850, %dma_wait3A_851] : memref<16x16x1x96x96xf32, #tpu.memory_space<vmem>> -> memref<1x16x1x96x96xf32, #tpu.memory_space<vmem>>
        %dma_wait3A_853 = tpu.memref_squeeze %dma_wait3A_852 : memref<1x16x1x96x96xf32, #tpu.memory_space<vmem>> -> memref<16x1x96x96xf32, #tpu.memory_space<vmem>>
        tpu.wait_dma2 semaphore(%arg26 : memref<!tpu.dma_semaphore, #tpu.memory_space<semaphore_mem>>) src(%dma_wait3A_853 : memref<16x1x96x96xf32, #tpu.memory_space<vmem>>) dst(%dma_wait3A_847 : memref<16x1x96x96xf32, #tpu.memory_space<any>>)
      } else {
      }
      %get3A_516 = arith.index_cast %add3A_510 : i32 to index
      %get3A_517 = memref.load %arg2[%get3A_516] : memref<192xf32, #tpu.memory_space<smem>>
      %abs3A_518 = math.absf %get3A_517 : f32
      %lt3A_519 = arith.cmpf olt, %abs3A_518, %get3A_0 : f32
      %convert_element_type3A_520 = arith.extui %lt3A_519 : i1 to i32
      %cond3A_521 = arith.constant 0 : i32
      %cond3A_522 = arith.cmpi ne, %convert_element_type3A_520, %cond3A_521 : i32
      scf.if %cond3A_522 {
        %dma_start3A_843 = arith.constant 0 : i32
        %dma_start3A_844 = arith.constant 0 : i32
        %dma_start3A_845 = arith.constant 0 : i32
        %dma_start3A_846 = arith.constant 0 : i32
        %dma_start3A_847 = tpu.memref_slice %arg5[%scan3A_8, %dma_start3A_843, %dma_start3A_844, %dma_start3A_845, %dma_start3A_846] : memref<16x16x1x96x96xf32, #tpu.memory_space<vmem>> -> memref<1x16x1x96x96xf32, #tpu.memory_space<vmem>>
        %dma_start3A_848 = tpu.memref_squeeze %dma_start3A_847 : memref<1x16x1x96x96xf32, #tpu.memory_space<vmem>> -> memref<16x1x96x96xf32, #tpu.memory_space<vmem>>
        %dma_start3A_849 = arith.constant 0 : i32
        %dma_start3A_850 = arith.constant 0 : i32
        %dma_start3A_851 = arith.constant 0 : i32
        %dma_start3A_852 = tpu.memref_slice %arg1[%dma_start3A_849, %add3A_510, %dma_start3A_850, %dma_start3A_851] : memref<16x192x96x96xf32, #tpu.memory_space<any>> -> memref<16x1x96x96xf32, #tpu.memory_space<any>>
        tpu.enqueue_dma source(%dma_start3A_852 : memref<16x1x96x96xf32, #tpu.memory_space<any>>) target(%dma_start3A_848 : memref<16x1x96x96xf32, #tpu.memory_space<vmem>>) target_semaphore(%arg10 : memref<!tpu.dma_semaphore, #tpu.memory_space<semaphore_mem>>)
      } else {
      }
      %not3A_523 = arith.constant true
      %not3A_524 = arith.xori %lt3A_519, %not3A_523 : i1
      %convert_element_type3A_525 = arith.extui %not3A_524 : i1 to i32
      %cond3A_526 = arith.constant 0 : i32
      %cond3A_527 = arith.cmpi ne, %convert_element_type3A_525, %cond3A_526 : i32
      scf.if %cond3A_527 {
        %dma_start3A_843 = arith.constant 0 : i32
        %dma_start3A_844 = arith.constant 0 : i32
        %dma_start3A_845 = arith.constant 0 : i32
        %dma_start3A_846 = arith.constant 0 : i32
        %dma_start3A_847 = tpu.memref_slice %arg5[%scan3A_8, %dma_start3A_843, %dma_start3A_844, %dma_start3A_845, %dma_start3A_846] : memref<16x16x1x96x96xf32, #tpu.memory_space<vmem>> -> memref<1x16x1x96x96xf32, #tpu.memory_space<vmem>>
        %dma_start3A_848 = tpu.memref_squeeze %dma_start3A_847 : memref<1x16x1x96x96xf32, #tpu.memory_space<vmem>> -> memref<16x1x96x96xf32, #tpu.memory_space<vmem>>
        %dma_start3A_849 = arith.constant 0 : i32
        %dma_start3A_850 = arith.constant 0 : i32
        %dma_start3A_851 = arith.constant 0 : i32
        %dma_start3A_852 = tpu.memref_slice %arg0[%dma_start3A_849, %add3A_510, %dma_start3A_850, %dma_start3A_851] : memref<16x192x96x96xf32, #tpu.memory_space<any>> -> memref<16x1x96x96xf32, #tpu.memory_space<any>>
        tpu.enqueue_dma source(%dma_start3A_852 : memref<16x1x96x96xf32, #tpu.memory_space<any>>) target(%dma_start3A_848 : memref<16x1x96x96xf32, #tpu.memory_space<vmem>>) target_semaphore(%arg10 : memref<!tpu.dma_semaphore, #tpu.memory_space<semaphore_mem>>)
      } else {
      }
      %sub3A_528 = arith.constant 8 : i32
      %sub3A_529 = arith.subi %add3A_510, %sub3A_528 : i32
      %ge3A_530 = arith.constant 0 : i32
      %ge3A_531 = arith.cmpi sge, %sub3A_529, %ge3A_530 : i32
      %convert_element_type3A_532 = arith.extui %ge3A_531 : i1 to i32
      %cond3A_533 = arith.constant 0 : i32
      %cond3A_534 = arith.cmpi ne, %convert_element_type3A_532, %cond3A_533 : i32
      scf.if %cond3A_534 {
        %dma_wait3A_843 = arith.constant 0 : i32
        %dma_wait3A_844 = arith.constant 0 : i32
        %dma_wait3A_845 = arith.constant 0 : i32
        %dma_wait3A_846 = arith.constant 0 : i32
        %dma_wait3A_847 = tpu.memref_slice %arg5[%scan3A_9, %dma_wait3A_843, %dma_wait3A_844, %dma_wait3A_845, %dma_wait3A_846] : memref<16x16x1x96x96xf32, #tpu.memory_space<vmem>> -> memref<1x16x1x96x96xf32, #tpu.memory_space<vmem>>
        %dma_wait3A_848 = tpu.memref_squeeze %dma_wait3A_847 : memref<1x16x1x96x96xf32, #tpu.memory_space<vmem>> -> memref<16x1x96x96xf32, #tpu.memory_space<vmem>>
        %dma_wait3A_849 = arith.constant 0 : i32
        %dma_wait3A_850 = arith.constant 0 : i32
        %dma_wait3A_851 = arith.constant 0 : i32
        %dma_wait3A_852 = arith.constant 0 : i32
        %dma_wait3A_853 = tpu.memref_slice %arg0[%dma_wait3A_849, %dma_wait3A_850, %dma_wait3A_851, %dma_wait3A_852] : memref<16x192x96x96xf32, #tpu.memory_space<any>> -> memref<16x1x96x96xf32, #tpu.memory_space<any>>
        tpu.wait_dma2 semaphore(%arg18 : memref<!tpu.dma_semaphore, #tpu.memory_space<semaphore_mem>>) src(%dma_wait3A_853 : memref<16x1x96x96xf32, #tpu.memory_space<any>>) dst(%dma_wait3A_848 : memref<16x1x96x96xf32, #tpu.memory_space<vmem>>)
        %dma_start3A_854 = arith.constant 0 : i32
        %dma_start3A_855 = arith.constant 0 : i32
        %dma_start3A_856 = arith.constant 0 : i32
        %dma_start3A_857 = tpu.memref_slice %arg4[%dma_start3A_854, %sub3A_529, %dma_start3A_855, %dma_start3A_856] : memref<16x192x96x96xf32, #tpu.memory_space<any>> -> memref<16x1x96x96xf32, #tpu.memory_space<any>>
        %dma_start3A_858 = arith.constant 0 : i32
        %dma_start3A_859 = arith.constant 0 : i32
        %dma_start3A_860 = arith.constant 0 : i32
        %dma_start3A_861 = arith.constant 0 : i32
        %dma_start3A_862 = tpu.memref_slice %arg5[%scan3A_9, %dma_start3A_858, %dma_start3A_859, %dma_start3A_860, %dma_start3A_861] : memref<16x16x1x96x96xf32, #tpu.memory_space<vmem>> -> memref<1x16x1x96x96xf32, #tpu.memory_space<vmem>>
        %dma_start3A_863 = tpu.memref_squeeze %dma_start3A_862 : memref<1x16x1x96x96xf32, #tpu.memory_space<vmem>> -> memref<16x1x96x96xf32, #tpu.memory_space<vmem>>
        tpu.enqueue_dma source(%dma_start3A_863 : memref<16x1x96x96xf32, #tpu.memory_space<vmem>>) target(%dma_start3A_857 : memref<16x1x96x96xf32, #tpu.memory_space<any>>) target_semaphore(%arg34 : memref<!tpu.dma_semaphore, #tpu.memory_space<semaphore_mem>>)
      } else {
      }
      %mul3A_535 = arith.constant 16 : i32
      %mul3A_536 = arith.muli %scan3A_403, %mul3A_535 : i32
      %add3A_537 = arith.constant 5 : i32
      %add3A_538 = arith.addi %mul3A_536, %add3A_537 : i32
      %ge3A_539 = arith.constant 1 : i32
      %ge3A_540 = arith.cmpi sge, %scan3A_403, %ge3A_539 : i32
      %convert_element_type3A_541 = arith.extui %ge3A_540 : i1 to i32
      %cond3A_542 = arith.constant 0 : i32
      %cond3A_543 = arith.cmpi ne, %convert_element_type3A_541, %cond3A_542 : i32
      scf.if %cond3A_543 {
        %dma_wait3A_843 = arith.constant 0 : i32
        %dma_wait3A_844 = arith.constant 0 : i32
        %dma_wait3A_845 = arith.constant 0 : i32
        %dma_wait3A_846 = arith.constant 0 : i32
        %dma_wait3A_847 = tpu.memref_slice %arg4[%dma_wait3A_843, %dma_wait3A_844, %dma_wait3A_845, %dma_wait3A_846] : memref<16x192x96x96xf32, #tpu.memory_space<any>> -> memref<16x1x96x96xf32, #tpu.memory_space<any>>
        %dma_wait3A_848 = arith.constant 0 : i32
        %dma_wait3A_849 = arith.constant 0 : i32
        %dma_wait3A_850 = arith.constant 0 : i32
        %dma_wait3A_851 = arith.constant 0 : i32
        %dma_wait3A_852 = tpu.memref_slice %arg5[%scan3A_10, %dma_wait3A_848, %dma_wait3A_849, %dma_wait3A_850, %dma_wait3A_851] : memref<16x16x1x96x96xf32, #tpu.memory_space<vmem>> -> memref<1x16x1x96x96xf32, #tpu.memory_space<vmem>>
        %dma_wait3A_853 = tpu.memref_squeeze %dma_wait3A_852 : memref<1x16x1x96x96xf32, #tpu.memory_space<vmem>> -> memref<16x1x96x96xf32, #tpu.memory_space<vmem>>
        tpu.wait_dma2 semaphore(%arg27 : memref<!tpu.dma_semaphore, #tpu.memory_space<semaphore_mem>>) src(%dma_wait3A_853 : memref<16x1x96x96xf32, #tpu.memory_space<vmem>>) dst(%dma_wait3A_847 : memref<16x1x96x96xf32, #tpu.memory_space<any>>)
      } else {
      }
      %get3A_544 = arith.index_cast %add3A_538 : i32 to index
      %get3A_545 = memref.load %arg2[%get3A_544] : memref<192xf32, #tpu.memory_space<smem>>
      %abs3A_546 = math.absf %get3A_545 : f32
      %lt3A_547 = arith.cmpf olt, %abs3A_546, %get3A_0 : f32
      %convert_element_type3A_548 = arith.extui %lt3A_547 : i1 to i32
      %cond3A_549 = arith.constant 0 : i32
      %cond3A_550 = arith.cmpi ne, %convert_element_type3A_548, %cond3A_549 : i32
      scf.if %cond3A_550 {
        %dma_start3A_843 = arith.constant 0 : i32
        %dma_start3A_844 = arith.constant 0 : i32
        %dma_start3A_845 = arith.constant 0 : i32
        %dma_start3A_846 = arith.constant 0 : i32
        %dma_start3A_847 = tpu.memref_slice %arg5[%scan3A_10, %dma_start3A_843, %dma_start3A_844, %dma_start3A_845, %dma_start3A_846] : memref<16x16x1x96x96xf32, #tpu.memory_space<vmem>> -> memref<1x16x1x96x96xf32, #tpu.memory_space<vmem>>
        %dma_start3A_848 = tpu.memref_squeeze %dma_start3A_847 : memref<1x16x1x96x96xf32, #tpu.memory_space<vmem>> -> memref<16x1x96x96xf32, #tpu.memory_space<vmem>>
        %dma_start3A_849 = arith.constant 0 : i32
        %dma_start3A_850 = arith.constant 0 : i32
        %dma_start3A_851 = arith.constant 0 : i32
        %dma_start3A_852 = tpu.memref_slice %arg1[%dma_start3A_849, %add3A_538, %dma_start3A_850, %dma_start3A_851] : memref<16x192x96x96xf32, #tpu.memory_space<any>> -> memref<16x1x96x96xf32, #tpu.memory_space<any>>
        tpu.enqueue_dma source(%dma_start3A_852 : memref<16x1x96x96xf32, #tpu.memory_space<any>>) target(%dma_start3A_848 : memref<16x1x96x96xf32, #tpu.memory_space<vmem>>) target_semaphore(%arg11 : memref<!tpu.dma_semaphore, #tpu.memory_space<semaphore_mem>>)
      } else {
      }
      %not3A_551 = arith.constant true
      %not3A_552 = arith.xori %lt3A_547, %not3A_551 : i1
      %convert_element_type3A_553 = arith.extui %not3A_552 : i1 to i32
      %cond3A_554 = arith.constant 0 : i32
      %cond3A_555 = arith.cmpi ne, %convert_element_type3A_553, %cond3A_554 : i32
      scf.if %cond3A_555 {
        %dma_start3A_843 = arith.constant 0 : i32
        %dma_start3A_844 = arith.constant 0 : i32
        %dma_start3A_845 = arith.constant 0 : i32
        %dma_start3A_846 = arith.constant 0 : i32
        %dma_start3A_847 = tpu.memref_slice %arg5[%scan3A_10, %dma_start3A_843, %dma_start3A_844, %dma_start3A_845, %dma_start3A_846] : memref<16x16x1x96x96xf32, #tpu.memory_space<vmem>> -> memref<1x16x1x96x96xf32, #tpu.memory_space<vmem>>
        %dma_start3A_848 = tpu.memref_squeeze %dma_start3A_847 : memref<1x16x1x96x96xf32, #tpu.memory_space<vmem>> -> memref<16x1x96x96xf32, #tpu.memory_space<vmem>>
        %dma_start3A_849 = arith.constant 0 : i32
        %dma_start3A_850 = arith.constant 0 : i32
        %dma_start3A_851 = arith.constant 0 : i32
        %dma_start3A_852 = tpu.memref_slice %arg0[%dma_start3A_849, %add3A_538, %dma_start3A_850, %dma_start3A_851] : memref<16x192x96x96xf32, #tpu.memory_space<any>> -> memref<16x1x96x96xf32, #tpu.memory_space<any>>
        tpu.enqueue_dma source(%dma_start3A_852 : memref<16x1x96x96xf32, #tpu.memory_space<any>>) target(%dma_start3A_848 : memref<16x1x96x96xf32, #tpu.memory_space<vmem>>) target_semaphore(%arg11 : memref<!tpu.dma_semaphore, #tpu.memory_space<semaphore_mem>>)
      } else {
      }
      %sub3A_556 = arith.constant 8 : i32
      %sub3A_557 = arith.subi %add3A_538, %sub3A_556 : i32
      %ge3A_558 = arith.constant 0 : i32
      %ge3A_559 = arith.cmpi sge, %sub3A_557, %ge3A_558 : i32
      %convert_element_type3A_560 = arith.extui %ge3A_559 : i1 to i32
      %cond3A_561 = arith.constant 0 : i32
      %cond3A_562 = arith.cmpi ne, %convert_element_type3A_560, %cond3A_561 : i32
      scf.if %cond3A_562 {
        %dma_wait3A_843 = arith.constant 0 : i32
        %dma_wait3A_844 = arith.constant 0 : i32
        %dma_wait3A_845 = arith.constant 0 : i32
        %dma_wait3A_846 = arith.constant 0 : i32
        %dma_wait3A_847 = tpu.memref_slice %arg5[%scan3A_11, %dma_wait3A_843, %dma_wait3A_844, %dma_wait3A_845, %dma_wait3A_846] : memref<16x16x1x96x96xf32, #tpu.memory_space<vmem>> -> memref<1x16x1x96x96xf32, #tpu.memory_space<vmem>>
        %dma_wait3A_848 = tpu.memref_squeeze %dma_wait3A_847 : memref<1x16x1x96x96xf32, #tpu.memory_space<vmem>> -> memref<16x1x96x96xf32, #tpu.memory_space<vmem>>
        %dma_wait3A_849 = arith.constant 0 : i32
        %dma_wait3A_850 = arith.constant 0 : i32
        %dma_wait3A_851 = arith.constant 0 : i32
        %dma_wait3A_852 = arith.constant 0 : i32
        %dma_wait3A_853 = tpu.memref_slice %arg0[%dma_wait3A_849, %dma_wait3A_850, %dma_wait3A_851, %dma_wait3A_852] : memref<16x192x96x96xf32, #tpu.memory_space<any>> -> memref<16x1x96x96xf32, #tpu.memory_space<any>>
        tpu.wait_dma2 semaphore(%arg19 : memref<!tpu.dma_semaphore, #tpu.memory_space<semaphore_mem>>) src(%dma_wait3A_853 : memref<16x1x96x96xf32, #tpu.memory_space<any>>) dst(%dma_wait3A_848 : memref<16x1x96x96xf32, #tpu.memory_space<vmem>>)
        %dma_start3A_854 = arith.constant 0 : i32
        %dma_start3A_855 = arith.constant 0 : i32
        %dma_start3A_856 = arith.constant 0 : i32
        %dma_start3A_857 = tpu.memref_slice %arg4[%dma_start3A_854, %sub3A_557, %dma_start3A_855, %dma_start3A_856] : memref<16x192x96x96xf32, #tpu.memory_space<any>> -> memref<16x1x96x96xf32, #tpu.memory_space<any>>
        %dma_start3A_858 = arith.constant 0 : i32
        %dma_start3A_859 = arith.constant 0 : i32
        %dma_start3A_860 = arith.constant 0 : i32
        %dma_start3A_861 = arith.constant 0 : i32
        %dma_start3A_862 = tpu.memref_slice %arg5[%scan3A_11, %dma_start3A_858, %dma_start3A_859, %dma_start3A_860, %dma_start3A_861] : memref<16x16x1x96x96xf32, #tpu.memory_space<vmem>> -> memref<1x16x1x96x96xf32, #tpu.memory_space<vmem>>
        %dma_start3A_863 = tpu.memref_squeeze %dma_start3A_862 : memref<1x16x1x96x96xf32, #tpu.memory_space<vmem>> -> memref<16x1x96x96xf32, #tpu.memory_space<vmem>>
        tpu.enqueue_dma source(%dma_start3A_863 : memref<16x1x96x96xf32, #tpu.memory_space<vmem>>) target(%dma_start3A_857 : memref<16x1x96x96xf32, #tpu.memory_space<any>>) target_semaphore(%arg35 : memref<!tpu.dma_semaphore, #tpu.memory_space<semaphore_mem>>)
      } else {
      }
      %mul3A_563 = arith.constant 16 : i32
      %mul3A_564 = arith.muli %scan3A_403, %mul3A_563 : i32
      %add3A_565 = arith.constant 6 : i32
      %add3A_566 = arith.addi %mul3A_564, %add3A_565 : i32
      %ge3A_567 = arith.constant 1 : i32
      %ge3A_568 = arith.cmpi sge, %scan3A_403, %ge3A_567 : i32
      %convert_element_type3A_569 = arith.extui %ge3A_568 : i1 to i32
      %cond3A_570 = arith.constant 0 : i32
      %cond3A_571 = arith.cmpi ne, %convert_element_type3A_569, %cond3A_570 : i32
      scf.if %cond3A_571 {
        %dma_wait3A_843 = arith.constant 0 : i32
        %dma_wait3A_844 = arith.constant 0 : i32
        %dma_wait3A_845 = arith.constant 0 : i32
        %dma_wait3A_846 = arith.constant 0 : i32
        %dma_wait3A_847 = tpu.memref_slice %arg4[%dma_wait3A_843, %dma_wait3A_844, %dma_wait3A_845, %dma_wait3A_846] : memref<16x192x96x96xf32, #tpu.memory_space<any>> -> memref<16x1x96x96xf32, #tpu.memory_space<any>>
        %dma_wait3A_848 = arith.constant 0 : i32
        %dma_wait3A_849 = arith.constant 0 : i32
        %dma_wait3A_850 = arith.constant 0 : i32
        %dma_wait3A_851 = arith.constant 0 : i32
        %dma_wait3A_852 = tpu.memref_slice %arg5[%scan3A_12, %dma_wait3A_848, %dma_wait3A_849, %dma_wait3A_850, %dma_wait3A_851] : memref<16x16x1x96x96xf32, #tpu.memory_space<vmem>> -> memref<1x16x1x96x96xf32, #tpu.memory_space<vmem>>
        %dma_wait3A_853 = tpu.memref_squeeze %dma_wait3A_852 : memref<1x16x1x96x96xf32, #tpu.memory_space<vmem>> -> memref<16x1x96x96xf32, #tpu.memory_space<vmem>>
        tpu.wait_dma2 semaphore(%arg28 : memref<!tpu.dma_semaphore, #tpu.memory_space<semaphore_mem>>) src(%dma_wait3A_853 : memref<16x1x96x96xf32, #tpu.memory_space<vmem>>) dst(%dma_wait3A_847 : memref<16x1x96x96xf32, #tpu.memory_space<any>>)
      } else {
      }
      %get3A_572 = arith.index_cast %add3A_566 : i32 to index
      %get3A_573 = memref.load %arg2[%get3A_572] : memref<192xf32, #tpu.memory_space<smem>>
      %abs3A_574 = math.absf %get3A_573 : f32
      %lt3A_575 = arith.cmpf olt, %abs3A_574, %get3A_0 : f32
      %convert_element_type3A_576 = arith.extui %lt3A_575 : i1 to i32
      %cond3A_577 = arith.constant 0 : i32
      %cond3A_578 = arith.cmpi ne, %convert_element_type3A_576, %cond3A_577 : i32
      scf.if %cond3A_578 {
        %dma_start3A_843 = arith.constant 0 : i32
        %dma_start3A_844 = arith.constant 0 : i32
        %dma_start3A_845 = arith.constant 0 : i32
        %dma_start3A_846 = arith.constant 0 : i32
        %dma_start3A_847 = tpu.memref_slice %arg5[%scan3A_12, %dma_start3A_843, %dma_start3A_844, %dma_start3A_845, %dma_start3A_846] : memref<16x16x1x96x96xf32, #tpu.memory_space<vmem>> -> memref<1x16x1x96x96xf32, #tpu.memory_space<vmem>>
        %dma_start3A_848 = tpu.memref_squeeze %dma_start3A_847 : memref<1x16x1x96x96xf32, #tpu.memory_space<vmem>> -> memref<16x1x96x96xf32, #tpu.memory_space<vmem>>
        %dma_start3A_849 = arith.constant 0 : i32
        %dma_start3A_850 = arith.constant 0 : i32
        %dma_start3A_851 = arith.constant 0 : i32
        %dma_start3A_852 = tpu.memref_slice %arg1[%dma_start3A_849, %add3A_566, %dma_start3A_850, %dma_start3A_851] : memref<16x192x96x96xf32, #tpu.memory_space<any>> -> memref<16x1x96x96xf32, #tpu.memory_space<any>>
        tpu.enqueue_dma source(%dma_start3A_852 : memref<16x1x96x96xf32, #tpu.memory_space<any>>) target(%dma_start3A_848 : memref<16x1x96x96xf32, #tpu.memory_space<vmem>>) target_semaphore(%arg12 : memref<!tpu.dma_semaphore, #tpu.memory_space<semaphore_mem>>)
      } else {
      }
      %not3A_579 = arith.constant true
      %not3A_580 = arith.xori %lt3A_575, %not3A_579 : i1
      %convert_element_type3A_581 = arith.extui %not3A_580 : i1 to i32
      %cond3A_582 = arith.constant 0 : i32
      %cond3A_583 = arith.cmpi ne, %convert_element_type3A_581, %cond3A_582 : i32
      scf.if %cond3A_583 {
        %dma_start3A_843 = arith.constant 0 : i32
        %dma_start3A_844 = arith.constant 0 : i32
        %dma_start3A_845 = arith.constant 0 : i32
        %dma_start3A_846 = arith.constant 0 : i32
        %dma_start3A_847 = tpu.memref_slice %arg5[%scan3A_12, %dma_start3A_843, %dma_start3A_844, %dma_start3A_845, %dma_start3A_846] : memref<16x16x1x96x96xf32, #tpu.memory_space<vmem>> -> memref<1x16x1x96x96xf32, #tpu.memory_space<vmem>>
        %dma_start3A_848 = tpu.memref_squeeze %dma_start3A_847 : memref<1x16x1x96x96xf32, #tpu.memory_space<vmem>> -> memref<16x1x96x96xf32, #tpu.memory_space<vmem>>
        %dma_start3A_849 = arith.constant 0 : i32
        %dma_start3A_850 = arith.constant 0 : i32
        %dma_start3A_851 = arith.constant 0 : i32
        %dma_start3A_852 = tpu.memref_slice %arg0[%dma_start3A_849, %add3A_566, %dma_start3A_850, %dma_start3A_851] : memref<16x192x96x96xf32, #tpu.memory_space<any>> -> memref<16x1x96x96xf32, #tpu.memory_space<any>>
        tpu.enqueue_dma source(%dma_start3A_852 : memref<16x1x96x96xf32, #tpu.memory_space<any>>) target(%dma_start3A_848 : memref<16x1x96x96xf32, #tpu.memory_space<vmem>>) target_semaphore(%arg12 : memref<!tpu.dma_semaphore, #tpu.memory_space<semaphore_mem>>)
      } else {
      }
      %sub3A_584 = arith.constant 8 : i32
      %sub3A_585 = arith.subi %add3A_566, %sub3A_584 : i32
      %ge3A_586 = arith.constant 0 : i32
      %ge3A_587 = arith.cmpi sge, %sub3A_585, %ge3A_586 : i32
      %convert_element_type3A_588 = arith.extui %ge3A_587 : i1 to i32
      %cond3A_589 = arith.constant 0 : i32
      %cond3A_590 = arith.cmpi ne, %convert_element_type3A_588, %cond3A_589 : i32
      scf.if %cond3A_590 {
        %dma_wait3A_843 = arith.constant 0 : i32
        %dma_wait3A_844 = arith.constant 0 : i32
        %dma_wait3A_845 = arith.constant 0 : i32
        %dma_wait3A_846 = arith.constant 0 : i32
        %dma_wait3A_847 = tpu.memref_slice %arg5[%scan3A_13, %dma_wait3A_843, %dma_wait3A_844, %dma_wait3A_845, %dma_wait3A_846] : memref<16x16x1x96x96xf32, #tpu.memory_space<vmem>> -> memref<1x16x1x96x96xf32, #tpu.memory_space<vmem>>
        %dma_wait3A_848 = tpu.memref_squeeze %dma_wait3A_847 : memref<1x16x1x96x96xf32, #tpu.memory_space<vmem>> -> memref<16x1x96x96xf32, #tpu.memory_space<vmem>>
        %dma_wait3A_849 = arith.constant 0 : i32
        %dma_wait3A_850 = arith.constant 0 : i32
        %dma_wait3A_851 = arith.constant 0 : i32
        %dma_wait3A_852 = arith.constant 0 : i32
        %dma_wait3A_853 = tpu.memref_slice %arg0[%dma_wait3A_849, %dma_wait3A_850, %dma_wait3A_851, %dma_wait3A_852] : memref<16x192x96x96xf32, #tpu.memory_space<any>> -> memref<16x1x96x96xf32, #tpu.memory_space<any>>
        tpu.wait_dma2 semaphore(%arg20 : memref<!tpu.dma_semaphore, #tpu.memory_space<semaphore_mem>>) src(%dma_wait3A_853 : memref<16x1x96x96xf32, #tpu.memory_space<any>>) dst(%dma_wait3A_848 : memref<16x1x96x96xf32, #tpu.memory_space<vmem>>)
        %dma_start3A_854 = arith.constant 0 : i32
        %dma_start3A_855 = arith.constant 0 : i32
        %dma_start3A_856 = arith.constant 0 : i32
        %dma_start3A_857 = tpu.memref_slice %arg4[%dma_start3A_854, %sub3A_585, %dma_start3A_855, %dma_start3A_856] : memref<16x192x96x96xf32, #tpu.memory_space<any>> -> memref<16x1x96x96xf32, #tpu.memory_space<any>>
        %dma_start3A_858 = arith.constant 0 : i32
        %dma_start3A_859 = arith.constant 0 : i32
        %dma_start3A_860 = arith.constant 0 : i32
        %dma_start3A_861 = arith.constant 0 : i32
        %dma_start3A_862 = tpu.memref_slice %arg5[%scan3A_13, %dma_start3A_858, %dma_start3A_859, %dma_start3A_860, %dma_start3A_861] : memref<16x16x1x96x96xf32, #tpu.memory_space<vmem>> -> memref<1x16x1x96x96xf32, #tpu.memory_space<vmem>>
        %dma_start3A_863 = tpu.memref_squeeze %dma_start3A_862 : memref<1x16x1x96x96xf32, #tpu.memory_space<vmem>> -> memref<16x1x96x96xf32, #tpu.memory_space<vmem>>
        tpu.enqueue_dma source(%dma_start3A_863 : memref<16x1x96x96xf32, #tpu.memory_space<vmem>>) target(%dma_start3A_857 : memref<16x1x96x96xf32, #tpu.memory_space<any>>) target_semaphore(%arg36 : memref<!tpu.dma_semaphore, #tpu.memory_space<semaphore_mem>>)
      } else {
      }
      %mul3A_591 = arith.constant 16 : i32
      %mul3A_592 = arith.muli %scan3A_403, %mul3A_591 : i32
      %add3A_593 = arith.constant 7 : i32
      %add3A_594 = arith.addi %mul3A_592, %add3A_593 : i32
      %ge3A_595 = arith.constant 1 : i32
      %ge3A_596 = arith.cmpi sge, %scan3A_403, %ge3A_595 : i32
      %convert_element_type3A_597 = arith.extui %ge3A_596 : i1 to i32
      %cond3A_598 = arith.constant 0 : i32
      %cond3A_599 = arith.cmpi ne, %convert_element_type3A_597, %cond3A_598 : i32
      scf.if %cond3A_599 {
        %dma_wait3A_843 = arith.constant 0 : i32
        %dma_wait3A_844 = arith.constant 0 : i32
        %dma_wait3A_845 = arith.constant 0 : i32
        %dma_wait3A_846 = arith.constant 0 : i32
        %dma_wait3A_847 = tpu.memref_slice %arg4[%dma_wait3A_843, %dma_wait3A_844, %dma_wait3A_845, %dma_wait3A_846] : memref<16x192x96x96xf32, #tpu.memory_space<any>> -> memref<16x1x96x96xf32, #tpu.memory_space<any>>
        %dma_wait3A_848 = arith.constant 0 : i32
        %dma_wait3A_849 = arith.constant 0 : i32
        %dma_wait3A_850 = arith.constant 0 : i32
        %dma_wait3A_851 = arith.constant 0 : i32
        %dma_wait3A_852 = tpu.memref_slice %arg5[%scan3A_14, %dma_wait3A_848, %dma_wait3A_849, %dma_wait3A_850, %dma_wait3A_851] : memref<16x16x1x96x96xf32, #tpu.memory_space<vmem>> -> memref<1x16x1x96x96xf32, #tpu.memory_space<vmem>>
        %dma_wait3A_853 = tpu.memref_squeeze %dma_wait3A_852 : memref<1x16x1x96x96xf32, #tpu.memory_space<vmem>> -> memref<16x1x96x96xf32, #tpu.memory_space<vmem>>
        tpu.wait_dma2 semaphore(%arg29 : memref<!tpu.dma_semaphore, #tpu.memory_space<semaphore_mem>>) src(%dma_wait3A_853 : memref<16x1x96x96xf32, #tpu.memory_space<vmem>>) dst(%dma_wait3A_847 : memref<16x1x96x96xf32, #tpu.memory_space<any>>)
      } else {
      }
      %get3A_600 = arith.index_cast %add3A_594 : i32 to index
      %get3A_601 = memref.load %arg2[%get3A_600] : memref<192xf32, #tpu.memory_space<smem>>
      %abs3A_602 = math.absf %get3A_601 : f32
      %lt3A_603 = arith.cmpf olt, %abs3A_602, %get3A_0 : f32
      %convert_element_type3A_604 = arith.extui %lt3A_603 : i1 to i32
      %cond3A_605 = arith.constant 0 : i32
      %cond3A_606 = arith.cmpi ne, %convert_element_type3A_604, %cond3A_605 : i32
      scf.if %cond3A_606 {
        %dma_start3A_843 = arith.constant 0 : i32
        %dma_start3A_844 = arith.constant 0 : i32
        %dma_start3A_845 = arith.constant 0 : i32
        %dma_start3A_846 = arith.constant 0 : i32
        %dma_start3A_847 = tpu.memref_slice %arg5[%scan3A_14, %dma_start3A_843, %dma_start3A_844, %dma_start3A_845, %dma_start3A_846] : memref<16x16x1x96x96xf32, #tpu.memory_space<vmem>> -> memref<1x16x1x96x96xf32, #tpu.memory_space<vmem>>
        %dma_start3A_848 = tpu.memref_squeeze %dma_start3A_847 : memref<1x16x1x96x96xf32, #tpu.memory_space<vmem>> -> memref<16x1x96x96xf32, #tpu.memory_space<vmem>>
        %dma_start3A_849 = arith.constant 0 : i32
        %dma_start3A_850 = arith.constant 0 : i32
        %dma_start3A_851 = arith.constant 0 : i32
        %dma_start3A_852 = tpu.memref_slice %arg1[%dma_start3A_849, %add3A_594, %dma_start3A_850, %dma_start3A_851] : memref<16x192x96x96xf32, #tpu.memory_space<any>> -> memref<16x1x96x96xf32, #tpu.memory_space<any>>
        tpu.enqueue_dma source(%dma_start3A_852 : memref<16x1x96x96xf32, #tpu.memory_space<any>>) target(%dma_start3A_848 : memref<16x1x96x96xf32, #tpu.memory_space<vmem>>) target_semaphore(%arg13 : memref<!tpu.dma_semaphore, #tpu.memory_space<semaphore_mem>>)
      } else {
      }
      %not3A_607 = arith.constant true
      %not3A_608 = arith.xori %lt3A_603, %not3A_607 : i1
      %convert_element_type3A_609 = arith.extui %not3A_608 : i1 to i32
      %cond3A_610 = arith.constant 0 : i32
      %cond3A_611 = arith.cmpi ne, %convert_element_type3A_609, %cond3A_610 : i32
      scf.if %cond3A_611 {
        %dma_start3A_843 = arith.constant 0 : i32
        %dma_start3A_844 = arith.constant 0 : i32
        %dma_start3A_845 = arith.constant 0 : i32
        %dma_start3A_846 = arith.constant 0 : i32
        %dma_start3A_847 = tpu.memref_slice %arg5[%scan3A_14, %dma_start3A_843, %dma_start3A_844, %dma_start3A_845, %dma_start3A_846] : memref<16x16x1x96x96xf32, #tpu.memory_space<vmem>> -> memref<1x16x1x96x96xf32, #tpu.memory_space<vmem>>
        %dma_start3A_848 = tpu.memref_squeeze %dma_start3A_847 : memref<1x16x1x96x96xf32, #tpu.memory_space<vmem>> -> memref<16x1x96x96xf32, #tpu.memory_space<vmem>>
        %dma_start3A_849 = arith.constant 0 : i32
        %dma_start3A_850 = arith.constant 0 : i32
        %dma_start3A_851 = arith.constant 0 : i32
        %dma_start3A_852 = tpu.memref_slice %arg0[%dma_start3A_849, %add3A_594, %dma_start3A_850, %dma_start3A_851] : memref<16x192x96x96xf32, #tpu.memory_space<any>> -> memref<16x1x96x96xf32, #tpu.memory_space<any>>
        tpu.enqueue_dma source(%dma_start3A_852 : memref<16x1x96x96xf32, #tpu.memory_space<any>>) target(%dma_start3A_848 : memref<16x1x96x96xf32, #tpu.memory_space<vmem>>) target_semaphore(%arg13 : memref<!tpu.dma_semaphore, #tpu.memory_space<semaphore_mem>>)
      } else {
      }
      %sub3A_612 = arith.constant 8 : i32
      %sub3A_613 = arith.subi %add3A_594, %sub3A_612 : i32
      %ge3A_614 = arith.constant 0 : i32
      %ge3A_615 = arith.cmpi sge, %sub3A_613, %ge3A_614 : i32
      %convert_element_type3A_616 = arith.extui %ge3A_615 : i1 to i32
      %cond3A_617 = arith.constant 0 : i32
      %cond3A_618 = arith.cmpi ne, %convert_element_type3A_616, %cond3A_617 : i32
      scf.if %cond3A_618 {
        %dma_wait3A_843 = arith.constant 0 : i32
        %dma_wait3A_844 = arith.constant 0 : i32
        %dma_wait3A_845 = arith.constant 0 : i32
        %dma_wait3A_846 = arith.constant 0 : i32
        %dma_wait3A_847 = tpu.memref_slice %arg5[%scan3A_15, %dma_wait3A_843, %dma_wait3A_844, %dma_wait3A_845, %dma_wait3A_846] : memref<16x16x1x96x96xf32, #tpu.memory_space<vmem>> -> memref<1x16x1x96x96xf32, #tpu.memory_space<vmem>>
        %dma_wait3A_848 = tpu.memref_squeeze %dma_wait3A_847 : memref<1x16x1x96x96xf32, #tpu.memory_space<vmem>> -> memref<16x1x96x96xf32, #tpu.memory_space<vmem>>
        %dma_wait3A_849 = arith.constant 0 : i32
        %dma_wait3A_850 = arith.constant 0 : i32
        %dma_wait3A_851 = arith.constant 0 : i32
        %dma_wait3A_852 = arith.constant 0 : i32
        %dma_wait3A_853 = tpu.memref_slice %arg0[%dma_wait3A_849, %dma_wait3A_850, %dma_wait3A_851, %dma_wait3A_852] : memref<16x192x96x96xf32, #tpu.memory_space<any>> -> memref<16x1x96x96xf32, #tpu.memory_space<any>>
        tpu.wait_dma2 semaphore(%arg21 : memref<!tpu.dma_semaphore, #tpu.memory_space<semaphore_mem>>) src(%dma_wait3A_853 : memref<16x1x96x96xf32, #tpu.memory_space<any>>) dst(%dma_wait3A_848 : memref<16x1x96x96xf32, #tpu.memory_space<vmem>>)
        %dma_start3A_854 = arith.constant 0 : i32
        %dma_start3A_855 = arith.constant 0 : i32
        %dma_start3A_856 = arith.constant 0 : i32
        %dma_start3A_857 = tpu.memref_slice %arg4[%dma_start3A_854, %sub3A_613, %dma_start3A_855, %dma_start3A_856] : memref<16x192x96x96xf32, #tpu.memory_space<any>> -> memref<16x1x96x96xf32, #tpu.memory_space<any>>
        %dma_start3A_858 = arith.constant 0 : i32
        %dma_start3A_859 = arith.constant 0 : i32
        %dma_start3A_860 = arith.constant 0 : i32
        %dma_start3A_861 = arith.constant 0 : i32
        %dma_start3A_862 = tpu.memref_slice %arg5[%scan3A_15, %dma_start3A_858, %dma_start3A_859, %dma_start3A_860, %dma_start3A_861] : memref<16x16x1x96x96xf32, #tpu.memory_space<vmem>> -> memref<1x16x1x96x96xf32, #tpu.memory_space<vmem>>
        %dma_start3A_863 = tpu.memref_squeeze %dma_start3A_862 : memref<1x16x1x96x96xf32, #tpu.memory_space<vmem>> -> memref<16x1x96x96xf32, #tpu.memory_space<vmem>>
        tpu.enqueue_dma source(%dma_start3A_863 : memref<16x1x96x96xf32, #tpu.memory_space<vmem>>) target(%dma_start3A_857 : memref<16x1x96x96xf32, #tpu.memory_space<any>>) target_semaphore(%arg37 : memref<!tpu.dma_semaphore, #tpu.memory_space<semaphore_mem>>)
      } else {
      }
      %mul3A_619 = arith.constant 16 : i32
      %mul3A_620 = arith.muli %scan3A_403, %mul3A_619 : i32
      %add3A_621 = arith.constant 8 : i32
      %add3A_622 = arith.addi %mul3A_620, %add3A_621 : i32
      %ge3A_623 = arith.constant 1 : i32
      %ge3A_624 = arith.cmpi sge, %scan3A_403, %ge3A_623 : i32
      %convert_element_type3A_625 = arith.extui %ge3A_624 : i1 to i32
      %cond3A_626 = arith.constant 0 : i32
      %cond3A_627 = arith.cmpi ne, %convert_element_type3A_625, %cond3A_626 : i32
      scf.if %cond3A_627 {
        %dma_wait3A_843 = arith.constant 0 : i32
        %dma_wait3A_844 = arith.constant 0 : i32
        %dma_wait3A_845 = arith.constant 0 : i32
        %dma_wait3A_846 = arith.constant 0 : i32
        %dma_wait3A_847 = tpu.memref_slice %arg4[%dma_wait3A_843, %dma_wait3A_844, %dma_wait3A_845, %dma_wait3A_846] : memref<16x192x96x96xf32, #tpu.memory_space<any>> -> memref<16x1x96x96xf32, #tpu.memory_space<any>>
        %dma_wait3A_848 = arith.constant 0 : i32
        %dma_wait3A_849 = arith.constant 0 : i32
        %dma_wait3A_850 = arith.constant 0 : i32
        %dma_wait3A_851 = arith.constant 0 : i32
        %dma_wait3A_852 = tpu.memref_slice %arg5[%scan3A_1, %dma_wait3A_848, %dma_wait3A_849, %dma_wait3A_850, %dma_wait3A_851] : memref<16x16x1x96x96xf32, #tpu.memory_space<vmem>> -> memref<1x16x1x96x96xf32, #tpu.memory_space<vmem>>
        %dma_wait3A_853 = tpu.memref_squeeze %dma_wait3A_852 : memref<1x16x1x96x96xf32, #tpu.memory_space<vmem>> -> memref<16x1x96x96xf32, #tpu.memory_space<vmem>>
        tpu.wait_dma2 semaphore(%arg30 : memref<!tpu.dma_semaphore, #tpu.memory_space<semaphore_mem>>) src(%dma_wait3A_853 : memref<16x1x96x96xf32, #tpu.memory_space<vmem>>) dst(%dma_wait3A_847 : memref<16x1x96x96xf32, #tpu.memory_space<any>>)
      } else {
      }
      %get3A_628 = arith.index_cast %add3A_622 : i32 to index
      %get3A_629 = memref.load %arg2[%get3A_628] : memref<192xf32, #tpu.memory_space<smem>>
      %abs3A_630 = math.absf %get3A_629 : f32
      %lt3A_631 = arith.cmpf olt, %abs3A_630, %get3A_0 : f32
      %convert_element_type3A_632 = arith.extui %lt3A_631 : i1 to i32
      %cond3A_633 = arith.constant 0 : i32
      %cond3A_634 = arith.cmpi ne, %convert_element_type3A_632, %cond3A_633 : i32
      scf.if %cond3A_634 {
        %dma_start3A_843 = arith.constant 0 : i32
        %dma_start3A_844 = arith.constant 0 : i32
        %dma_start3A_845 = arith.constant 0 : i32
        %dma_start3A_846 = arith.constant 0 : i32
        %dma_start3A_847 = tpu.memref_slice %arg5[%scan3A_1, %dma_start3A_843, %dma_start3A_844, %dma_start3A_845, %dma_start3A_846] : memref<16x16x1x96x96xf32, #tpu.memory_space<vmem>> -> memref<1x16x1x96x96xf32, #tpu.memory_space<vmem>>
        %dma_start3A_848 = tpu.memref_squeeze %dma_start3A_847 : memref<1x16x1x96x96xf32, #tpu.memory_space<vmem>> -> memref<16x1x96x96xf32, #tpu.memory_space<vmem>>
        %dma_start3A_849 = arith.constant 0 : i32
        %dma_start3A_850 = arith.constant 0 : i32
        %dma_start3A_851 = arith.constant 0 : i32
        %dma_start3A_852 = tpu.memref_slice %arg1[%dma_start3A_849, %add3A_622, %dma_start3A_850, %dma_start3A_851] : memref<16x192x96x96xf32, #tpu.memory_space<any>> -> memref<16x1x96x96xf32, #tpu.memory_space<any>>
        tpu.enqueue_dma source(%dma_start3A_852 : memref<16x1x96x96xf32, #tpu.memory_space<any>>) target(%dma_start3A_848 : memref<16x1x96x96xf32, #tpu.memory_space<vmem>>) target_semaphore(%arg14 : memref<!tpu.dma_semaphore, #tpu.memory_space<semaphore_mem>>)
      } else {
      }
      %not3A_635 = arith.constant true
      %not3A_636 = arith.xori %lt3A_631, %not3A_635 : i1
      %convert_element_type3A_637 = arith.extui %not3A_636 : i1 to i32
      %cond3A_638 = arith.constant 0 : i32
      %cond3A_639 = arith.cmpi ne, %convert_element_type3A_637, %cond3A_638 : i32
      scf.if %cond3A_639 {
        %dma_start3A_843 = arith.constant 0 : i32
        %dma_start3A_844 = arith.constant 0 : i32
        %dma_start3A_845 = arith.constant 0 : i32
        %dma_start3A_846 = arith.constant 0 : i32
        %dma_start3A_847 = tpu.memref_slice %arg5[%scan3A_1, %dma_start3A_843, %dma_start3A_844, %dma_start3A_845, %dma_start3A_846] : memref<16x16x1x96x96xf32, #tpu.memory_space<vmem>> -> memref<1x16x1x96x96xf32, #tpu.memory_space<vmem>>
        %dma_start3A_848 = tpu.memref_squeeze %dma_start3A_847 : memref<1x16x1x96x96xf32, #tpu.memory_space<vmem>> -> memref<16x1x96x96xf32, #tpu.memory_space<vmem>>
        %dma_start3A_849 = arith.constant 0 : i32
        %dma_start3A_850 = arith.constant 0 : i32
        %dma_start3A_851 = arith.constant 0 : i32
        %dma_start3A_852 = tpu.memref_slice %arg0[%dma_start3A_849, %add3A_622, %dma_start3A_850, %dma_start3A_851] : memref<16x192x96x96xf32, #tpu.memory_space<any>> -> memref<16x1x96x96xf32, #tpu.memory_space<any>>
        tpu.enqueue_dma source(%dma_start3A_852 : memref<16x1x96x96xf32, #tpu.memory_space<any>>) target(%dma_start3A_848 : memref<16x1x96x96xf32, #tpu.memory_space<vmem>>) target_semaphore(%arg14 : memref<!tpu.dma_semaphore, #tpu.memory_space<semaphore_mem>>)
      } else {
      }
      %sub3A_640 = arith.constant 8 : i32
      %sub3A_641 = arith.subi %add3A_622, %sub3A_640 : i32
      %ge3A_642 = arith.constant 0 : i32
      %ge3A_643 = arith.cmpi sge, %sub3A_641, %ge3A_642 : i32
      %convert_element_type3A_644 = arith.extui %ge3A_643 : i1 to i32
      %cond3A_645 = arith.constant 0 : i32
      %cond3A_646 = arith.cmpi ne, %convert_element_type3A_644, %cond3A_645 : i32
      scf.if %cond3A_646 {
        %dma_wait3A_843 = arith.constant 0 : i32
        %dma_wait3A_844 = arith.constant 0 : i32
        %dma_wait3A_845 = arith.constant 0 : i32
        %dma_wait3A_846 = arith.constant 0 : i32
        %dma_wait3A_847 = tpu.memref_slice %arg5[%scan3A, %dma_wait3A_843, %dma_wait3A_844, %dma_wait3A_845, %dma_wait3A_846] : memref<16x16x1x96x96xf32, #tpu.memory_space<vmem>> -> memref<1x16x1x96x96xf32, #tpu.memory_space<vmem>>
        %dma_wait3A_848 = tpu.memref_squeeze %dma_wait3A_847 : memref<1x16x1x96x96xf32, #tpu.memory_space<vmem>> -> memref<16x1x96x96xf32, #tpu.memory_space<vmem>>
        %dma_wait3A_849 = arith.constant 0 : i32
        %dma_wait3A_850 = arith.constant 0 : i32
        %dma_wait3A_851 = arith.constant 0 : i32
        %dma_wait3A_852 = arith.constant 0 : i32
        %dma_wait3A_853 = tpu.memref_slice %arg0[%dma_wait3A_849, %dma_wait3A_850, %dma_wait3A_851, %dma_wait3A_852] : memref<16x192x96x96xf32, #tpu.memory_space<any>> -> memref<16x1x96x96xf32, #tpu.memory_space<any>>
        tpu.wait_dma2 semaphore(%arg6 : memref<!tpu.dma_semaphore, #tpu.memory_space<semaphore_mem>>) src(%dma_wait3A_853 : memref<16x1x96x96xf32, #tpu.memory_space<any>>) dst(%dma_wait3A_848 : memref<16x1x96x96xf32, #tpu.memory_space<vmem>>)
        %dma_start3A_854 = arith.constant 0 : i32
        %dma_start3A_855 = arith.constant 0 : i32
        %dma_start3A_856 = arith.constant 0 : i32
        %dma_start3A_857 = tpu.memref_slice %arg4[%dma_start3A_854, %sub3A_641, %dma_start3A_855, %dma_start3A_856] : memref<16x192x96x96xf32, #tpu.memory_space<any>> -> memref<16x1x96x96xf32, #tpu.memory_space<any>>
        %dma_start3A_858 = arith.constant 0 : i32
        %dma_start3A_859 = arith.constant 0 : i32
        %dma_start3A_860 = arith.constant 0 : i32
        %dma_start3A_861 = arith.constant 0 : i32
        %dma_start3A_862 = tpu.memref_slice %arg5[%scan3A, %dma_start3A_858, %dma_start3A_859, %dma_start3A_860, %dma_start3A_861] : memref<16x16x1x96x96xf32, #tpu.memory_space<vmem>> -> memref<1x16x1x96x96xf32, #tpu.memory_space<vmem>>
        %dma_start3A_863 = tpu.memref_squeeze %dma_start3A_862 : memref<1x16x1x96x96xf32, #tpu.memory_space<vmem>> -> memref<16x1x96x96xf32, #tpu.memory_space<vmem>>
        tpu.enqueue_dma source(%dma_start3A_863 : memref<16x1x96x96xf32, #tpu.memory_space<vmem>>) target(%dma_start3A_857 : memref<16x1x96x96xf32, #tpu.memory_space<any>>) target_semaphore(%arg22 : memref<!tpu.dma_semaphore, #tpu.memory_space<semaphore_mem>>)
      } else {
      }
      %mul3A_647 = arith.constant 16 : i32
      %mul3A_648 = arith.muli %scan3A_403, %mul3A_647 : i32
      %add3A_649 = arith.constant 9 : i32
      %add3A_650 = arith.addi %mul3A_648, %add3A_649 : i32
      %ge3A_651 = arith.constant 1 : i32
      %ge3A_652 = arith.cmpi sge, %scan3A_403, %ge3A_651 : i32
      %convert_element_type3A_653 = arith.extui %ge3A_652 : i1 to i32
      %cond3A_654 = arith.constant 0 : i32
      %cond3A_655 = arith.cmpi ne, %convert_element_type3A_653, %cond3A_654 : i32
      scf.if %cond3A_655 {
        %dma_wait3A_843 = arith.constant 0 : i32
        %dma_wait3A_844 = arith.constant 0 : i32
        %dma_wait3A_845 = arith.constant 0 : i32
        %dma_wait3A_846 = arith.constant 0 : i32
        %dma_wait3A_847 = tpu.memref_slice %arg4[%dma_wait3A_843, %dma_wait3A_844, %dma_wait3A_845, %dma_wait3A_846] : memref<16x192x96x96xf32, #tpu.memory_space<any>> -> memref<16x1x96x96xf32, #tpu.memory_space<any>>
        %dma_wait3A_848 = arith.constant 0 : i32
        %dma_wait3A_849 = arith.constant 0 : i32
        %dma_wait3A_850 = arith.constant 0 : i32
        %dma_wait3A_851 = arith.constant 0 : i32
        %dma_wait3A_852 = tpu.memref_slice %arg5[%scan3A_3, %dma_wait3A_848, %dma_wait3A_849, %dma_wait3A_850, %dma_wait3A_851] : memref<16x16x1x96x96xf32, #tpu.memory_space<vmem>> -> memref<1x16x1x96x96xf32, #tpu.memory_space<vmem>>
        %dma_wait3A_853 = tpu.memref_squeeze %dma_wait3A_852 : memref<1x16x1x96x96xf32, #tpu.memory_space<vmem>> -> memref<16x1x96x96xf32, #tpu.memory_space<vmem>>
        tpu.wait_dma2 semaphore(%arg31 : memref<!tpu.dma_semaphore, #tpu.memory_space<semaphore_mem>>) src(%dma_wait3A_853 : memref<16x1x96x96xf32, #tpu.memory_space<vmem>>) dst(%dma_wait3A_847 : memref<16x1x96x96xf32, #tpu.memory_space<any>>)
      } else {
      }
      %get3A_656 = arith.index_cast %add3A_650 : i32 to index
      %get3A_657 = memref.load %arg2[%get3A_656] : memref<192xf32, #tpu.memory_space<smem>>
      %abs3A_658 = math.absf %get3A_657 : f32
      %lt3A_659 = arith.cmpf olt, %abs3A_658, %get3A_0 : f32
      %convert_element_type3A_660 = arith.extui %lt3A_659 : i1 to i32
      %cond3A_661 = arith.constant 0 : i32
      %cond3A_662 = arith.cmpi ne, %convert_element_type3A_660, %cond3A_661 : i32
      scf.if %cond3A_662 {
        %dma_start3A_843 = arith.constant 0 : i32
        %dma_start3A_844 = arith.constant 0 : i32
        %dma_start3A_845 = arith.constant 0 : i32
        %dma_start3A_846 = arith.constant 0 : i32
        %dma_start3A_847 = tpu.memref_slice %arg5[%scan3A_3, %dma_start3A_843, %dma_start3A_844, %dma_start3A_845, %dma_start3A_846] : memref<16x16x1x96x96xf32, #tpu.memory_space<vmem>> -> memref<1x16x1x96x96xf32, #tpu.memory_space<vmem>>
        %dma_start3A_848 = tpu.memref_squeeze %dma_start3A_847 : memref<1x16x1x96x96xf32, #tpu.memory_space<vmem>> -> memref<16x1x96x96xf32, #tpu.memory_space<vmem>>
        %dma_start3A_849 = arith.constant 0 : i32
        %dma_start3A_850 = arith.constant 0 : i32
        %dma_start3A_851 = arith.constant 0 : i32
        %dma_start3A_852 = tpu.memref_slice %arg1[%dma_start3A_849, %add3A_650, %dma_start3A_850, %dma_start3A_851] : memref<16x192x96x96xf32, #tpu.memory_space<any>> -> memref<16x1x96x96xf32, #tpu.memory_space<any>>
        tpu.enqueue_dma source(%dma_start3A_852 : memref<16x1x96x96xf32, #tpu.memory_space<any>>) target(%dma_start3A_848 : memref<16x1x96x96xf32, #tpu.memory_space<vmem>>) target_semaphore(%arg15 : memref<!tpu.dma_semaphore, #tpu.memory_space<semaphore_mem>>)
      } else {
      }
      %not3A_663 = arith.constant true
      %not3A_664 = arith.xori %lt3A_659, %not3A_663 : i1
      %convert_element_type3A_665 = arith.extui %not3A_664 : i1 to i32
      %cond3A_666 = arith.constant 0 : i32
      %cond3A_667 = arith.cmpi ne, %convert_element_type3A_665, %cond3A_666 : i32
      scf.if %cond3A_667 {
        %dma_start3A_843 = arith.constant 0 : i32
        %dma_start3A_844 = arith.constant 0 : i32
        %dma_start3A_845 = arith.constant 0 : i32
        %dma_start3A_846 = arith.constant 0 : i32
        %dma_start3A_847 = tpu.memref_slice %arg5[%scan3A_3, %dma_start3A_843, %dma_start3A_844, %dma_start3A_845, %dma_start3A_846] : memref<16x16x1x96x96xf32, #tpu.memory_space<vmem>> -> memref<1x16x1x96x96xf32, #tpu.memory_space<vmem>>
        %dma_start3A_848 = tpu.memref_squeeze %dma_start3A_847 : memref<1x16x1x96x96xf32, #tpu.memory_space<vmem>> -> memref<16x1x96x96xf32, #tpu.memory_space<vmem>>
        %dma_start3A_849 = arith.constant 0 : i32
        %dma_start3A_850 = arith.constant 0 : i32
        %dma_start3A_851 = arith.constant 0 : i32
        %dma_start3A_852 = tpu.memref_slice %arg0[%dma_start3A_849, %add3A_650, %dma_start3A_850, %dma_start3A_851] : memref<16x192x96x96xf32, #tpu.memory_space<any>> -> memref<16x1x96x96xf32, #tpu.memory_space<any>>
        tpu.enqueue_dma source(%dma_start3A_852 : memref<16x1x96x96xf32, #tpu.memory_space<any>>) target(%dma_start3A_848 : memref<16x1x96x96xf32, #tpu.memory_space<vmem>>) target_semaphore(%arg15 : memref<!tpu.dma_semaphore, #tpu.memory_space<semaphore_mem>>)
      } else {
      }
      %sub3A_668 = arith.constant 8 : i32
      %sub3A_669 = arith.subi %add3A_650, %sub3A_668 : i32
      %ge3A_670 = arith.constant 0 : i32
      %ge3A_671 = arith.cmpi sge, %sub3A_669, %ge3A_670 : i32
      %convert_element_type3A_672 = arith.extui %ge3A_671 : i1 to i32
      %cond3A_673 = arith.constant 0 : i32
      %cond3A_674 = arith.cmpi ne, %convert_element_type3A_672, %cond3A_673 : i32
      scf.if %cond3A_674 {
        %dma_wait3A_843 = arith.constant 0 : i32
        %dma_wait3A_844 = arith.constant 0 : i32
        %dma_wait3A_845 = arith.constant 0 : i32
        %dma_wait3A_846 = arith.constant 0 : i32
        %dma_wait3A_847 = tpu.memref_slice %arg5[%scan3A_2, %dma_wait3A_843, %dma_wait3A_844, %dma_wait3A_845, %dma_wait3A_846] : memref<16x16x1x96x96xf32, #tpu.memory_space<vmem>> -> memref<1x16x1x96x96xf32, #tpu.memory_space<vmem>>
        %dma_wait3A_848 = tpu.memref_squeeze %dma_wait3A_847 : memref<1x16x1x96x96xf32, #tpu.memory_space<vmem>> -> memref<16x1x96x96xf32, #tpu.memory_space<vmem>>
        %dma_wait3A_849 = arith.constant 0 : i32
        %dma_wait3A_850 = arith.constant 0 : i32
        %dma_wait3A_851 = arith.constant 0 : i32
        %dma_wait3A_852 = arith.constant 0 : i32
        %dma_wait3A_853 = tpu.memref_slice %arg0[%dma_wait3A_849, %dma_wait3A_850, %dma_wait3A_851, %dma_wait3A_852] : memref<16x192x96x96xf32, #tpu.memory_space<any>> -> memref<16x1x96x96xf32, #tpu.memory_space<any>>
        tpu.wait_dma2 semaphore(%arg7 : memref<!tpu.dma_semaphore, #tpu.memory_space<semaphore_mem>>) src(%dma_wait3A_853 : memref<16x1x96x96xf32, #tpu.memory_space<any>>) dst(%dma_wait3A_848 : memref<16x1x96x96xf32, #tpu.memory_space<vmem>>)
        %dma_start3A_854 = arith.constant 0 : i32
        %dma_start3A_855 = arith.constant 0 : i32
        %dma_start3A_856 = arith.constant 0 : i32
        %dma_start3A_857 = tpu.memref_slice %arg4[%dma_start3A_854, %sub3A_669, %dma_start3A_855, %dma_start3A_856] : memref<16x192x96x96xf32, #tpu.memory_space<any>> -> memref<16x1x96x96xf32, #tpu.memory_space<any>>
        %dma_start3A_858 = arith.constant 0 : i32
        %dma_start3A_859 = arith.constant 0 : i32
        %dma_start3A_860 = arith.constant 0 : i32
        %dma_start3A_861 = arith.constant 0 : i32
        %dma_start3A_862 = tpu.memref_slice %arg5[%scan3A_2, %dma_start3A_858, %dma_start3A_859, %dma_start3A_860, %dma_start3A_861] : memref<16x16x1x96x96xf32, #tpu.memory_space<vmem>> -> memref<1x16x1x96x96xf32, #tpu.memory_space<vmem>>
        %dma_start3A_863 = tpu.memref_squeeze %dma_start3A_862 : memref<1x16x1x96x96xf32, #tpu.memory_space<vmem>> -> memref<16x1x96x96xf32, #tpu.memory_space<vmem>>
        tpu.enqueue_dma source(%dma_start3A_863 : memref<16x1x96x96xf32, #tpu.memory_space<vmem>>) target(%dma_start3A_857 : memref<16x1x96x96xf32, #tpu.memory_space<any>>) target_semaphore(%arg23 : memref<!tpu.dma_semaphore, #tpu.memory_space<semaphore_mem>>)
      } else {
      }
      %mul3A_675 = arith.constant 16 : i32
      %mul3A_676 = arith.muli %scan3A_403, %mul3A_675 : i32
      %add3A_677 = arith.constant 10 : i32
      %add3A_678 = arith.addi %mul3A_676, %add3A_677 : i32
      %ge3A_679 = arith.constant 1 : i32
      %ge3A_680 = arith.cmpi sge, %scan3A_403, %ge3A_679 : i32
      %convert_element_type3A_681 = arith.extui %ge3A_680 : i1 to i32
      %cond3A_682 = arith.constant 0 : i32
      %cond3A_683 = arith.cmpi ne, %convert_element_type3A_681, %cond3A_682 : i32
      scf.if %cond3A_683 {
        %dma_wait3A_843 = arith.constant 0 : i32
        %dma_wait3A_844 = arith.constant 0 : i32
        %dma_wait3A_845 = arith.constant 0 : i32
        %dma_wait3A_846 = arith.constant 0 : i32
        %dma_wait3A_847 = tpu.memref_slice %arg4[%dma_wait3A_843, %dma_wait3A_844, %dma_wait3A_845, %dma_wait3A_846] : memref<16x192x96x96xf32, #tpu.memory_space<any>> -> memref<16x1x96x96xf32, #tpu.memory_space<any>>
        %dma_wait3A_848 = arith.constant 0 : i32
        %dma_wait3A_849 = arith.constant 0 : i32
        %dma_wait3A_850 = arith.constant 0 : i32
        %dma_wait3A_851 = arith.constant 0 : i32
        %dma_wait3A_852 = tpu.memref_slice %arg5[%scan3A_5, %dma_wait3A_848, %dma_wait3A_849, %dma_wait3A_850, %dma_wait3A_851] : memref<16x16x1x96x96xf32, #tpu.memory_space<vmem>> -> memref<1x16x1x96x96xf32, #tpu.memory_space<vmem>>
        %dma_wait3A_853 = tpu.memref_squeeze %dma_wait3A_852 : memref<1x16x1x96x96xf32, #tpu.memory_space<vmem>> -> memref<16x1x96x96xf32, #tpu.memory_space<vmem>>
        tpu.wait_dma2 semaphore(%arg32 : memref<!tpu.dma_semaphore, #tpu.memory_space<semaphore_mem>>) src(%dma_wait3A_853 : memref<16x1x96x96xf32, #tpu.memory_space<vmem>>) dst(%dma_wait3A_847 : memref<16x1x96x96xf32, #tpu.memory_space<any>>)
      } else {
      }
      %get3A_684 = arith.index_cast %add3A_678 : i32 to index
      %get3A_685 = memref.load %arg2[%get3A_684] : memref<192xf32, #tpu.memory_space<smem>>
      %abs3A_686 = math.absf %get3A_685 : f32
      %lt3A_687 = arith.cmpf olt, %abs3A_686, %get3A_0 : f32
      %convert_element_type3A_688 = arith.extui %lt3A_687 : i1 to i32
      %cond3A_689 = arith.constant 0 : i32
      %cond3A_690 = arith.cmpi ne, %convert_element_type3A_688, %cond3A_689 : i32
      scf.if %cond3A_690 {
        %dma_start3A_843 = arith.constant 0 : i32
        %dma_start3A_844 = arith.constant 0 : i32
        %dma_start3A_845 = arith.constant 0 : i32
        %dma_start3A_846 = arith.constant 0 : i32
        %dma_start3A_847 = tpu.memref_slice %arg5[%scan3A_5, %dma_start3A_843, %dma_start3A_844, %dma_start3A_845, %dma_start3A_846] : memref<16x16x1x96x96xf32, #tpu.memory_space<vmem>> -> memref<1x16x1x96x96xf32, #tpu.memory_space<vmem>>
        %dma_start3A_848 = tpu.memref_squeeze %dma_start3A_847 : memref<1x16x1x96x96xf32, #tpu.memory_space<vmem>> -> memref<16x1x96x96xf32, #tpu.memory_space<vmem>>
        %dma_start3A_849 = arith.constant 0 : i32
        %dma_start3A_850 = arith.constant 0 : i32
        %dma_start3A_851 = arith.constant 0 : i32
        %dma_start3A_852 = tpu.memref_slice %arg1[%dma_start3A_849, %add3A_678, %dma_start3A_850, %dma_start3A_851] : memref<16x192x96x96xf32, #tpu.memory_space<any>> -> memref<16x1x96x96xf32, #tpu.memory_space<any>>
        tpu.enqueue_dma source(%dma_start3A_852 : memref<16x1x96x96xf32, #tpu.memory_space<any>>) target(%dma_start3A_848 : memref<16x1x96x96xf32, #tpu.memory_space<vmem>>) target_semaphore(%arg16 : memref<!tpu.dma_semaphore, #tpu.memory_space<semaphore_mem>>)
      } else {
      }
      %not3A_691 = arith.constant true
      %not3A_692 = arith.xori %lt3A_687, %not3A_691 : i1
      %convert_element_type3A_693 = arith.extui %not3A_692 : i1 to i32
      %cond3A_694 = arith.constant 0 : i32
      %cond3A_695 = arith.cmpi ne, %convert_element_type3A_693, %cond3A_694 : i32
      scf.if %cond3A_695 {
        %dma_start3A_843 = arith.constant 0 : i32
        %dma_start3A_844 = arith.constant 0 : i32
        %dma_start3A_845 = arith.constant 0 : i32
        %dma_start3A_846 = arith.constant 0 : i32
        %dma_start3A_847 = tpu.memref_slice %arg5[%scan3A_5, %dma_start3A_843, %dma_start3A_844, %dma_start3A_845, %dma_start3A_846] : memref<16x16x1x96x96xf32, #tpu.memory_space<vmem>> -> memref<1x16x1x96x96xf32, #tpu.memory_space<vmem>>
        %dma_start3A_848 = tpu.memref_squeeze %dma_start3A_847 : memref<1x16x1x96x96xf32, #tpu.memory_space<vmem>> -> memref<16x1x96x96xf32, #tpu.memory_space<vmem>>
        %dma_start3A_849 = arith.constant 0 : i32
        %dma_start3A_850 = arith.constant 0 : i32
        %dma_start3A_851 = arith.constant 0 : i32
        %dma_start3A_852 = tpu.memref_slice %arg0[%dma_start3A_849, %add3A_678, %dma_start3A_850, %dma_start3A_851] : memref<16x192x96x96xf32, #tpu.memory_space<any>> -> memref<16x1x96x96xf32, #tpu.memory_space<any>>
        tpu.enqueue_dma source(%dma_start3A_852 : memref<16x1x96x96xf32, #tpu.memory_space<any>>) target(%dma_start3A_848 : memref<16x1x96x96xf32, #tpu.memory_space<vmem>>) target_semaphore(%arg16 : memref<!tpu.dma_semaphore, #tpu.memory_space<semaphore_mem>>)
      } else {
      }
      %sub3A_696 = arith.constant 8 : i32
      %sub3A_697 = arith.subi %add3A_678, %sub3A_696 : i32
      %ge3A_698 = arith.constant 0 : i32
      %ge3A_699 = arith.cmpi sge, %sub3A_697, %ge3A_698 : i32
      %convert_element_type3A_700 = arith.extui %ge3A_699 : i1 to i32
      %cond3A_701 = arith.constant 0 : i32
      %cond3A_702 = arith.cmpi ne, %convert_element_type3A_700, %cond3A_701 : i32
      scf.if %cond3A_702 {
        %dma_wait3A_843 = arith.constant 0 : i32
        %dma_wait3A_844 = arith.constant 0 : i32
        %dma_wait3A_845 = arith.constant 0 : i32
        %dma_wait3A_846 = arith.constant 0 : i32
        %dma_wait3A_847 = tpu.memref_slice %arg5[%scan3A_4, %dma_wait3A_843, %dma_wait3A_844, %dma_wait3A_845, %dma_wait3A_846] : memref<16x16x1x96x96xf32, #tpu.memory_space<vmem>> -> memref<1x16x1x96x96xf32, #tpu.memory_space<vmem>>
        %dma_wait3A_848 = tpu.memref_squeeze %dma_wait3A_847 : memref<1x16x1x96x96xf32, #tpu.memory_space<vmem>> -> memref<16x1x96x96xf32, #tpu.memory_space<vmem>>
        %dma_wait3A_849 = arith.constant 0 : i32
        %dma_wait3A_850 = arith.constant 0 : i32
        %dma_wait3A_851 = arith.constant 0 : i32
        %dma_wait3A_852 = arith.constant 0 : i32
        %dma_wait3A_853 = tpu.memref_slice %arg0[%dma_wait3A_849, %dma_wait3A_850, %dma_wait3A_851, %dma_wait3A_852] : memref<16x192x96x96xf32, #tpu.memory_space<any>> -> memref<16x1x96x96xf32, #tpu.memory_space<any>>
        tpu.wait_dma2 semaphore(%arg8 : memref<!tpu.dma_semaphore, #tpu.memory_space<semaphore_mem>>) src(%dma_wait3A_853 : memref<16x1x96x96xf32, #tpu.memory_space<any>>) dst(%dma_wait3A_848 : memref<16x1x96x96xf32, #tpu.memory_space<vmem>>)
        %dma_start3A_854 = arith.constant 0 : i32
        %dma_start3A_855 = arith.constant 0 : i32
        %dma_start3A_856 = arith.constant 0 : i32
        %dma_start3A_857 = tpu.memref_slice %arg4[%dma_start3A_854, %sub3A_697, %dma_start3A_855, %dma_start3A_856] : memref<16x192x96x96xf32, #tpu.memory_space<any>> -> memref<16x1x96x96xf32, #tpu.memory_space<any>>
        %dma_start3A_858 = arith.constant 0 : i32
        %dma_start3A_859 = arith.constant 0 : i32
        %dma_start3A_860 = arith.constant 0 : i32
        %dma_start3A_861 = arith.constant 0 : i32
        %dma_start3A_862 = tpu.memref_slice %arg5[%scan3A_4, %dma_start3A_858, %dma_start3A_859, %dma_start3A_860, %dma_start3A_861] : memref<16x16x1x96x96xf32, #tpu.memory_space<vmem>> -> memref<1x16x1x96x96xf32, #tpu.memory_space<vmem>>
        %dma_start3A_863 = tpu.memref_squeeze %dma_start3A_862 : memref<1x16x1x96x96xf32, #tpu.memory_space<vmem>> -> memref<16x1x96x96xf32, #tpu.memory_space<vmem>>
        tpu.enqueue_dma source(%dma_start3A_863 : memref<16x1x96x96xf32, #tpu.memory_space<vmem>>) target(%dma_start3A_857 : memref<16x1x96x96xf32, #tpu.memory_space<any>>) target_semaphore(%arg24 : memref<!tpu.dma_semaphore, #tpu.memory_space<semaphore_mem>>)
      } else {
      }
      %mul3A_703 = arith.constant 16 : i32
      %mul3A_704 = arith.muli %scan3A_403, %mul3A_703 : i32
      %add3A_705 = arith.constant 11 : i32
      %add3A_706 = arith.addi %mul3A_704, %add3A_705 : i32
      %ge3A_707 = arith.constant 1 : i32
      %ge3A_708 = arith.cmpi sge, %scan3A_403, %ge3A_707 : i32
      %convert_element_type3A_709 = arith.extui %ge3A_708 : i1 to i32
      %cond3A_710 = arith.constant 0 : i32
      %cond3A_711 = arith.cmpi ne, %convert_element_type3A_709, %cond3A_710 : i32
      scf.if %cond3A_711 {
        %dma_wait3A_843 = arith.constant 0 : i32
        %dma_wait3A_844 = arith.constant 0 : i32
        %dma_wait3A_845 = arith.constant 0 : i32
        %dma_wait3A_846 = arith.constant 0 : i32
        %dma_wait3A_847 = tpu.memref_slice %arg4[%dma_wait3A_843, %dma_wait3A_844, %dma_wait3A_845, %dma_wait3A_846] : memref<16x192x96x96xf32, #tpu.memory_space<any>> -> memref<16x1x96x96xf32, #tpu.memory_space<any>>
        %dma_wait3A_848 = arith.constant 0 : i32
        %dma_wait3A_849 = arith.constant 0 : i32
        %dma_wait3A_850 = arith.constant 0 : i32
        %dma_wait3A_851 = arith.constant 0 : i32
        %dma_wait3A_852 = tpu.memref_slice %arg5[%scan3A_7, %dma_wait3A_848, %dma_wait3A_849, %dma_wait3A_850, %dma_wait3A_851] : memref<16x16x1x96x96xf32, #tpu.memory_space<vmem>> -> memref<1x16x1x96x96xf32, #tpu.memory_space<vmem>>
        %dma_wait3A_853 = tpu.memref_squeeze %dma_wait3A_852 : memref<1x16x1x96x96xf32, #tpu.memory_space<vmem>> -> memref<16x1x96x96xf32, #tpu.memory_space<vmem>>
        tpu.wait_dma2 semaphore(%arg33 : memref<!tpu.dma_semaphore, #tpu.memory_space<semaphore_mem>>) src(%dma_wait3A_853 : memref<16x1x96x96xf32, #tpu.memory_space<vmem>>) dst(%dma_wait3A_847 : memref<16x1x96x96xf32, #tpu.memory_space<any>>)
      } else {
      }
      %get3A_712 = arith.index_cast %add3A_706 : i32 to index
      %get3A_713 = memref.load %arg2[%get3A_712] : memref<192xf32, #tpu.memory_space<smem>>
      %abs3A_714 = math.absf %get3A_713 : f32
      %lt3A_715 = arith.cmpf olt, %abs3A_714, %get3A_0 : f32
      %convert_element_type3A_716 = arith.extui %lt3A_715 : i1 to i32
      %cond3A_717 = arith.constant 0 : i32
      %cond3A_718 = arith.cmpi ne, %convert_element_type3A_716, %cond3A_717 : i32
      scf.if %cond3A_718 {
        %dma_start3A_843 = arith.constant 0 : i32
        %dma_start3A_844 = arith.constant 0 : i32
        %dma_start3A_845 = arith.constant 0 : i32
        %dma_start3A_846 = arith.constant 0 : i32
        %dma_start3A_847 = tpu.memref_slice %arg5[%scan3A_7, %dma_start3A_843, %dma_start3A_844, %dma_start3A_845, %dma_start3A_846] : memref<16x16x1x96x96xf32, #tpu.memory_space<vmem>> -> memref<1x16x1x96x96xf32, #tpu.memory_space<vmem>>
        %dma_start3A_848 = tpu.memref_squeeze %dma_start3A_847 : memref<1x16x1x96x96xf32, #tpu.memory_space<vmem>> -> memref<16x1x96x96xf32, #tpu.memory_space<vmem>>
        %dma_start3A_849 = arith.constant 0 : i32
        %dma_start3A_850 = arith.constant 0 : i32
        %dma_start3A_851 = arith.constant 0 : i32
        %dma_start3A_852 = tpu.memref_slice %arg1[%dma_start3A_849, %add3A_706, %dma_start3A_850, %dma_start3A_851] : memref<16x192x96x96xf32, #tpu.memory_space<any>> -> memref<16x1x96x96xf32, #tpu.memory_space<any>>
        tpu.enqueue_dma source(%dma_start3A_852 : memref<16x1x96x96xf32, #tpu.memory_space<any>>) target(%dma_start3A_848 : memref<16x1x96x96xf32, #tpu.memory_space<vmem>>) target_semaphore(%arg17 : memref<!tpu.dma_semaphore, #tpu.memory_space<semaphore_mem>>)
      } else {
      }
      %not3A_719 = arith.constant true
      %not3A_720 = arith.xori %lt3A_715, %not3A_719 : i1
      %convert_element_type3A_721 = arith.extui %not3A_720 : i1 to i32
      %cond3A_722 = arith.constant 0 : i32
      %cond3A_723 = arith.cmpi ne, %convert_element_type3A_721, %cond3A_722 : i32
      scf.if %cond3A_723 {
        %dma_start3A_843 = arith.constant 0 : i32
        %dma_start3A_844 = arith.constant 0 : i32
        %dma_start3A_845 = arith.constant 0 : i32
        %dma_start3A_846 = arith.constant 0 : i32
        %dma_start3A_847 = tpu.memref_slice %arg5[%scan3A_7, %dma_start3A_843, %dma_start3A_844, %dma_start3A_845, %dma_start3A_846] : memref<16x16x1x96x96xf32, #tpu.memory_space<vmem>> -> memref<1x16x1x96x96xf32, #tpu.memory_space<vmem>>
        %dma_start3A_848 = tpu.memref_squeeze %dma_start3A_847 : memref<1x16x1x96x96xf32, #tpu.memory_space<vmem>> -> memref<16x1x96x96xf32, #tpu.memory_space<vmem>>
        %dma_start3A_849 = arith.constant 0 : i32
        %dma_start3A_850 = arith.constant 0 : i32
        %dma_start3A_851 = arith.constant 0 : i32
        %dma_start3A_852 = tpu.memref_slice %arg0[%dma_start3A_849, %add3A_706, %dma_start3A_850, %dma_start3A_851] : memref<16x192x96x96xf32, #tpu.memory_space<any>> -> memref<16x1x96x96xf32, #tpu.memory_space<any>>
        tpu.enqueue_dma source(%dma_start3A_852 : memref<16x1x96x96xf32, #tpu.memory_space<any>>) target(%dma_start3A_848 : memref<16x1x96x96xf32, #tpu.memory_space<vmem>>) target_semaphore(%arg17 : memref<!tpu.dma_semaphore, #tpu.memory_space<semaphore_mem>>)
      } else {
      }
      %sub3A_724 = arith.constant 8 : i32
      %sub3A_725 = arith.subi %add3A_706, %sub3A_724 : i32
      %ge3A_726 = arith.constant 0 : i32
      %ge3A_727 = arith.cmpi sge, %sub3A_725, %ge3A_726 : i32
      %convert_element_type3A_728 = arith.extui %ge3A_727 : i1 to i32
      %cond3A_729 = arith.constant 0 : i32
      %cond3A_730 = arith.cmpi ne, %convert_element_type3A_728, %cond3A_729 : i32
      scf.if %cond3A_730 {
        %dma_wait3A_843 = arith.constant 0 : i32
        %dma_wait3A_844 = arith.constant 0 : i32
        %dma_wait3A_845 = arith.constant 0 : i32
        %dma_wait3A_846 = arith.constant 0 : i32
        %dma_wait3A_847 = tpu.memref_slice %arg5[%scan3A_6, %dma_wait3A_843, %dma_wait3A_844, %dma_wait3A_845, %dma_wait3A_846] : memref<16x16x1x96x96xf32, #tpu.memory_space<vmem>> -> memref<1x16x1x96x96xf32, #tpu.memory_space<vmem>>
        %dma_wait3A_848 = tpu.memref_squeeze %dma_wait3A_847 : memref<1x16x1x96x96xf32, #tpu.memory_space<vmem>> -> memref<16x1x96x96xf32, #tpu.memory_space<vmem>>
        %dma_wait3A_849 = arith.constant 0 : i32
        %dma_wait3A_850 = arith.constant 0 : i32
        %dma_wait3A_851 = arith.constant 0 : i32
        %dma_wait3A_852 = arith.constant 0 : i32
        %dma_wait3A_853 = tpu.memref_slice %arg0[%dma_wait3A_849, %dma_wait3A_850, %dma_wait3A_851, %dma_wait3A_852] : memref<16x192x96x96xf32, #tpu.memory_space<any>> -> memref<16x1x96x96xf32, #tpu.memory_space<any>>
        tpu.wait_dma2 semaphore(%arg9 : memref<!tpu.dma_semaphore, #tpu.memory_space<semaphore_mem>>) src(%dma_wait3A_853 : memref<16x1x96x96xf32, #tpu.memory_space<any>>) dst(%dma_wait3A_848 : memref<16x1x96x96xf32, #tpu.memory_space<vmem>>)
        %dma_start3A_854 = arith.constant 0 : i32
        %dma_start3A_855 = arith.constant 0 : i32
        %dma_start3A_856 = arith.constant 0 : i32
        %dma_start3A_857 = tpu.memref_slice %arg4[%dma_start3A_854, %sub3A_725, %dma_start3A_855, %dma_start3A_856] : memref<16x192x96x96xf32, #tpu.memory_space<any>> -> memref<16x1x96x96xf32, #tpu.memory_space<any>>
        %dma_start3A_858 = arith.constant 0 : i32
        %dma_start3A_859 = arith.constant 0 : i32
        %dma_start3A_860 = arith.constant 0 : i32
        %dma_start3A_861 = arith.constant 0 : i32
        %dma_start3A_862 = tpu.memref_slice %arg5[%scan3A_6, %dma_start3A_858, %dma_start3A_859, %dma_start3A_860, %dma_start3A_861] : memref<16x16x1x96x96xf32, #tpu.memory_space<vmem>> -> memref<1x16x1x96x96xf32, #tpu.memory_space<vmem>>
        %dma_start3A_863 = tpu.memref_squeeze %dma_start3A_862 : memref<1x16x1x96x96xf32, #tpu.memory_space<vmem>> -> memref<16x1x96x96xf32, #tpu.memory_space<vmem>>
        tpu.enqueue_dma source(%dma_start3A_863 : memref<16x1x96x96xf32, #tpu.memory_space<vmem>>) target(%dma_start3A_857 : memref<16x1x96x96xf32, #tpu.memory_space<any>>) target_semaphore(%arg25 : memref<!tpu.dma_semaphore, #tpu.memory_space<semaphore_mem>>)
      } else {
      }
      %mul3A_731 = arith.constant 16 : i32
      %mul3A_732 = arith.muli %scan3A_403, %mul3A_731 : i32
      %add3A_733 = arith.constant 12 : i32
      %add3A_734 = arith.addi %mul3A_732, %add3A_733 : i32
      %ge3A_735 = arith.constant 1 : i32
      %ge3A_736 = arith.cmpi sge, %scan3A_403, %ge3A_735 : i32
      %convert_element_type3A_737 = arith.extui %ge3A_736 : i1 to i32
      %cond3A_738 = arith.constant 0 : i32
      %cond3A_739 = arith.cmpi ne, %convert_element_type3A_737, %cond3A_738 : i32
      scf.if %cond3A_739 {
        %dma_wait3A_843 = arith.constant 0 : i32
        %dma_wait3A_844 = arith.constant 0 : i32
        %dma_wait3A_845 = arith.constant 0 : i32
        %dma_wait3A_846 = arith.constant 0 : i32
        %dma_wait3A_847 = tpu.memref_slice %arg4[%dma_wait3A_843, %dma_wait3A_844, %dma_wait3A_845, %dma_wait3A_846] : memref<16x192x96x96xf32, #tpu.memory_space<any>> -> memref<16x1x96x96xf32, #tpu.memory_space<any>>
        %dma_wait3A_848 = arith.constant 0 : i32
        %dma_wait3A_849 = arith.constant 0 : i32
        %dma_wait3A_850 = arith.constant 0 : i32
        %dma_wait3A_851 = arith.constant 0 : i32
        %dma_wait3A_852 = tpu.memref_slice %arg5[%scan3A_9, %dma_wait3A_848, %dma_wait3A_849, %dma_wait3A_850, %dma_wait3A_851] : memref<16x16x1x96x96xf32, #tpu.memory_space<vmem>> -> memref<1x16x1x96x96xf32, #tpu.memory_space<vmem>>
        %dma_wait3A_853 = tpu.memref_squeeze %dma_wait3A_852 : memref<1x16x1x96x96xf32, #tpu.memory_space<vmem>> -> memref<16x1x96x96xf32, #tpu.memory_space<vmem>>
        tpu.wait_dma2 semaphore(%arg34 : memref<!tpu.dma_semaphore, #tpu.memory_space<semaphore_mem>>) src(%dma_wait3A_853 : memref<16x1x96x96xf32, #tpu.memory_space<vmem>>) dst(%dma_wait3A_847 : memref<16x1x96x96xf32, #tpu.memory_space<any>>)
      } else {
      }
      %get3A_740 = arith.index_cast %add3A_734 : i32 to index
      %get3A_741 = memref.load %arg2[%get3A_740] : memref<192xf32, #tpu.memory_space<smem>>
      %abs3A_742 = math.absf %get3A_741 : f32
      %lt3A_743 = arith.cmpf olt, %abs3A_742, %get3A_0 : f32
      %convert_element_type3A_744 = arith.extui %lt3A_743 : i1 to i32
      %cond3A_745 = arith.constant 0 : i32
      %cond3A_746 = arith.cmpi ne, %convert_element_type3A_744, %cond3A_745 : i32
      scf.if %cond3A_746 {
        %dma_start3A_843 = arith.constant 0 : i32
        %dma_start3A_844 = arith.constant 0 : i32
        %dma_start3A_845 = arith.constant 0 : i32
        %dma_start3A_846 = arith.constant 0 : i32
        %dma_start3A_847 = tpu.memref_slice %arg5[%scan3A_9, %dma_start3A_843, %dma_start3A_844, %dma_start3A_845, %dma_start3A_846] : memref<16x16x1x96x96xf32, #tpu.memory_space<vmem>> -> memref<1x16x1x96x96xf32, #tpu.memory_space<vmem>>
        %dma_start3A_848 = tpu.memref_squeeze %dma_start3A_847 : memref<1x16x1x96x96xf32, #tpu.memory_space<vmem>> -> memref<16x1x96x96xf32, #tpu.memory_space<vmem>>
        %dma_start3A_849 = arith.constant 0 : i32
        %dma_start3A_850 = arith.constant 0 : i32
        %dma_start3A_851 = arith.constant 0 : i32
        %dma_start3A_852 = tpu.memref_slice %arg1[%dma_start3A_849, %add3A_734, %dma_start3A_850, %dma_start3A_851] : memref<16x192x96x96xf32, #tpu.memory_space<any>> -> memref<16x1x96x96xf32, #tpu.memory_space<any>>
        tpu.enqueue_dma source(%dma_start3A_852 : memref<16x1x96x96xf32, #tpu.memory_space<any>>) target(%dma_start3A_848 : memref<16x1x96x96xf32, #tpu.memory_space<vmem>>) target_semaphore(%arg18 : memref<!tpu.dma_semaphore, #tpu.memory_space<semaphore_mem>>)
      } else {
      }
      %not3A_747 = arith.constant true
      %not3A_748 = arith.xori %lt3A_743, %not3A_747 : i1
      %convert_element_type3A_749 = arith.extui %not3A_748 : i1 to i32
      %cond3A_750 = arith.constant 0 : i32
      %cond3A_751 = arith.cmpi ne, %convert_element_type3A_749, %cond3A_750 : i32
      scf.if %cond3A_751 {
        %dma_start3A_843 = arith.constant 0 : i32
        %dma_start3A_844 = arith.constant 0 : i32
        %dma_start3A_845 = arith.constant 0 : i32
        %dma_start3A_846 = arith.constant 0 : i32
        %dma_start3A_847 = tpu.memref_slice %arg5[%scan3A_9, %dma_start3A_843, %dma_start3A_844, %dma_start3A_845, %dma_start3A_846] : memref<16x16x1x96x96xf32, #tpu.memory_space<vmem>> -> memref<1x16x1x96x96xf32, #tpu.memory_space<vmem>>
        %dma_start3A_848 = tpu.memref_squeeze %dma_start3A_847 : memref<1x16x1x96x96xf32, #tpu.memory_space<vmem>> -> memref<16x1x96x96xf32, #tpu.memory_space<vmem>>
        %dma_start3A_849 = arith.constant 0 : i32
        %dma_start3A_850 = arith.constant 0 : i32
        %dma_start3A_851 = arith.constant 0 : i32
        %dma_start3A_852 = tpu.memref_slice %arg0[%dma_start3A_849, %add3A_734, %dma_start3A_850, %dma_start3A_851] : memref<16x192x96x96xf32, #tpu.memory_space<any>> -> memref<16x1x96x96xf32, #tpu.memory_space<any>>
        tpu.enqueue_dma source(%dma_start3A_852 : memref<16x1x96x96xf32, #tpu.memory_space<any>>) target(%dma_start3A_848 : memref<16x1x96x96xf32, #tpu.memory_space<vmem>>) target_semaphore(%arg18 : memref<!tpu.dma_semaphore, #tpu.memory_space<semaphore_mem>>)
      } else {
      }
      %sub3A_752 = arith.constant 8 : i32
      %sub3A_753 = arith.subi %add3A_734, %sub3A_752 : i32
      %ge3A_754 = arith.constant 0 : i32
      %ge3A_755 = arith.cmpi sge, %sub3A_753, %ge3A_754 : i32
      %convert_element_type3A_756 = arith.extui %ge3A_755 : i1 to i32
      %cond3A_757 = arith.constant 0 : i32
      %cond3A_758 = arith.cmpi ne, %convert_element_type3A_756, %cond3A_757 : i32
      scf.if %cond3A_758 {
        %dma_wait3A_843 = arith.constant 0 : i32
        %dma_wait3A_844 = arith.constant 0 : i32
        %dma_wait3A_845 = arith.constant 0 : i32
        %dma_wait3A_846 = arith.constant 0 : i32
        %dma_wait3A_847 = tpu.memref_slice %arg5[%scan3A_8, %dma_wait3A_843, %dma_wait3A_844, %dma_wait3A_845, %dma_wait3A_846] : memref<16x16x1x96x96xf32, #tpu.memory_space<vmem>> -> memref<1x16x1x96x96xf32, #tpu.memory_space<vmem>>
        %dma_wait3A_848 = tpu.memref_squeeze %dma_wait3A_847 : memref<1x16x1x96x96xf32, #tpu.memory_space<vmem>> -> memref<16x1x96x96xf32, #tpu.memory_space<vmem>>
        %dma_wait3A_849 = arith.constant 0 : i32
        %dma_wait3A_850 = arith.constant 0 : i32
        %dma_wait3A_851 = arith.constant 0 : i32
        %dma_wait3A_852 = arith.constant 0 : i32
        %dma_wait3A_853 = tpu.memref_slice %arg0[%dma_wait3A_849, %dma_wait3A_850, %dma_wait3A_851, %dma_wait3A_852] : memref<16x192x96x96xf32, #tpu.memory_space<any>> -> memref<16x1x96x96xf32, #tpu.memory_space<any>>
        tpu.wait_dma2 semaphore(%arg10 : memref<!tpu.dma_semaphore, #tpu.memory_space<semaphore_mem>>) src(%dma_wait3A_853 : memref<16x1x96x96xf32, #tpu.memory_space<any>>) dst(%dma_wait3A_848 : memref<16x1x96x96xf32, #tpu.memory_space<vmem>>)
        %dma_start3A_854 = arith.constant 0 : i32
        %dma_start3A_855 = arith.constant 0 : i32
        %dma_start3A_856 = arith.constant 0 : i32
        %dma_start3A_857 = tpu.memref_slice %arg4[%dma_start3A_854, %sub3A_753, %dma_start3A_855, %dma_start3A_856] : memref<16x192x96x96xf32, #tpu.memory_space<any>> -> memref<16x1x96x96xf32, #tpu.memory_space<any>>
        %dma_start3A_858 = arith.constant 0 : i32
        %dma_start3A_859 = arith.constant 0 : i32
        %dma_start3A_860 = arith.constant 0 : i32
        %dma_start3A_861 = arith.constant 0 : i32
        %dma_start3A_862 = tpu.memref_slice %arg5[%scan3A_8, %dma_start3A_858, %dma_start3A_859, %dma_start3A_860, %dma_start3A_861] : memref<16x16x1x96x96xf32, #tpu.memory_space<vmem>> -> memref<1x16x1x96x96xf32, #tpu.memory_space<vmem>>
        %dma_start3A_863 = tpu.memref_squeeze %dma_start3A_862 : memref<1x16x1x96x96xf32, #tpu.memory_space<vmem>> -> memref<16x1x96x96xf32, #tpu.memory_space<vmem>>
        tpu.enqueue_dma source(%dma_start3A_863 : memref<16x1x96x96xf32, #tpu.memory_space<vmem>>) target(%dma_start3A_857 : memref<16x1x96x96xf32, #tpu.memory_space<any>>) target_semaphore(%arg26 : memref<!tpu.dma_semaphore, #tpu.memory_space<semaphore_mem>>)
      } else {
      }
      %mul3A_759 = arith.constant 16 : i32
      %mul3A_760 = arith.muli %scan3A_403, %mul3A_759 : i32
      %add3A_761 = arith.constant 13 : i32
      %add3A_762 = arith.addi %mul3A_760, %add3A_761 : i32
      %ge3A_763 = arith.constant 1 : i32
      %ge3A_764 = arith.cmpi sge, %scan3A_403, %ge3A_763 : i32
      %convert_element_type3A_765 = arith.extui %ge3A_764 : i1 to i32
      %cond3A_766 = arith.constant 0 : i32
      %cond3A_767 = arith.cmpi ne, %convert_element_type3A_765, %cond3A_766 : i32
      scf.if %cond3A_767 {
        %dma_wait3A_843 = arith.constant 0 : i32
        %dma_wait3A_844 = arith.constant 0 : i32
        %dma_wait3A_845 = arith.constant 0 : i32
        %dma_wait3A_846 = arith.constant 0 : i32
        %dma_wait3A_847 = tpu.memref_slice %arg4[%dma_wait3A_843, %dma_wait3A_844, %dma_wait3A_845, %dma_wait3A_846] : memref<16x192x96x96xf32, #tpu.memory_space<any>> -> memref<16x1x96x96xf32, #tpu.memory_space<any>>
        %dma_wait3A_848 = arith.constant 0 : i32
        %dma_wait3A_849 = arith.constant 0 : i32
        %dma_wait3A_850 = arith.constant 0 : i32
        %dma_wait3A_851 = arith.constant 0 : i32
        %dma_wait3A_852 = tpu.memref_slice %arg5[%scan3A_11, %dma_wait3A_848, %dma_wait3A_849, %dma_wait3A_850, %dma_wait3A_851] : memref<16x16x1x96x96xf32, #tpu.memory_space<vmem>> -> memref<1x16x1x96x96xf32, #tpu.memory_space<vmem>>
        %dma_wait3A_853 = tpu.memref_squeeze %dma_wait3A_852 : memref<1x16x1x96x96xf32, #tpu.memory_space<vmem>> -> memref<16x1x96x96xf32, #tpu.memory_space<vmem>>
        tpu.wait_dma2 semaphore(%arg35 : memref<!tpu.dma_semaphore, #tpu.memory_space<semaphore_mem>>) src(%dma_wait3A_853 : memref<16x1x96x96xf32, #tpu.memory_space<vmem>>) dst(%dma_wait3A_847 : memref<16x1x96x96xf32, #tpu.memory_space<any>>)
      } else {
      }
      %get3A_768 = arith.index_cast %add3A_762 : i32 to index
      %get3A_769 = memref.load %arg2[%get3A_768] : memref<192xf32, #tpu.memory_space<smem>>
      %abs3A_770 = math.absf %get3A_769 : f32
      %lt3A_771 = arith.cmpf olt, %abs3A_770, %get3A_0 : f32
      %convert_element_type3A_772 = arith.extui %lt3A_771 : i1 to i32
      %cond3A_773 = arith.constant 0 : i32
      %cond3A_774 = arith.cmpi ne, %convert_element_type3A_772, %cond3A_773 : i32
      scf.if %cond3A_774 {
        %dma_start3A_843 = arith.constant 0 : i32
        %dma_start3A_844 = arith.constant 0 : i32
        %dma_start3A_845 = arith.constant 0 : i32
        %dma_start3A_846 = arith.constant 0 : i32
        %dma_start3A_847 = tpu.memref_slice %arg5[%scan3A_11, %dma_start3A_843, %dma_start3A_844, %dma_start3A_845, %dma_start3A_846] : memref<16x16x1x96x96xf32, #tpu.memory_space<vmem>> -> memref<1x16x1x96x96xf32, #tpu.memory_space<vmem>>
        %dma_start3A_848 = tpu.memref_squeeze %dma_start3A_847 : memref<1x16x1x96x96xf32, #tpu.memory_space<vmem>> -> memref<16x1x96x96xf32, #tpu.memory_space<vmem>>
        %dma_start3A_849 = arith.constant 0 : i32
        %dma_start3A_850 = arith.constant 0 : i32
        %dma_start3A_851 = arith.constant 0 : i32
        %dma_start3A_852 = tpu.memref_slice %arg1[%dma_start3A_849, %add3A_762, %dma_start3A_850, %dma_start3A_851] : memref<16x192x96x96xf32, #tpu.memory_space<any>> -> memref<16x1x96x96xf32, #tpu.memory_space<any>>
        tpu.enqueue_dma source(%dma_start3A_852 : memref<16x1x96x96xf32, #tpu.memory_space<any>>) target(%dma_start3A_848 : memref<16x1x96x96xf32, #tpu.memory_space<vmem>>) target_semaphore(%arg19 : memref<!tpu.dma_semaphore, #tpu.memory_space<semaphore_mem>>)
      } else {
      }
      %not3A_775 = arith.constant true
      %not3A_776 = arith.xori %lt3A_771, %not3A_775 : i1
      %convert_element_type3A_777 = arith.extui %not3A_776 : i1 to i32
      %cond3A_778 = arith.constant 0 : i32
      %cond3A_779 = arith.cmpi ne, %convert_element_type3A_777, %cond3A_778 : i32
      scf.if %cond3A_779 {
        %dma_start3A_843 = arith.constant 0 : i32
        %dma_start3A_844 = arith.constant 0 : i32
        %dma_start3A_845 = arith.constant 0 : i32
        %dma_start3A_846 = arith.constant 0 : i32
        %dma_start3A_847 = tpu.memref_slice %arg5[%scan3A_11, %dma_start3A_843, %dma_start3A_844, %dma_start3A_845, %dma_start3A_846] : memref<16x16x1x96x96xf32, #tpu.memory_space<vmem>> -> memref<1x16x1x96x96xf32, #tpu.memory_space<vmem>>
        %dma_start3A_848 = tpu.memref_squeeze %dma_start3A_847 : memref<1x16x1x96x96xf32, #tpu.memory_space<vmem>> -> memref<16x1x96x96xf32, #tpu.memory_space<vmem>>
        %dma_start3A_849 = arith.constant 0 : i32
        %dma_start3A_850 = arith.constant 0 : i32
        %dma_start3A_851 = arith.constant 0 : i32
        %dma_start3A_852 = tpu.memref_slice %arg0[%dma_start3A_849, %add3A_762, %dma_start3A_850, %dma_start3A_851] : memref<16x192x96x96xf32, #tpu.memory_space<any>> -> memref<16x1x96x96xf32, #tpu.memory_space<any>>
        tpu.enqueue_dma source(%dma_start3A_852 : memref<16x1x96x96xf32, #tpu.memory_space<any>>) target(%dma_start3A_848 : memref<16x1x96x96xf32, #tpu.memory_space<vmem>>) target_semaphore(%arg19 : memref<!tpu.dma_semaphore, #tpu.memory_space<semaphore_mem>>)
      } else {
      }
      %sub3A_780 = arith.constant 8 : i32
      %sub3A_781 = arith.subi %add3A_762, %sub3A_780 : i32
      %ge3A_782 = arith.constant 0 : i32
      %ge3A_783 = arith.cmpi sge, %sub3A_781, %ge3A_782 : i32
      %convert_element_type3A_784 = arith.extui %ge3A_783 : i1 to i32
      %cond3A_785 = arith.constant 0 : i32
      %cond3A_786 = arith.cmpi ne, %convert_element_type3A_784, %cond3A_785 : i32
      scf.if %cond3A_786 {
        %dma_wait3A_843 = arith.constant 0 : i32
        %dma_wait3A_844 = arith.constant 0 : i32
        %dma_wait3A_845 = arith.constant 0 : i32
        %dma_wait3A_846 = arith.constant 0 : i32
        %dma_wait3A_847 = tpu.memref_slice %arg5[%scan3A_10, %dma_wait3A_843, %dma_wait3A_844, %dma_wait3A_845, %dma_wait3A_846] : memref<16x16x1x96x96xf32, #tpu.memory_space<vmem>> -> memref<1x16x1x96x96xf32, #tpu.memory_space<vmem>>
        %dma_wait3A_848 = tpu.memref_squeeze %dma_wait3A_847 : memref<1x16x1x96x96xf32, #tpu.memory_space<vmem>> -> memref<16x1x96x96xf32, #tpu.memory_space<vmem>>
        %dma_wait3A_849 = arith.constant 0 : i32
        %dma_wait3A_850 = arith.constant 0 : i32
        %dma_wait3A_851 = arith.constant 0 : i32
        %dma_wait3A_852 = arith.constant 0 : i32
        %dma_wait3A_853 = tpu.memref_slice %arg0[%dma_wait3A_849, %dma_wait3A_850, %dma_wait3A_851, %dma_wait3A_852] : memref<16x192x96x96xf32, #tpu.memory_space<any>> -> memref<16x1x96x96xf32, #tpu.memory_space<any>>
        tpu.wait_dma2 semaphore(%arg11 : memref<!tpu.dma_semaphore, #tpu.memory_space<semaphore_mem>>) src(%dma_wait3A_853 : memref<16x1x96x96xf32, #tpu.memory_space<any>>) dst(%dma_wait3A_848 : memref<16x1x96x96xf32, #tpu.memory_space<vmem>>)
        %dma_start3A_854 = arith.constant 0 : i32
        %dma_start3A_855 = arith.constant 0 : i32
        %dma_start3A_856 = arith.constant 0 : i32
        %dma_start3A_857 = tpu.memref_slice %arg4[%dma_start3A_854, %sub3A_781, %dma_start3A_855, %dma_start3A_856] : memref<16x192x96x96xf32, #tpu.memory_space<any>> -> memref<16x1x96x96xf32, #tpu.memory_space<any>>
        %dma_start3A_858 = arith.constant 0 : i32
        %dma_start3A_859 = arith.constant 0 : i32
        %dma_start3A_860 = arith.constant 0 : i32
        %dma_start3A_861 = arith.constant 0 : i32
        %dma_start3A_862 = tpu.memref_slice %arg5[%scan3A_10, %dma_start3A_858, %dma_start3A_859, %dma_start3A_860, %dma_start3A_861] : memref<16x16x1x96x96xf32, #tpu.memory_space<vmem>> -> memref<1x16x1x96x96xf32, #tpu.memory_space<vmem>>
        %dma_start3A_863 = tpu.memref_squeeze %dma_start3A_862 : memref<1x16x1x96x96xf32, #tpu.memory_space<vmem>> -> memref<16x1x96x96xf32, #tpu.memory_space<vmem>>
        tpu.enqueue_dma source(%dma_start3A_863 : memref<16x1x96x96xf32, #tpu.memory_space<vmem>>) target(%dma_start3A_857 : memref<16x1x96x96xf32, #tpu.memory_space<any>>) target_semaphore(%arg27 : memref<!tpu.dma_semaphore, #tpu.memory_space<semaphore_mem>>)
      } else {
      }
      %mul3A_787 = arith.constant 16 : i32
      %mul3A_788 = arith.muli %scan3A_403, %mul3A_787 : i32
      %add3A_789 = arith.constant 14 : i32
      %add3A_790 = arith.addi %mul3A_788, %add3A_789 : i32
      %ge3A_791 = arith.constant 1 : i32
      %ge3A_792 = arith.cmpi sge, %scan3A_403, %ge3A_791 : i32
      %convert_element_type3A_793 = arith.extui %ge3A_792 : i1 to i32
      %cond3A_794 = arith.constant 0 : i32
      %cond3A_795 = arith.cmpi ne, %convert_element_type3A_793, %cond3A_794 : i32
      scf.if %cond3A_795 {
        %dma_wait3A_843 = arith.constant 0 : i32
        %dma_wait3A_844 = arith.constant 0 : i32
        %dma_wait3A_845 = arith.constant 0 : i32
        %dma_wait3A_846 = arith.constant 0 : i32
        %dma_wait3A_847 = tpu.memref_slice %arg4[%dma_wait3A_843, %dma_wait3A_844, %dma_wait3A_845, %dma_wait3A_846] : memref<16x192x96x96xf32, #tpu.memory_space<any>> -> memref<16x1x96x96xf32, #tpu.memory_space<any>>
        %dma_wait3A_848 = arith.constant 0 : i32
        %dma_wait3A_849 = arith.constant 0 : i32
        %dma_wait3A_850 = arith.constant 0 : i32
        %dma_wait3A_851 = arith.constant 0 : i32
        %dma_wait3A_852 = tpu.memref_slice %arg5[%scan3A_13, %dma_wait3A_848, %dma_wait3A_849, %dma_wait3A_850, %dma_wait3A_851] : memref<16x16x1x96x96xf32, #tpu.memory_space<vmem>> -> memref<1x16x1x96x96xf32, #tpu.memory_space<vmem>>
        %dma_wait3A_853 = tpu.memref_squeeze %dma_wait3A_852 : memref<1x16x1x96x96xf32, #tpu.memory_space<vmem>> -> memref<16x1x96x96xf32, #tpu.memory_space<vmem>>
        tpu.wait_dma2 semaphore(%arg36 : memref<!tpu.dma_semaphore, #tpu.memory_space<semaphore_mem>>) src(%dma_wait3A_853 : memref<16x1x96x96xf32, #tpu.memory_space<vmem>>) dst(%dma_wait3A_847 : memref<16x1x96x96xf32, #tpu.memory_space<any>>)
      } else {
      }
      %get3A_796 = arith.index_cast %add3A_790 : i32 to index
      %get3A_797 = memref.load %arg2[%get3A_796] : memref<192xf32, #tpu.memory_space<smem>>
      %abs3A_798 = math.absf %get3A_797 : f32
      %lt3A_799 = arith.cmpf olt, %abs3A_798, %get3A_0 : f32
      %convert_element_type3A_800 = arith.extui %lt3A_799 : i1 to i32
      %cond3A_801 = arith.constant 0 : i32
      %cond3A_802 = arith.cmpi ne, %convert_element_type3A_800, %cond3A_801 : i32
      scf.if %cond3A_802 {
        %dma_start3A_843 = arith.constant 0 : i32
        %dma_start3A_844 = arith.constant 0 : i32
        %dma_start3A_845 = arith.constant 0 : i32
        %dma_start3A_846 = arith.constant 0 : i32
        %dma_start3A_847 = tpu.memref_slice %arg5[%scan3A_13, %dma_start3A_843, %dma_start3A_844, %dma_start3A_845, %dma_start3A_846] : memref<16x16x1x96x96xf32, #tpu.memory_space<vmem>> -> memref<1x16x1x96x96xf32, #tpu.memory_space<vmem>>
        %dma_start3A_848 = tpu.memref_squeeze %dma_start3A_847 : memref<1x16x1x96x96xf32, #tpu.memory_space<vmem>> -> memref<16x1x96x96xf32, #tpu.memory_space<vmem>>
        %dma_start3A_849 = arith.constant 0 : i32
        %dma_start3A_850 = arith.constant 0 : i32
        %dma_start3A_851 = arith.constant 0 : i32
        %dma_start3A_852 = tpu.memref_slice %arg1[%dma_start3A_849, %add3A_790, %dma_start3A_850, %dma_start3A_851] : memref<16x192x96x96xf32, #tpu.memory_space<any>> -> memref<16x1x96x96xf32, #tpu.memory_space<any>>
        tpu.enqueue_dma source(%dma_start3A_852 : memref<16x1x96x96xf32, #tpu.memory_space<any>>) target(%dma_start3A_848 : memref<16x1x96x96xf32, #tpu.memory_space<vmem>>) target_semaphore(%arg20 : memref<!tpu.dma_semaphore, #tpu.memory_space<semaphore_mem>>)
      } else {
      }
      %not3A_803 = arith.constant true
      %not3A_804 = arith.xori %lt3A_799, %not3A_803 : i1
      %convert_element_type3A_805 = arith.extui %not3A_804 : i1 to i32
      %cond3A_806 = arith.constant 0 : i32
      %cond3A_807 = arith.cmpi ne, %convert_element_type3A_805, %cond3A_806 : i32
      scf.if %cond3A_807 {
        %dma_start3A_843 = arith.constant 0 : i32
        %dma_start3A_844 = arith.constant 0 : i32
        %dma_start3A_845 = arith.constant 0 : i32
        %dma_start3A_846 = arith.constant 0 : i32
        %dma_start3A_847 = tpu.memref_slice %arg5[%scan3A_13, %dma_start3A_843, %dma_start3A_844, %dma_start3A_845, %dma_start3A_846] : memref<16x16x1x96x96xf32, #tpu.memory_space<vmem>> -> memref<1x16x1x96x96xf32, #tpu.memory_space<vmem>>
        %dma_start3A_848 = tpu.memref_squeeze %dma_start3A_847 : memref<1x16x1x96x96xf32, #tpu.memory_space<vmem>> -> memref<16x1x96x96xf32, #tpu.memory_space<vmem>>
        %dma_start3A_849 = arith.constant 0 : i32
        %dma_start3A_850 = arith.constant 0 : i32
        %dma_start3A_851 = arith.constant 0 : i32
        %dma_start3A_852 = tpu.memref_slice %arg0[%dma_start3A_849, %add3A_790, %dma_start3A_850, %dma_start3A_851] : memref<16x192x96x96xf32, #tpu.memory_space<any>> -> memref<16x1x96x96xf32, #tpu.memory_space<any>>
        tpu.enqueue_dma source(%dma_start3A_852 : memref<16x1x96x96xf32, #tpu.memory_space<any>>) target(%dma_start3A_848 : memref<16x1x96x96xf32, #tpu.memory_space<vmem>>) target_semaphore(%arg20 : memref<!tpu.dma_semaphore, #tpu.memory_space<semaphore_mem>>)
      } else {
      }
      %sub3A_808 = arith.constant 8 : i32
      %sub3A_809 = arith.subi %add3A_790, %sub3A_808 : i32
      %ge3A_810 = arith.constant 0 : i32
      %ge3A_811 = arith.cmpi sge, %sub3A_809, %ge3A_810 : i32
      %convert_element_type3A_812 = arith.extui %ge3A_811 : i1 to i32
      %cond3A_813 = arith.constant 0 : i32
      %cond3A_814 = arith.cmpi ne, %convert_element_type3A_812, %cond3A_813 : i32
      scf.if %cond3A_814 {
        %dma_wait3A_843 = arith.constant 0 : i32
        %dma_wait3A_844 = arith.constant 0 : i32
        %dma_wait3A_845 = arith.constant 0 : i32
        %dma_wait3A_846 = arith.constant 0 : i32
        %dma_wait3A_847 = tpu.memref_slice %arg5[%scan3A_12, %dma_wait3A_843, %dma_wait3A_844, %dma_wait3A_845, %dma_wait3A_846] : memref<16x16x1x96x96xf32, #tpu.memory_space<vmem>> -> memref<1x16x1x96x96xf32, #tpu.memory_space<vmem>>
        %dma_wait3A_848 = tpu.memref_squeeze %dma_wait3A_847 : memref<1x16x1x96x96xf32, #tpu.memory_space<vmem>> -> memref<16x1x96x96xf32, #tpu.memory_space<vmem>>
        %dma_wait3A_849 = arith.constant 0 : i32
        %dma_wait3A_850 = arith.constant 0 : i32
        %dma_wait3A_851 = arith.constant 0 : i32
        %dma_wait3A_852 = arith.constant 0 : i32
        %dma_wait3A_853 = tpu.memref_slice %arg0[%dma_wait3A_849, %dma_wait3A_850, %dma_wait3A_851, %dma_wait3A_852] : memref<16x192x96x96xf32, #tpu.memory_space<any>> -> memref<16x1x96x96xf32, #tpu.memory_space<any>>
        tpu.wait_dma2 semaphore(%arg12 : memref<!tpu.dma_semaphore, #tpu.memory_space<semaphore_mem>>) src(%dma_wait3A_853 : memref<16x1x96x96xf32, #tpu.memory_space<any>>) dst(%dma_wait3A_848 : memref<16x1x96x96xf32, #tpu.memory_space<vmem>>)
        %dma_start3A_854 = arith.constant 0 : i32
        %dma_start3A_855 = arith.constant 0 : i32
        %dma_start3A_856 = arith.constant 0 : i32
        %dma_start3A_857 = tpu.memref_slice %arg4[%dma_start3A_854, %sub3A_809, %dma_start3A_855, %dma_start3A_856] : memref<16x192x96x96xf32, #tpu.memory_space<any>> -> memref<16x1x96x96xf32, #tpu.memory_space<any>>
        %dma_start3A_858 = arith.constant 0 : i32
        %dma_start3A_859 = arith.constant 0 : i32
        %dma_start3A_860 = arith.constant 0 : i32
        %dma_start3A_861 = arith.constant 0 : i32
        %dma_start3A_862 = tpu.memref_slice %arg5[%scan3A_12, %dma_start3A_858, %dma_start3A_859, %dma_start3A_860, %dma_start3A_861] : memref<16x16x1x96x96xf32, #tpu.memory_space<vmem>> -> memref<1x16x1x96x96xf32, #tpu.memory_space<vmem>>
        %dma_start3A_863 = tpu.memref_squeeze %dma_start3A_862 : memref<1x16x1x96x96xf32, #tpu.memory_space<vmem>> -> memref<16x1x96x96xf32, #tpu.memory_space<vmem>>
        tpu.enqueue_dma source(%dma_start3A_863 : memref<16x1x96x96xf32, #tpu.memory_space<vmem>>) target(%dma_start3A_857 : memref<16x1x96x96xf32, #tpu.memory_space<any>>) target_semaphore(%arg28 : memref<!tpu.dma_semaphore, #tpu.memory_space<semaphore_mem>>)
      } else {
      }
      %mul3A_815 = arith.constant 16 : i32
      %mul3A_816 = arith.muli %scan3A_403, %mul3A_815 : i32
      %add3A_817 = arith.constant 15 : i32
      %add3A_818 = arith.addi %mul3A_816, %add3A_817 : i32
      %ge3A_819 = arith.constant 1 : i32
      %ge3A_820 = arith.cmpi sge, %scan3A_403, %ge3A_819 : i32
      %convert_element_type3A_821 = arith.extui %ge3A_820 : i1 to i32
      %cond3A_822 = arith.constant 0 : i32
      %cond3A_823 = arith.cmpi ne, %convert_element_type3A_821, %cond3A_822 : i32
      scf.if %cond3A_823 {
        %dma_wait3A_843 = arith.constant 0 : i32
        %dma_wait3A_844 = arith.constant 0 : i32
        %dma_wait3A_845 = arith.constant 0 : i32
        %dma_wait3A_846 = arith.constant 0 : i32
        %dma_wait3A_847 = tpu.memref_slice %arg4[%dma_wait3A_843, %dma_wait3A_844, %dma_wait3A_845, %dma_wait3A_846] : memref<16x192x96x96xf32, #tpu.memory_space<any>> -> memref<16x1x96x96xf32, #tpu.memory_space<any>>
        %dma_wait3A_848 = arith.constant 0 : i32
        %dma_wait3A_849 = arith.constant 0 : i32
        %dma_wait3A_850 = arith.constant 0 : i32
        %dma_wait3A_851 = arith.constant 0 : i32
        %dma_wait3A_852 = tpu.memref_slice %arg5[%scan3A_15, %dma_wait3A_848, %dma_wait3A_849, %dma_wait3A_850, %dma_wait3A_851] : memref<16x16x1x96x96xf32, #tpu.memory_space<vmem>> -> memref<1x16x1x96x96xf32, #tpu.memory_space<vmem>>
        %dma_wait3A_853 = tpu.memref_squeeze %dma_wait3A_852 : memref<1x16x1x96x96xf32, #tpu.memory_space<vmem>> -> memref<16x1x96x96xf32, #tpu.memory_space<vmem>>
        tpu.wait_dma2 semaphore(%arg37 : memref<!tpu.dma_semaphore, #tpu.memory_space<semaphore_mem>>) src(%dma_wait3A_853 : memref<16x1x96x96xf32, #tpu.memory_space<vmem>>) dst(%dma_wait3A_847 : memref<16x1x96x96xf32, #tpu.memory_space<any>>)
      } else {
      }
      %get3A_824 = arith.index_cast %add3A_818 : i32 to index
      %get3A_825 = memref.load %arg2[%get3A_824] : memref<192xf32, #tpu.memory_space<smem>>
      %abs3A_826 = math.absf %get3A_825 : f32
      %lt3A_827 = arith.cmpf olt, %abs3A_826, %get3A_0 : f32
      %convert_element_type3A_828 = arith.extui %lt3A_827 : i1 to i32
      %cond3A_829 = arith.constant 0 : i32
      %cond3A_830 = arith.cmpi ne, %convert_element_type3A_828, %cond3A_829 : i32
      scf.if %cond3A_830 {
        %dma_start3A_843 = arith.constant 0 : i32
        %dma_start3A_844 = arith.constant 0 : i32
        %dma_start3A_845 = arith.constant 0 : i32
        %dma_start3A_846 = arith.constant 0 : i32
        %dma_start3A_847 = tpu.memref_slice %arg5[%scan3A_15, %dma_start3A_843, %dma_start3A_844, %dma_start3A_845, %dma_start3A_846] : memref<16x16x1x96x96xf32, #tpu.memory_space<vmem>> -> memref<1x16x1x96x96xf32, #tpu.memory_space<vmem>>
        %dma_start3A_848 = tpu.memref_squeeze %dma_start3A_847 : memref<1x16x1x96x96xf32, #tpu.memory_space<vmem>> -> memref<16x1x96x96xf32, #tpu.memory_space<vmem>>
        %dma_start3A_849 = arith.constant 0 : i32
        %dma_start3A_850 = arith.constant 0 : i32
        %dma_start3A_851 = arith.constant 0 : i32
        %dma_start3A_852 = tpu.memref_slice %arg1[%dma_start3A_849, %add3A_818, %dma_start3A_850, %dma_start3A_851] : memref<16x192x96x96xf32, #tpu.memory_space<any>> -> memref<16x1x96x96xf32, #tpu.memory_space<any>>
        tpu.enqueue_dma source(%dma_start3A_852 : memref<16x1x96x96xf32, #tpu.memory_space<any>>) target(%dma_start3A_848 : memref<16x1x96x96xf32, #tpu.memory_space<vmem>>) target_semaphore(%arg21 : memref<!tpu.dma_semaphore, #tpu.memory_space<semaphore_mem>>)
      } else {
      }
      %not3A_831 = arith.constant true
      %not3A_832 = arith.xori %lt3A_827, %not3A_831 : i1
      %convert_element_type3A_833 = arith.extui %not3A_832 : i1 to i32
      %cond3A_834 = arith.constant 0 : i32
      %cond3A_835 = arith.cmpi ne, %convert_element_type3A_833, %cond3A_834 : i32
      scf.if %cond3A_835 {
        %dma_start3A_843 = arith.constant 0 : i32
        %dma_start3A_844 = arith.constant 0 : i32
        %dma_start3A_845 = arith.constant 0 : i32
        %dma_start3A_846 = arith.constant 0 : i32
        %dma_start3A_847 = tpu.memref_slice %arg5[%scan3A_15, %dma_start3A_843, %dma_start3A_844, %dma_start3A_845, %dma_start3A_846] : memref<16x16x1x96x96xf32, #tpu.memory_space<vmem>> -> memref<1x16x1x96x96xf32, #tpu.memory_space<vmem>>
        %dma_start3A_848 = tpu.memref_squeeze %dma_start3A_847 : memref<1x16x1x96x96xf32, #tpu.memory_space<vmem>> -> memref<16x1x96x96xf32, #tpu.memory_space<vmem>>
        %dma_start3A_849 = arith.constant 0 : i32
        %dma_start3A_850 = arith.constant 0 : i32
        %dma_start3A_851 = arith.constant 0 : i32
        %dma_start3A_852 = tpu.memref_slice %arg0[%dma_start3A_849, %add3A_818, %dma_start3A_850, %dma_start3A_851] : memref<16x192x96x96xf32, #tpu.memory_space<any>> -> memref<16x1x96x96xf32, #tpu.memory_space<any>>
        tpu.enqueue_dma source(%dma_start3A_852 : memref<16x1x96x96xf32, #tpu.memory_space<any>>) target(%dma_start3A_848 : memref<16x1x96x96xf32, #tpu.memory_space<vmem>>) target_semaphore(%arg21 : memref<!tpu.dma_semaphore, #tpu.memory_space<semaphore_mem>>)
      } else {
      }
      %sub3A_836 = arith.constant 8 : i32
      %sub3A_837 = arith.subi %add3A_818, %sub3A_836 : i32
      %ge3A_838 = arith.constant 0 : i32
      %ge3A_839 = arith.cmpi sge, %sub3A_837, %ge3A_838 : i32
      %convert_element_type3A_840 = arith.extui %ge3A_839 : i1 to i32
      %cond3A_841 = arith.constant 0 : i32
      %cond3A_842 = arith.cmpi ne, %convert_element_type3A_840, %cond3A_841 : i32
      scf.if %cond3A_842 {
        %dma_wait3A_843 = arith.constant 0 : i32
        %dma_wait3A_844 = arith.constant 0 : i32
        %dma_wait3A_845 = arith.constant 0 : i32
        %dma_wait3A_846 = arith.constant 0 : i32
        %dma_wait3A_847 = tpu.memref_slice %arg5[%scan3A_14, %dma_wait3A_843, %dma_wait3A_844, %dma_wait3A_845, %dma_wait3A_846] : memref<16x16x1x96x96xf32, #tpu.memory_space<vmem>> -> memref<1x16x1x96x96xf32, #tpu.memory_space<vmem>>
        %dma_wait3A_848 = tpu.memref_squeeze %dma_wait3A_847 : memref<1x16x1x96x96xf32, #tpu.memory_space<vmem>> -> memref<16x1x96x96xf32, #tpu.memory_space<vmem>>
        %dma_wait3A_849 = arith.constant 0 : i32
        %dma_wait3A_850 = arith.constant 0 : i32
        %dma_wait3A_851 = arith.constant 0 : i32
        %dma_wait3A_852 = arith.constant 0 : i32
        %dma_wait3A_853 = tpu.memref_slice %arg0[%dma_wait3A_849, %dma_wait3A_850, %dma_wait3A_851, %dma_wait3A_852] : memref<16x192x96x96xf32, #tpu.memory_space<any>> -> memref<16x1x96x96xf32, #tpu.memory_space<any>>
        tpu.wait_dma2 semaphore(%arg13 : memref<!tpu.dma_semaphore, #tpu.memory_space<semaphore_mem>>) src(%dma_wait3A_853 : memref<16x1x96x96xf32, #tpu.memory_space<any>>) dst(%dma_wait3A_848 : memref<16x1x96x96xf32, #tpu.memory_space<vmem>>)
        %dma_start3A_854 = arith.constant 0 : i32
        %dma_start3A_855 = arith.constant 0 : i32
        %dma_start3A_856 = arith.constant 0 : i32
        %dma_start3A_857 = tpu.memref_slice %arg4[%dma_start3A_854, %sub3A_837, %dma_start3A_855, %dma_start3A_856] : memref<16x192x96x96xf32, #tpu.memory_space<any>> -> memref<16x1x96x96xf32, #tpu.memory_space<any>>
        %dma_start3A_858 = arith.constant 0 : i32
        %dma_start3A_859 = arith.constant 0 : i32
        %dma_start3A_860 = arith.constant 0 : i32
        %dma_start3A_861 = arith.constant 0 : i32
        %dma_start3A_862 = tpu.memref_slice %arg5[%scan3A_14, %dma_start3A_858, %dma_start3A_859, %dma_start3A_860, %dma_start3A_861] : memref<16x16x1x96x96xf32, #tpu.memory_space<vmem>> -> memref<1x16x1x96x96xf32, #tpu.memory_space<vmem>>
        %dma_start3A_863 = tpu.memref_squeeze %dma_start3A_862 : memref<1x16x1x96x96xf32, #tpu.memory_space<vmem>> -> memref<16x1x96x96xf32, #tpu.memory_space<vmem>>
        tpu.enqueue_dma source(%dma_start3A_863 : memref<16x1x96x96xf32, #tpu.memory_space<vmem>>) target(%dma_start3A_857 : memref<16x1x96x96xf32, #tpu.memory_space<any>>) target_semaphore(%arg29 : memref<!tpu.dma_semaphore, #tpu.memory_space<semaphore_mem>>)
      } else {
      }
    }
    %scan3A_20 = arith.constant 12 : i32
    %dma_wait3A = arith.constant 8 : i32
    %dma_wait3A_21 = arith.constant 0 : i32
    %dma_wait3A_22 = arith.constant 0 : i32
    %dma_wait3A_23 = arith.constant 0 : i32
    %dma_wait3A_24 = arith.constant 0 : i32
    %dma_wait3A_25 = tpu.memref_slice %arg5[%dma_wait3A, %dma_wait3A_21, %dma_wait3A_22, %dma_wait3A_23, %dma_wait3A_24] : memref<16x16x1x96x96xf32, #tpu.memory_space<vmem>> -> memref<1x16x1x96x96xf32, #tpu.memory_space<vmem>>
    %dma_wait3A_26 = tpu.memref_squeeze %dma_wait3A_25 : memref<1x16x1x96x96xf32, #tpu.memory_space<vmem>> -> memref<16x1x96x96xf32, #tpu.memory_space<vmem>>
    %dma_wait3A_27 = arith.constant 0 : i32
    %dma_wait3A_28 = arith.constant 0 : i32
    %dma_wait3A_29 = arith.constant 0 : i32
    %dma_wait3A_30 = arith.constant 0 : i32
    %dma_wait3A_31 = tpu.memref_slice %arg0[%dma_wait3A_27, %dma_wait3A_28, %dma_wait3A_29, %dma_wait3A_30] : memref<16x192x96x96xf32, #tpu.memory_space<any>> -> memref<16x1x96x96xf32, #tpu.memory_space<any>>
    tpu.wait_dma2 semaphore(%arg14 : memref<!tpu.dma_semaphore, #tpu.memory_space<semaphore_mem>>) src(%dma_wait3A_31 : memref<16x1x96x96xf32, #tpu.memory_space<any>>) dst(%dma_wait3A_26 : memref<16x1x96x96xf32, #tpu.memory_space<vmem>>)
    %dma_start3A = arith.constant 8 : i32
    %dma_start3A_32 = arith.constant 0 : i32
    %dma_start3A_33 = arith.constant 184 : i32
    %dma_start3A_34 = arith.constant 0 : i32
    %dma_start3A_35 = arith.constant 0 : i32
    %dma_start3A_36 = tpu.memref_slice %arg4[%dma_start3A_32, %dma_start3A_33, %dma_start3A_34, %dma_start3A_35] : memref<16x192x96x96xf32, #tpu.memory_space<any>> -> memref<16x1x96x96xf32, #tpu.memory_space<any>>
    %dma_start3A_37 = arith.constant 0 : i32
    %dma_start3A_38 = arith.constant 0 : i32
    %dma_start3A_39 = arith.constant 0 : i32
    %dma_start3A_40 = arith.constant 0 : i32
    %dma_start3A_41 = tpu.memref_slice %arg5[%dma_start3A, %dma_start3A_37, %dma_start3A_38, %dma_start3A_39, %dma_start3A_40] : memref<16x16x1x96x96xf32, #tpu.memory_space<vmem>> -> memref<1x16x1x96x96xf32, #tpu.memory_space<vmem>>
    %dma_start3A_42 = tpu.memref_squeeze %dma_start3A_41 : memref<1x16x1x96x96xf32, #tpu.memory_space<vmem>> -> memref<16x1x96x96xf32, #tpu.memory_space<vmem>>
    tpu.enqueue_dma source(%dma_start3A_42 : memref<16x1x96x96xf32, #tpu.memory_space<vmem>>) target(%dma_start3A_36 : memref<16x1x96x96xf32, #tpu.memory_space<any>>) target_semaphore(%arg30 : memref<!tpu.dma_semaphore, #tpu.memory_space<semaphore_mem>>)
    %dma_wait3A_43 = arith.constant 9 : i32
    %dma_wait3A_44 = arith.constant 0 : i32
    %dma_wait3A_45 = arith.constant 0 : i32
    %dma_wait3A_46 = arith.constant 0 : i32
    %dma_wait3A_47 = arith.constant 0 : i32
    %dma_wait3A_48 = tpu.memref_slice %arg5[%dma_wait3A_43, %dma_wait3A_44, %dma_wait3A_45, %dma_wait3A_46, %dma_wait3A_47] : memref<16x16x1x96x96xf32, #tpu.memory_space<vmem>> -> memref<1x16x1x96x96xf32, #tpu.memory_space<vmem>>
    %dma_wait3A_49 = tpu.memref_squeeze %dma_wait3A_48 : memref<1x16x1x96x96xf32, #tpu.memory_space<vmem>> -> memref<16x1x96x96xf32, #tpu.memory_space<vmem>>
    %dma_wait3A_50 = arith.constant 0 : i32
    %dma_wait3A_51 = arith.constant 0 : i32
    %dma_wait3A_52 = arith.constant 0 : i32
    %dma_wait3A_53 = arith.constant 0 : i32
    %dma_wait3A_54 = tpu.memref_slice %arg0[%dma_wait3A_50, %dma_wait3A_51, %dma_wait3A_52, %dma_wait3A_53] : memref<16x192x96x96xf32, #tpu.memory_space<any>> -> memref<16x1x96x96xf32, #tpu.memory_space<any>>
    tpu.wait_dma2 semaphore(%arg15 : memref<!tpu.dma_semaphore, #tpu.memory_space<semaphore_mem>>) src(%dma_wait3A_54 : memref<16x1x96x96xf32, #tpu.memory_space<any>>) dst(%dma_wait3A_49 : memref<16x1x96x96xf32, #tpu.memory_space<vmem>>)
    %dma_start3A_55 = arith.constant 9 : i32
    %dma_start3A_56 = arith.constant 0 : i32
    %dma_start3A_57 = arith.constant 185 : i32
    %dma_start3A_58 = arith.constant 0 : i32
    %dma_start3A_59 = arith.constant 0 : i32
    %dma_start3A_60 = tpu.memref_slice %arg4[%dma_start3A_56, %dma_start3A_57, %dma_start3A_58, %dma_start3A_59] : memref<16x192x96x96xf32, #tpu.memory_space<any>> -> memref<16x1x96x96xf32, #tpu.memory_space<any>>
    %dma_start3A_61 = arith.constant 0 : i32
    %dma_start3A_62 = arith.constant 0 : i32
    %dma_start3A_63 = arith.constant 0 : i32
    %dma_start3A_64 = arith.constant 0 : i32
    %dma_start3A_65 = tpu.memref_slice %arg5[%dma_start3A_55, %dma_start3A_61, %dma_start3A_62, %dma_start3A_63, %dma_start3A_64] : memref<16x16x1x96x96xf32, #tpu.memory_space<vmem>> -> memref<1x16x1x96x96xf32, #tpu.memory_space<vmem>>
    %dma_start3A_66 = tpu.memref_squeeze %dma_start3A_65 : memref<1x16x1x96x96xf32, #tpu.memory_space<vmem>> -> memref<16x1x96x96xf32, #tpu.memory_space<vmem>>
    tpu.enqueue_dma source(%dma_start3A_66 : memref<16x1x96x96xf32, #tpu.memory_space<vmem>>) target(%dma_start3A_60 : memref<16x1x96x96xf32, #tpu.memory_space<any>>) target_semaphore(%arg31 : memref<!tpu.dma_semaphore, #tpu.memory_space<semaphore_mem>>)
    %dma_wait3A_67 = arith.constant 10 : i32
    %dma_wait3A_68 = arith.constant 0 : i32
    %dma_wait3A_69 = arith.constant 0 : i32
    %dma_wait3A_70 = arith.constant 0 : i32
    %dma_wait3A_71 = arith.constant 0 : i32
    %dma_wait3A_72 = tpu.memref_slice %arg5[%dma_wait3A_67, %dma_wait3A_68, %dma_wait3A_69, %dma_wait3A_70, %dma_wait3A_71] : memref<16x16x1x96x96xf32, #tpu.memory_space<vmem>> -> memref<1x16x1x96x96xf32, #tpu.memory_space<vmem>>
    %dma_wait3A_73 = tpu.memref_squeeze %dma_wait3A_72 : memref<1x16x1x96x96xf32, #tpu.memory_space<vmem>> -> memref<16x1x96x96xf32, #tpu.memory_space<vmem>>
    %dma_wait3A_74 = arith.constant 0 : i32
    %dma_wait3A_75 = arith.constant 0 : i32
    %dma_wait3A_76 = arith.constant 0 : i32
    %dma_wait3A_77 = arith.constant 0 : i32
    %dma_wait3A_78 = tpu.memref_slice %arg0[%dma_wait3A_74, %dma_wait3A_75, %dma_wait3A_76, %dma_wait3A_77] : memref<16x192x96x96xf32, #tpu.memory_space<any>> -> memref<16x1x96x96xf32, #tpu.memory_space<any>>
    tpu.wait_dma2 semaphore(%arg16 : memref<!tpu.dma_semaphore, #tpu.memory_space<semaphore_mem>>) src(%dma_wait3A_78 : memref<16x1x96x96xf32, #tpu.memory_space<any>>) dst(%dma_wait3A_73 : memref<16x1x96x96xf32, #tpu.memory_space<vmem>>)
    %dma_start3A_79 = arith.constant 10 : i32
    %dma_start3A_80 = arith.constant 0 : i32
    %dma_start3A_81 = arith.constant 186 : i32
    %dma_start3A_82 = arith.constant 0 : i32
    %dma_start3A_83 = arith.constant 0 : i32
    %dma_start3A_84 = tpu.memref_slice %arg4[%dma_start3A_80, %dma_start3A_81, %dma_start3A_82, %dma_start3A_83] : memref<16x192x96x96xf32, #tpu.memory_space<any>> -> memref<16x1x96x96xf32, #tpu.memory_space<any>>
    %dma_start3A_85 = arith.constant 0 : i32
    %dma_start3A_86 = arith.constant 0 : i32
    %dma_start3A_87 = arith.constant 0 : i32
    %dma_start3A_88 = arith.constant 0 : i32
    %dma_start3A_89 = tpu.memref_slice %arg5[%dma_start3A_79, %dma_start3A_85, %dma_start3A_86, %dma_start3A_87, %dma_start3A_88] : memref<16x16x1x96x96xf32, #tpu.memory_space<vmem>> -> memref<1x16x1x96x96xf32, #tpu.memory_space<vmem>>
    %dma_start3A_90 = tpu.memref_squeeze %dma_start3A_89 : memref<1x16x1x96x96xf32, #tpu.memory_space<vmem>> -> memref<16x1x96x96xf32, #tpu.memory_space<vmem>>
    tpu.enqueue_dma source(%dma_start3A_90 : memref<16x1x96x96xf32, #tpu.memory_space<vmem>>) target(%dma_start3A_84 : memref<16x1x96x96xf32, #tpu.memory_space<any>>) target_semaphore(%arg32 : memref<!tpu.dma_semaphore, #tpu.memory_space<semaphore_mem>>)
    %dma_wait3A_91 = arith.constant 11 : i32
    %dma_wait3A_92 = arith.constant 0 : i32
    %dma_wait3A_93 = arith.constant 0 : i32
    %dma_wait3A_94 = arith.constant 0 : i32
    %dma_wait3A_95 = arith.constant 0 : i32
    %dma_wait3A_96 = tpu.memref_slice %arg5[%dma_wait3A_91, %dma_wait3A_92, %dma_wait3A_93, %dma_wait3A_94, %dma_wait3A_95] : memref<16x16x1x96x96xf32, #tpu.memory_space<vmem>> -> memref<1x16x1x96x96xf32, #tpu.memory_space<vmem>>
    %dma_wait3A_97 = tpu.memref_squeeze %dma_wait3A_96 : memref<1x16x1x96x96xf32, #tpu.memory_space<vmem>> -> memref<16x1x96x96xf32, #tpu.memory_space<vmem>>
    %dma_wait3A_98 = arith.constant 0 : i32
    %dma_wait3A_99 = arith.constant 0 : i32
    %dma_wait3A_100 = arith.constant 0 : i32
    %dma_wait3A_101 = arith.constant 0 : i32
    %dma_wait3A_102 = tpu.memref_slice %arg0[%dma_wait3A_98, %dma_wait3A_99, %dma_wait3A_100, %dma_wait3A_101] : memref<16x192x96x96xf32, #tpu.memory_space<any>> -> memref<16x1x96x96xf32, #tpu.memory_space<any>>
    tpu.wait_dma2 semaphore(%arg17 : memref<!tpu.dma_semaphore, #tpu.memory_space<semaphore_mem>>) src(%dma_wait3A_102 : memref<16x1x96x96xf32, #tpu.memory_space<any>>) dst(%dma_wait3A_97 : memref<16x1x96x96xf32, #tpu.memory_space<vmem>>)
    %dma_start3A_103 = arith.constant 11 : i32
    %dma_start3A_104 = arith.constant 0 : i32
    %dma_start3A_105 = arith.constant 187 : i32
    %dma_start3A_106 = arith.constant 0 : i32
    %dma_start3A_107 = arith.constant 0 : i32
    %dma_start3A_108 = tpu.memref_slice %arg4[%dma_start3A_104, %dma_start3A_105, %dma_start3A_106, %dma_start3A_107] : memref<16x192x96x96xf32, #tpu.memory_space<any>> -> memref<16x1x96x96xf32, #tpu.memory_space<any>>
    %dma_start3A_109 = arith.constant 0 : i32
    %dma_start3A_110 = arith.constant 0 : i32
    %dma_start3A_111 = arith.constant 0 : i32
    %dma_start3A_112 = arith.constant 0 : i32
    %dma_start3A_113 = tpu.memref_slice %arg5[%dma_start3A_103, %dma_start3A_109, %dma_start3A_110, %dma_start3A_111, %dma_start3A_112] : memref<16x16x1x96x96xf32, #tpu.memory_space<vmem>> -> memref<1x16x1x96x96xf32, #tpu.memory_space<vmem>>
    %dma_start3A_114 = tpu.memref_squeeze %dma_start3A_113 : memref<1x16x1x96x96xf32, #tpu.memory_space<vmem>> -> memref<16x1x96x96xf32, #tpu.memory_space<vmem>>
    tpu.enqueue_dma source(%dma_start3A_114 : memref<16x1x96x96xf32, #tpu.memory_space<vmem>>) target(%dma_start3A_108 : memref<16x1x96x96xf32, #tpu.memory_space<any>>) target_semaphore(%arg33 : memref<!tpu.dma_semaphore, #tpu.memory_space<semaphore_mem>>)
    %dma_wait3A_115 = arith.constant 12 : i32
    %dma_wait3A_116 = arith.constant 0 : i32
    %dma_wait3A_117 = arith.constant 0 : i32
    %dma_wait3A_118 = arith.constant 0 : i32
    %dma_wait3A_119 = arith.constant 0 : i32
    %dma_wait3A_120 = tpu.memref_slice %arg5[%dma_wait3A_115, %dma_wait3A_116, %dma_wait3A_117, %dma_wait3A_118, %dma_wait3A_119] : memref<16x16x1x96x96xf32, #tpu.memory_space<vmem>> -> memref<1x16x1x96x96xf32, #tpu.memory_space<vmem>>
    %dma_wait3A_121 = tpu.memref_squeeze %dma_wait3A_120 : memref<1x16x1x96x96xf32, #tpu.memory_space<vmem>> -> memref<16x1x96x96xf32, #tpu.memory_space<vmem>>
    %dma_wait3A_122 = arith.constant 0 : i32
    %dma_wait3A_123 = arith.constant 0 : i32
    %dma_wait3A_124 = arith.constant 0 : i32
    %dma_wait3A_125 = arith.constant 0 : i32
    %dma_wait3A_126 = tpu.memref_slice %arg0[%dma_wait3A_122, %dma_wait3A_123, %dma_wait3A_124, %dma_wait3A_125] : memref<16x192x96x96xf32, #tpu.memory_space<any>> -> memref<16x1x96x96xf32, #tpu.memory_space<any>>
    tpu.wait_dma2 semaphore(%arg18 : memref<!tpu.dma_semaphore, #tpu.memory_space<semaphore_mem>>) src(%dma_wait3A_126 : memref<16x1x96x96xf32, #tpu.memory_space<any>>) dst(%dma_wait3A_121 : memref<16x1x96x96xf32, #tpu.memory_space<vmem>>)
    %dma_start3A_127 = arith.constant 12 : i32
    %dma_start3A_128 = arith.constant 0 : i32
    %dma_start3A_129 = arith.constant 188 : i32
    %dma_start3A_130 = arith.constant 0 : i32
    %dma_start3A_131 = arith.constant 0 : i32
    %dma_start3A_132 = tpu.memref_slice %arg4[%dma_start3A_128, %dma_start3A_129, %dma_start3A_130, %dma_start3A_131] : memref<16x192x96x96xf32, #tpu.memory_space<any>> -> memref<16x1x96x96xf32, #tpu.memory_space<any>>
    %dma_start3A_133 = arith.constant 0 : i32
    %dma_start3A_134 = arith.constant 0 : i32
    %dma_start3A_135 = arith.constant 0 : i32
    %dma_start3A_136 = arith.constant 0 : i32
    %dma_start3A_137 = tpu.memref_slice %arg5[%dma_start3A_127, %dma_start3A_133, %dma_start3A_134, %dma_start3A_135, %dma_start3A_136] : memref<16x16x1x96x96xf32, #tpu.memory_space<vmem>> -> memref<1x16x1x96x96xf32, #tpu.memory_space<vmem>>
    %dma_start3A_138 = tpu.memref_squeeze %dma_start3A_137 : memref<1x16x1x96x96xf32, #tpu.memory_space<vmem>> -> memref<16x1x96x96xf32, #tpu.memory_space<vmem>>
    tpu.enqueue_dma source(%dma_start3A_138 : memref<16x1x96x96xf32, #tpu.memory_space<vmem>>) target(%dma_start3A_132 : memref<16x1x96x96xf32, #tpu.memory_space<any>>) target_semaphore(%arg34 : memref<!tpu.dma_semaphore, #tpu.memory_space<semaphore_mem>>)
    %dma_wait3A_139 = arith.constant 13 : i32
    %dma_wait3A_140 = arith.constant 0 : i32
    %dma_wait3A_141 = arith.constant 0 : i32
    %dma_wait3A_142 = arith.constant 0 : i32
    %dma_wait3A_143 = arith.constant 0 : i32
    %dma_wait3A_144 = tpu.memref_slice %arg5[%dma_wait3A_139, %dma_wait3A_140, %dma_wait3A_141, %dma_wait3A_142, %dma_wait3A_143] : memref<16x16x1x96x96xf32, #tpu.memory_space<vmem>> -> memref<1x16x1x96x96xf32, #tpu.memory_space<vmem>>
    %dma_wait3A_145 = tpu.memref_squeeze %dma_wait3A_144 : memref<1x16x1x96x96xf32, #tpu.memory_space<vmem>> -> memref<16x1x96x96xf32, #tpu.memory_space<vmem>>
    %dma_wait3A_146 = arith.constant 0 : i32
    %dma_wait3A_147 = arith.constant 0 : i32
    %dma_wait3A_148 = arith.constant 0 : i32
    %dma_wait3A_149 = arith.constant 0 : i32
    %dma_wait3A_150 = tpu.memref_slice %arg0[%dma_wait3A_146, %dma_wait3A_147, %dma_wait3A_148, %dma_wait3A_149] : memref<16x192x96x96xf32, #tpu.memory_space<any>> -> memref<16x1x96x96xf32, #tpu.memory_space<any>>
    tpu.wait_dma2 semaphore(%arg19 : memref<!tpu.dma_semaphore, #tpu.memory_space<semaphore_mem>>) src(%dma_wait3A_150 : memref<16x1x96x96xf32, #tpu.memory_space<any>>) dst(%dma_wait3A_145 : memref<16x1x96x96xf32, #tpu.memory_space<vmem>>)
    %dma_start3A_151 = arith.constant 13 : i32
    %dma_start3A_152 = arith.constant 0 : i32
    %dma_start3A_153 = arith.constant 189 : i32
    %dma_start3A_154 = arith.constant 0 : i32
    %dma_start3A_155 = arith.constant 0 : i32
    %dma_start3A_156 = tpu.memref_slice %arg4[%dma_start3A_152, %dma_start3A_153, %dma_start3A_154, %dma_start3A_155] : memref<16x192x96x96xf32, #tpu.memory_space<any>> -> memref<16x1x96x96xf32, #tpu.memory_space<any>>
    %dma_start3A_157 = arith.constant 0 : i32
    %dma_start3A_158 = arith.constant 0 : i32
    %dma_start3A_159 = arith.constant 0 : i32
    %dma_start3A_160 = arith.constant 0 : i32
    %dma_start3A_161 = tpu.memref_slice %arg5[%dma_start3A_151, %dma_start3A_157, %dma_start3A_158, %dma_start3A_159, %dma_start3A_160] : memref<16x16x1x96x96xf32, #tpu.memory_space<vmem>> -> memref<1x16x1x96x96xf32, #tpu.memory_space<vmem>>
    %dma_start3A_162 = tpu.memref_squeeze %dma_start3A_161 : memref<1x16x1x96x96xf32, #tpu.memory_space<vmem>> -> memref<16x1x96x96xf32, #tpu.memory_space<vmem>>
    tpu.enqueue_dma source(%dma_start3A_162 : memref<16x1x96x96xf32, #tpu.memory_space<vmem>>) target(%dma_start3A_156 : memref<16x1x96x96xf32, #tpu.memory_space<any>>) target_semaphore(%arg35 : memref<!tpu.dma_semaphore, #tpu.memory_space<semaphore_mem>>)
    %dma_wait3A_163 = arith.constant 14 : i32
    %dma_wait3A_164 = arith.constant 0 : i32
    %dma_wait3A_165 = arith.constant 0 : i32
    %dma_wait3A_166 = arith.constant 0 : i32
    %dma_wait3A_167 = arith.constant 0 : i32
    %dma_wait3A_168 = tpu.memref_slice %arg5[%dma_wait3A_163, %dma_wait3A_164, %dma_wait3A_165, %dma_wait3A_166, %dma_wait3A_167] : memref<16x16x1x96x96xf32, #tpu.memory_space<vmem>> -> memref<1x16x1x96x96xf32, #tpu.memory_space<vmem>>
    %dma_wait3A_169 = tpu.memref_squeeze %dma_wait3A_168 : memref<1x16x1x96x96xf32, #tpu.memory_space<vmem>> -> memref<16x1x96x96xf32, #tpu.memory_space<vmem>>
    %dma_wait3A_170 = arith.constant 0 : i32
    %dma_wait3A_171 = arith.constant 0 : i32
    %dma_wait3A_172 = arith.constant 0 : i32
    %dma_wait3A_173 = arith.constant 0 : i32
    %dma_wait3A_174 = tpu.memref_slice %arg0[%dma_wait3A_170, %dma_wait3A_171, %dma_wait3A_172, %dma_wait3A_173] : memref<16x192x96x96xf32, #tpu.memory_space<any>> -> memref<16x1x96x96xf32, #tpu.memory_space<any>>
    tpu.wait_dma2 semaphore(%arg20 : memref<!tpu.dma_semaphore, #tpu.memory_space<semaphore_mem>>) src(%dma_wait3A_174 : memref<16x1x96x96xf32, #tpu.memory_space<any>>) dst(%dma_wait3A_169 : memref<16x1x96x96xf32, #tpu.memory_space<vmem>>)
    %dma_start3A_175 = arith.constant 14 : i32
    %dma_start3A_176 = arith.constant 0 : i32
    %dma_start3A_177 = arith.constant 190 : i32
    %dma_start3A_178 = arith.constant 0 : i32
    %dma_start3A_179 = arith.constant 0 : i32
    %dma_start3A_180 = tpu.memref_slice %arg4[%dma_start3A_176, %dma_start3A_177, %dma_start3A_178, %dma_start3A_179] : memref<16x192x96x96xf32, #tpu.memory_space<any>> -> memref<16x1x96x96xf32, #tpu.memory_space<any>>
    %dma_start3A_181 = arith.constant 0 : i32
    %dma_start3A_182 = arith.constant 0 : i32
    %dma_start3A_183 = arith.constant 0 : i32
    %dma_start3A_184 = arith.constant 0 : i32
    %dma_start3A_185 = tpu.memref_slice %arg5[%dma_start3A_175, %dma_start3A_181, %dma_start3A_182, %dma_start3A_183, %dma_start3A_184] : memref<16x16x1x96x96xf32, #tpu.memory_space<vmem>> -> memref<1x16x1x96x96xf32, #tpu.memory_space<vmem>>
    %dma_start3A_186 = tpu.memref_squeeze %dma_start3A_185 : memref<1x16x1x96x96xf32, #tpu.memory_space<vmem>> -> memref<16x1x96x96xf32, #tpu.memory_space<vmem>>
    tpu.enqueue_dma source(%dma_start3A_186 : memref<16x1x96x96xf32, #tpu.memory_space<vmem>>) target(%dma_start3A_180 : memref<16x1x96x96xf32, #tpu.memory_space<any>>) target_semaphore(%arg36 : memref<!tpu.dma_semaphore, #tpu.memory_space<semaphore_mem>>)
    %dma_wait3A_187 = arith.constant 15 : i32
    %dma_wait3A_188 = arith.constant 0 : i32
    %dma_wait3A_189 = arith.constant 0 : i32
    %dma_wait3A_190 = arith.constant 0 : i32
    %dma_wait3A_191 = arith.constant 0 : i32
    %dma_wait3A_192 = tpu.memref_slice %arg5[%dma_wait3A_187, %dma_wait3A_188, %dma_wait3A_189, %dma_wait3A_190, %dma_wait3A_191] : memref<16x16x1x96x96xf32, #tpu.memory_space<vmem>> -> memref<1x16x1x96x96xf32, #tpu.memory_space<vmem>>
    %dma_wait3A_193 = tpu.memref_squeeze %dma_wait3A_192 : memref<1x16x1x96x96xf32, #tpu.memory_space<vmem>> -> memref<16x1x96x96xf32, #tpu.memory_space<vmem>>
    %dma_wait3A_194 = arith.constant 0 : i32
    %dma_wait3A_195 = arith.constant 0 : i32
    %dma_wait3A_196 = arith.constant 0 : i32
    %dma_wait3A_197 = arith.constant 0 : i32
    %dma_wait3A_198 = tpu.memref_slice %arg0[%dma_wait3A_194, %dma_wait3A_195, %dma_wait3A_196, %dma_wait3A_197] : memref<16x192x96x96xf32, #tpu.memory_space<any>> -> memref<16x1x96x96xf32, #tpu.memory_space<any>>
    tpu.wait_dma2 semaphore(%arg21 : memref<!tpu.dma_semaphore, #tpu.memory_space<semaphore_mem>>) src(%dma_wait3A_198 : memref<16x1x96x96xf32, #tpu.memory_space<any>>) dst(%dma_wait3A_193 : memref<16x1x96x96xf32, #tpu.memory_space<vmem>>)
    %dma_start3A_199 = arith.constant 15 : i32
    %dma_start3A_200 = arith.constant 0 : i32
    %dma_start3A_201 = arith.constant 191 : i32
    %dma_start3A_202 = arith.constant 0 : i32
    %dma_start3A_203 = arith.constant 0 : i32
    %dma_start3A_204 = tpu.memref_slice %arg4[%dma_start3A_200, %dma_start3A_201, %dma_start3A_202, %dma_start3A_203] : memref<16x192x96x96xf32, #tpu.memory_space<any>> -> memref<16x1x96x96xf32, #tpu.memory_space<any>>
    %dma_start3A_205 = arith.constant 0 : i32
    %dma_start3A_206 = arith.constant 0 : i32
    %dma_start3A_207 = arith.constant 0 : i32
    %dma_start3A_208 = arith.constant 0 : i32
    %dma_start3A_209 = tpu.memref_slice %arg5[%dma_start3A_199, %dma_start3A_205, %dma_start3A_206, %dma_start3A_207, %dma_start3A_208] : memref<16x16x1x96x96xf32, #tpu.memory_space<vmem>> -> memref<1x16x1x96x96xf32, #tpu.memory_space<vmem>>
    %dma_start3A_210 = tpu.memref_squeeze %dma_start3A_209 : memref<1x16x1x96x96xf32, #tpu.memory_space<vmem>> -> memref<16x1x96x96xf32, #tpu.memory_space<vmem>>
    tpu.enqueue_dma source(%dma_start3A_210 : memref<16x1x96x96xf32, #tpu.memory_space<vmem>>) target(%dma_start3A_204 : memref<16x1x96x96xf32, #tpu.memory_space<any>>) target_semaphore(%arg37 : memref<!tpu.dma_semaphore, #tpu.memory_space<semaphore_mem>>)
    %dma_wait3A_211 = arith.constant 0 : i32
    %dma_wait3A_212 = arith.constant 0 : i32
    %dma_wait3A_213 = arith.constant 0 : i32
    %dma_wait3A_214 = arith.constant 0 : i32
    %dma_wait3A_215 = arith.constant 0 : i32
    %dma_wait3A_216 = tpu.memref_slice %arg4[%dma_wait3A_212, %dma_wait3A_213, %dma_wait3A_214, %dma_wait3A_215] : memref<16x192x96x96xf32, #tpu.memory_space<any>> -> memref<16x1x96x96xf32, #tpu.memory_space<any>>
    %dma_wait3A_217 = arith.constant 0 : i32
    %dma_wait3A_218 = arith.constant 0 : i32
    %dma_wait3A_219 = arith.constant 0 : i32
    %dma_wait3A_220 = arith.constant 0 : i32
    %dma_wait3A_221 = tpu.memref_slice %arg5[%dma_wait3A_211, %dma_wait3A_217, %dma_wait3A_218, %dma_wait3A_219, %dma_wait3A_220] : memref<16x16x1x96x96xf32, #tpu.memory_space<vmem>> -> memref<1x16x1x96x96xf32, #tpu.memory_space<vmem>>
    %dma_wait3A_222 = tpu.memref_squeeze %dma_wait3A_221 : memref<1x16x1x96x96xf32, #tpu.memory_space<vmem>> -> memref<16x1x96x96xf32, #tpu.memory_space<vmem>>
    tpu.wait_dma2 semaphore(%arg22 : memref<!tpu.dma_semaphore, #tpu.memory_space<semaphore_mem>>) src(%dma_wait3A_222 : memref<16x1x96x96xf32, #tpu.memory_space<vmem>>) dst(%dma_wait3A_216 : memref<16x1x96x96xf32, #tpu.memory_space<any>>)
    %dma_wait3A_223 = arith.constant 1 : i32
    %dma_wait3A_224 = arith.constant 0 : i32
    %dma_wait3A_225 = arith.constant 0 : i32
    %dma_wait3A_226 = arith.constant 0 : i32
    %dma_wait3A_227 = arith.constant 0 : i32
    %dma_wait3A_228 = tpu.memref_slice %arg4[%dma_wait3A_224, %dma_wait3A_225, %dma_wait3A_226, %dma_wait3A_227] : memref<16x192x96x96xf32, #tpu.memory_space<any>> -> memref<16x1x96x96xf32, #tpu.memory_space<any>>
    %dma_wait3A_229 = arith.constant 0 : i32
    %dma_wait3A_230 = arith.constant 0 : i32
    %dma_wait3A_231 = arith.constant 0 : i32
    %dma_wait3A_232 = arith.constant 0 : i32
    %dma_wait3A_233 = tpu.memref_slice %arg5[%dma_wait3A_223, %dma_wait3A_229, %dma_wait3A_230, %dma_wait3A_231, %dma_wait3A_232] : memref<16x16x1x96x96xf32, #tpu.memory_space<vmem>> -> memref<1x16x1x96x96xf32, #tpu.memory_space<vmem>>
    %dma_wait3A_234 = tpu.memref_squeeze %dma_wait3A_233 : memref<1x16x1x96x96xf32, #tpu.memory_space<vmem>> -> memref<16x1x96x96xf32, #tpu.memory_space<vmem>>
    tpu.wait_dma2 semaphore(%arg23 : memref<!tpu.dma_semaphore, #tpu.memory_space<semaphore_mem>>) src(%dma_wait3A_234 : memref<16x1x96x96xf32, #tpu.memory_space<vmem>>) dst(%dma_wait3A_228 : memref<16x1x96x96xf32, #tpu.memory_space<any>>)
    %dma_wait3A_235 = arith.constant 2 : i32
    %dma_wait3A_236 = arith.constant 0 : i32
    %dma_wait3A_237 = arith.constant 0 : i32
    %dma_wait3A_238 = arith.constant 0 : i32
    %dma_wait3A_239 = arith.constant 0 : i32
    %dma_wait3A_240 = tpu.memref_slice %arg4[%dma_wait3A_236, %dma_wait3A_237, %dma_wait3A_238, %dma_wait3A_239] : memref<16x192x96x96xf32, #tpu.memory_space<any>> -> memref<16x1x96x96xf32, #tpu.memory_space<any>>
    %dma_wait3A_241 = arith.constant 0 : i32
    %dma_wait3A_242 = arith.constant 0 : i32
    %dma_wait3A_243 = arith.constant 0 : i32
    %dma_wait3A_244 = arith.constant 0 : i32
    %dma_wait3A_245 = tpu.memref_slice %arg5[%dma_wait3A_235, %dma_wait3A_241, %dma_wait3A_242, %dma_wait3A_243, %dma_wait3A_244] : memref<16x16x1x96x96xf32, #tpu.memory_space<vmem>> -> memref<1x16x1x96x96xf32, #tpu.memory_space<vmem>>
    %dma_wait3A_246 = tpu.memref_squeeze %dma_wait3A_245 : memref<1x16x1x96x96xf32, #tpu.memory_space<vmem>> -> memref<16x1x96x96xf32, #tpu.memory_space<vmem>>
    tpu.wait_dma2 semaphore(%arg24 : memref<!tpu.dma_semaphore, #tpu.memory_space<semaphore_mem>>) src(%dma_wait3A_246 : memref<16x1x96x96xf32, #tpu.memory_space<vmem>>) dst(%dma_wait3A_240 : memref<16x1x96x96xf32, #tpu.memory_space<any>>)
    %dma_wait3A_247 = arith.constant 3 : i32
    %dma_wait3A_248 = arith.constant 0 : i32
    %dma_wait3A_249 = arith.constant 0 : i32
    %dma_wait3A_250 = arith.constant 0 : i32
    %dma_wait3A_251 = arith.constant 0 : i32
    %dma_wait3A_252 = tpu.memref_slice %arg4[%dma_wait3A_248, %dma_wait3A_249, %dma_wait3A_250, %dma_wait3A_251] : memref<16x192x96x96xf32, #tpu.memory_space<any>> -> memref<16x1x96x96xf32, #tpu.memory_space<any>>
    %dma_wait3A_253 = arith.constant 0 : i32
    %dma_wait3A_254 = arith.constant 0 : i32
    %dma_wait3A_255 = arith.constant 0 : i32
    %dma_wait3A_256 = arith.constant 0 : i32
    %dma_wait3A_257 = tpu.memref_slice %arg5[%dma_wait3A_247, %dma_wait3A_253, %dma_wait3A_254, %dma_wait3A_255, %dma_wait3A_256] : memref<16x16x1x96x96xf32, #tpu.memory_space<vmem>> -> memref<1x16x1x96x96xf32, #tpu.memory_space<vmem>>
    %dma_wait3A_258 = tpu.memref_squeeze %dma_wait3A_257 : memref<1x16x1x96x96xf32, #tpu.memory_space<vmem>> -> memref<16x1x96x96xf32, #tpu.memory_space<vmem>>
    tpu.wait_dma2 semaphore(%arg25 : memref<!tpu.dma_semaphore, #tpu.memory_space<semaphore_mem>>) src(%dma_wait3A_258 : memref<16x1x96x96xf32, #tpu.memory_space<vmem>>) dst(%dma_wait3A_252 : memref<16x1x96x96xf32, #tpu.memory_space<any>>)
    %dma_wait3A_259 = arith.constant 4 : i32
    %dma_wait3A_260 = arith.constant 0 : i32
    %dma_wait3A_261 = arith.constant 0 : i32
    %dma_wait3A_262 = arith.constant 0 : i32
    %dma_wait3A_263 = arith.constant 0 : i32
    %dma_wait3A_264 = tpu.memref_slice %arg4[%dma_wait3A_260, %dma_wait3A_261, %dma_wait3A_262, %dma_wait3A_263] : memref<16x192x96x96xf32, #tpu.memory_space<any>> -> memref<16x1x96x96xf32, #tpu.memory_space<any>>
    %dma_wait3A_265 = arith.constant 0 : i32
    %dma_wait3A_266 = arith.constant 0 : i32
    %dma_wait3A_267 = arith.constant 0 : i32
    %dma_wait3A_268 = arith.constant 0 : i32
    %dma_wait3A_269 = tpu.memref_slice %arg5[%dma_wait3A_259, %dma_wait3A_265, %dma_wait3A_266, %dma_wait3A_267, %dma_wait3A_268] : memref<16x16x1x96x96xf32, #tpu.memory_space<vmem>> -> memref<1x16x1x96x96xf32, #tpu.memory_space<vmem>>
    %dma_wait3A_270 = tpu.memref_squeeze %dma_wait3A_269 : memref<1x16x1x96x96xf32, #tpu.memory_space<vmem>> -> memref<16x1x96x96xf32, #tpu.memory_space<vmem>>
    tpu.wait_dma2 semaphore(%arg26 : memref<!tpu.dma_semaphore, #tpu.memory_space<semaphore_mem>>) src(%dma_wait3A_270 : memref<16x1x96x96xf32, #tpu.memory_space<vmem>>) dst(%dma_wait3A_264 : memref<16x1x96x96xf32, #tpu.memory_space<any>>)
    %dma_wait3A_271 = arith.constant 5 : i32
    %dma_wait3A_272 = arith.constant 0 : i32
    %dma_wait3A_273 = arith.constant 0 : i32
    %dma_wait3A_274 = arith.constant 0 : i32
    %dma_wait3A_275 = arith.constant 0 : i32
    %dma_wait3A_276 = tpu.memref_slice %arg4[%dma_wait3A_272, %dma_wait3A_273, %dma_wait3A_274, %dma_wait3A_275] : memref<16x192x96x96xf32, #tpu.memory_space<any>> -> memref<16x1x96x96xf32, #tpu.memory_space<any>>
    %dma_wait3A_277 = arith.constant 0 : i32
    %dma_wait3A_278 = arith.constant 0 : i32
    %dma_wait3A_279 = arith.constant 0 : i32
    %dma_wait3A_280 = arith.constant 0 : i32
    %dma_wait3A_281 = tpu.memref_slice %arg5[%dma_wait3A_271, %dma_wait3A_277, %dma_wait3A_278, %dma_wait3A_279, %dma_wait3A_280] : memref<16x16x1x96x96xf32, #tpu.memory_space<vmem>> -> memref<1x16x1x96x96xf32, #tpu.memory_space<vmem>>
    %dma_wait3A_282 = tpu.memref_squeeze %dma_wait3A_281 : memref<1x16x1x96x96xf32, #tpu.memory_space<vmem>> -> memref<16x1x96x96xf32, #tpu.memory_space<vmem>>
    tpu.wait_dma2 semaphore(%arg27 : memref<!tpu.dma_semaphore, #tpu.memory_space<semaphore_mem>>) src(%dma_wait3A_282 : memref<16x1x96x96xf32, #tpu.memory_space<vmem>>) dst(%dma_wait3A_276 : memref<16x1x96x96xf32, #tpu.memory_space<any>>)
    %dma_wait3A_283 = arith.constant 6 : i32
    %dma_wait3A_284 = arith.constant 0 : i32
    %dma_wait3A_285 = arith.constant 0 : i32
    %dma_wait3A_286 = arith.constant 0 : i32
    %dma_wait3A_287 = arith.constant 0 : i32
    %dma_wait3A_288 = tpu.memref_slice %arg4[%dma_wait3A_284, %dma_wait3A_285, %dma_wait3A_286, %dma_wait3A_287] : memref<16x192x96x96xf32, #tpu.memory_space<any>> -> memref<16x1x96x96xf32, #tpu.memory_space<any>>
    %dma_wait3A_289 = arith.constant 0 : i32
    %dma_wait3A_290 = arith.constant 0 : i32
    %dma_wait3A_291 = arith.constant 0 : i32
    %dma_wait3A_292 = arith.constant 0 : i32
    %dma_wait3A_293 = tpu.memref_slice %arg5[%dma_wait3A_283, %dma_wait3A_289, %dma_wait3A_290, %dma_wait3A_291, %dma_wait3A_292] : memref<16x16x1x96x96xf32, #tpu.memory_space<vmem>> -> memref<1x16x1x96x96xf32, #tpu.memory_space<vmem>>
    %dma_wait3A_294 = tpu.memref_squeeze %dma_wait3A_293 : memref<1x16x1x96x96xf32, #tpu.memory_space<vmem>> -> memref<16x1x96x96xf32, #tpu.memory_space<vmem>>
    tpu.wait_dma2 semaphore(%arg28 : memref<!tpu.dma_semaphore, #tpu.memory_space<semaphore_mem>>) src(%dma_wait3A_294 : memref<16x1x96x96xf32, #tpu.memory_space<vmem>>) dst(%dma_wait3A_288 : memref<16x1x96x96xf32, #tpu.memory_space<any>>)
    %dma_wait3A_295 = arith.constant 7 : i32
    %dma_wait3A_296 = arith.constant 0 : i32
    %dma_wait3A_297 = arith.constant 0 : i32
    %dma_wait3A_298 = arith.constant 0 : i32
    %dma_wait3A_299 = arith.constant 0 : i32
    %dma_wait3A_300 = tpu.memref_slice %arg4[%dma_wait3A_296, %dma_wait3A_297, %dma_wait3A_298, %dma_wait3A_299] : memref<16x192x96x96xf32, #tpu.memory_space<any>> -> memref<16x1x96x96xf32, #tpu.memory_space<any>>
    %dma_wait3A_301 = arith.constant 0 : i32
    %dma_wait3A_302 = arith.constant 0 : i32
    %dma_wait3A_303 = arith.constant 0 : i32
    %dma_wait3A_304 = arith.constant 0 : i32
    %dma_wait3A_305 = tpu.memref_slice %arg5[%dma_wait3A_295, %dma_wait3A_301, %dma_wait3A_302, %dma_wait3A_303, %dma_wait3A_304] : memref<16x16x1x96x96xf32, #tpu.memory_space<vmem>> -> memref<1x16x1x96x96xf32, #tpu.memory_space<vmem>>
    %dma_wait3A_306 = tpu.memref_squeeze %dma_wait3A_305 : memref<1x16x1x96x96xf32, #tpu.memory_space<vmem>> -> memref<16x1x96x96xf32, #tpu.memory_space<vmem>>
    tpu.wait_dma2 semaphore(%arg29 : memref<!tpu.dma_semaphore, #tpu.memory_space<semaphore_mem>>) src(%dma_wait3A_306 : memref<16x1x96x96xf32, #tpu.memory_space<vmem>>) dst(%dma_wait3A_300 : memref<16x1x96x96xf32, #tpu.memory_space<any>>)
    %dma_wait3A_307 = arith.constant 8 : i32
    %dma_wait3A_308 = arith.constant 0 : i32
    %dma_wait3A_309 = arith.constant 0 : i32
    %dma_wait3A_310 = arith.constant 0 : i32
    %dma_wait3A_311 = arith.constant 0 : i32
    %dma_wait3A_312 = tpu.memref_slice %arg4[%dma_wait3A_308, %dma_wait3A_309, %dma_wait3A_310, %dma_wait3A_311] : memref<16x192x96x96xf32, #tpu.memory_space<any>> -> memref<16x1x96x96xf32, #tpu.memory_space<any>>
    %dma_wait3A_313 = arith.constant 0 : i32
    %dma_wait3A_314 = arith.constant 0 : i32
    %dma_wait3A_315 = arith.constant 0 : i32
    %dma_wait3A_316 = arith.constant 0 : i32
    %dma_wait3A_317 = tpu.memref_slice %arg5[%dma_wait3A_307, %dma_wait3A_313, %dma_wait3A_314, %dma_wait3A_315, %dma_wait3A_316] : memref<16x16x1x96x96xf32, #tpu.memory_space<vmem>> -> memref<1x16x1x96x96xf32, #tpu.memory_space<vmem>>
    %dma_wait3A_318 = tpu.memref_squeeze %dma_wait3A_317 : memref<1x16x1x96x96xf32, #tpu.memory_space<vmem>> -> memref<16x1x96x96xf32, #tpu.memory_space<vmem>>
    tpu.wait_dma2 semaphore(%arg30 : memref<!tpu.dma_semaphore, #tpu.memory_space<semaphore_mem>>) src(%dma_wait3A_318 : memref<16x1x96x96xf32, #tpu.memory_space<vmem>>) dst(%dma_wait3A_312 : memref<16x1x96x96xf32, #tpu.memory_space<any>>)
    %dma_wait3A_319 = arith.constant 9 : i32
    %dma_wait3A_320 = arith.constant 0 : i32
    %dma_wait3A_321 = arith.constant 0 : i32
    %dma_wait3A_322 = arith.constant 0 : i32
    %dma_wait3A_323 = arith.constant 0 : i32
    %dma_wait3A_324 = tpu.memref_slice %arg4[%dma_wait3A_320, %dma_wait3A_321, %dma_wait3A_322, %dma_wait3A_323] : memref<16x192x96x96xf32, #tpu.memory_space<any>> -> memref<16x1x96x96xf32, #tpu.memory_space<any>>
    %dma_wait3A_325 = arith.constant 0 : i32
    %dma_wait3A_326 = arith.constant 0 : i32
    %dma_wait3A_327 = arith.constant 0 : i32
    %dma_wait3A_328 = arith.constant 0 : i32
    %dma_wait3A_329 = tpu.memref_slice %arg5[%dma_wait3A_319, %dma_wait3A_325, %dma_wait3A_326, %dma_wait3A_327, %dma_wait3A_328] : memref<16x16x1x96x96xf32, #tpu.memory_space<vmem>> -> memref<1x16x1x96x96xf32, #tpu.memory_space<vmem>>
    %dma_wait3A_330 = tpu.memref_squeeze %dma_wait3A_329 : memref<1x16x1x96x96xf32, #tpu.memory_space<vmem>> -> memref<16x1x96x96xf32, #tpu.memory_space<vmem>>
    tpu.wait_dma2 semaphore(%arg31 : memref<!tpu.dma_semaphore, #tpu.memory_space<semaphore_mem>>) src(%dma_wait3A_330 : memref<16x1x96x96xf32, #tpu.memory_space<vmem>>) dst(%dma_wait3A_324 : memref<16x1x96x96xf32, #tpu.memory_space<any>>)
    %dma_wait3A_331 = arith.constant 10 : i32
    %dma_wait3A_332 = arith.constant 0 : i32
    %dma_wait3A_333 = arith.constant 0 : i32
    %dma_wait3A_334 = arith.constant 0 : i32
    %dma_wait3A_335 = arith.constant 0 : i32
    %dma_wait3A_336 = tpu.memref_slice %arg4[%dma_wait3A_332, %dma_wait3A_333, %dma_wait3A_334, %dma_wait3A_335] : memref<16x192x96x96xf32, #tpu.memory_space<any>> -> memref<16x1x96x96xf32, #tpu.memory_space<any>>
    %dma_wait3A_337 = arith.constant 0 : i32
    %dma_wait3A_338 = arith.constant 0 : i32
    %dma_wait3A_339 = arith.constant 0 : i32
    %dma_wait3A_340 = arith.constant 0 : i32
    %dma_wait3A_341 = tpu.memref_slice %arg5[%dma_wait3A_331, %dma_wait3A_337, %dma_wait3A_338, %dma_wait3A_339, %dma_wait3A_340] : memref<16x16x1x96x96xf32, #tpu.memory_space<vmem>> -> memref<1x16x1x96x96xf32, #tpu.memory_space<vmem>>
    %dma_wait3A_342 = tpu.memref_squeeze %dma_wait3A_341 : memref<1x16x1x96x96xf32, #tpu.memory_space<vmem>> -> memref<16x1x96x96xf32, #tpu.memory_space<vmem>>
    tpu.wait_dma2 semaphore(%arg32 : memref<!tpu.dma_semaphore, #tpu.memory_space<semaphore_mem>>) src(%dma_wait3A_342 : memref<16x1x96x96xf32, #tpu.memory_space<vmem>>) dst(%dma_wait3A_336 : memref<16x1x96x96xf32, #tpu.memory_space<any>>)
    %dma_wait3A_343 = arith.constant 11 : i32
    %dma_wait3A_344 = arith.constant 0 : i32
    %dma_wait3A_345 = arith.constant 0 : i32
    %dma_wait3A_346 = arith.constant 0 : i32
    %dma_wait3A_347 = arith.constant 0 : i32
    %dma_wait3A_348 = tpu.memref_slice %arg4[%dma_wait3A_344, %dma_wait3A_345, %dma_wait3A_346, %dma_wait3A_347] : memref<16x192x96x96xf32, #tpu.memory_space<any>> -> memref<16x1x96x96xf32, #tpu.memory_space<any>>
    %dma_wait3A_349 = arith.constant 0 : i32
    %dma_wait3A_350 = arith.constant 0 : i32
    %dma_wait3A_351 = arith.constant 0 : i32
    %dma_wait3A_352 = arith.constant 0 : i32
    %dma_wait3A_353 = tpu.memref_slice %arg5[%dma_wait3A_343, %dma_wait3A_349, %dma_wait3A_350, %dma_wait3A_351, %dma_wait3A_352] : memref<16x16x1x96x96xf32, #tpu.memory_space<vmem>> -> memref<1x16x1x96x96xf32, #tpu.memory_space<vmem>>
    %dma_wait3A_354 = tpu.memref_squeeze %dma_wait3A_353 : memref<1x16x1x96x96xf32, #tpu.memory_space<vmem>> -> memref<16x1x96x96xf32, #tpu.memory_space<vmem>>
    tpu.wait_dma2 semaphore(%arg33 : memref<!tpu.dma_semaphore, #tpu.memory_space<semaphore_mem>>) src(%dma_wait3A_354 : memref<16x1x96x96xf32, #tpu.memory_space<vmem>>) dst(%dma_wait3A_348 : memref<16x1x96x96xf32, #tpu.memory_space<any>>)
    %dma_wait3A_355 = arith.constant 12 : i32
    %dma_wait3A_356 = arith.constant 0 : i32
    %dma_wait3A_357 = arith.constant 0 : i32
    %dma_wait3A_358 = arith.constant 0 : i32
    %dma_wait3A_359 = arith.constant 0 : i32
    %dma_wait3A_360 = tpu.memref_slice %arg4[%dma_wait3A_356, %dma_wait3A_357, %dma_wait3A_358, %dma_wait3A_359] : memref<16x192x96x96xf32, #tpu.memory_space<any>> -> memref<16x1x96x96xf32, #tpu.memory_space<any>>
    %dma_wait3A_361 = arith.constant 0 : i32
    %dma_wait3A_362 = arith.constant 0 : i32
    %dma_wait3A_363 = arith.constant 0 : i32
    %dma_wait3A_364 = arith.constant 0 : i32
    %dma_wait3A_365 = tpu.memref_slice %arg5[%dma_wait3A_355, %dma_wait3A_361, %dma_wait3A_362, %dma_wait3A_363, %dma_wait3A_364] : memref<16x16x1x96x96xf32, #tpu.memory_space<vmem>> -> memref<1x16x1x96x96xf32, #tpu.memory_space<vmem>>
    %dma_wait3A_366 = tpu.memref_squeeze %dma_wait3A_365 : memref<1x16x1x96x96xf32, #tpu.memory_space<vmem>> -> memref<16x1x96x96xf32, #tpu.memory_space<vmem>>
    tpu.wait_dma2 semaphore(%arg34 : memref<!tpu.dma_semaphore, #tpu.memory_space<semaphore_mem>>) src(%dma_wait3A_366 : memref<16x1x96x96xf32, #tpu.memory_space<vmem>>) dst(%dma_wait3A_360 : memref<16x1x96x96xf32, #tpu.memory_space<any>>)
    %dma_wait3A_367 = arith.constant 13 : i32
    %dma_wait3A_368 = arith.constant 0 : i32
    %dma_wait3A_369 = arith.constant 0 : i32
    %dma_wait3A_370 = arith.constant 0 : i32
    %dma_wait3A_371 = arith.constant 0 : i32
    %dma_wait3A_372 = tpu.memref_slice %arg4[%dma_wait3A_368, %dma_wait3A_369, %dma_wait3A_370, %dma_wait3A_371] : memref<16x192x96x96xf32, #tpu.memory_space<any>> -> memref<16x1x96x96xf32, #tpu.memory_space<any>>
    %dma_wait3A_373 = arith.constant 0 : i32
    %dma_wait3A_374 = arith.constant 0 : i32
    %dma_wait3A_375 = arith.constant 0 : i32
    %dma_wait3A_376 = arith.constant 0 : i32
    %dma_wait3A_377 = tpu.memref_slice %arg5[%dma_wait3A_367, %dma_wait3A_373, %dma_wait3A_374, %dma_wait3A_375, %dma_wait3A_376] : memref<16x16x1x96x96xf32, #tpu.memory_space<vmem>> -> memref<1x16x1x96x96xf32, #tpu.memory_space<vmem>>
    %dma_wait3A_378 = tpu.memref_squeeze %dma_wait3A_377 : memref<1x16x1x96x96xf32, #tpu.memory_space<vmem>> -> memref<16x1x96x96xf32, #tpu.memory_space<vmem>>
    tpu.wait_dma2 semaphore(%arg35 : memref<!tpu.dma_semaphore, #tpu.memory_space<semaphore_mem>>) src(%dma_wait3A_378 : memref<16x1x96x96xf32, #tpu.memory_space<vmem>>) dst(%dma_wait3A_372 : memref<16x1x96x96xf32, #tpu.memory_space<any>>)
    %dma_wait3A_379 = arith.constant 14 : i32
    %dma_wait3A_380 = arith.constant 0 : i32
    %dma_wait3A_381 = arith.constant 0 : i32
    %dma_wait3A_382 = arith.constant 0 : i32
    %dma_wait3A_383 = arith.constant 0 : i32
    %dma_wait3A_384 = tpu.memref_slice %arg4[%dma_wait3A_380, %dma_wait3A_381, %dma_wait3A_382, %dma_wait3A_383] : memref<16x192x96x96xf32, #tpu.memory_space<any>> -> memref<16x1x96x96xf32, #tpu.memory_space<any>>
    %dma_wait3A_385 = arith.constant 0 : i32
    %dma_wait3A_386 = arith.constant 0 : i32
    %dma_wait3A_387 = arith.constant 0 : i32
    %dma_wait3A_388 = arith.constant 0 : i32
    %dma_wait3A_389 = tpu.memref_slice %arg5[%dma_wait3A_379, %dma_wait3A_385, %dma_wait3A_386, %dma_wait3A_387, %dma_wait3A_388] : memref<16x16x1x96x96xf32, #tpu.memory_space<vmem>> -> memref<1x16x1x96x96xf32, #tpu.memory_space<vmem>>
    %dma_wait3A_390 = tpu.memref_squeeze %dma_wait3A_389 : memref<1x16x1x96x96xf32, #tpu.memory_space<vmem>> -> memref<16x1x96x96xf32, #tpu.memory_space<vmem>>
    tpu.wait_dma2 semaphore(%arg36 : memref<!tpu.dma_semaphore, #tpu.memory_space<semaphore_mem>>) src(%dma_wait3A_390 : memref<16x1x96x96xf32, #tpu.memory_space<vmem>>) dst(%dma_wait3A_384 : memref<16x1x96x96xf32, #tpu.memory_space<any>>)
    %dma_wait3A_391 = arith.constant 15 : i32
    %dma_wait3A_392 = arith.constant 0 : i32
    %dma_wait3A_393 = arith.constant 0 : i32
    %dma_wait3A_394 = arith.constant 0 : i32
    %dma_wait3A_395 = arith.constant 0 : i32
    %dma_wait3A_396 = tpu.memref_slice %arg4[%dma_wait3A_392, %dma_wait3A_393, %dma_wait3A_394, %dma_wait3A_395] : memref<16x192x96x96xf32, #tpu.memory_space<any>> -> memref<16x1x96x96xf32, #tpu.memory_space<any>>
    %dma_wait3A_397 = arith.constant 0 : i32
    %dma_wait3A_398 = arith.constant 0 : i32
    %dma_wait3A_399 = arith.constant 0 : i32
    %dma_wait3A_400 = arith.constant 0 : i32
    %dma_wait3A_401 = tpu.memref_slice %arg5[%dma_wait3A_391, %dma_wait3A_397, %dma_wait3A_398, %dma_wait3A_399, %dma_wait3A_400] : memref<16x16x1x96x96xf32, #tpu.memory_space<vmem>> -> memref<1x16x1x96x96xf32, #tpu.memory_space<vmem>>
    %dma_wait3A_402 = tpu.memref_squeeze %dma_wait3A_401 : memref<1x16x1x96x96xf32, #tpu.memory_space<vmem>> -> memref<16x1x96x96xf32, #tpu.memory_space<vmem>>
    tpu.wait_dma2 semaphore(%arg37 : memref<!tpu.dma_semaphore, #tpu.memory_space<semaphore_mem>>) src(%dma_wait3A_402 : memref<16x1x96x96xf32, #tpu.memory_space<vmem>>) dst(%dma_wait3A_396 : memref<16x1x96x96xf32, #tpu.memory_space<any>>)
    return
  }
}

</mosaic_0001>

<sc_bundles>
// kernel: kernel.4.cloned.1.call-start
scs
__scs_entry_jumppad:
0x0: {  	(pc) =	sbr.rel $0x88, $3  }
0x1: {  	(tag) =	ssettag $0x0;
	lr =	simm.s32 $0x1  }
0x2: {  	[smem:$0x3F9C] =	sst lr;
	_ =	strace $0xD0000000  }
0x3: {  	_ = 	snop  }
0x4: {  	_ = 	snop  }
0x5: {  	_ = 	snop  }
0x6: {  	_ = 	snop  }
0x7: {  	_ = 	snop  }
__scs_overlays_trampoline_lowered:
0x8: {  	[smem:$0x3FAB] =	sst s0  }
0x9: {  	[smem:$0x3FAC] =	sst s1  }
0xa: {  	[smem:$0x3FAD] =	sst s2  }
0xb: {  	[smem:$0x3FAE] =	sst s3  }
0xc: {  	[smem:$0x3FAF] =	sst s4  }
0xd: {  	[smem:$0x3FB0] =	sst s5  }
0xe: {  	[smem:$0x3FB1] =	sst s6  }
0xf: {  	[smem:$0x3FB2] =	sst s7  }
0x10: {  	[smem:$0x3FB3] =	sst s8  }
0x11: {  	[smem:$0x3FB4] =	sst s9;
	s0 =	simm.s32 @!p0 $0x0  }
0x12: {  	s1 =	sld [smem:$0x3F9A];
	s0 =	simm.s32 @p0 $0x1  }
0x13: {  	[smem:$0x3FB5] =	sst s0;
	s0 =	simm.s32 @!p1 $0x0  }
0x14: {  	s2 =	sld [smem:$0x3F99];
	s0 =	simm.s32 @p1 $0x1  }
0x15: {  	[smem:$0x3FB6] =	sst s0;
	s0 =	simm.s32 @!p2 $0x0  }
0x16: {  	s3 =	sld [smem:$0x3FDB];
	s0 =	simm.s32 @p2 $0x1  }
0x17: {  	s4 =	simm.s32 $0x1BF5;
	[smem:$0x3FB8] =	sst s0  }
0x18: {  	s0 =	sld [smem:$0x3F9B];
	_ =	swait.ge [sflag:s4], $0x0  }
0x19: {  	s7 =	sld [smem:$0x3F9C]  }
0x1a: {  	s8 =	sadd.s32 $0xFFFFE003, lr  }
0x1b: {  	s9 =	sadd.s32 $0xFFFFFEF7, lr;
	s5 =	simm.s32 $0xFFFFFFFF;
	p2 =	slt.u32 s8, $0xFFFFF086  }
0x1c: {  	p1 =	slt.u32 s9, $0xF7A;
	s5 =	simm.s32 @!p2 $0x0  }
0x1d: {  	s5 =	simm.s32 @p1 $0x1;
	p0 =	seq.s32 s7, s2  }
0x1e: {  	s7 =	smul.u32 @!p0 $0xF7A, s2;
	p2 =	seq.s32 @!p0 s5, $0x0  }
0x1f: {  	s9 =	smul.u32 $0xF7A, s1;
	s8 =	simm.s32 @!p0 $0x1BF5;
	p2 =	por !p2, p0  }
0x20: {  	[sflag:s8] =	ssyncset.s32 @!p0 $0xFFFFF086;
	s6 =	sadd.s32 @!p0 s3, s7;
	s7 =	simm.s32 @!p0 $0x108  }
0x21: {  	s3 =	sadd.s32 s3, s9;
	s6 =	sadd.s32 @!p0 $0x88, s6;
	s7 =	simm.s32 @p2 $0x1082  }
0x22: {  	[simem:s7], [sflag:s8] =	dma.local @!p0 [hbm:s6], $0xF7A  }
0x23: {  	s9 =	sor.u32 $0xD0000000, s2;
	s6 =	simm.s32 $0x108;
	_ =	swait.ge @!p0 [sflag:s8], $0x0  }
0x24: {  	s3 =	sadd.s32 $0x88, s3;
	s6 =	simm.s32 @!p1 $0x1082;
	[sflag:s4] =	ssyncset.s32 $0xFFFFF086  }
0x25: {  	[simem:s6], [sflag:s4] =	dma.local [hbm:s3], $0xF7A  }
0x26: {  	[smem:$0x3F9C] =	sst s1;
	(tag) =	ssettag s2;
	_ =	strace s9  }
0x27: {  	s1 =	sld [smem:$0x3FAC]  }
0x28: {  	s2 =	sld [smem:$0x3FAD]  }
0x29: {  	s4 =	sld [smem:$0x3FAF]  }
0x2a: {  	p0 =	seq.s32 s5, $0x0;
	s5 =	sld [smem:$0x3FB0]  }
0x2b: {  	s6 =	sld [smem:$0x3FB1]  }
0x2c: {  	s7 =	sld [smem:$0x3FB2]  }
0x2d: {  	s3 =	simm.s32 $0x108;
	s8 =	sld [smem:$0x3FB3]  }
0x2e: {  	s3 =	simm.s32 @!p0 $0x1082;
	s9 =	sld [smem:$0x3FB4]  }
0x2f: {  	lr =	sadd.s32 s0, s3;
	s0 =	sld [smem:$0x3FAB]  }
0x30: {  	s3 =	sld [smem:$0x3FAE]  }
0x31: {  	[smem:$0x3FB7] =	sst s10  }
0x32: {  	s10 =	sld [smem:$0x3FB5];
	_ =	sdelay $0x3  }
0x33: {  	p0 =	seq.s32 s10, $0x1;
	s10 =	sld [smem:$0x3FB7];
	_ =	sdelay $0x3  }
0x34: {  	[smem:$0x3FB7] =	sst s10  }
0x35: {  	s10 =	sld [smem:$0x3FB6];
	_ =	sdelay $0x3  }
0x36: {  	p1 =	seq.s32 s10, $0x1;
	s10 =	sld [smem:$0x3FB7];
	_ =	sdelay $0x3  }
0x37: {  	[smem:$0x3FB7] =	sst s10  }
0x38: {  	s10 =	sld [smem:$0x3FB8]  }
0x39: {  	_ = 	snop;
	(pc) =	sbr.ind lr, $3  }
0x3a: {  	_ = 	snop  }
0x3b: {  	_ = 	snop  }
0x3c: {  	p2 =	seq.s32 s10, $0x1;
	s10 =	sld [smem:$0x3FB7]  }
0x3d: {  	_ =	shalt  }
0x3e: {  	_ =	shalt  }
0x3f: {  	_ =	shalt  }
0x40: {  	_ =	shalt  }
0x41: {  	_ =	shalt  }
0x42: {  	_ =	shalt  }
0x43: {  	_ =	shalt  }
0x44: {  	_ =	shalt  }
0x45: {  	_ =	shalt  }
0x46: {  	_ =	shalt  }
0x47: {  	_ =	shalt  }
0x48: {  	_ =	shalt  }
0x49: {  	_ =	shalt  }
0x4a: {  	_ =	shalt  }
0x4b: {  	_ =	shalt  }
0x4c: {  	_ =	shalt  }
0x4d: {  	_ =	shalt  }
0x4e: {  	_ =	shalt  }
0x4f: {  	_ =	shalt  }
0x50: {  	_ =	shalt  }
0x51: {  	_ =	shalt  }
0x52: {  	_ =	shalt  }
0x53: {  	_ =	shalt  }
0x54: {  	_ =	shalt  }
0x55: {  	_ =	shalt  }
0x56: {  	_ =	shalt  }
0x57: {  	_ =	shalt  }
0x58: {  	_ =	shalt  }
0x59: {  	_ =	shalt  }
0x5a: {  	_ =	shalt  }
0x5b: {  	_ =	shalt  }
0x5c: {  	_ =	shalt  }
0x5d: {  	_ =	shalt  }
0x5e: {  	_ =	shalt  }
0x5f: {  	_ =	shalt  }
0x60: {  	_ =	shalt  }
0x61: {  	_ =	shalt  }
0x62: {  	_ =	shalt  }
0x63: {  	_ =	shalt  }
0x64: {  	_ =	shalt  }
0x65: {  	_ =	shalt  }
0x66: {  	_ =	shalt  }
0x67: {  	_ =	shalt  }
0x68: {  	_ =	shalt  }
0x69: {  	_ =	shalt  }
0x6a: {  	_ =	shalt  }
0x6b: {  	_ =	shalt  }
0x6c: {  	_ =	shalt  }
0x6d: {  	_ =	shalt  }
0x6e: {  	_ =	shalt  }
0x6f: {  	_ =	shalt  }
0x70: {  	_ =	shalt  }
0x71: {  	_ =	shalt  }
0x72: {  	_ =	shalt  }
0x73: {  	_ =	shalt  }
0x74: {  	_ =	shalt  }
0x75: {  	_ =	shalt  }
0x76: {  	_ =	shalt  }
0x77: {  	_ =	shalt  }
0x78: {  	_ =	shalt  }
0x79: {  	_ =	shalt  }
0x7a: {  	_ =	shalt  }
0x7b: {  	_ =	shalt  }
0x7c: {  	_ =	shalt  }
0x7d: {  	_ =	shalt  }
0x7e: {  	_ =	shalt  }
0x7f: {  	_ =	shalt  }
0x80: {  	_ =	shalt  }
0x81: {  	_ =	shalt  }
0x82: {  	_ =	shalt  }
0x83: {  	_ =	shalt  }
0x84: {  	_ =	shalt  }
0x85: {  	_ =	shalt  }
0x86: {  	_ =	shalt  }
0x87: {  	_ =	shalt  }
.Lfunc_end0:
.L_simem_size_0:
called_computation_lowered:
.L_overlay_start_0:
0x88: {  	s2 =	sld [smem:$0x3FD9]  }
0x89: {  	s3 =	sld [smem:$0x3FFE];
	_ =	sdelay $0x1  }
0x8a: {  	s1 =	srdreg.scid  }
0x8b: {  	s0 =	sand.u32 $0x1, s1  }
0x8c: {  	s14 =	sshll.u32 s0, $0xA;
	s2 =	sadd.s32 s3, s2  }
0x8d: {  	s2 =	sadd.s32 s2, s14  }
0x8e: {  	[smem:$0x3FC3] =	sst s2  }
0x8f: {  	_ = 	snop  }
0x90: {  	s2 =	sld [smem:$0x3FD0]  }
0x91: {  	s15 =	sld [smem:$0x3FC9]  }
0x92: {  	s4 =	sld [smem:$0x3FC8]  }
0x93: {  	s6 =	simm.s32 $0xA;
	s7 =	simm.s32 $0x10;
	s5 =	sld [smem:$0x3FC7]  }
0x94: {  	[smem:s7], [sflag:s6] =	dma.local [hbm:s2], $0x1  }
0x95: {  	_ =	swait.eq [sflag:s6], $0x1  }
0x96: {  	[sflag:s6] =	ssyncset.done $0x0  }
0x97: {  	[sflag:s6] =	ssyncadd.s32 $0xFFFFFFFF  }
0x98: {  	s16 =	sld [smem:$0x10];
	(tm) =	ssettm $0x1  }
0x99: {  	s17 =	sld [smem:$0x3FFB];
	_ =	sdelay $0x3  }
0x9a: {  	_ =	strace s17  }
0x9b: {  	s6 =	sld [smem:$0x3FFC];
	_ =	sdelay $0x3  }
0x9c: {  	_ =	strace s6  }
0x9d: {  	s6 =	sld [smem:$0x3FFD];
	_ =	sdelay $0x3  }
0x9e: {  	_ =	strace s6  }
0x9f: {  	_ =	strace $0x8FFFFFFF  }
0xa0: {  	s18 =	sld [smem:$0x3FDB];
	_ =	sdelay $0x1  }
0xa1: {  	s19 =	simm.s32 $_scs_section_size  }
0xa2: {  	s8 =	simm.s32 $_size__tile_overlayer_lowered;
	s9 =	simm.s32 $_tile_overlayer_lowered  }
0xa3: {  	s22 =	simm.s32 $0x1BFF;
	s21 =	sshll.u32 s9, $0x1;
	s6 =	sadd.s32 s19, s18  }
0xa4: {  	s10 =	simm.s32 $0x0;
	s20 =	sshll.u32 s8, $0x1;
	s8 =	sadd.s32 s21, s6  }
0xa5: {  	[timem:s10], [sflag:s22] =	dma.local [hbm:s8], s20  }
0xa6: {  	_ =	swait.ge [sflag:s22], s20  }
0xa7: {  	s7 =	ssub.s32 $0x0, s20;
	[sflag:s22] =	ssyncset.done $0x0  }
0xa8: {  	[sflag:s22] =	ssyncadd.s32 s7;
	_ =	sdelay $0x1  }
0xa9: {  	s23 =	simm.s32 $0x1B8B  }
0xaa: {  	_ =	swait.ge [sflag:s23], $0x1  }
0xab: {  	[sflag:s23] =	ssyncset.done $0x0  }
0xac: {  	s25 =	simm.s32 $0x1B8E;
	s24 =	sld [smem:$0x3FFE];
	[sflag:s23] =	ssyncadd.s32 $0xFFFFFFFF  }
0xad: {  	s26 =	simm.s32 $execute0_lowered;
	[smem:$0x3FD2] =	sst s25  }
0xae: {  	s8 =	sshll.u32 s26, $0x1;
	_ =	strace $0x80000046;
	[dreg:$0x1] =	wrdreg $0xFFFFFFFF  }
0xaf: {  	s28 =	simm.s32 $_size_execute0_lowered;
	s6 =	sadd.s32 s6, s8;
	[dreg:$0x0] =	wrdreg $0x0  }
0xb0: {  	s8 =	sshll.u32 s28, $0x1;
	[dreg:$0x2] =	wrdreg s6  }
0xb1: {  	[dreg:$0x3] =	wrdreg s8  }
0xb2: {  	[dreg:$0x4] =	wrdreg $0xC0  }
0xb3: {  	_ =	task [dreg:s10], $0x5FFFF  }
0xb4: {  	[dreg:$0x1] =	wrdreg $0xFFFFFFFF  }
0xb5: {  	[dreg:$0x0] =	wrdreg $0x60  }
0xb6: {  	[dreg:$0x2] =	wrdreg s15  }
0xb7: {  	[dreg:$0x3] =	wrdreg s4  }
0xb8: {  	[dreg:$0x4] =	wrdreg s5  }
0xb9: {  	[dreg:$0x5] =	wrdreg s24  }
0xba: {  	[dreg:$0x6] =	wrdreg s16  }
0xbb: {  	[dreg:$0x7] =	wrdreg $0x9  }
0xbc: {  	_ =	task.clear_ibuf [dreg:s10], $0x8FFFF;
	_ =	strace $0x90000046  }
0xbd: {  	s29 =	simm.s32 $0x9;
	_ =	strace $0x80000048  }
0xbe: {  	_ =	swait.ge [sflag:s29], $0x1  }
0xbf: {  	[sflag:s29] =	ssyncadd.s32 $0xFFFFFFFF  }
0xc0: {  	_ =	strace $0x90000048  }
0xc1: {  	_ =	sfence  }
0xc2: {  	s30 =	sld [smem:$0x0];
	_ =	sdelay $0x2  }
0xc3: {  	s31 =	sshll.u32 s1, $0xD;
	s1 =	sshrl.u32 s1, $0x2  }
0xc4: {  	s3 =	sand.u32 $0x4000, s31;
	s1 =	sadd.s32 s1, s30  }
0xc5: {  	s0 =	sor.u32 s3, s0;
	s1 =	sshll.u32 s1, $0x11  }
0xc6: {  	s0 =	sor.u32 s1, s0  }
0xc7: {  	s0 =	sadd.s32 $0x8F2B, s0  }
0xc8: {  	[sflag:s0] =	ssyncadd.remote.s32 $0x1  }
0xc9: {  	_ =	sfence.sel $0xFFFF  }
0xca: {  	[dreg:$0x0] =	wrdreg $0xFFFFFFFF;
	(pc) =	sbr.abs _section_cstart, $3  }
0xcb: {  	[dreg:$0x1] =	wrdreg $0xFFFFFFFF  }
0xcc: {  	_ =	task.clear_ibuf [dreg:s10], $0x2FFFF;
	_ =	strace $0x9FFFFFFF  }
0xcd: {  	(tm) =	ssettm $0x7FFFFFFF  }
tec
execute0_lowered:
.L_overlay_start_1:
0x0: {  	(tag) =	ssettag $0x1  }
0x1: {  	s0 =	rddreg [dreg:$0x0]  }
0x2: {  	s2 =	rddreg [dreg:$0x1]  }
0x3: {  	s1 =	rddreg [dreg:$0x3];
	s3 =	srdreg.scid  }
0x4: {  	s9 =	stileid.u32;
	s5 =	rddreg [dreg:$0x4];
	s6 =	simm.s32 $0x0  }
0x5: {  	s3 =	sand.u32 $0x1, s3;
	s4 =	sshll.u32 s9, $0x1;
	s10 =	smul.u32 $0x24000, s9  }
0x6: {  	s4 =	sor.u32 s3, s4;
	s25 =	ssub.s32 $0x2, s3;
	s3 =	smul.u32 $0x12000, s3  }
0x7: {  	[smem:$0x7FF] =	sst s6;
	s1 =	sadd.s32 $0x800, s1;
	s7 =	smul.u32 $0x12000, s4  }
0x8: {  	_ =	strace $0x80000047;
	[dreg:$0x6] =	wrdreg s1;
	s8 =	sshrl.u32 s25, $0x1  }
0x9: {  	s1 =	ssub.s32 s25, s8;
	s31 =	sadd.s32 s3, s10;
	s7 =	sshrl.u32 s7, $0x3  }
0xa: {  	s1 =	smax.u32 s1, $0x1;
	[dreg:$0xc] =	wrdreg s31;
	s7 =	sadd.s32 s5, s7  }
0xb: {  	[dreg:$0xb] =	wrdreg s1;
	s26 =	sadd.s32 $0x361E00, s7  }
0xc: {  	s22 =	simm.s32 $0x9180;
	s28 =	sadd.s32 $0x3A9E00, s7;
	[dreg:$0x7] =	wrdreg s26  }
0xd: {  	s9 =	smul.u32 $0x6, s4;
	s29 =	sadd.s32 $0x3F1E00, s7;
	[dreg:$0x8] =	wrdreg s28  }
0xe: {  	s24 =	simm.s32 $0x4;
	s30 =	sadd.s32 $0x439E00, s7;
	[dreg:$0x9] =	wrdreg s29  }
0xf: {  	s23 =	simm.s32 $0x15180;
	s4 =	simm.s32 $0x0;
	v0 =	vmov s9;
	[dreg:$0xa] =	wrdreg s30  }
.LBB2_1:
0x10: {  	[dreg:$0xd] =	wrdreg s4  }
0x11: {  	s1 =	rddreg [dreg:$0x2];
	s3 =	simm.s32 $0x11  }
0x12: {  	[tilespmem:s6], [sflag:$0x11] =	stream.linear.gather [hbm4b:s1+s6], $0xC0, $0x38;
	[tilespmem:$0x18180] =	vst v63  }
0x13: {  	_ =	swait.ge [sflag:s3], $0xC0  }
0x14: {  	[sflag:s3] =	ssyncset.done $0x0  }
0x15: {  	s16 =	simm.s32 $0x100;
	s15 =	rddreg [dreg:$0x6];
	[sflag:s3] =	ssyncadd.s32 $0xFFFFFF40  }
0x16: {  	[tilespmem:s16], [sflag:$0x11] =	stream.linear.gather [hbm4b:s15+s6], $0x80, $0x38;
	[tilespmem:$0x18180] =	vst v63  }
0x17: {  	_ =	swait.ge [sflag:s3], $0x80  }
0x18: {  	[sflag:s3] =	ssyncset.done $0x0  }
0x19: {  	[sflag:s3] =	ssyncadd.s32 $0xFFFFFF80  }
0x1a: {  	v1 =	vld [tilespmem:$0x100];
	_ =	sdelay $0x4  }
0x1b: {  	(v2sf) =	vpush v1, $0x0;
	_ =	sdelay $0xd  }
0x1c: {  	p0 =	por $0x1, $0x1  }
0x1d: {  	s3 =	simm.s32 @!p0 $0x9;
	s31 =	spop (v2sf)  }
0x1e: {  	_ =	swait.ge @!p0 [sflag:s3], $0x3000  }
0x1f: {  	[sflag:s3] =	ssyncset.done @!p0 $0x0  }
0x20: {  	s1 =	simm.s32 $0x0;
	[sflag:s3] =	ssyncadd.s32 @!p0 $0xFFFFD000  }
0x21: {  	v1 =	vld.idx.msk [tilespmem:v0+s1+$0x0 ss:$0x1], $0xffff;
	_ =	sdelay $0x4  }
0x22: {  	(v2sf) =	vpush v1, $0x0;
	_ =	sdelay $0xd  }
0x23: {  	s3 =	simm.s32 @!p0 $0xFFFFFFFC  }
0x24: {  	s7 =	smul.u32 $0x23FD000, s1;
	s3 =	sand.u32 @!p0 $0xC, s3;
	s17 =	spop (v2sf)  }
0x25: {  	s8 =	smul.u32 @!p0 $0x240000, s3;
	s4 =	sand.u32 $0x7FFFFFFF, s17  }
0x26: {  	s10 =	sadd.s32 @!p0 $0xFFFFFFF, s9;
	s17 =	rddreg [dreg:$0xc];
	p1 =	slt.f32 s4, s31  }
0x27: {  	s3 =	ssub.s32 s17, s7;
	s7 =	smul.u32 @!p0 $0x3000, s10;
	s10 =	smov.u32 s0  }
0x28: {  	s4 =	sshrl.u32 s3, $0x3;
	s10 =	smov.u32 @p1 s2  }
0x29: {  	s19 =	simm.s32 $0x180;
	s12 =	simm.s32 @!p0 $0x5;
	s18 =	sadd.s32 s10, s4  }
0x2a: {  	[tilespmem:s19], [sflag:$0x1] =	stream.linear.gather [hbm4b:s18+s6], $0x3000, $0x38;
	[tilespmem:$0x18180] =	vst v63  }
0x2b: {  	s11 =	simm.s32 @!p0 $0x0;
	s7 =	sadd.s32 @!p0 s8, s7;
	_ =	swait.ge @!p0 [sflag:s12], $0x3000  }
0x2c: {  	s8 =	simm.s32 @!p0 $0xA;
	s7 =	sshrl.u32 @!p0 s7, $0x3;
	[sflag:s12] =	ssyncset.done @!p0 $0x0  }
0x2d: {  	s10 =	simm.s32 @!p0 $0xC180;
	s7 =	sadd.s32 @!p0 s5, s7;
	[sflag:s12] =	ssyncadd.s32 @!p0 $0xFFFFD000  }
0x2e: {  	[hbm4b:s7+s11] =	stream.linear.scatter @!p0 [tilespmem:s10], [sflag:$0xD], $0x3000, $0x38;
	[tilespmem:$0x18180] =	vst v63  }
0x2f: {  	_ =	swait.ge @!p0 [sflag:s8], $0x3000  }
0x30: {  	[sflag:s8] =	ssyncset.done @!p0 $0x0  }
0x31: {  	[sflag:s8] =	ssyncadd.s32 @!p0 $0xFFFFD000  }
0x32: {  	v1 =	vld.idx.msk [tilespmem:v0+s1+$0x0 ss:$0x1], $0xffff;
	_ =	sdelay $0x4  }
0x33: {  	(v2sf) =	vpush v1, $0x0;
	_ =	sdelay $0xc  }
0x34: {  	s20 =	sadd.s32 $0x0, s9;
	s7 =	simm.s32 @!p0 $0x1  }
0x35: {  	s13 =	simm.s32 $0x0;
	s21 =	smul.u32 $0x3000, s20;
	s7 =	simm.s32 @p0 $0x1  }
0x36: {  	s14 =	sadd.s32 @!p0 $0xFFFFFFF, s9;
	s7 =	ssub.s32 s7, s13;
	s25 =	spop (v2sf)  }
0x37: {  	s7 =	smul.u32 $0x240000, s7;
	s12 =	sand.u32 $0x7FFFFFFF, s25  }
0x38: {  	s14 =	smul.u32 @!p0 $0x3000, s14;
	s15 =	simm.s32 @!p0 $0x6;
	p1 =	slt.f32 s12, s31  }
0x39: {  	s8 =	simm.s32 @!p0 $0xFFFFFFFD;
	s7 =	sadd.s32 s21, s7;
	s12 =	smov.u32 s0  }
0x3a: {  	s8 =	sand.u32 @!p0 $0xD, s8;
	s7 =	sshrl.u32 s7, $0x3;
	s12 =	smov.u32 @p1 s2  }
0x3b: {  	s18 =	simm.s32 $0x3180;
	s8 =	smul.u32 @!p0 $0x240000, s8;
	s12 =	sadd.s32 s12, s7  }
0x3c: {  	[tilespmem:s18], [sflag:$0x2] =	stream.linear.gather [hbm4b:s12+s6], $0x3000, $0x38;
	[tilespmem:$0x18180] =	vst v63  }
0x3d: {  	s8 =	sadd.s32 @!p0 s8, s14;
	_ =	swait.ge @!p0 [sflag:s15], $0x3000  }
0x3e: {  	s14 =	simm.s32 @!p0 $0xB;
	s8 =	sshrl.u32 @!p0 s8, $0x3;
	[sflag:s15] =	ssyncset.done @!p0 $0x0  }
0x3f: {  	s8 =	sadd.s32 @!p0 s5, s8;
	s12 =	simm.s32 @!p0 $0xF180;
	[sflag:s15] =	ssyncadd.s32 @!p0 $0xFFFFD000  }
0x40: {  	[hbm4b:s8+s11] =	stream.linear.scatter @!p0 [tilespmem:s12], [sflag:$0xE], $0x3000, $0x38;
	[tilespmem:$0x18180] =	vst v63  }
0x41: {  	_ =	swait.ge @!p0 [sflag:s14], $0x3000  }
0x42: {  	[sflag:s14] =	ssyncset.done @!p0 $0x0  }
0x43: {  	[sflag:s14] =	ssyncadd.s32 @!p0 $0xFFFFD000  }
0x44: {  	v1 =	vld.idx.msk [tilespmem:v0+s1+$0x0 ss:$0x1], $0xffff;
	_ =	sdelay $0x4  }
0x45: {  	(v2sf) =	vpush v1, $0x0;
	_ =	sdelay $0xc  }
0x46: {  	s8 =	simm.s32 @!p0 $0x2  }
0x47: {  	s8 =	simm.s32 @p0 $0x2  }
0x48: {  	s8 =	ssub.s32 s8, s13;
	s26 =	spop (v2sf)  }
0x49: {  	s20 =	simm.s32 $0x6180;
	s8 =	smul.u32 $0x240000, s8;
	s14 =	sand.u32 $0x7FFFFFFF, s26  }
0x4a: {  	s15 =	sadd.s32 @!p0 $0xFFFFFFF, s9;
	s12 =	simm.s32 @!p0 $0xFFFFFFFE;
	p1 =	slt.f32 s14, s31  }
0x4b: {  	s15 =	smul.u32 @!p0 $0x3000, s15;
	s8 =	sadd.s32 s21, s8;
	s14 =	smov.u32 s0  }
0x4c: {  	s12 =	sand.u32 @!p0 $0xE, s12;
	s8 =	sshrl.u32 s8, $0x3;
	s14 =	smov.u32 @p1 s2  }
0x4d: {  	s16 =	simm.s32 @!p0 $0x7;
	s12 =	smul.u32 @!p0 $0x240000, s12;
	s14 =	sadd.s32 s14, s8  }
0x4e: {  	[tilespmem:s20], [sflag:$0x3] =	stream.linear.gather [hbm4b:s14+s6], $0x3000, $0x38;
	[tilespmem:$0x18180] =	vst v63  }
0x4f: {  	s12 =	sadd.s32 @!p0 s12, s15;
	_ =	swait.ge @!p0 [sflag:s16], $0x3000  }
0x50: {  	s15 =	simm.s32 @!p0 $0xC;
	s12 =	sshrl.u32 @!p0 s12, $0x3;
	[sflag:s16] =	ssyncset.done @!p0 $0x0  }
0x51: {  	s12 =	sadd.s32 @!p0 s5, s12;
	s14 =	simm.s32 @!p0 $0x12180;
	[sflag:s16] =	ssyncadd.s32 @!p0 $0xFFFFD000  }
0x52: {  	[hbm4b:s12+s11] =	stream.linear.scatter @!p0 [tilespmem:s14], [sflag:$0xF], $0x3000, $0x38;
	[tilespmem:$0x18180] =	vst v63  }
0x53: {  	_ =	swait.ge @!p0 [sflag:s15], $0x3000  }
0x54: {  	[sflag:s15] =	ssyncset.done @!p0 $0x0  }
0x55: {  	[sflag:s15] =	ssyncadd.s32 @!p0 $0xFFFFD000  }
0x56: {  	v1 =	vld.idx.msk [tilespmem:v0+s1+$0x0 ss:$0x1], $0xffff;
	_ =	sdelay $0x4  }
0x57: {  	(v2sf) =	vpush v1, $0x0;
	_ =	sdelay $0xc  }
0x58: {  	s12 =	simm.s32 @!p0 $0x3  }
0x59: {  	s12 =	simm.s32 @p0 $0x3  }
0x5a: {  	s12 =	ssub.s32 s12, s13;
	s28 =	spop (v2sf)  }
0x5b: {  	s12 =	smul.u32 $0x240000, s12;
	s14 =	sand.u32 $0x7FFFFFFF, s28  }
0x5c: {  	s16 =	smov.u32 s0;
	s15 =	sadd.s32 @!p0 $0xFFFFFFF, s9;
	p1 =	slt.f32 s14, s31  }
0x5d: {  	s15 =	smul.u32 @!p0 $0x3000, s15;
	s12 =	sadd.s32 s21, s12;
	s14 =	simm.s32 @!p0 $0xFFFFFFFF  }
0x5e: {  	s12 =	sshrl.u32 s12, $0x3;
	s14 =	sand.u32 @!p0 $0xF, s14;
	s16 =	smov.u32 @p1 s2  }
0x5f: {  	s14 =	smul.u32 @!p0 $0x240000, s14;
	s16 =	sadd.s32 s16, s12  }
0x60: {  	[tilespmem:s22], [sflag:$0x4] =	stream.linear.gather [hbm4b:s16+s6], $0x3000, $0x38;
	[tilespmem:$0x18180] =	vst v63  }
0x61: {  	s16 =	simm.s32 @!p0 $0x8  }
0x62: {  	s14 =	sadd.s32 @!p0 s14, s15;
	_ =	swait.ge @!p0 [sflag:s16], $0x3000  }
0x63: {  	s14 =	sshrl.u32 @!p0 s14, $0x3;
	[sflag:s16] =	ssyncset.done @!p0 $0x0  }
0x64: {  	s15 =	simm.s32 @!p0 $0x15180;
	s14 =	sadd.s32 @!p0 s5, s14;
	[sflag:s16] =	ssyncadd.s32 @!p0 $0xFFFFD000  }
0x65: {  	[hbm4b:s14+s11] =	stream.linear.scatter @!p0 [tilespmem:s15], [sflag:$0x10], $0x3000, $0x38;
	[tilespmem:$0x18180] =	vst v63  }
0x66: {  	s11 =	simm.s32 @!p0 $0xD  }
0x67: {  	_ =	swait.ge @!p0 [sflag:s11], $0x3000  }
0x68: {  	[sflag:s11] =	ssyncset.done @!p0 $0x0  }
0x69: {  	[sflag:s11] =	ssyncadd.s32 @!p0 $0xFFFFD000  }
0x6a: {  	v1 =	vld.idx.msk [tilespmem:v0+s1+$0x0 ss:$0x1], $0xffff;
	_ =	sdelay $0x4  }
0x6b: {  	(v2sf) =	vpush v1, $0x0;
	_ =	sdelay $0xc  }
0x6c: {  	s11 =	simm.s32 $0x4  }
0x6d: {  	s11 =	simm.s32 @p0 $0x4  }
0x6e: {  	s11 =	ssub.s32 s11, s13;
	s29 =	spop (v2sf)  }
0x6f: {  	s11 =	smul.u32 $0x240000, s11;
	s13 =	sand.u32 $0x7FFFFFFF, s29  }
0x70: {  	p1 =	slt.f32 s13, s31  }
0x71: {  	s10 =	sadd.s32 s21, s11;
	s11 =	smov.u32 s0  }
0x72: {  	s10 =	sshrl.u32 s10, $0x3;
	s11 =	smov.u32 @p1 s2  }
0x73: {  	s30 =	simm.s32 $0xC180;
	s13 =	simm.s32 $0x1;
	s10 =	sadd.s32 s11, s10  }
0x74: {  	[tilespmem:s30], [sflag:$0x5] =	stream.linear.gather [hbm4b:s10+s6], $0x3000, $0x38;
	[tilespmem:$0x18180] =	vst v63  }
0x75: {  	_ =	swait.ge [sflag:s13], $0x3000  }
0x76: {  	[sflag:s13] =	ssyncset.done $0x0  }
0x77: {  	s4 =	sadd.s32 s5, s4;
	s10 =	simm.s32 @!p0 $0xE;
	[sflag:s13] =	ssyncadd.s32 $0xFFFFD000  }
0x78: {  	[hbm4b:s4+s6] =	stream.linear.scatter [tilespmem:s19], [sflag:$0x9], $0x3000, $0x38;
	[tilespmem:$0x18180] =	vst v63  }
0x79: {  	_ =	swait.ge @!p0 [sflag:s10], $0x3000  }
0x7a: {  	[sflag:s10] =	ssyncset.done @!p0 $0x0  }
0x7b: {  	[sflag:s10] =	ssyncadd.s32 @!p0 $0xFFFFD000  }
0x7c: {  	v1 =	vld.idx.msk [tilespmem:v0+s1+$0x0 ss:$0x1], $0xffff;
	_ =	sdelay $0x4  }
0x7d: {  	(v2sf) =	vpush v1, $0x0;
	_ =	sdelay $0xe  }
0x7e: {  	s14 =	spop (v2sf)  }
0x7f: {  	s4 =	sand.u32 $0x7FFFFFFF, s14  }
0x80: {  	p1 =	slt.f32 s4, s31  }
0x81: {  	s15 =	sadd.s32 $0xB40000, s3;
	s10 =	smov.u32 s0  }
0x82: {  	s4 =	sshrl.u32 s15, $0x3;
	s10 =	smov.u32 @p1 s2  }
0x83: {  	s16 =	simm.s32 $0xF180;
	s19 =	simm.s32 $0x2;
	s4 =	sadd.s32 s10, s4  }
0x84: {  	[tilespmem:s16], [sflag:$0x6] =	stream.linear.gather [hbm4b:s4+s6], $0x3000, $0x38;
	[tilespmem:$0x18180] =	vst v63  }
0x85: {  	_ =	swait.ge [sflag:s19], $0x3000  }
0x86: {  	[sflag:s19] =	ssyncset.done $0x0  }
0x87: {  	s21 =	sadd.s32 s5, s7;
	s7 =	simm.s32 @!p0 $0xF;
	[sflag:s19] =	ssyncadd.s32 $0xFFFFD000  }
0x88: {  	[hbm4b:s21+s6] =	stream.linear.scatter [tilespmem:s18], [sflag:$0xA], $0x3000, $0x38;
	[tilespmem:$0x18180] =	vst v63  }
0x89: {  	_ =	swait.ge @!p0 [sflag:s7], $0x3000  }
0x8a: {  	[sflag:s7] =	ssyncset.done @!p0 $0x0  }
0x8b: {  	[sflag:s7] =	ssyncadd.s32 @!p0 $0xFFFFD000  }
0x8c: {  	v1 =	vld.idx.msk [tilespmem:v0+s1+$0x0 ss:$0x1], $0xffff;
	_ =	sdelay $0x4  }
0x8d: {  	(v2sf) =	vpush v1, $0x0;
	_ =	sdelay $0xe  }
0x8e: {  	s22 =	spop (v2sf)  }
0x8f: {  	s4 =	sand.u32 $0x7FFFFFFF, s22  }
0x90: {  	p1 =	slt.f32 s4, s31  }
0x91: {  	s25 =	sadd.s32 $0xD80000, s3;
	s7 =	smov.u32 s0  }
0x92: {  	s4 =	sshrl.u32 s25, $0x3;
	s7 =	smov.u32 @p1 s2  }
0x93: {  	s26 =	simm.s32 $0x12180;
	s28 =	simm.s32 $0x3;
	s4 =	sadd.s32 s7, s4  }
0x94: {  	[tilespmem:s26], [sflag:$0x7] =	stream.linear.gather [hbm4b:s4+s6], $0x3000, $0x38;
	[tilespmem:$0x18180] =	vst v63  }
0x95: {  	_ =	swait.ge [sflag:s28], $0x3000  }
0x96: {  	[sflag:s28] =	ssyncset.done $0x0  }
0x97: {  	s29 =	sadd.s32 s5, s8;
	s7 =	simm.s32 @!p0 $0x10;
	[sflag:s28] =	ssyncadd.s32 $0xFFFFD000  }
0x98: {  	[hbm4b:s29+s6] =	stream.linear.scatter [tilespmem:s20], [sflag:$0xB], $0x3000, $0x38;
	[tilespmem:$0x18180] =	vst v63  }
0x99: {  	_ =	swait.ge @!p0 [sflag:s7], $0x3000  }
0x9a: {  	[sflag:s7] =	ssyncset.done @!p0 $0x0  }
0x9b: {  	[sflag:s7] =	ssyncadd.s32 @!p0 $0xFFFFD000  }
0x9c: {  	v1 =	vld.idx.msk [tilespmem:v0+s1+$0x0 ss:$0x1], $0xffff;
	_ =	sdelay $0x4  }
0x9d: {  	(v2sf) =	vpush v1, $0x0;
	_ =	sdelay $0xe  }
0x9e: {  	s30 =	spop (v2sf)  }
0x9f: {  	s3 =	sadd.s32 $0xFC0000, s3;
	s1 =	sand.u32 $0x7FFFFFFF, s30  }
0xa0: {  	s8 =	smov.u32 s0;
	s16 =	simm.s32 $0x14;
	p1 =	slt.f32 s1, s31  }
0xa1: {  	s4 =	simm.s32 $0xC;
	s7 =	sshrl.u32 s3, $0x3;
	p0 =	por $0x0, $0x0  }
0xa2: {  	s3 =	simm.s32 $0x0;
	s1 =	sadd.s32 $0x1200000, s17;
	s8 =	smov.u32 @p1 s2  }
.LBB2_2:
0xa3: {  	s7 =	sadd.s32 s8, s7  }
0xa4: {  	s3 =	sadd.s32 $0x1, s3;
	s13 =	smov.u32 s16;
	s16 =	sadd.s32 $0x8, s16  }
0xa5: {  	[tilespmem:s23], [sflag:$0x8] =	stream.linear.gather [hbm4b:s7+s6], $0x3000, $0x38;
	[tilespmem:$0x18180] =	vst v63  }
0xa6: {  	p1 =	sne.s32 s16, $0x64;
	_ =	swait.ge [sflag:s24], $0x3000  }
0xa7: {  	s8 =	sadd.s32 s5, s12;
	s7 =	simm.s32 @!p0 $0x9;
	[sflag:s24] =	ssyncset.done $0x0  }
0xa8: {  	s22 =	simm.s32 $0x9180;
	[sflag:s24] =	ssyncadd.s32 $0xFFFFD000  }
0xa9: {  	[hbm4b:s8+s6] =	stream.linear.scatter [tilespmem:s22], [sflag:$0xC], $0x3000, $0x38;
	[tilespmem:$0x18180] =	vst v63  }
0xaa: {  	_ =	swait.ge @!p0 [sflag:s7], $0x3000  }
0xab: {  	[sflag:s7] =	ssyncset.done @!p0 $0x0  }
0xac: {  	s8 =	sshrl.u32 s3, $0x1;
	[sflag:s7] =	ssyncadd.s32 @!p0 $0xFFFFD000  }
0xad: {  	s12 =	sadd.s32 s9, s8;
	s7 =	smul.u32 $0x23FD000, s8;
	v1 =	vld.idx.msk [tilespmem:v0+s8+$0x0 ss:$0x1], $0xffff;
	_ =	sdelay $0x1  }
0xae: {  	s14 =	ssub.s32 s1, s7  }
0xaf: {  	s11 =	sadd.s32 $0xB40000, s14;
	s10 =	sadd.s32 $0xD80000, s14;
	s7 =	sadd.s32 $0xFC0000, s14  }
0xb0: {  	_ =	sdelay $0x1  }
0xb1: {  	(v2sf) =	vpush v1, $0x0;
	_ =	sdelay $0xc  }
0xb2: {  	s15 =	sadd.s32 @!p0 $0xFFFFFFF8, s4  }
0xb3: {  	s25 =	sand.u32 @!p0 $0xC, s15;
	s15 =	sshrl.u32 @!p0 s15, $0x4  }
0xb4: {  	s25 =	smul.u32 @!p0 $0x240000, s25;
	s15 =	sadd.s32 @!p0 s9, s15;
	s26 =	spop (v2sf)  }
0xb5: {  	s30 =	simm.s32 @!p0 $0x5;
	s15 =	smul.u32 @!p0 $0x3000, s15;
	s26 =	sand.u32 $0x7FFFFFFF, s26  }
0xb6: {  	p2 =	slt.f32 s26, s31  }
0xb7: {  	s15 =	sadd.s32 @!p0 s25, s15;
	s25 =	smov.u32 s0  }
0xb8: {  	s15 =	sshrl.u32 @!p0 s15, $0x3;
	s14 =	sshrl.u32 s14, $0x3;
	s25 =	smov.u32 @p2 s2  }
0xb9: {  	s23 =	simm.s32 $0x180;
	s15 =	sadd.s32 @!p0 s5, s15;
	s25 =	sadd.s32 s25, s14  }
0xba: {  	[tilespmem:s23], [sflag:$0x1] =	stream.linear.gather [hbm4b:s25+s6], $0x3000, $0x38;
	[tilespmem:$0x18180] =	vst v63  }
0xbb: {  	s25 =	simm.s32 @!p0 $0xA;
	_ =	swait.ge @!p0 [sflag:s30], $0x3000  }
0xbc: {  	s28 =	simm.s32 @!p0 $0x0;
	[sflag:s30] =	ssyncset.done @!p0 $0x0  }
0xbd: {  	s26 =	simm.s32 @!p0 $0xC180;
	[sflag:s30] =	ssyncadd.s32 @!p0 $0xFFFFD000  }
0xbe: {  	[hbm4b:s15+s28] =	stream.linear.scatter @!p0 [tilespmem:s26], [sflag:$0xD], $0x3000, $0x38;
	[tilespmem:$0x18180] =	vst v63  }
0xbf: {  	_ =	swait.ge @!p0 [sflag:s25], $0x3000  }
0xc0: {  	[sflag:s25] =	ssyncset.done @!p0 $0x0  }
0xc1: {  	[sflag:s25] =	ssyncadd.s32 @!p0 $0xFFFFD000  }
0xc2: {  	v1 =	vld.idx.msk [tilespmem:v0+s8+$0x0 ss:$0x1], $0xffff;
	_ =	sdelay $0x5  }
0xc3: {  	(v2sf) =	vpush v1, $0x0;
	_ =	sdelay $0x8  }
0xc4: {  	s15 =	sadd.s32 @!p0 $0xFFFFFFFD, s4  }
0xc5: {  	s26 =	sshll.u32 s8, $0x4;
	s15 =	simm.s32 @p0 $0x1  }
0xc6: {  	s25 =	smul.u32 $0x3000, s12;
	s12 =	ssub.s32 s15, s26  }
0xc7: {  	s12 =	smul.u32 $0x240000, s12  }
0xc8: {  	s30 =	sadd.s32 @!p0 $0xFFFFFFF9, s4  }
0xc9: {  	s29 =	sshrl.u32 @!p0 s30, $0x4;
	s12 =	sadd.s32 s25, s12  }
0xca: {  	s15 =	sshrl.u32 s12, $0x3;
	s12 =	sadd.s32 @!p0 s9, s29;
	s29 =	spop (v2sf)  }
0xcb: {  	s30 =	sand.u32 @!p0 $0xD, s30;
	s12 =	smul.u32 @!p0 $0x3000, s12;
	s29 =	sand.u32 $0x7FFFFFFF, s29  }
0xcc: {  	p2 =	slt.f32 s29, s31;
	s29 =	smul.u32 @!p0 $0x240000, s30  }
0xcd: {  	s30 =	smov.u32 s0  }
0xce: {  	s17 =	simm.s32 @!p0 $0x6;
	s30 =	smov.u32 @p2 s2;
	s12 =	sadd.s32 @!p0 s29, s12  }
0xcf: {  	s18 =	simm.s32 $0x3180;
	s29 =	sadd.s32 s30, s15;
	s12 =	sshrl.u32 @!p0 s12, $0x3  }
0xd0: {  	[tilespmem:s18], [sflag:$0x2] =	stream.linear.gather [hbm4b:s29+s6], $0x3000, $0x38;
	[tilespmem:$0x18180] =	vst v63  }
0xd1: {  	s12 =	sadd.s32 @!p0 s5, s12;
	_ =	swait.ge @!p0 [sflag:s17], $0x3000  }
0xd2: {  	s30 =	simm.s32 @!p0 $0xB;
	s29 =	simm.s32 @!p0 $0xF180;
	[sflag:s17] =	ssyncset.done @!p0 $0x0  }
0xd3: {  	[sflag:s17] =	ssyncadd.s32 @!p0 $0xFFFFD000  }
0xd4: {  	[hbm4b:s12+s28] =	stream.linear.scatter @!p0 [tilespmem:s29], [sflag:$0xE], $0x3000, $0x38;
	[tilespmem:$0x18180] =	vst v63  }
0xd5: {  	_ =	swait.ge @!p0 [sflag:s30], $0x3000  }
0xd6: {  	[sflag:s30] =	ssyncset.done @!p0 $0x0  }
0xd7: {  	[sflag:s30] =	ssyncadd.s32 @!p0 $0xFFFFD000  }
0xd8: {  	v1 =	vld.idx.msk [tilespmem:v0+s8+$0x0 ss:$0x1], $0xffff;
	_ =	sdelay $0x5  }
0xd9: {  	(v2sf) =	vpush v1, $0x0;
	_ =	sdelay $0xb  }
0xda: {  	s12 =	sadd.s32 @!p0 $0xFFFFFFFE, s4  }
0xdb: {  	s17 =	sadd.s32 @!p0 $0xFFFFFFFA, s4;
	s12 =	simm.s32 @p0 $0x2  }
0xdc: {  	s29 =	sshrl.u32 @!p0 s17, $0x4;
	s12 =	ssub.s32 s12, s26  }
0xdd: {  	s29 =	sadd.s32 @!p0 s9, s29;
	s12 =	smul.u32 $0x240000, s12;
	s30 =	spop (v2sf)  }
0xde: {  	s17 =	sand.u32 @!p0 $0xE, s17;
	s29 =	smul.u32 @!p0 $0x3000, s29;
	s30 =	sand.u32 $0x7FFFFFFF, s30  }
0xdf: {  	s17 =	smul.u32 @!p0 $0x240000, s17;
	s12 =	sadd.s32 s25, s12;
	p2 =	slt.f32 s30, s31  }
0xe0: {  	s30 =	sshrl.u32 s12, $0x3;
	s12 =	smov.u32 s0  }
0xe1: {  	s19 =	simm.s32 @!p0 $0x7;
	s17 =	sadd.s32 @!p0 s17, s29;
	s12 =	smov.u32 @p2 s2  }
0xe2: {  	s20 =	simm.s32 $0x6180;
	s17 =	sshrl.u32 @!p0 s17, $0x3;
	s12 =	sadd.s32 s12, s30  }
0xe3: {  	[tilespmem:s20], [sflag:$0x3] =	stream.linear.gather [hbm4b:s12+s6], $0x3000, $0x38;
	[tilespmem:$0x18180] =	vst v63  }
0xe4: {  	s12 =	sadd.s32 @!p0 s5, s17;
	_ =	swait.ge @!p0 [sflag:s19], $0x3000  }
0xe5: {  	s29 =	simm.s32 @!p0 $0xC;
	s17 =	simm.s32 @!p0 $0x12180;
	[sflag:s19] =	ssyncset.done @!p0 $0x0  }
0xe6: {  	[sflag:s19] =	ssyncadd.s32 @!p0 $0xFFFFD000  }
0xe7: {  	[hbm4b:s12+s28] =	stream.linear.scatter @!p0 [tilespmem:s17], [sflag:$0xF], $0x3000, $0x38;
	[tilespmem:$0x18180] =	vst v63  }
0xe8: {  	_ =	swait.ge @!p0 [sflag:s29], $0x3000  }
0xe9: {  	[sflag:s29] =	ssyncset.done @!p0 $0x0  }
0xea: {  	[sflag:s29] =	ssyncadd.s32 @!p0 $0xFFFFD000  }
0xeb: {  	v1 =	vld.idx.msk [tilespmem:v0+s8+$0x0 ss:$0x1], $0xffff;
	_ =	sdelay $0x5  }
0xec: {  	(v2sf) =	vpush v1, $0x0;
	_ =	sdelay $0xb  }
0xed: {  	s12 =	sadd.s32 @!p0 $0xFFFFFFFF, s4  }
0xee: {  	s12 =	simm.s32 @p0 $0x3  }
0xef: {  	s12 =	ssub.s32 s12, s26  }
0xf0: {  	s12 =	smul.u32 $0x240000, s12;
	s17 =	spop (v2sf)  }
0xf1: {  	s19 =	sadd.s32 @!p0 $0xFFFFFFFB, s4;
	s29 =	smov.u32 s0;
	s17 =	sand.u32 $0x7FFFFFFF, s17  }
0xf2: {  	s12 =	sadd.s32 s25, s12;
	p2 =	slt.f32 s17, s31;
	s17 =	sshrl.u32 @!p0 s19, $0x4  }
0xf3: {  	s12 =	sshrl.u32 s12, $0x3;
	s19 =	sand.u32 @!p0 $0xF, s19;
	s17 =	sadd.s32 @!p0 s9, s17  }
0xf4: {  	s29 =	smov.u32 @p2 s2;
	s17 =	smul.u32 @!p0 $0x3000, s17  }
0xf5: {  	s21 =	simm.s32 @!p0 $0x8;
	s19 =	smul.u32 @!p0 $0x240000, s19;
	s29 =	sadd.s32 s29, s12  }
0xf6: {  	[tilespmem:s22], [sflag:$0x4] =	stream.linear.gather [hbm4b:s29+s6], $0x3000, $0x38;
	[tilespmem:$0x18180] =	vst v63  }
0xf7: {  	s17 =	sadd.s32 @!p0 s19, s17;
	_ =	swait.ge @!p0 [sflag:s21], $0x3000  }
0xf8: {  	s19 =	simm.s32 @!p0 $0x15180;
	s17 =	sshrl.u32 @!p0 s17, $0x3;
	[sflag:s21] =	ssyncset.done @!p0 $0x0  }
0xf9: {  	s17 =	sadd.s32 @!p0 s5, s17;
	[sflag:s21] =	ssyncadd.s32 @!p0 $0xFFFFD000;
	s21 =	simm.s32 @!p0 $0xD  }
0xfa: {  	[hbm4b:s17+s28] =	stream.linear.scatter @!p0 [tilespmem:s19], [sflag:$0x10], $0x3000, $0x38;
	[tilespmem:$0x18180] =	vst v63  }
0xfb: {  	_ =	swait.ge @!p0 [sflag:s21], $0x3000  }
0xfc: {  	[sflag:s21] =	ssyncset.done @!p0 $0x0  }
0xfd: {  	[sflag:s21] =	ssyncadd.s32 @!p0 $0xFFFFD000  }
0xfe: {  	v1 =	vld.idx.msk [tilespmem:v0+s8+$0x0 ss:$0x1], $0xffff;
	_ =	sdelay $0x5  }
0xff: {  	(v2sf) =	vpush v1, $0x0;
	_ =	sdelay $0xb  }
0x100: {  	s17 =	smov.u32 s4  }
0x101: {  	s4 =	smov.u32 s13;
	s17 =	simm.s32 @p0 $0x4  }
0x102: {  	s13 =	ssub.s32 s17, s26  }
0x103: {  	s13 =	smul.u32 $0x240000, s13;
	s17 =	spop (v2sf)  }
0x104: {  	s17 =	sand.u32 $0x7FFFFFFF, s17  }
0x105: {  	s13 =	sadd.s32 s25, s13;
	p2 =	slt.f32 s17, s31  }
0x106: {  	s13 =	sshrl.u32 s13, $0x3;
	s17 =	smov.u32 s0  }
0x107: {  	s17 =	smov.u32 @p2 s2  }
0x108: {  	s13 =	sadd.s32 s17, s13;
	s17 =	simm.s32 $0xC180  }
0x109: {  	[tilespmem:s17], [sflag:$0x5] =	stream.linear.gather [hbm4b:s13+s6], $0x3000, $0x38;
	[tilespmem:$0x18180] =	vst v63  }
0x10a: {  	s17 =	simm.s32 $0x1  }
0x10b: {  	_ =	swait.ge [sflag:s17], $0x3000  }
0x10c: {  	s13 =	sadd.s32 s5, s14;
	[sflag:s17] =	ssyncset.done $0x0  }
0x10d: {  	s14 =	simm.s32 @!p0 $0xE;
	[sflag:s17] =	ssyncadd.s32 $0xFFFFD000  }
0x10e: {  	[hbm4b:s13+s6] =	stream.linear.scatter [tilespmem:s23], [sflag:$0x9], $0x3000, $0x38;
	[tilespmem:$0x18180] =	vst v63  }
0x10f: {  	s23 =	simm.s32 $0x15180  }
0x110: {  	_ =	swait.ge @!p0 [sflag:s14], $0x3000  }
0x111: {  	[sflag:s14] =	ssyncset.done @!p0 $0x0  }
0x112: {  	[sflag:s14] =	ssyncadd.s32 @!p0 $0xFFFFD000  }
0x113: {  	v1 =	vld.idx.msk [tilespmem:v0+s8+$0x0 ss:$0x1], $0xffff;
	_ =	sdelay $0x5  }
0x114: {  	(v2sf) =	vpush v1, $0x0;
	_ =	sdelay $0xe  }
0x115: {  	s13 =	spop (v2sf)  }
0x116: {  	s13 =	sand.u32 $0x7FFFFFFF, s13  }
0x117: {  	p2 =	slt.f32 s13, s31  }
0x118: {  	s11 =	sshrl.u32 s11, $0x3;
	s13 =	smov.u32 s0  }
0x119: {  	s13 =	smov.u32 @p2 s2  }
0x11a: {  	s11 =	sadd.s32 s13, s11;
	s13 =	simm.s32 $0xF180  }
0x11b: {  	[tilespmem:s13], [sflag:$0x6] =	stream.linear.gather [hbm4b:s11+s6], $0x3000, $0x38;
	[tilespmem:$0x18180] =	vst v63  }
0x11c: {  	s13 =	simm.s32 $0x2  }
0x11d: {  	_ =	swait.ge [sflag:s13], $0x3000  }
0x11e: {  	s11 =	sadd.s32 s5, s15;
	[sflag:s13] =	ssyncset.done $0x0  }
0x11f: {  	[sflag:s13] =	ssyncadd.s32 $0xFFFFD000;
	s13 =	simm.s32 @!p0 $0xF  }
0x120: {  	[hbm4b:s11+s6] =	stream.linear.scatter [tilespmem:s18], [sflag:$0xA], $0x3000, $0x38;
	[tilespmem:$0x18180] =	vst v63  }
0x121: {  	_ =	swait.ge @!p0 [sflag:s13], $0x3000  }
0x122: {  	[sflag:s13] =	ssyncset.done @!p0 $0x0  }
0x123: {  	[sflag:s13] =	ssyncadd.s32 @!p0 $0xFFFFD000  }
0x124: {  	v1 =	vld.idx.msk [tilespmem:v0+s8+$0x0 ss:$0x1], $0xffff;
	_ =	sdelay $0x5  }
0x125: {  	(v2sf) =	vpush v1, $0x0;
	_ =	sdelay $0xe  }
0x126: {  	s11 =	spop (v2sf)  }
0x127: {  	s11 =	sand.u32 $0x7FFFFFFF, s11  }
0x128: {  	p2 =	slt.f32 s11, s31  }
0x129: {  	s10 =	sshrl.u32 s10, $0x3;
	s11 =	smov.u32 s0  }
0x12a: {  	s11 =	smov.u32 @p2 s2  }
0x12b: {  	s10 =	sadd.s32 s11, s10;
	s11 =	simm.s32 $0x12180  }
0x12c: {  	[tilespmem:s11], [sflag:$0x7] =	stream.linear.gather [hbm4b:s10+s6], $0x3000, $0x38;
	[tilespmem:$0x18180] =	vst v63  }
0x12d: {  	s11 =	simm.s32 $0x3  }
0x12e: {  	_ =	swait.ge [sflag:s11], $0x3000  }
0x12f: {  	s10 =	sadd.s32 s5, s30;
	[sflag:s11] =	ssyncset.done $0x0  }
0x130: {  	[sflag:s11] =	ssyncadd.s32 $0xFFFFD000;
	s11 =	simm.s32 @!p0 $0x10  }
0x131: {  	[hbm4b:s10+s6] =	stream.linear.scatter [tilespmem:s20], [sflag:$0xB], $0x3000, $0x38;
	[tilespmem:$0x18180] =	vst v63  }
0x132: {  	_ =	swait.ge @!p0 [sflag:s11], $0x3000  }
0x133: {  	[sflag:s11] =	ssyncset.done @!p0 $0x0  }
0x134: {  	[sflag:s11] =	ssyncadd.s32 @!p0 $0xFFFFD000  }
0x135: {  	v1 =	vld.idx.msk [tilespmem:v0+s8+$0x0 ss:$0x1], $0xffff;
	_ =	sdelay $0x5  }
0x136: {  	(v2sf) =	vpush v1, $0x0;
	_ =	sdelay $0xe  }
.Ltmp0:
0x137: {  	s8 =	spop (v2sf);
	(pc) =	sbr.rel @p1 .LBB2_2-.Ltmp0, $4  }
0x138: {  	s8 =	sand.u32 $0x7FFFFFFF, s8  }
0x139: {  	p2 =	slt.f32 s8, s31  }
0x13a: {  	s7 =	sshrl.u32 s7, $0x3;
	s8 =	smov.u32 s0  }
0x13b: {  	s1 =	sadd.s32 $0x1200000, s1;
	p0 =	seq.s32 s4, $0x4;
	s8 =	smov.u32 @p2 s2  }
0x13c: {  	s7 =	sadd.s32 s8, s7  }
0x13d: {  	[tilespmem:s23], [sflag:$0x8] =	stream.linear.gather [hbm4b:s7+s6], $0x3000, $0x38;
	[tilespmem:$0x18180] =	vst v63  }
0x13e: {  	_ =	swait.ge [sflag:s24], $0x3000  }
0x13f: {  	s26 =	sadd.s32 s5, s12;
	[sflag:s24] =	ssyncset.done $0x0  }
0x140: {  	s21 =	simm.s32 $0x9180;
	s7 =	simm.s32 @!p0 $0x9;
	[sflag:s24] =	ssyncadd.s32 $0xFFFFD000  }
0x141: {  	[hbm4b:s26+s6] =	stream.linear.scatter [tilespmem:s21], [sflag:$0xC], $0x3000, $0x38;
	[tilespmem:$0x18180] =	vst v63  }
0x142: {  	_ =	swait.ge @!p0 [sflag:s7], $0x3000  }
0x143: {  	s3 =	sadd.s32 $0x1, s3;
	[sflag:s7] =	ssyncset.done @!p0 $0x0  }
0x144: {  	s3 =	sshrl.u32 s3, $0x1;
	[sflag:s7] =	ssyncadd.s32 @!p0 $0xFFFFD000  }
0x145: {  	v1 =	vld.idx.msk [tilespmem:v0+s3+$0x0 ss:$0x1], $0xffff;
	_ =	sdelay $0x4  }
0x146: {  	(v2sf) =	vpush v1, $0x0;
	_ =	sdelay $0xd  }
0x147: {  	s8 =	sadd.s32 @!p0 $0xFFFFFFF8, s4  }
0x148: {  	s11 =	sand.u32 @!p0 $0xC, s8;
	s10 =	spop (v2sf)  }
0x149: {  	s8 =	sshrl.u32 @!p0 s8, $0x4;
	s28 =	smul.u32 $0x23FD000, s3;
	s10 =	sand.u32 $0x7FFFFFFF, s10  }
0x14a: {  	s11 =	smul.u32 @!p0 $0x240000, s11;
	s8 =	sadd.s32 @!p0 s9, s8;
	p1 =	slt.f32 s10, s31  }
0x14b: {  	s8 =	smul.u32 @!p0 $0x3000, s8;
	s1 =	ssub.s32 s1, s28;
	s10 =	smov.u32 s0  }
0x14c: {  	s12 =	simm.s32 @!p0 $0x5;
	s7 =	sshrl.u32 s1, $0x3;
	s10 =	smov.u32 @p1 s2  }
0x14d: {  	s19 =	simm.s32 $0x180;
	s8 =	sadd.s32 @!p0 s11, s8;
	s10 =	sadd.s32 s10, s7  }
0x14e: {  	[tilespmem:s19], [sflag:$0x1] =	stream.linear.gather [hbm4b:s10+s6], $0x3000, $0x38;
	[tilespmem:$0x18180] =	vst v63  }
0x14f: {  	s8 =	sshrl.u32 @!p0 s8, $0x3;
	_ =	swait.ge @!p0 [sflag:s12], $0x3000  }
0x150: {  	s11 =	simm.s32 @!p0 $0xA;
	s8 =	sadd.s32 @!p0 s5, s8;
	[sflag:s12] =	ssyncset.done @!p0 $0x0  }
0x151: {  	s10 =	simm.s32 @!p0 $0x0;
	[sflag:s12] =	ssyncadd.s32 @!p0 $0xFFFFD000;
	s12 =	simm.s32 @!p0 $0xC180  }
0x152: {  	[hbm4b:s8+s10] =	stream.linear.scatter @!p0 [tilespmem:s12], [sflag:$0xD], $0x3000, $0x38;
	[tilespmem:$0x18180] =	vst v63  }
0x153: {  	_ =	swait.ge @!p0 [sflag:s11], $0x3000  }
0x154: {  	[sflag:s11] =	ssyncset.done @!p0 $0x0  }
0x155: {  	[sflag:s11] =	ssyncadd.s32 @!p0 $0xFFFFD000  }
0x156: {  	v1 =	vld.idx.msk [tilespmem:v0+s3+$0x0 ss:$0x1], $0xffff;
	_ =	sdelay $0x4  }
0x157: {  	(v2sf) =	vpush v1, $0x0;
	_ =	sdelay $0xc  }
0x158: {  	s16 =	smov.u32 s0;
	s12 =	sadd.s32 @!p0 $0xFFFFFFFD, s4  }
0x159: {  	s29 =	sadd.s32 s9, s3;
	s13 =	sshll.u32 s3, $0x4;
	s12 =	simm.s32 @p0 $0x1  }
0x15a: {  	s30 =	smul.u32 $0x3000, s29;
	s12 =	ssub.s32 s12, s13;
	s15 =	spop (v2sf)  }
0x15b: {  	s8 =	sadd.s32 @!p0 $0xFFFFFFF9, s4;
	s12 =	smul.u32 $0x240000, s12;
	s15 =	sand.u32 $0x7FFFFFFF, s15  }
0x15c: {  	s18 =	simm.s32 $0x3180;
	s14 =	sshrl.u32 @!p0 s8, $0x4;
	p1 =	slt.f32 s15, s31  }
0x15d: {  	s8 =	sand.u32 @!p0 $0xD, s8;
	s14 =	sadd.s32 @!p0 s9, s14;
	s12 =	sadd.s32 s30, s12  }
0x15e: {  	s15 =	smul.u32 @!p0 $0x240000, s8;
	s8 =	sshrl.u32 s12, $0x3;
	s16 =	smov.u32 @p1 s2  }
0x15f: {  	s14 =	smul.u32 @!p0 $0x3000, s14;
	s12 =	simm.s32 @!p0 $0x6;
	s20 =	sadd.s32 s16, s8  }
0x160: {  	[tilespmem:s18], [sflag:$0x2] =	stream.linear.gather [hbm4b:s20+s6], $0x3000, $0x38;
	[tilespmem:$0x18180] =	vst v63  }
0x161: {  	s14 =	sadd.s32 @!p0 s15, s14;
	_ =	swait.ge @!p0 [sflag:s12], $0x3000  }
0x162: {  	s15 =	simm.s32 @!p0 $0xF180;
	s14 =	sshrl.u32 @!p0 s14, $0x3;
	[sflag:s12] =	ssyncset.done @!p0 $0x0  }
0x163: {  	s16 =	simm.s32 @!p0 $0xB;
	s14 =	sadd.s32 @!p0 s5, s14;
	[sflag:s12] =	ssyncadd.s32 @!p0 $0xFFFFD000  }
0x164: {  	[hbm4b:s14+s10] =	stream.linear.scatter @!p0 [tilespmem:s15], [sflag:$0xE], $0x3000, $0x38;
	[tilespmem:$0x18180] =	vst v63  }
0x165: {  	_ =	swait.ge @!p0 [sflag:s16], $0x3000  }
0x166: {  	[sflag:s16] =	ssyncset.done @!p0 $0x0  }
0x167: {  	[sflag:s16] =	ssyncadd.s32 @!p0 $0xFFFFD000  }
0x168: {  	v1 =	vld.idx.msk [tilespmem:v0+s3+$0x0 ss:$0x1], $0xffff;
	_ =	sdelay $0x4  }
0x169: {  	(v2sf) =	vpush v1, $0x0;
	_ =	sdelay $0xc  }
0x16a: {  	s12 =	sadd.s32 @!p0 $0xFFFFFFFE, s4  }
0x16b: {  	s12 =	simm.s32 @p0 $0x2  }
0x16c: {  	s17 =	simm.s32 @!p0 $0x7;
	s12 =	ssub.s32 s12, s13;
	s22 =	spop (v2sf)  }
0x16d: {  	s14 =	sadd.s32 @!p0 $0xFFFFFFFA, s4;
	s12 =	smul.u32 $0x240000, s12;
	s16 =	sand.u32 $0x7FFFFFFF, s22  }
0x16e: {  	s15 =	sshrl.u32 @!p0 s14, $0x4;
	s14 =	sand.u32 @!p0 $0xE, s14;
	p1 =	slt.f32 s16, s31  }
0x16f: {  	s15 =	sadd.s32 @!p0 s9, s15;
	s12 =	sadd.s32 s30, s12;
	s16 =	smov.u32 s0  }
0x170: {  	s14 =	smul.u32 @!p0 $0x240000, s14;
	s12 =	sshrl.u32 s12, $0x3;
	s16 =	smov.u32 @p1 s2  }
0x171: {  	s20 =	simm.s32 $0x6180;
	s15 =	smul.u32 @!p0 $0x3000, s15;
	s25 =	sadd.s32 s16, s12  }
0x172: {  	[tilespmem:s20], [sflag:$0x3] =	stream.linear.gather [hbm4b:s25+s6], $0x3000, $0x38;
	[tilespmem:$0x18180] =	vst v63  }
0x173: {  	s14 =	sadd.s32 @!p0 s14, s15;
	_ =	swait.ge @!p0 [sflag:s17], $0x3000  }
0x174: {  	s15 =	simm.s32 @!p0 $0x12180;
	s14 =	sshrl.u32 @!p0 s14, $0x3;
	[sflag:s17] =	ssyncset.done @!p0 $0x0  }
0x175: {  	s14 =	sadd.s32 @!p0 s5, s14;
	s16 =	simm.s32 @!p0 $0xC;
	[sflag:s17] =	ssyncadd.s32 @!p0 $0xFFFFD000  }
0x176: {  	[hbm4b:s14+s10] =	stream.linear.scatter @!p0 [tilespmem:s15], [sflag:$0xF], $0x3000, $0x38;
	[tilespmem:$0x18180] =	vst v63  }
0x177: {  	_ =	swait.ge @!p0 [sflag:s16], $0x3000  }
0x178: {  	[sflag:s16] =	ssyncset.done @!p0 $0x0  }
0x179: {  	[sflag:s16] =	ssyncadd.s32 @!p0 $0xFFFFD000  }
0x17a: {  	v1 =	vld.idx.msk [tilespmem:v0+s3+$0x0 ss:$0x1], $0xffff;
	_ =	sdelay $0x4  }
0x17b: {  	(v2sf) =	vpush v1, $0x0;
	_ =	sdelay $0xb  }
0x17c: {  	s14 =	sadd.s32 @!p0 $0xFFFFFFFF, s4  }
0x17d: {  	s14 =	simm.s32 @p0 $0x3  }
0x17e: {  	s14 =	ssub.s32 s14, s13  }
0x17f: {  	s14 =	smul.u32 $0x240000, s14;
	s26 =	spop (v2sf)  }
0x180: {  	s17 =	smov.u32 s0;
	s15 =	sand.u32 $0x7FFFFFFF, s26  }
0x181: {  	s16 =	sadd.s32 @!p0 $0xFFFFFFFB, s4;
	s14 =	sadd.s32 s30, s14;
	p1 =	slt.f32 s15, s31  }
0x182: {  	s14 =	sshrl.u32 s14, $0x3;
	s15 =	sshrl.u32 @!p0 s16, $0x4;
	s16 =	sand.u32 @!p0 $0xF, s16  }
0x183: {  	s15 =	sadd.s32 @!p0 s9, s15;
	s16 =	smul.u32 @!p0 $0x240000, s16;
	s17 =	smov.u32 @p1 s2  }
0x184: {  	s15 =	smul.u32 @!p0 $0x3000, s15;
	s17 =	sadd.s32 s17, s14  }
0x185: {  	[tilespmem:s21], [sflag:$0x4] =	stream.linear.gather [hbm4b:s17+s6], $0x3000, $0x38;
	[tilespmem:$0x18180] =	vst v63  }
0x186: {  	s17 =	simm.s32 @!p0 $0x8  }
0x187: {  	s15 =	sadd.s32 @!p0 s16, s15;
	_ =	swait.ge @!p0 [sflag:s17], $0x3000  }
0x188: {  	s15 =	sshrl.u32 @!p0 s15, $0x3;
	[sflag:s17] =	ssyncset.done @!p0 $0x0  }
0x189: {  	s16 =	simm.s32 @!p0 $0x15180;
	s15 =	sadd.s32 @!p0 s5, s15;
	[sflag:s17] =	ssyncadd.s32 @!p0 $0xFFFFD000  }
0x18a: {  	[hbm4b:s15+s10] =	stream.linear.scatter @!p0 [tilespmem:s16], [sflag:$0x10], $0x3000, $0x38;
	[tilespmem:$0x18180] =	vst v63  }
0x18b: {  	s10 =	simm.s32 @!p0 $0xD  }
0x18c: {  	_ =	swait.ge @!p0 [sflag:s10], $0x3000  }
0x18d: {  	[sflag:s10] =	ssyncset.done @!p0 $0x0  }
0x18e: {  	[sflag:s10] =	ssyncadd.s32 @!p0 $0xFFFFD000  }
0x18f: {  	v1 =	vld.idx.msk [tilespmem:v0+s3+$0x0 ss:$0x1], $0xffff;
	_ =	sdelay $0x4  }
0x190: {  	(v2sf) =	vpush v1, $0x0;
	_ =	sdelay $0xd  }
0x191: {  	s4 =	simm.s32 @p0 $0x4  }
0x192: {  	s4 =	ssub.s32 s4, s13;
	s28 =	spop (v2sf)  }
0x193: {  	s4 =	smul.u32 $0x240000, s4;
	s10 =	sand.u32 $0x7FFFFFFF, s28  }
0x194: {  	p1 =	slt.f32 s10, s31  }
0x195: {  	s4 =	sadd.s32 s30, s4;
	s10 =	smov.u32 s0  }
0x196: {  	s4 =	sshrl.u32 s4, $0x3;
	s10 =	smov.u32 @p1 s2  }
0x197: {  	s29 =	simm.s32 $0x1;
	s11 =	simm.s32 $0xC180;
	s4 =	sadd.s32 s10, s4  }
0x198: {  	[tilespmem:s11], [sflag:$0x5] =	stream.linear.gather [hbm4b:s4+s6], $0x3000, $0x38;
	[tilespmem:$0x18180] =	vst v63  }
0x199: {  	_ =	swait.ge [sflag:s29], $0x3000  }
0x19a: {  	[sflag:s29] =	ssyncset.done $0x0  }
0x19b: {  	s30 =	sadd.s32 s5, s7;
	s7 =	simm.s32 @!p0 $0xE;
	[sflag:s29] =	ssyncadd.s32 $0xFFFFD000  }
0x19c: {  	[hbm4b:s30+s6] =	stream.linear.scatter [tilespmem:s19], [sflag:$0x9], $0x3000, $0x38;
	[tilespmem:$0x18180] =	vst v63  }
0x19d: {  	_ =	swait.ge @!p0 [sflag:s7], $0x3000  }
0x19e: {  	[sflag:s7] =	ssyncset.done @!p0 $0x0  }
0x19f: {  	[sflag:s7] =	ssyncadd.s32 @!p0 $0xFFFFD000  }
0x1a0: {  	v1 =	vld.idx.msk [tilespmem:v0+s3+$0x0 ss:$0x1], $0xffff;
	_ =	sdelay $0x4  }
0x1a1: {  	(v2sf) =	vpush v1, $0x0;
	_ =	sdelay $0xe  }
0x1a2: {  	s13 =	spop (v2sf)  }
0x1a3: {  	s4 =	sand.u32 $0x7FFFFFFF, s13  }
0x1a4: {  	p1 =	slt.f32 s4, s31  }
0x1a5: {  	s15 =	sadd.s32 $0xB40000, s1;
	s7 =	smov.u32 s0  }
0x1a6: {  	s4 =	sshrl.u32 s15, $0x3;
	s7 =	smov.u32 @p1 s2  }
0x1a7: {  	s17 =	simm.s32 $0x2;
	s16 =	simm.s32 $0xF180;
	s4 =	sadd.s32 s7, s4  }
0x1a8: {  	[tilespmem:s16], [sflag:$0x6] =	stream.linear.gather [hbm4b:s4+s6], $0x3000, $0x38;
	[tilespmem:$0x18180] =	vst v63  }
0x1a9: {  	_ =	swait.ge [sflag:s17], $0x3000  }
0x1aa: {  	[sflag:s17] =	ssyncset.done $0x0  }
0x1ab: {  	s19 =	sadd.s32 s5, s8;
	s7 =	simm.s32 @!p0 $0xF;
	[sflag:s17] =	ssyncadd.s32 $0xFFFFD000  }
0x1ac: {  	[hbm4b:s19+s6] =	stream.linear.scatter [tilespmem:s18], [sflag:$0xA], $0x3000, $0x38;
	[tilespmem:$0x18180] =	vst v63  }
0x1ad: {  	_ =	swait.ge @!p0 [sflag:s7], $0x3000  }
0x1ae: {  	[sflag:s7] =	ssyncset.done @!p0 $0x0  }
0x1af: {  	[sflag:s7] =	ssyncadd.s32 @!p0 $0xFFFFD000  }
0x1b0: {  	v1 =	vld.idx.msk [tilespmem:v0+s3+$0x0 ss:$0x1], $0xffff;
	_ =	sdelay $0x4  }
0x1b1: {  	(v2sf) =	vpush v1, $0x0;
	_ =	sdelay $0xe  }
0x1b2: {  	s22 =	spop (v2sf)  }
0x1b3: {  	s4 =	sand.u32 $0x7FFFFFFF, s22  }
0x1b4: {  	p1 =	slt.f32 s4, s31  }
0x1b5: {  	s25 =	sadd.s32 $0xD80000, s1;
	s7 =	smov.u32 s0  }
0x1b6: {  	s4 =	sshrl.u32 s25, $0x3;
	s7 =	smov.u32 @p1 s2  }
0x1b7: {  	s26 =	simm.s32 $0x12180;
	s28 =	simm.s32 $0x3;
	s4 =	sadd.s32 s7, s4  }
0x1b8: {  	[tilespmem:s26], [sflag:$0x7] =	stream.linear.gather [hbm4b:s4+s6], $0x3000, $0x38;
	[tilespmem:$0x18180] =	vst v63  }
0x1b9: {  	_ =	swait.ge [sflag:s28], $0x3000  }
0x1ba: {  	[sflag:s28] =	ssyncset.done $0x0  }
0x1bb: {  	s29 =	sadd.s32 s5, s12;
	s4 =	simm.s32 @!p0 $0x10;
	[sflag:s28] =	ssyncadd.s32 $0xFFFFD000  }
0x1bc: {  	[hbm4b:s29+s6] =	stream.linear.scatter [tilespmem:s20], [sflag:$0xB], $0x3000, $0x38;
	[tilespmem:$0x18180] =	vst v63  }
0x1bd: {  	_ =	swait.ge @!p0 [sflag:s4], $0x3000  }
0x1be: {  	[sflag:s4] =	ssyncset.done @!p0 $0x0  }
0x1bf: {  	[sflag:s4] =	ssyncadd.s32 @!p0 $0xFFFFD000  }
0x1c0: {  	v1 =	vld.idx.msk [tilespmem:v0+s3+$0x0 ss:$0x1], $0xffff;
	_ =	sdelay $0x4  }
0x1c1: {  	(v2sf) =	vpush v1, $0x0;
	_ =	sdelay $0xe  }
0x1c2: {  	s30 =	spop (v2sf)  }
0x1c3: {  	s3 =	sand.u32 $0x7FFFFFFF, s30  }
0x1c4: {  	p0 =	slt.f32 s3, s31  }
0x1c5: {  	s1 =	sadd.s32 $0xFC0000, s1;
	s3 =	smov.u32 s0  }
0x1c6: {  	s1 =	sshrl.u32 s1, $0x3;
	s3 =	smov.u32 @p0 s2  }
0x1c7: {  	s1 =	sadd.s32 s3, s1  }
0x1c8: {  	[tilespmem:s23], [sflag:$0x8] =	stream.linear.gather [hbm4b:s1+s6], $0x3000, $0x38;
	[tilespmem:$0x18180] =	vst v63  }
0x1c9: {  	_ =	swait.ge [sflag:s24], $0x3000  }
0x1ca: {  	[sflag:s24] =	ssyncset.done $0x0  }
0x1cb: {  	s4 =	simm.s32 $0x5;
	s3 =	sadd.s32 s5, s14;
	[sflag:s24] =	ssyncadd.s32 $0xFFFFD000  }
0x1cc: {  	[hbm4b:s3+s6] =	stream.linear.scatter [tilespmem:s21], [sflag:$0xC], $0x3000, $0x38;
	[tilespmem:$0x18180] =	vst v63  }
0x1cd: {  	_ =	swait.ge [sflag:s4], $0x3000  }
0x1ce: {  	[sflag:s4] =	ssyncset.done $0x0  }
0x1cf: {  	s12 =	simm.s32 $0x6;
	s7 =	rddreg [dreg:$0x7];
	[sflag:s4] =	ssyncadd.s32 $0xFFFFD000  }
0x1d0: {  	[hbm4b:s7+s6] =	stream.linear.scatter [tilespmem:s11], [sflag:$0xD], $0x3000, $0x38;
	[tilespmem:$0x18180] =	vst v63  }
0x1d1: {  	_ =	swait.ge [sflag:s12], $0x3000  }
0x1d2: {  	[sflag:s12] =	ssyncset.done $0x0  }
0x1d3: {  	s14 =	simm.s32 $0x7;
	s13 =	rddreg [dreg:$0x8];
	[sflag:s12] =	ssyncadd.s32 $0xFFFFD000  }
0x1d4: {  	[hbm4b:s13+s6] =	stream.linear.scatter [tilespmem:s16], [sflag:$0xE], $0x3000, $0x38;
	[tilespmem:$0x18180] =	vst v63  }
0x1d5: {  	_ =	swait.ge [sflag:s14], $0x3000  }
0x1d6: {  	[sflag:s14] =	ssyncset.done $0x0  }
0x1d7: {  	s16 =	simm.s32 $0x8;
	s15 =	rddreg [dreg:$0x9];
	[sflag:s14] =	ssyncadd.s32 $0xFFFFD000  }
0x1d8: {  	[hbm4b:s15+s6] =	stream.linear.scatter [tilespmem:s26], [sflag:$0xF], $0x3000, $0x38;
	[tilespmem:$0x18180] =	vst v63  }
0x1d9: {  	_ =	swait.ge [sflag:s16], $0x3000  }
0x1da: {  	[sflag:s16] =	ssyncset.done $0x0  }
0x1db: {  	s18 =	simm.s32 $0x9;
	s17 =	rddreg [dreg:$0xa];
	[sflag:s16] =	ssyncadd.s32 $0xFFFFD000  }
0x1dc: {  	[hbm4b:s17+s6] =	stream.linear.scatter [tilespmem:s23], [sflag:$0x10], $0x3000, $0x38;
	[tilespmem:$0x18180] =	vst v63  }
0x1dd: {  	_ =	swait.ge [sflag:s18], $0x3000  }
0x1de: {  	[sflag:s18] =	ssyncset.done $0x0  }
0x1df: {  	s19 =	simm.s32 $0xA;
	[sflag:s18] =	ssyncadd.s32 $0xFFFFD000  }
0x1e0: {  	_ =	swait.ge [sflag:s19], $0x3000  }
0x1e1: {  	[sflag:s19] =	ssyncset.done $0x0  }
0x1e2: {  	s20 =	simm.s32 $0xB;
	[sflag:s19] =	ssyncadd.s32 $0xFFFFD000  }
0x1e3: {  	_ =	swait.ge [sflag:s20], $0x3000  }
0x1e4: {  	[sflag:s20] =	ssyncset.done $0x0  }
0x1e5: {  	s21 =	simm.s32 $0xC;
	[sflag:s20] =	ssyncadd.s32 $0xFFFFD000  }
0x1e6: {  	_ =	swait.ge [sflag:s21], $0x3000  }
0x1e7: {  	[sflag:s21] =	ssyncset.done $0x0  }
0x1e8: {  	s25 =	simm.s32 $0xD;
	[sflag:s21] =	ssyncadd.s32 $0xFFFFD000  }
0x1e9: {  	_ =	swait.ge [sflag:s25], $0x3000  }
0x1ea: {  	[sflag:s25] =	ssyncset.done $0x0  }
0x1eb: {  	s26 =	simm.s32 $0xE;
	[sflag:s25] =	ssyncadd.s32 $0xFFFFD000  }
0x1ec: {  	_ =	swait.ge [sflag:s26], $0x3000  }
0x1ed: {  	[sflag:s26] =	ssyncset.done $0x0  }
0x1ee: {  	s28 =	simm.s32 $0xF;
	[sflag:s26] =	ssyncadd.s32 $0xFFFFD000  }
0x1ef: {  	_ =	swait.ge [sflag:s28], $0x3000  }
0x1f0: {  	[sflag:s28] =	ssyncset.done $0x0  }
0x1f1: {  	s29 =	simm.s32 $0x10;
	[sflag:s28] =	ssyncadd.s32 $0xFFFFD000  }
0x1f2: {  	_ =	swait.ge [sflag:s29], $0x3000  }
0x1f3: {  	s30 =	rddreg [dreg:$0xd]  }
0x1f4: {  	s31 =	rddreg [dreg:$0xb];
	s4 =	sadd.s32 $0x1, s30  }
0x1f5: {  	p0 =	sne.s32 s4, s31  }
.Ltmp1:
0x1f6: {  	_ = 	snop;
	(pc) =	sbr.rel @p0 .LBB2_1-.Ltmp1, $3  }
0x1f7: {  	_ =	sdelay $0x1  }
0x1f8: {  	[sflag:s29] =	ssyncset.done $0x0  }
0x1f9: {  	s22 =	simm.s32 $0x9180;
	[sflag:s29] =	ssyncadd.s32 $0xFFFFD000  }
0x1fa: {  	_ =	sfence.sel $0x180000  }
0x1fb: {  	[bflag:$0x0] =	sbarrier.arrive $0xFFFF  }
0x1fc: {  	_ =	strace $0x90000047  }
0x1fd: {  	s0 =	stileid.u32;
	[bflag:$0x2] =	sbarrier.arrive $0xFFFF  }
0x1fe: {  	p0 =	sne.s32 s0, $0x0;
	s0 =	rddreg [dreg:$0x5]  }
0x1ff: {  	s0 =	sadd.s32 @!p0 $0x100000, s0  }
0x200: {  	[sflag:s0] =	ssyncadd.tile.s32 @!p0 $0x1;
	_ =	shalt  }
.Lfunc_end2:
_tile_overlayer_lowered:
.L_overlay_start_2:
0x201: {  	(tag) =	ssettag $0x2  }
0x202: {  	s0 =	rddreg [dreg:$0x0];
	s2 =	stileid.u32  }
0x203: {  	s1 =	rddreg [dreg:$0x1];
	p0 =	sne.s32 s2, $0x0  }
0x204: {  	s3 =	rddreg [dreg:$0x2];
	[bflag:$0x3] =	sbarrier.arrive $0xFFFF;
	s2 =	simm.s32 @!p0 $0x1C11  }
0x205: {  	[timem:s3], [sflag:s2] =	dma.local @!p0 [hbm:s0], s1  }
0x206: {  	s0 =	simm.s32 @!p0 $0x11  }
0x207: {  	_ =	swait.ge @!p0 [sflag:s0], s1  }
0x208: {  	s1 =	ssub.s32 @!p0 $0x0, s1;
	[sflag:s0] =	ssyncset.done @!p0 $0x0  }
0x209: {  	[sflag:s0] =	ssyncadd.s32 @!p0 s1  }
0x20a: {  	[bflag:$0x3] =	sbarrier.arrive $0xFFFF  }
0x20b: {  	_ =	shalt  }

</sc_bundles>
